<compile_context>
chip_gen: v7x
topology: tpu7x:2x2x1
jax: 0.10.2.dev20260603
libtpu: 0.0.44.dev20260713+nightly
codegen_flags: <defaults>
</compile_context>

<pallas_src>
import jax
import jax.numpy as jnp
from jax import lax
from jax.experimental import pallas as pl
from jax.experimental.pallas import tpu as pltpu, tpu_sc as plsc

Q_TOTAL = 65536
N_SRC = 100000
K_NB = 64
SIGMA_N_CONST = 0.8
EPS_CONST = 1e-08
NUM_TILES = 32
QPT = Q_TOTAL // NUM_TILES
BLK_Q = 16
NBLK = QPT // BLK_Q
ROWS_PER_BLK = BLK_Q * K_NB
IDX_CHUNK = 128
NCHUNK = ROWS_PER_BLK // IDX_CHUNK
UNROLL_BASE = 2
UNROLL_REFIT = 2

_NEG_INV_SIG = -1.0 / (SIGMA_N_CONST * SIGMA_N_CONST + EPS_CONST)


def _sc_body(packed_hbm, qx_hbm, qy_hbm, qz_hbm, h_hbm, idx_hbm,
             pot_hbm, gx_hbm, gy_hbm, gz_hbm,
             idx_v, rows_v, der_v, q_v, out_v, gsem, isem):
    nc = 2
    wid = lax.axis_index("s") * nc + lax.axis_index("c")
    qbase = pl.multiple_of(wid * QPT, QPT)

    for i, src_h in enumerate((qx_hbm, qy_hbm, qz_hbm, h_hbm)):
        pltpu.sync_copy(src_h.at[pl.ds(qbase, QPT)], q_v.at[i])

    lane = lax.broadcasted_iota(jnp.int32, (16,), 0)
    lane64 = lane * K_NB
    cols = [jnp.full((16,), c, jnp.int32) for c in range(6)]
    neg_inv_sig = jnp.full((16,), _NEG_INV_SIG, jnp.float32)
    nmax_u = jnp.full((16,), N_SRC - 1, jnp.uint32)

    def idx_slice(b):
        g0 = qbase + b * BLK_Q
        irow = pl.multiple_of(g0 // 2, NCHUNK)
        return idx_hbm.at[pl.ds(irow, NCHUNK)]

    def fire_idx(b, par):
        pltpu.async_copy(idx_slice(b), idx_v.at[par], isem)

    def wait_idx(b, par):
        pltpu.make_async_copy(idx_slice(b), idx_v.at[par], isem).wait()

    def fire_rows(b, par):
        for r in range(NCHUNK):
            for c in range(IDX_CHUNK // 16):
                sl = (par, r, pl.ds(c * 16, 16))
                v = plsc.bitcast(idx_v[sl], jnp.uint32)
                idx_v[sl] = plsc.bitcast(jnp.minimum(v, nmax_u), jnp.int32)
        for j in range(NCHUNK):
            pltpu.async_copy(
                packed_hbm.at[idx_v.at[par, j]],
                rows_v.at[par, pl.ds(j * IDX_CHUNK, IDX_CHUNK)],
                gsem,
            )

    def wait_rows(par):
        for j in range(NCHUNK):
            pltpu.make_async_copy(
                packed_hbm.at[idx_v.at[par, j]],
                rows_v.at[par, pl.ds(j * IDX_CHUNK, IDX_CHUNK)],
                gsem,
            ).wait()

    fire_idx(0, 0)
    wait_idx(0, 0)
    fire_rows(0, 0)
    fire_idx(1, 1)

    def block_body(b, _):
        par = lax.rem(b, 2)
        nxt = 1 - par
        rows_b = rows_v.at[par]

        @pl.when(b + 1 < NBLK)
        def _prefetch_rows():
            wait_idx(b + 1, nxt)
            fire_rows(b + 1, nxt)

        wait_rows(par)

        @pl.when(b + 2 < NBLK)
        def _prefetch_idx():
            fire_idx(b + 2, par)

        qsl = pl.ds(b * BLK_Q, BLK_Q)
        qx = q_v[0, qsl]
        qy = q_v[1, qsl]
        qz = q_v[2, qsl]
        h = q_v[3, qsl]
        neg_inv_h2 = -1.0 / (h * h + EPS_CONST)
        two_inv = 2.0 * neg_inv_h2

        zf = jnp.zeros((16,), jnp.float32)
        acc0 = (zf,) * 11

        def base_k(k, acc):
            (sw, swf, sgx, sgy, sgz, sfx, sfy, sfz, swx, swy, swz) = acc
            row = lane64 + k
            nbx = plsc.load_gather(rows_b, [row, cols[0]])
            nby = plsc.load_gather(rows_b, [row, cols[1]])
            nbz = plsc.load_gather(rows_b, [row, cols[2]])
            nnx = plsc.load_gather(rows_b, [row, cols[3]])
            nny = plsc.load_gather(rows_b, [row, cols[4]])
            nnz = plsc.load_gather(rows_b, [row, cols[5]])
            dx = qx - nbx
            dy = qy - nby
            dz = qz - nbz
            d2 = dx * dx + dy * dy + dz * dz
            bw = jnp.exp(d2 * neg_inv_h2)
            f = dx * nnx + dy * nny + dz * nnz
            s = bw * two_inv
            bgx = s * dx
            bgy = s * dy
            bgz = s * dz
            der_v[0, k, :] = bw
            der_v[1, k, :] = f
            der_v[2, k, :] = bgx
            der_v[3, k, :] = bgy
            der_v[4, k, :] = bgz
            der_v[5, k, :] = nnx
            der_v[6, k, :] = nny
            der_v[7, k, :] = nnz
            return (sw + bw, swf + bw * f,
                    sgx + bgx, sgy + bgy, sgz + bgz,
                    sfx + bgx * f, sfy + bgy * f, sfz + bgz * f,
                    swx + bw * nnx, swy + bw * nny, swz + bw * nnz)

        acc = plsc.parallel_loop(0, K_NB, 1, unroll=UNROLL_BASE, carry=acc0)(base_k)

        def finish(acc):
            (sw, swf, sgx, sgy, sgz, sfx, sfy, sfz, swx, swy, swz) = acc
            swe = sw + EPS_CONST
            inv = 1.0 / swe
            pot = swf * inv
            gx = (sfx + swx - sgx * pot) * inv
            gy = (sfy + swy - sgy * pot) * inv
            gz = (sfz + swz - sgz * pot) * inv
            return pot, gx, gy, gz

        pot, gx, gy, gz = finish(acc)

        for _ in range(2):
            def iter_k(k, acc, gx=gx, gy=gy, gz=gz):
                (sw, swf, sgx, sgy, sgz,
                 sfx, sfy, sfz, swx, swy, swz) = acc
                bw = der_v[0, k, :]
                f = der_v[1, k, :]
                bgx = der_v[2, k, :]
                bgy = der_v[3, k, :]
                bgz = der_v[4, k, :]
                nnx = der_v[5, k, :]
                nny = der_v[6, k, :]
                nnz = der_v[7, k, :]
                tx = nnx - gx
                ty = nny - gy
                tz = nnz - gz
                nd2 = tx * tx + ty * ty + tz * tz
                rw = jnp.exp(nd2 * neg_inv_sig)
                w = bw * rw
                wgx = bgx * rw
                wgy = bgy * rw
                wgz = bgz * rw
                return (sw + w, swf + w * f,
                        sgx + wgx, sgy + wgy, sgz + wgz,
                        sfx + wgx * f, sfy + wgy * f, sfz + wgz * f,
                        swx + w * nnx, swy + w * nny, swz + w * nnz)

            acc = plsc.parallel_loop(0, K_NB, 1, unroll=UNROLL_REFIT, carry=acc0)(iter_k)
            pot, gx, gy, gz = finish(acc)

        out_v[0, qsl] = pot
        out_v[1, qsl] = gx
        out_v[2, qsl] = gy
        out_v[3, qsl] = gz
        return _

    lax.fori_loop(0, NBLK, block_body, 0)

    for i, dst_h in enumerate((pot_hbm, gx_hbm, gy_hbm, gz_hbm)):
        pltpu.sync_copy(out_v.at[i], dst_h.at[pl.ds(qbase, QPT)])


@jax.jit
def _run(packed, qx, qy, qz, h, idx2):
    mesh = plsc.VectorSubcoreMesh(core_axis_name="c", subcore_axis_name="s")
    kfn = pl.kernel(
        _sc_body,
        out_type=tuple(
            jax.ShapeDtypeStruct((Q_TOTAL,), jnp.float32) for _ in range(4)
        ),
        mesh=mesh,
        compiler_params=pltpu.CompilerParams(
            needs_layout_passes=False, use_tc_tiling_on_sc=False),
        scratch_types=(
            pltpu.VMEM((2, NCHUNK, IDX_CHUNK), jnp.int32),
            pltpu.VMEM((2, ROWS_PER_BLK, 8), jnp.float32),
            pltpu.VMEM((8, K_NB, 16), jnp.float32),
            pltpu.VMEM((4, QPT), jnp.float32),
            pltpu.VMEM((4, QPT), jnp.float32),
            pltpu.SemaphoreType.DMA,
            pltpu.SemaphoreType.DMA,
        ),
    )
    return kfn(packed, qx, qy, qz, h, idx2)


def kernel(query_points, source_vertices, source_normals, neighbor_indices,
           bandwidth_h, compute_gradient):
    n = source_vertices.shape[0]
    packed = jnp.concatenate(
        [source_vertices, source_normals,
         jnp.zeros((n, 2), jnp.float32)], axis=1)
    idx2 = neighbor_indices.astype(jnp.int32).reshape(-1, IDX_CHUNK)
    pot, gx, gy, gz = _run(
        packed, query_points[:, 0], query_points[:, 1], query_points[:, 2],
        bandwidth_h, idx2)
    grad = jnp.stack([gx, gy, gz], axis=1)
    grad = jnp.where(compute_gradient != 0, grad, jnp.zeros_like(grad))
    return (pot, grad)

# --- scband reference (transcript-rebuilt; emitter-appended) ---
"""Pipeline reference for scband-differentiable-rimlscore-81733227643074 (READ-ONLY COPY).

The authoritative reference and input builder live on the scoring server;
editing this copy changes nothing except your own understanding.
"""

import jax, jax.numpy as jnp
import numpy as np

Q = 65536
N = 100000
K = 64
SIGMA_N = 0.8
EPS = 1e-08
MAX_ITERS = 3


def setup_inputs(seed: int = 0) -> dict:
    key = jax.random.key(seed)
    k1, k2, k3, k4, k5 = jax.random.split(key, 5)
    query_points = jax.random.normal(k1, (Q, 3), dtype=jnp.float32)
    source_vertices = jax.random.normal(k2, (N, 3), dtype=jnp.float32)
    source_normals = jax.random.normal(k3, (N, 3), dtype=jnp.float32)
    neighbor_indices = jax.random.randint(k4, (Q, K), 0, N, dtype=jnp.int64 if jax.config.jax_enable_x64 else jnp.int32).astype(jnp.int32)
    bandwidth_h = jax.random.uniform(k5, (Q,), dtype=jnp.float32, minval=0.2, maxval=1.0)
    return {
        "query_points": query_points,
        "source_vertices": source_vertices,
        "source_normals": source_normals,
        "neighbor_indices": neighbor_indices,
        "bandwidth_h": bandwidth_h,
        "compute_gradient": 1,
    }


def reference(query_points, source_vertices, source_normals, neighbor_indices, bandwidth_h, compute_gradient):
    n_src = source_vertices.shape[0]
    safe_indices = jnp.clip(neighbor_indices, 0, n_src - 1)
    neighbors = jnp.take(source_vertices, safe_indices, axis=0)          # (Q, K, 3)
    neighbor_normals = jnp.take(source_normals, safe_indices, axis=0)    # (Q, K, 3)

    h = bandwidth_h[:, None]                                             # (Q, 1)
    diffs = query_points[:, None, :] - neighbors                         # (Q, K, 3)
    distances_sq = jnp.sum(diffs ** 2, axis=2)                           # (Q, K)
    h_sq = h ** 2 + EPS                                                  # (Q, 1)
    base_weights = jnp.exp(-distances_sq / h_sq)                         # (Q, K)
    base_weight_grads = -2.0 * base_weights[..., None] * diffs / h_sq[..., None]  # (Q, K, 3)

    sigma_n_sq = SIGMA_N ** 2 + EPS
    f = jnp.sum(diffs * neighbor_normals, axis=2)                        # (Q, K)

    current_grad_estimate = jnp.zeros((query_points.shape[0], 3), dtype=query_points.dtype)
    potential = jnp.zeros((query_points.shape[0],), dtype=query_points.dtype)

    for iter_count in range(MAX_ITERS):
        if iter_count == 0:
            refitting_weights = jnp.ones_like(base_weights)
        else:
            normal_diff_sq = jnp.sum((neighbor_normals - current_grad_estimate[:, None, :]) ** 2, axis=2)
            refitting_weights = jnp.exp(-normal_diff_sq / sigma_n_sq)
        total_weights = base_weights * refitting_weights                 # (Q, K)
        sum_w = total_weights.sum(axis=1) + EPS                          # (Q,)
        sum_wf = (total_weights * f).sum(axis=1)                         # (Q,)
        potential = sum_wf / sum_w                                       # (Q,)
        weighted_gradients = base_weight_grads * refitting_weights[..., None]  # (Q, K, 3)
        sum_grad_w = weighted_gradients.sum(axis=1)                      # (Q, 3)
        sum_grad_wf = (weighted_gradients * f[..., None]).sum(axis=1)    # (Q, 3)
        sum_wn = (total_weights[..., None] * neighbor_normals).sum(axis=1)  # (Q, 3)
        current_grad_estimate = (-sum_grad_w * potential[:, None] + sum_grad_wf + sum_wn) / sum_w[:, None]

    gradient_out = jnp.where(compute_gradient != 0, current_grad_estimate, jnp.zeros_like(current_grad_estimate))
    return (potential, gradient_out)

if __name__ == "__main__":
    import jax
    _d = setup_inputs()
    print(jax.jit(kernel)(*tuple(_d.values())))

</pallas_src>

<mosaic_0001>
#map = affine_map<(d0, d1) -> (0, 0)>
#map1 = affine_map<(d0, d1) -> (0)>
module attributes {stable_mosaic.version = 14 : i64} {
  func.func @_sc_body(%arg0: i32, %arg1: i32, %arg2: memref<100000x8xf32, #tpu.memory_space<hbm>>, %arg3: memref<65536xf32, #tpu.memory_space<hbm>>, %arg4: memref<65536xf32, #tpu.memory_space<hbm>>, %arg5: memref<65536xf32, #tpu.memory_space<hbm>>, %arg6: memref<65536xf32, #tpu.memory_space<hbm>>, %arg7: memref<32768x128xi32, #tpu.memory_space<hbm>>, %arg8: memref<65536xf32, #tpu.memory_space<hbm>>, %arg9: memref<65536xf32, #tpu.memory_space<hbm>>, %arg10: memref<65536xf32, #tpu.memory_space<hbm>>, %arg11: memref<65536xf32, #tpu.memory_space<hbm>>, %arg12: memref<2x8x128xi32, #tpu.memory_space<vmem>>, %arg13: memref<2x1024x8xf32, #tpu.memory_space<vmem>>, %arg14: memref<8x64x16xf32, #tpu.memory_space<vmem>>, %arg15: memref<4x2048xf32, #tpu.memory_space<vmem>>, %arg16: memref<4x2048xf32, #tpu.memory_space<vmem>>, %arg17: memref<!tpu.dma_semaphore, #tpu.memory_space<semaphore_mem>>, %arg18: memref<!tpu.dma_semaphore, #tpu.memory_space<semaphore_mem>>) attributes {dimension_semantics = [#tpu.dimension_semantics<core_parallel>, #tpu.dimension_semantics<subcore_parallel>], iteration_bounds = array<i64: 2, 16>, scalar_prefetch = 0 : i64, scratch_operands = 7 : i64, tpu.core_type = #tpu.core_type<sc_vector_subcore>, window_params = [{transform_indices = #map}, {transform_indices = #map1}, {transform_indices = #map1}, {transform_indices = #map1}, {transform_indices = #map1}, {transform_indices = #map}, {transform_indices = #map1}, {transform_indices = #map1}, {transform_indices = #map1}, {transform_indices = #map1}]} {
    %mul3A = arith.constant 2 : i32
    %mul3A_0 = arith.muli %arg1, %mul3A : i32
    %add3A = arith.addi %mul3A_0, %arg0 : i32
    %mul3A_1 = arith.constant 2048 : i32
    %mul3A_2 = arith.muli %add3A, %mul3A_1 : i32
    %multiple_of3A = tpu.assume_multiple %mul3A_2, 2048 : i32
    %run_scoped3A = arith.constant 0 : i32
    "tpu.region"() ({
      %run_scoped3A_1204 = tpu.sem_alloc : memref<!tpu.dma_semaphore, #tpu.memory_space<semaphore_mem>>
      %dma_start3A_1205 = arith.constant 0 : i32
      %dma_start3A_1206 = tpu.memref_slice %arg15[%run_scoped3A, %dma_start3A_1205] : memref<4x2048xf32, #tpu.memory_space<vmem>> -> memref<1x2048xf32, #tpu.memory_space<vmem>>
      %dma_start3A_1207 = tpu.memref_squeeze %dma_start3A_1206 : memref<1x2048xf32, #tpu.memory_space<vmem>> -> memref<2048xf32, #tpu.memory_space<vmem>>
      %dma_start3A_1208 = tpu.memref_slice %arg3[%multiple_of3A] : memref<65536xf32, #tpu.memory_space<hbm>> -> memref<2048xf32, #tpu.memory_space<hbm>>
      %dma_start3A_1209 = arith.constant 0 : i32
      %dma_start3A_1210 = tpu.memref_slice %arg15[%run_scoped3A, %dma_start3A_1209] : memref<4x2048xf32, #tpu.memory_space<vmem>> -> memref<1x2048xf32, #tpu.memory_space<vmem>>
      %dma_start3A_1211 = tpu.memref_squeeze %dma_start3A_1210 : memref<1x2048xf32, #tpu.memory_space<vmem>> -> memref<2048xf32, #tpu.memory_space<vmem>>
      %dma_start3A_1212 = tpu.memref_slice %arg3[%multiple_of3A] : memref<65536xf32, #tpu.memory_space<hbm>> -> memref<2048xf32, #tpu.memory_space<hbm>>
      tpu.enqueue_dma source(%dma_start3A_1212 : memref<2048xf32, #tpu.memory_space<hbm>>) target(%dma_start3A_1211 : memref<2048xf32, #tpu.memory_space<vmem>>) target_semaphore(%run_scoped3A_1204 : memref<!tpu.dma_semaphore, #tpu.memory_space<semaphore_mem>>)
      %dma_wait3A_1213 = arith.constant 0 : i32
      %dma_wait3A_1214 = tpu.memref_slice %arg15[%run_scoped3A, %dma_wait3A_1213] : memref<4x2048xf32, #tpu.memory_space<vmem>> -> memref<1x2048xf32, #tpu.memory_space<vmem>>
      %dma_wait3A_1215 = tpu.memref_squeeze %dma_wait3A_1214 : memref<1x2048xf32, #tpu.memory_space<vmem>> -> memref<2048xf32, #tpu.memory_space<vmem>>
      %dma_wait3A_1216 = tpu.memref_slice %arg3[%multiple_of3A] : memref<65536xf32, #tpu.memory_space<hbm>> -> memref<2048xf32, #tpu.memory_space<hbm>>
      %dma_wait3A_1217 = arith.constant 0 : i32
      %dma_wait3A_1218 = tpu.memref_slice %arg15[%run_scoped3A, %dma_wait3A_1217] : memref<4x2048xf32, #tpu.memory_space<vmem>> -> memref<1x2048xf32, #tpu.memory_space<vmem>>
      %dma_wait3A_1219 = tpu.memref_squeeze %dma_wait3A_1218 : memref<1x2048xf32, #tpu.memory_space<vmem>> -> memref<2048xf32, #tpu.memory_space<vmem>>
      %dma_wait3A_1220 = tpu.memref_slice %arg3[%multiple_of3A] : memref<65536xf32, #tpu.memory_space<hbm>> -> memref<2048xf32, #tpu.memory_space<hbm>>
      tpu.wait_dma2 semaphore(%run_scoped3A_1204 : memref<!tpu.dma_semaphore, #tpu.memory_space<semaphore_mem>>) src(%dma_wait3A_1220 : memref<2048xf32, #tpu.memory_space<hbm>>) dst(%dma_wait3A_1219 : memref<2048xf32, #tpu.memory_space<vmem>>)
      tpu.yield
    }) : () -> ()
    %run_scoped3A_3 = arith.constant 1 : i32
    "tpu.region"() ({
      %run_scoped3A_1204 = tpu.sem_alloc : memref<!tpu.dma_semaphore, #tpu.memory_space<semaphore_mem>>
      %dma_start3A_1205 = arith.constant 0 : i32
      %dma_start3A_1206 = tpu.memref_slice %arg15[%run_scoped3A_3, %dma_start3A_1205] : memref<4x2048xf32, #tpu.memory_space<vmem>> -> memref<1x2048xf32, #tpu.memory_space<vmem>>
      %dma_start3A_1207 = tpu.memref_squeeze %dma_start3A_1206 : memref<1x2048xf32, #tpu.memory_space<vmem>> -> memref<2048xf32, #tpu.memory_space<vmem>>
      %dma_start3A_1208 = tpu.memref_slice %arg4[%multiple_of3A] : memref<65536xf32, #tpu.memory_space<hbm>> -> memref<2048xf32, #tpu.memory_space<hbm>>
      %dma_start3A_1209 = arith.constant 0 : i32
      %dma_start3A_1210 = tpu.memref_slice %arg15[%run_scoped3A_3, %dma_start3A_1209] : memref<4x2048xf32, #tpu.memory_space<vmem>> -> memref<1x2048xf32, #tpu.memory_space<vmem>>
      %dma_start3A_1211 = tpu.memref_squeeze %dma_start3A_1210 : memref<1x2048xf32, #tpu.memory_space<vmem>> -> memref<2048xf32, #tpu.memory_space<vmem>>
      %dma_start3A_1212 = tpu.memref_slice %arg4[%multiple_of3A] : memref<65536xf32, #tpu.memory_space<hbm>> -> memref<2048xf32, #tpu.memory_space<hbm>>
      tpu.enqueue_dma source(%dma_start3A_1212 : memref<2048xf32, #tpu.memory_space<hbm>>) target(%dma_start3A_1211 : memref<2048xf32, #tpu.memory_space<vmem>>) target_semaphore(%run_scoped3A_1204 : memref<!tpu.dma_semaphore, #tpu.memory_space<semaphore_mem>>)
      %dma_wait3A_1213 = arith.constant 0 : i32
      %dma_wait3A_1214 = tpu.memref_slice %arg15[%run_scoped3A_3, %dma_wait3A_1213] : memref<4x2048xf32, #tpu.memory_space<vmem>> -> memref<1x2048xf32, #tpu.memory_space<vmem>>
      %dma_wait3A_1215 = tpu.memref_squeeze %dma_wait3A_1214 : memref<1x2048xf32, #tpu.memory_space<vmem>> -> memref<2048xf32, #tpu.memory_space<vmem>>
      %dma_wait3A_1216 = tpu.memref_slice %arg4[%multiple_of3A] : memref<65536xf32, #tpu.memory_space<hbm>> -> memref<2048xf32, #tpu.memory_space<hbm>>
      %dma_wait3A_1217 = arith.constant 0 : i32
      %dma_wait3A_1218 = tpu.memref_slice %arg15[%run_scoped3A_3, %dma_wait3A_1217] : memref<4x2048xf32, #tpu.memory_space<vmem>> -> memref<1x2048xf32, #tpu.memory_space<vmem>>
      %dma_wait3A_1219 = tpu.memref_squeeze %dma_wait3A_1218 : memref<1x2048xf32, #tpu.memory_space<vmem>> -> memref<2048xf32, #tpu.memory_space<vmem>>
      %dma_wait3A_1220 = tpu.memref_slice %arg4[%multiple_of3A] : memref<65536xf32, #tpu.memory_space<hbm>> -> memref<2048xf32, #tpu.memory_space<hbm>>
      tpu.wait_dma2 semaphore(%run_scoped3A_1204 : memref<!tpu.dma_semaphore, #tpu.memory_space<semaphore_mem>>) src(%dma_wait3A_1220 : memref<2048xf32, #tpu.memory_space<hbm>>) dst(%dma_wait3A_1219 : memref<2048xf32, #tpu.memory_space<vmem>>)
      tpu.yield
    }) : () -> ()
    %run_scoped3A_4 = arith.constant 2 : i32
    "tpu.region"() ({
      %run_scoped3A_1204 = tpu.sem_alloc : memref<!tpu.dma_semaphore, #tpu.memory_space<semaphore_mem>>
      %dma_start3A_1205 = arith.constant 0 : i32
      %dma_start3A_1206 = tpu.memref_slice %arg15[%run_scoped3A_4, %dma_start3A_1205] : memref<4x2048xf32, #tpu.memory_space<vmem>> -> memref<1x2048xf32, #tpu.memory_space<vmem>>
      %dma_start3A_1207 = tpu.memref_squeeze %dma_start3A_1206 : memref<1x2048xf32, #tpu.memory_space<vmem>> -> memref<2048xf32, #tpu.memory_space<vmem>>
      %dma_start3A_1208 = tpu.memref_slice %arg5[%multiple_of3A] : memref<65536xf32, #tpu.memory_space<hbm>> -> memref<2048xf32, #tpu.memory_space<hbm>>
      %dma_start3A_1209 = arith.constant 0 : i32
      %dma_start3A_1210 = tpu.memref_slice %arg15[%run_scoped3A_4, %dma_start3A_1209] : memref<4x2048xf32, #tpu.memory_space<vmem>> -> memref<1x2048xf32, #tpu.memory_space<vmem>>
      %dma_start3A_1211 = tpu.memref_squeeze %dma_start3A_1210 : memref<1x2048xf32, #tpu.memory_space<vmem>> -> memref<2048xf32, #tpu.memory_space<vmem>>
      %dma_start3A_1212 = tpu.memref_slice %arg5[%multiple_of3A] : memref<65536xf32, #tpu.memory_space<hbm>> -> memref<2048xf32, #tpu.memory_space<hbm>>
      tpu.enqueue_dma source(%dma_start3A_1212 : memref<2048xf32, #tpu.memory_space<hbm>>) target(%dma_start3A_1211 : memref<2048xf32, #tpu.memory_space<vmem>>) target_semaphore(%run_scoped3A_1204 : memref<!tpu.dma_semaphore, #tpu.memory_space<semaphore_mem>>)
      %dma_wait3A_1213 = arith.constant 0 : i32
      %dma_wait3A_1214 = tpu.memref_slice %arg15[%run_scoped3A_4, %dma_wait3A_1213] : memref<4x2048xf32, #tpu.memory_space<vmem>> -> memref<1x2048xf32, #tpu.memory_space<vmem>>
      %dma_wait3A_1215 = tpu.memref_squeeze %dma_wait3A_1214 : memref<1x2048xf32, #tpu.memory_space<vmem>> -> memref<2048xf32, #tpu.memory_space<vmem>>
      %dma_wait3A_1216 = tpu.memref_slice %arg5[%multiple_of3A] : memref<65536xf32, #tpu.memory_space<hbm>> -> memref<2048xf32, #tpu.memory_space<hbm>>
      %dma_wait3A_1217 = arith.constant 0 : i32
      %dma_wait3A_1218 = tpu.memref_slice %arg15[%run_scoped3A_4, %dma_wait3A_1217] : memref<4x2048xf32, #tpu.memory_space<vmem>> -> memref<1x2048xf32, #tpu.memory_space<vmem>>
      %dma_wait3A_1219 = tpu.memref_squeeze %dma_wait3A_1218 : memref<1x2048xf32, #tpu.memory_space<vmem>> -> memref<2048xf32, #tpu.memory_space<vmem>>
      %dma_wait3A_1220 = tpu.memref_slice %arg5[%multiple_of3A] : memref<65536xf32, #tpu.memory_space<hbm>> -> memref<2048xf32, #tpu.memory_space<hbm>>
      tpu.wait_dma2 semaphore(%run_scoped3A_1204 : memref<!tpu.dma_semaphore, #tpu.memory_space<semaphore_mem>>) src(%dma_wait3A_1220 : memref<2048xf32, #tpu.memory_space<hbm>>) dst(%dma_wait3A_1219 : memref<2048xf32, #tpu.memory_space<vmem>>)
      tpu.yield
    }) : () -> ()
    %run_scoped3A_5 = arith.constant 3 : i32
    "tpu.region"() ({
      %run_scoped3A_1204 = tpu.sem_alloc : memref<!tpu.dma_semaphore, #tpu.memory_space<semaphore_mem>>
      %dma_start3A_1205 = arith.constant 0 : i32
      %dma_start3A_1206 = tpu.memref_slice %arg15[%run_scoped3A_5, %dma_start3A_1205] : memref<4x2048xf32, #tpu.memory_space<vmem>> -> memref<1x2048xf32, #tpu.memory_space<vmem>>
      %dma_start3A_1207 = tpu.memref_squeeze %dma_start3A_1206 : memref<1x2048xf32, #tpu.memory_space<vmem>> -> memref<2048xf32, #tpu.memory_space<vmem>>
      %dma_start3A_1208 = tpu.memref_slice %arg6[%multiple_of3A] : memref<65536xf32, #tpu.memory_space<hbm>> -> memref<2048xf32, #tpu.memory_space<hbm>>
      %dma_start3A_1209 = arith.constant 0 : i32
      %dma_start3A_1210 = tpu.memref_slice %arg15[%run_scoped3A_5, %dma_start3A_1209] : memref<4x2048xf32, #tpu.memory_space<vmem>> -> memref<1x2048xf32, #tpu.memory_space<vmem>>
      %dma_start3A_1211 = tpu.memref_squeeze %dma_start3A_1210 : memref<1x2048xf32, #tpu.memory_space<vmem>> -> memref<2048xf32, #tpu.memory_space<vmem>>
      %dma_start3A_1212 = tpu.memref_slice %arg6[%multiple_of3A] : memref<65536xf32, #tpu.memory_space<hbm>> -> memref<2048xf32, #tpu.memory_space<hbm>>
      tpu.enqueue_dma source(%dma_start3A_1212 : memref<2048xf32, #tpu.memory_space<hbm>>) target(%dma_start3A_1211 : memref<2048xf32, #tpu.memory_space<vmem>>) target_semaphore(%run_scoped3A_1204 : memref<!tpu.dma_semaphore, #tpu.memory_space<semaphore_mem>>)
      %dma_wait3A_1213 = arith.constant 0 : i32
      %dma_wait3A_1214 = tpu.memref_slice %arg15[%run_scoped3A_5, %dma_wait3A_1213] : memref<4x2048xf32, #tpu.memory_space<vmem>> -> memref<1x2048xf32, #tpu.memory_space<vmem>>
      %dma_wait3A_1215 = tpu.memref_squeeze %dma_wait3A_1214 : memref<1x2048xf32, #tpu.memory_space<vmem>> -> memref<2048xf32, #tpu.memory_space<vmem>>
      %dma_wait3A_1216 = tpu.memref_slice %arg6[%multiple_of3A] : memref<65536xf32, #tpu.memory_space<hbm>> -> memref<2048xf32, #tpu.memory_space<hbm>>
      %dma_wait3A_1217 = arith.constant 0 : i32
      %dma_wait3A_1218 = tpu.memref_slice %arg15[%run_scoped3A_5, %dma_wait3A_1217] : memref<4x2048xf32, #tpu.memory_space<vmem>> -> memref<1x2048xf32, #tpu.memory_space<vmem>>
      %dma_wait3A_1219 = tpu.memref_squeeze %dma_wait3A_1218 : memref<1x2048xf32, #tpu.memory_space<vmem>> -> memref<2048xf32, #tpu.memory_space<vmem>>
      %dma_wait3A_1220 = tpu.memref_slice %arg6[%multiple_of3A] : memref<65536xf32, #tpu.memory_space<hbm>> -> memref<2048xf32, #tpu.memory_space<hbm>>
      tpu.wait_dma2 semaphore(%run_scoped3A_1204 : memref<!tpu.dma_semaphore, #tpu.memory_space<semaphore_mem>>) src(%dma_wait3A_1220 : memref<2048xf32, #tpu.memory_space<hbm>>) dst(%dma_wait3A_1219 : memref<2048xf32, #tpu.memory_space<vmem>>)
      tpu.yield
    }) : () -> ()
    %iota3A = tpu.iota {dimensions = array<i32: 0>} : vector<16xi32>
    %mul3A_6 = arith.constant 64 : i32
    %mul3A_7 = vector.broadcast %mul3A_6 : i32 to vector<16xi32>
    %mul3A_8 = arith.muli %iota3A, %mul3A_7 : vector<16xi32>
    %broadcast_in_dim3A = arith.constant 0 : i32
    %broadcast_in_dim3A_9 = vector.broadcast %broadcast_in_dim3A : i32 to vector<16xi32>
    %broadcast_in_dim3A_10 = arith.constant 1 : i32
    %broadcast_in_dim3A_11 = vector.broadcast %broadcast_in_dim3A_10 : i32 to vector<16xi32>
    %broadcast_in_dim3A_12 = arith.constant 2 : i32
    %broadcast_in_dim3A_13 = vector.broadcast %broadcast_in_dim3A_12 : i32 to vector<16xi32>
    %broadcast_in_dim3A_14 = arith.constant 3 : i32
    %broadcast_in_dim3A_15 = vector.broadcast %broadcast_in_dim3A_14 : i32 to vector<16xi32>
    %broadcast_in_dim3A_16 = arith.constant 4 : i32
    %broadcast_in_dim3A_17 = vector.broadcast %broadcast_in_dim3A_16 : i32 to vector<16xi32>
    %broadcast_in_dim3A_18 = arith.constant 5 : i32
    %broadcast_in_dim3A_19 = vector.broadcast %broadcast_in_dim3A_18 : i32 to vector<16xi32>
    %broadcast_in_dim3A_20 = arith.constant -1.562500e+00 : f32
    %broadcast_in_dim3A_21 = vector.broadcast %broadcast_in_dim3A_20 : f32 to vector<16xf32>
    %broadcast_in_dim3A_22 = arith.constant 99999 : i32
    %broadcast_in_dim3A_23 = vector.broadcast %broadcast_in_dim3A_22 : i32 to vector<16xi32>
    %add3A_24 = arith.constant 0 : i32
    %add3A_25 = arith.addi %multiple_of3A, %add3A_24 : i32
    %jit3A = arith.constant 2 : i32
    %div3A = arith.divsi %add3A_25, %jit3A : i32
    %sign3A = arith.constant 0 : i32
    %sign3A_26 = arith.cmpi sgt, %add3A_25, %sign3A : i32
    %sign3A_27 = arith.extui %sign3A_26 : i1 to i32
    %sign3A_28 = arith.constant 0 : i32
    %sign3A_29 = arith.cmpi slt, %add3A_25, %sign3A_28 : i32
    %sign3A_30 = arith.extui %sign3A_29 : i1 to i32
    %sign3A_31 = arith.subi %sign3A_27, %sign3A_30 : i32
    %sign3A_32 = arith.constant 0 : i32
    %sign3A_33 = arith.cmpi sgt, %jit3A, %sign3A_32 : i32
    %sign3A_34 = arith.extui %sign3A_33 : i1 to i32
    %sign3A_35 = arith.constant 0 : i32
    %sign3A_36 = arith.cmpi slt, %jit3A, %sign3A_35 : i32
    %sign3A_37 = arith.extui %sign3A_36 : i1 to i32
    %sign3A_38 = arith.subi %sign3A_34, %sign3A_37 : i32
    %ne3A = arith.cmpi ne, %sign3A_31, %sign3A_38 : i32
    %rem3A = arith.remsi %add3A_25, %jit3A : i32
    %ne3A_39 = arith.constant 0 : i32
    %ne3A_40 = arith.cmpi ne, %rem3A, %ne3A_39 : i32
    %and3A = arith.andi %ne3A, %ne3A_40 : i1
    %sub3A = arith.constant 1 : i32
    %sub3A_41 = arith.subi %div3A, %sub3A : i32
    %select_n3A = arith.select %and3A, %sub3A_41, %div3A : i32
    %multiple_of3A_42 = tpu.assume_multiple %select_n3A, 8 : i32
    %dma_start3A = arith.constant 0 : i32
    %dma_start3A_43 = arith.constant 0 : i32
    %dma_start3A_44 = arith.constant 0 : i32
    %dma_start3A_45 = tpu.memref_slice %arg12[%dma_start3A, %dma_start3A_43, %dma_start3A_44] : memref<2x8x128xi32, #tpu.memory_space<vmem>> -> memref<1x8x128xi32, #tpu.memory_space<vmem>>
    %dma_start3A_46 = tpu.memref_squeeze %dma_start3A_45 : memref<1x8x128xi32, #tpu.memory_space<vmem>> -> memref<8x128xi32, #tpu.memory_space<vmem>>
    %dma_start3A_47 = arith.constant 0 : i32
    %dma_start3A_48 = tpu.memref_slice %arg7[%multiple_of3A_42, %dma_start3A_47] : memref<32768x128xi32, #tpu.memory_space<hbm>> -> memref<8x128xi32, #tpu.memory_space<hbm>>
    %dma_start3A_49 = arith.constant 0 : i32
    %dma_start3A_50 = arith.constant 0 : i32
    %dma_start3A_51 = tpu.memref_slice %arg12[%dma_start3A, %dma_start3A_49, %dma_start3A_50] : memref<2x8x128xi32, #tpu.memory_space<vmem>> -> memref<1x8x128xi32, #tpu.memory_space<vmem>>
    %dma_start3A_52 = tpu.memref_squeeze %dma_start3A_51 : memref<1x8x128xi32, #tpu.memory_space<vmem>> -> memref<8x128xi32, #tpu.memory_space<vmem>>
    %dma_start3A_53 = arith.constant 0 : i32
    %dma_start3A_54 = tpu.memref_slice %arg7[%multiple_of3A_42, %dma_start3A_53] : memref<32768x128xi32, #tpu.memory_space<hbm>> -> memref<8x128xi32, #tpu.memory_space<hbm>>
    tpu.enqueue_dma source(%dma_start3A_54 : memref<8x128xi32, #tpu.memory_space<hbm>>) target(%dma_start3A_52 : memref<8x128xi32, #tpu.memory_space<vmem>>) target_semaphore(%arg18 : memref<!tpu.dma_semaphore, #tpu.memory_space<semaphore_mem>>)
    %add3A_55 = arith.constant 0 : i32
    %add3A_56 = arith.addi %multiple_of3A, %add3A_55 : i32
    %jit3A_57 = arith.constant 2 : i32
    %div3A_58 = arith.divsi %add3A_56, %jit3A_57 : i32
    %sign3A_59 = arith.constant 0 : i32
    %sign3A_60 = arith.cmpi sgt, %add3A_56, %sign3A_59 : i32
    %sign3A_61 = arith.extui %sign3A_60 : i1 to i32
    %sign3A_62 = arith.constant 0 : i32
    %sign3A_63 = arith.cmpi slt, %add3A_56, %sign3A_62 : i32
    %sign3A_64 = arith.extui %sign3A_63 : i1 to i32
    %sign3A_65 = arith.subi %sign3A_61, %sign3A_64 : i32
    %sign3A_66 = arith.constant 0 : i32
    %sign3A_67 = arith.cmpi sgt, %jit3A_57, %sign3A_66 : i32
    %sign3A_68 = arith.extui %sign3A_67 : i1 to i32
    %sign3A_69 = arith.constant 0 : i32
    %sign3A_70 = arith.cmpi slt, %jit3A_57, %sign3A_69 : i32
    %sign3A_71 = arith.extui %sign3A_70 : i1 to i32
    %sign3A_72 = arith.subi %sign3A_68, %sign3A_71 : i32
    %ne3A_73 = arith.cmpi ne, %sign3A_65, %sign3A_72 : i32
    %rem3A_74 = arith.remsi %add3A_56, %jit3A_57 : i32
    %ne3A_75 = arith.constant 0 : i32
    %ne3A_76 = arith.cmpi ne, %rem3A_74, %ne3A_75 : i32
    %and3A_77 = arith.andi %ne3A_73, %ne3A_76 : i1
    %sub3A_78 = arith.constant 1 : i32
    %sub3A_79 = arith.subi %div3A_58, %sub3A_78 : i32
    %select_n3A_80 = arith.select %and3A_77, %sub3A_79, %div3A_58 : i32
    %multiple_of3A_81 = tpu.assume_multiple %select_n3A_80, 8 : i32
    %dma_wait3A = arith.constant 0 : i32
    %dma_wait3A_82 = arith.constant 0 : i32
    %dma_wait3A_83 = arith.constant 0 : i32
    %dma_wait3A_84 = tpu.memref_slice %arg12[%dma_wait3A, %dma_wait3A_82, %dma_wait3A_83] : memref<2x8x128xi32, #tpu.memory_space<vmem>> -> memref<1x8x128xi32, #tpu.memory_space<vmem>>
    %dma_wait3A_85 = tpu.memref_squeeze %dma_wait3A_84 : memref<1x8x128xi32, #tpu.memory_space<vmem>> -> memref<8x128xi32, #tpu.memory_space<vmem>>
    %dma_wait3A_86 = arith.constant 0 : i32
    %dma_wait3A_87 = tpu.memref_slice %arg7[%multiple_of3A_81, %dma_wait3A_86] : memref<32768x128xi32, #tpu.memory_space<hbm>> -> memref<8x128xi32, #tpu.memory_space<hbm>>
    %dma_wait3A_88 = arith.constant 0 : i32
    %dma_wait3A_89 = arith.constant 0 : i32
    %dma_wait3A_90 = tpu.memref_slice %arg12[%dma_wait3A, %dma_wait3A_88, %dma_wait3A_89] : memref<2x8x128xi32, #tpu.memory_space<vmem>> -> memref<1x8x128xi32, #tpu.memory_space<vmem>>
    %dma_wait3A_91 = tpu.memref_squeeze %dma_wait3A_90 : memref<1x8x128xi32, #tpu.memory_space<vmem>> -> memref<8x128xi32, #tpu.memory_space<vmem>>
    %dma_wait3A_92 = arith.constant 0 : i32
    %dma_wait3A_93 = tpu.memref_slice %arg7[%multiple_of3A_81, %dma_wait3A_92] : memref<32768x128xi32, #tpu.memory_space<hbm>> -> memref<8x128xi32, #tpu.memory_space<hbm>>
    tpu.wait_dma2 semaphore(%arg18 : memref<!tpu.dma_semaphore, #tpu.memory_space<semaphore_mem>>) src(%dma_wait3A_93 : memref<8x128xi32, #tpu.memory_space<hbm>>) dst(%dma_wait3A_91 : memref<8x128xi32, #tpu.memory_space<vmem>>)
    %get3A = arith.constant 0 : i32
    %get3A_94 = arith.constant 0 : i32
    %get3A_95 = arith.index_cast %get3A : i32 to index
    %get3A_96 = arith.index_cast %get3A_94 : i32 to index
    %get3A_97 = arith.constant 0 : index
    %get3A_98 = tpu.vector_load %arg12[%get3A_95, %get3A_96, %get3A_97] {strides = array<i32>} : memref<2x8x128xi32, #tpu.memory_space<vmem>>, vector<16xi32>,
    %bitcast3A = vector.bitcast %get3A_98 : vector<16xi32> to vector<16xi32>
    %min3A = arith.minui %bitcast3A, %broadcast_in_dim3A_23 : vector<16xi32>
    %bitcast3A_99 = vector.bitcast %min3A : vector<16xi32> to vector<16xi32>
    %swap3A = arith.constant 0 : i32
    %swap3A_100 = arith.constant 0 : i32
    %swap3A_101 = arith.index_cast %swap3A : i32 to index
    %swap3A_102 = arith.index_cast %swap3A_100 : i32 to index
    %swap3A_103 = arith.constant 0 : index
    %swap3A_104 = tpu.vector_load %arg12[%swap3A_101, %swap3A_102, %swap3A_103] {strides = array<i32>} : memref<2x8x128xi32, #tpu.memory_space<vmem>>, vector<16xi32>,
    tpu.vector_store %arg12[%swap3A_101, %swap3A_102, %swap3A_103], %bitcast3A_99 {strides = array<i32>} : memref<2x8x128xi32, #tpu.memory_space<vmem>>, vector<16xi32>,
    %get3A_105 = arith.constant 0 : i32
    %get3A_106 = arith.constant 0 : i32
    %get3A_107 = arith.index_cast %get3A_105 : i32 to index
    %get3A_108 = arith.index_cast %get3A_106 : i32 to index
    %get3A_109 = arith.constant 16 : index
    %get3A_110 = tpu.vector_load %arg12[%get3A_107, %get3A_108, %get3A_109] {strides = array<i32>} : memref<2x8x128xi32, #tpu.memory_space<vmem>>, vector<16xi32>,
    %bitcast3A_111 = vector.bitcast %get3A_110 : vector<16xi32> to vector<16xi32>
    %min3A_112 = arith.minui %bitcast3A_111, %broadcast_in_dim3A_23 : vector<16xi32>
    %bitcast3A_113 = vector.bitcast %min3A_112 : vector<16xi32> to vector<16xi32>
    %swap3A_114 = arith.constant 0 : i32
    %swap3A_115 = arith.constant 0 : i32
    %swap3A_116 = arith.index_cast %swap3A_114 : i32 to index
    %swap3A_117 = arith.index_cast %swap3A_115 : i32 to index
    %swap3A_118 = arith.constant 16 : index
    %swap3A_119 = tpu.vector_load %arg12[%swap3A_116, %swap3A_117, %swap3A_118] {strides = array<i32>} : memref<2x8x128xi32, #tpu.memory_space<vmem>>, vector<16xi32>,
    tpu.vector_store %arg12[%swap3A_116, %swap3A_117, %swap3A_118], %bitcast3A_113 {strides = array<i32>} : memref<2x8x128xi32, #tpu.memory_space<vmem>>, vector<16xi32>,
    %get3A_120 = arith.constant 0 : i32
    %get3A_121 = arith.constant 0 : i32
    %get3A_122 = arith.index_cast %get3A_120 : i32 to index
    %get3A_123 = arith.index_cast %get3A_121 : i32 to index
    %get3A_124 = arith.constant 32 : index
    %get3A_125 = tpu.vector_load %arg12[%get3A_122, %get3A_123, %get3A_124] {strides = array<i32>} : memref<2x8x128xi32, #tpu.memory_space<vmem>>, vector<16xi32>,
    %bitcast3A_126 = vector.bitcast %get3A_125 : vector<16xi32> to vector<16xi32>
    %min3A_127 = arith.minui %bitcast3A_126, %broadcast_in_dim3A_23 : vector<16xi32>
    %bitcast3A_128 = vector.bitcast %min3A_127 : vector<16xi32> to vector<16xi32>
    %swap3A_129 = arith.constant 0 : i32
    %swap3A_130 = arith.constant 0 : i32
    %swap3A_131 = arith.index_cast %swap3A_129 : i32 to index
    %swap3A_132 = arith.index_cast %swap3A_130 : i32 to index
    %swap3A_133 = arith.constant 32 : index
    %swap3A_134 = tpu.vector_load %arg12[%swap3A_131, %swap3A_132, %swap3A_133] {strides = array<i32>} : memref<2x8x128xi32, #tpu.memory_space<vmem>>, vector<16xi32>,
    tpu.vector_store %arg12[%swap3A_131, %swap3A_132, %swap3A_133], %bitcast3A_128 {strides = array<i32>} : memref<2x8x128xi32, #tpu.memory_space<vmem>>, vector<16xi32>,
    %get3A_135 = arith.constant 0 : i32
    %get3A_136 = arith.constant 0 : i32
    %get3A_137 = arith.index_cast %get3A_135 : i32 to index
    %get3A_138 = arith.index_cast %get3A_136 : i32 to index
    %get3A_139 = arith.constant 48 : index
    %get3A_140 = tpu.vector_load %arg12[%get3A_137, %get3A_138, %get3A_139] {strides = array<i32>} : memref<2x8x128xi32, #tpu.memory_space<vmem>>, vector<16xi32>,
    %bitcast3A_141 = vector.bitcast %get3A_140 : vector<16xi32> to vector<16xi32>
    %min3A_142 = arith.minui %bitcast3A_141, %broadcast_in_dim3A_23 : vector<16xi32>
    %bitcast3A_143 = vector.bitcast %min3A_142 : vector<16xi32> to vector<16xi32>
    %swap3A_144 = arith.constant 0 : i32
    %swap3A_145 = arith.constant 0 : i32
    %swap3A_146 = arith.index_cast %swap3A_144 : i32 to index
    %swap3A_147 = arith.index_cast %swap3A_145 : i32 to index
    %swap3A_148 = arith.constant 48 : index
    %swap3A_149 = tpu.vector_load %arg12[%swap3A_146, %swap3A_147, %swap3A_148] {strides = array<i32>} : memref<2x8x128xi32, #tpu.memory_space<vmem>>, vector<16xi32>,
    tpu.vector_store %arg12[%swap3A_146, %swap3A_147, %swap3A_148], %bitcast3A_143 {strides = array<i32>} : memref<2x8x128xi32, #tpu.memory_space<vmem>>, vector<16xi32>,
    %get3A_150 = arith.constant 0 : i32
    %get3A_151 = arith.constant 0 : i32
    %get3A_152 = arith.index_cast %get3A_150 : i32 to index
    %get3A_153 = arith.index_cast %get3A_151 : i32 to index
    %get3A_154 = arith.constant 64 : index
    %get3A_155 = tpu.vector_load %arg12[%get3A_152, %get3A_153, %get3A_154] {strides = array<i32>} : memref<2x8x128xi32, #tpu.memory_space<vmem>>, vector<16xi32>,
    %bitcast3A_156 = vector.bitcast %get3A_155 : vector<16xi32> to vector<16xi32>
    %min3A_157 = arith.minui %bitcast3A_156, %broadcast_in_dim3A_23 : vector<16xi32>
    %bitcast3A_158 = vector.bitcast %min3A_157 : vector<16xi32> to vector<16xi32>
    %swap3A_159 = arith.constant 0 : i32
    %swap3A_160 = arith.constant 0 : i32
    %swap3A_161 = arith.index_cast %swap3A_159 : i32 to index
    %swap3A_162 = arith.index_cast %swap3A_160 : i32 to index
    %swap3A_163 = arith.constant 64 : index
    %swap3A_164 = tpu.vector_load %arg12[%swap3A_161, %swap3A_162, %swap3A_163] {strides = array<i32>} : memref<2x8x128xi32, #tpu.memory_space<vmem>>, vector<16xi32>,
    tpu.vector_store %arg12[%swap3A_161, %swap3A_162, %swap3A_163], %bitcast3A_158 {strides = array<i32>} : memref<2x8x128xi32, #tpu.memory_space<vmem>>, vector<16xi32>,
    %get3A_165 = arith.constant 0 : i32
    %get3A_166 = arith.constant 0 : i32
    %get3A_167 = arith.index_cast %get3A_165 : i32 to index
    %get3A_168 = arith.index_cast %get3A_166 : i32 to index
    %get3A_169 = arith.constant 80 : index
    %get3A_170 = tpu.vector_load %arg12[%get3A_167, %get3A_168, %get3A_169] {strides = array<i32>} : memref<2x8x128xi32, #tpu.memory_space<vmem>>, vector<16xi32>,
    %bitcast3A_171 = vector.bitcast %get3A_170 : vector<16xi32> to vector<16xi32>
    %min3A_172 = arith.minui %bitcast3A_171, %broadcast_in_dim3A_23 : vector<16xi32>
    %bitcast3A_173 = vector.bitcast %min3A_172 : vector<16xi32> to vector<16xi32>
    %swap3A_174 = arith.constant 0 : i32
    %swap3A_175 = arith.constant 0 : i32
    %swap3A_176 = arith.index_cast %swap3A_174 : i32 to index
    %swap3A_177 = arith.index_cast %swap3A_175 : i32 to index
    %swap3A_178 = arith.constant 80 : index
    %swap3A_179 = tpu.vector_load %arg12[%swap3A_176, %swap3A_177, %swap3A_178] {strides = array<i32>} : memref<2x8x128xi32, #tpu.memory_space<vmem>>, vector<16xi32>,
    tpu.vector_store %arg12[%swap3A_176, %swap3A_177, %swap3A_178], %bitcast3A_173 {strides = array<i32>} : memref<2x8x128xi32, #tpu.memory_space<vmem>>, vector<16xi32>,
    %get3A_180 = arith.constant 0 : i32
    %get3A_181 = arith.constant 0 : i32
    %get3A_182 = arith.index_cast %get3A_180 : i32 to index
    %get3A_183 = arith.index_cast %get3A_181 : i32 to index
    %get3A_184 = arith.constant 96 : index
    %get3A_185 = tpu.vector_load %arg12[%get3A_182, %get3A_183, %get3A_184] {strides = array<i32>} : memref<2x8x128xi32, #tpu.memory_space<vmem>>, vector<16xi32>,
    %bitcast3A_186 = vector.bitcast %get3A_185 : vector<16xi32> to vector<16xi32>
    %min3A_187 = arith.minui %bitcast3A_186, %broadcast_in_dim3A_23 : vector<16xi32>
    %bitcast3A_188 = vector.bitcast %min3A_187 : vector<16xi32> to vector<16xi32>
    %swap3A_189 = arith.constant 0 : i32
    %swap3A_190 = arith.constant 0 : i32
    %swap3A_191 = arith.index_cast %swap3A_189 : i32 to index
    %swap3A_192 = arith.index_cast %swap3A_190 : i32 to index
    %swap3A_193 = arith.constant 96 : index
    %swap3A_194 = tpu.vector_load %arg12[%swap3A_191, %swap3A_192, %swap3A_193] {strides = array<i32>} : memref<2x8x128xi32, #tpu.memory_space<vmem>>, vector<16xi32>,
    tpu.vector_store %arg12[%swap3A_191, %swap3A_192, %swap3A_193], %bitcast3A_188 {strides = array<i32>} : memref<2x8x128xi32, #tpu.memory_space<vmem>>, vector<16xi32>,
    %get3A_195 = arith.constant 0 : i32
    %get3A_196 = arith.constant 0 : i32
    %get3A_197 = arith.index_cast %get3A_195 : i32 to index
    %get3A_198 = arith.index_cast %get3A_196 : i32 to index
    %get3A_199 = arith.constant 112 : index
    %get3A_200 = tpu.vector_load %arg12[%get3A_197, %get3A_198, %get3A_199] {strides = array<i32>} : memref<2x8x128xi32, #tpu.memory_space<vmem>>, vector<16xi32>,
    %bitcast3A_201 = vector.bitcast %get3A_200 : vector<16xi32> to vector<16xi32>
    %min3A_202 = arith.minui %bitcast3A_201, %broadcast_in_dim3A_23 : vector<16xi32>
    %bitcast3A_203 = vector.bitcast %min3A_202 : vector<16xi32> to vector<16xi32>
    %swap3A_204 = arith.constant 0 : i32
    %swap3A_205 = arith.constant 0 : i32
    %swap3A_206 = arith.index_cast %swap3A_204 : i32 to index
    %swap3A_207 = arith.index_cast %swap3A_205 : i32 to index
    %swap3A_208 = arith.constant 112 : index
    %swap3A_209 = tpu.vector_load %arg12[%swap3A_206, %swap3A_207, %swap3A_208] {strides = array<i32>} : memref<2x8x128xi32, #tpu.memory_space<vmem>>, vector<16xi32>,
    tpu.vector_store %arg12[%swap3A_206, %swap3A_207, %swap3A_208], %bitcast3A_203 {strides = array<i32>} : memref<2x8x128xi32, #tpu.memory_space<vmem>>, vector<16xi32>,
    %get3A_210 = arith.constant 0 : i32
    %get3A_211 = arith.constant 1 : i32
    %get3A_212 = arith.index_cast %get3A_210 : i32 to index
    %get3A_213 = arith.index_cast %get3A_211 : i32 to index
    %get3A_214 = arith.constant 0 : index
    %get3A_215 = tpu.vector_load %arg12[%get3A_212, %get3A_213, %get3A_214] {strides = array<i32>} : memref<2x8x128xi32, #tpu.memory_space<vmem>>, vector<16xi32>,
    %bitcast3A_216 = vector.bitcast %get3A_215 : vector<16xi32> to vector<16xi32>
    %min3A_217 = arith.minui %bitcast3A_216, %broadcast_in_dim3A_23 : vector<16xi32>
    %bitcast3A_218 = vector.bitcast %min3A_217 : vector<16xi32> to vector<16xi32>
    %swap3A_219 = arith.constant 0 : i32
    %swap3A_220 = arith.constant 1 : i32
    %swap3A_221 = arith.index_cast %swap3A_219 : i32 to index
    %swap3A_222 = arith.index_cast %swap3A_220 : i32 to index
    %swap3A_223 = arith.constant 0 : index
    %swap3A_224 = tpu.vector_load %arg12[%swap3A_221, %swap3A_222, %swap3A_223] {strides = array<i32>} : memref<2x8x128xi32, #tpu.memory_space<vmem>>, vector<16xi32>,
    tpu.vector_store %arg12[%swap3A_221, %swap3A_222, %swap3A_223], %bitcast3A_218 {strides = array<i32>} : memref<2x8x128xi32, #tpu.memory_space<vmem>>, vector<16xi32>,
    %get3A_225 = arith.constant 0 : i32
    %get3A_226 = arith.constant 1 : i32
    %get3A_227 = arith.index_cast %get3A_225 : i32 to index
    %get3A_228 = arith.index_cast %get3A_226 : i32 to index
    %get3A_229 = arith.constant 16 : index
    %get3A_230 = tpu.vector_load %arg12[%get3A_227, %get3A_228, %get3A_229] {strides = array<i32>} : memref<2x8x128xi32, #tpu.memory_space<vmem>>, vector<16xi32>,
    %bitcast3A_231 = vector.bitcast %get3A_230 : vector<16xi32> to vector<16xi32>
    %min3A_232 = arith.minui %bitcast3A_231, %broadcast_in_dim3A_23 : vector<16xi32>
    %bitcast3A_233 = vector.bitcast %min3A_232 : vector<16xi32> to vector<16xi32>
    %swap3A_234 = arith.constant 0 : i32
    %swap3A_235 = arith.constant 1 : i32
    %swap3A_236 = arith.index_cast %swap3A_234 : i32 to index
    %swap3A_237 = arith.index_cast %swap3A_235 : i32 to index
    %swap3A_238 = arith.constant 16 : index
    %swap3A_239 = tpu.vector_load %arg12[%swap3A_236, %swap3A_237, %swap3A_238] {strides = array<i32>} : memref<2x8x128xi32, #tpu.memory_space<vmem>>, vector<16xi32>,
    tpu.vector_store %arg12[%swap3A_236, %swap3A_237, %swap3A_238], %bitcast3A_233 {strides = array<i32>} : memref<2x8x128xi32, #tpu.memory_space<vmem>>, vector<16xi32>,
    %get3A_240 = arith.constant 0 : i32
    %get3A_241 = arith.constant 1 : i32
    %get3A_242 = arith.index_cast %get3A_240 : i32 to index
    %get3A_243 = arith.index_cast %get3A_241 : i32 to index
    %get3A_244 = arith.constant 32 : index
    %get3A_245 = tpu.vector_load %arg12[%get3A_242, %get3A_243, %get3A_244] {strides = array<i32>} : memref<2x8x128xi32, #tpu.memory_space<vmem>>, vector<16xi32>,
    %bitcast3A_246 = vector.bitcast %get3A_245 : vector<16xi32> to vector<16xi32>
    %min3A_247 = arith.minui %bitcast3A_246, %broadcast_in_dim3A_23 : vector<16xi32>
    %bitcast3A_248 = vector.bitcast %min3A_247 : vector<16xi32> to vector<16xi32>
    %swap3A_249 = arith.constant 0 : i32
    %swap3A_250 = arith.constant 1 : i32
    %swap3A_251 = arith.index_cast %swap3A_249 : i32 to index
    %swap3A_252 = arith.index_cast %swap3A_250 : i32 to index
    %swap3A_253 = arith.constant 32 : index
    %swap3A_254 = tpu.vector_load %arg12[%swap3A_251, %swap3A_252, %swap3A_253] {strides = array<i32>} : memref<2x8x128xi32, #tpu.memory_space<vmem>>, vector<16xi32>,
    tpu.vector_store %arg12[%swap3A_251, %swap3A_252, %swap3A_253], %bitcast3A_248 {strides = array<i32>} : memref<2x8x128xi32, #tpu.memory_space<vmem>>, vector<16xi32>,
    %get3A_255 = arith.constant 0 : i32
    %get3A_256 = arith.constant 1 : i32
    %get3A_257 = arith.index_cast %get3A_255 : i32 to index
    %get3A_258 = arith.index_cast %get3A_256 : i32 to index
    %get3A_259 = arith.constant 48 : index
    %get3A_260 = tpu.vector_load %arg12[%get3A_257, %get3A_258, %get3A_259] {strides = array<i32>} : memref<2x8x128xi32, #tpu.memory_space<vmem>>, vector<16xi32>,
    %bitcast3A_261 = vector.bitcast %get3A_260 : vector<16xi32> to vector<16xi32>
    %min3A_262 = arith.minui %bitcast3A_261, %broadcast_in_dim3A_23 : vector<16xi32>
    %bitcast3A_263 = vector.bitcast %min3A_262 : vector<16xi32> to vector<16xi32>
    %swap3A_264 = arith.constant 0 : i32
    %swap3A_265 = arith.constant 1 : i32
    %swap3A_266 = arith.index_cast %swap3A_264 : i32 to index
    %swap3A_267 = arith.index_cast %swap3A_265 : i32 to index
    %swap3A_268 = arith.constant 48 : index
    %swap3A_269 = tpu.vector_load %arg12[%swap3A_266, %swap3A_267, %swap3A_268] {strides = array<i32>} : memref<2x8x128xi32, #tpu.memory_space<vmem>>, vector<16xi32>,
    tpu.vector_store %arg12[%swap3A_266, %swap3A_267, %swap3A_268], %bitcast3A_263 {strides = array<i32>} : memref<2x8x128xi32, #tpu.memory_space<vmem>>, vector<16xi32>,
    %get3A_270 = arith.constant 0 : i32
    %get3A_271 = arith.constant 1 : i32
    %get3A_272 = arith.index_cast %get3A_270 : i32 to index
    %get3A_273 = arith.index_cast %get3A_271 : i32 to index
    %get3A_274 = arith.constant 64 : index
    %get3A_275 = tpu.vector_load %arg12[%get3A_272, %get3A_273, %get3A_274] {strides = array<i32>} : memref<2x8x128xi32, #tpu.memory_space<vmem>>, vector<16xi32>,
    %bitcast3A_276 = vector.bitcast %get3A_275 : vector<16xi32> to vector<16xi32>
    %min3A_277 = arith.minui %bitcast3A_276, %broadcast_in_dim3A_23 : vector<16xi32>
    %bitcast3A_278 = vector.bitcast %min3A_277 : vector<16xi32> to vector<16xi32>
    %swap3A_279 = arith.constant 0 : i32
    %swap3A_280 = arith.constant 1 : i32
    %swap3A_281 = arith.index_cast %swap3A_279 : i32 to index
    %swap3A_282 = arith.index_cast %swap3A_280 : i32 to index
    %swap3A_283 = arith.constant 64 : index
    %swap3A_284 = tpu.vector_load %arg12[%swap3A_281, %swap3A_282, %swap3A_283] {strides = array<i32>} : memref<2x8x128xi32, #tpu.memory_space<vmem>>, vector<16xi32>,
    tpu.vector_store %arg12[%swap3A_281, %swap3A_282, %swap3A_283], %bitcast3A_278 {strides = array<i32>} : memref<2x8x128xi32, #tpu.memory_space<vmem>>, vector<16xi32>,
    %get3A_285 = arith.constant 0 : i32
    %get3A_286 = arith.constant 1 : i32
    %get3A_287 = arith.index_cast %get3A_285 : i32 to index
    %get3A_288 = arith.index_cast %get3A_286 : i32 to index
    %get3A_289 = arith.constant 80 : index
    %get3A_290 = tpu.vector_load %arg12[%get3A_287, %get3A_288, %get3A_289] {strides = array<i32>} : memref<2x8x128xi32, #tpu.memory_space<vmem>>, vector<16xi32>,
    %bitcast3A_291 = vector.bitcast %get3A_290 : vector<16xi32> to vector<16xi32>
    %min3A_292 = arith.minui %bitcast3A_291, %broadcast_in_dim3A_23 : vector<16xi32>
    %bitcast3A_293 = vector.bitcast %min3A_292 : vector<16xi32> to vector<16xi32>
    %swap3A_294 = arith.constant 0 : i32
    %swap3A_295 = arith.constant 1 : i32
    %swap3A_296 = arith.index_cast %swap3A_294 : i32 to index
    %swap3A_297 = arith.index_cast %swap3A_295 : i32 to index
    %swap3A_298 = arith.constant 80 : index
    %swap3A_299 = tpu.vector_load %arg12[%swap3A_296, %swap3A_297, %swap3A_298] {strides = array<i32>} : memref<2x8x128xi32, #tpu.memory_space<vmem>>, vector<16xi32>,
    tpu.vector_store %arg12[%swap3A_296, %swap3A_297, %swap3A_298], %bitcast3A_293 {strides = array<i32>} : memref<2x8x128xi32, #tpu.memory_space<vmem>>, vector<16xi32>,
    %get3A_300 = arith.constant 0 : i32
    %get3A_301 = arith.constant 1 : i32
    %get3A_302 = arith.index_cast %get3A_300 : i32 to index
    %get3A_303 = arith.index_cast %get3A_301 : i32 to index
    %get3A_304 = arith.constant 96 : index
    %get3A_305 = tpu.vector_load %arg12[%get3A_302, %get3A_303, %get3A_304] {strides = array<i32>} : memref<2x8x128xi32, #tpu.memory_space<vmem>>, vector<16xi32>,
    %bitcast3A_306 = vector.bitcast %get3A_305 : vector<16xi32> to vector<16xi32>
    %min3A_307 = arith.minui %bitcast3A_306, %broadcast_in_dim3A_23 : vector<16xi32>
    %bitcast3A_308 = vector.bitcast %min3A_307 : vector<16xi32> to vector<16xi32>
    %swap3A_309 = arith.constant 0 : i32
    %swap3A_310 = arith.constant 1 : i32
    %swap3A_311 = arith.index_cast %swap3A_309 : i32 to index
    %swap3A_312 = arith.index_cast %swap3A_310 : i32 to index
    %swap3A_313 = arith.constant 96 : index
    %swap3A_314 = tpu.vector_load %arg12[%swap3A_311, %swap3A_312, %swap3A_313] {strides = array<i32>} : memref<2x8x128xi32, #tpu.memory_space<vmem>>, vector<16xi32>,
    tpu.vector_store %arg12[%swap3A_311, %swap3A_312, %swap3A_313], %bitcast3A_308 {strides = array<i32>} : memref<2x8x128xi32, #tpu.memory_space<vmem>>, vector<16xi32>,
    %get3A_315 = arith.constant 0 : i32
    %get3A_316 = arith.constant 1 : i32
    %get3A_317 = arith.index_cast %get3A_315 : i32 to index
    %get3A_318 = arith.index_cast %get3A_316 : i32 to index
    %get3A_319 = arith.constant 112 : index
    %get3A_320 = tpu.vector_load %arg12[%get3A_317, %get3A_318, %get3A_319] {strides = array<i32>} : memref<2x8x128xi32, #tpu.memory_space<vmem>>, vector<16xi32>,
    %bitcast3A_321 = vector.bitcast %get3A_320 : vector<16xi32> to vector<16xi32>
    %min3A_322 = arith.minui %bitcast3A_321, %broadcast_in_dim3A_23 : vector<16xi32>
    %bitcast3A_323 = vector.bitcast %min3A_322 : vector<16xi32> to vector<16xi32>
    %swap3A_324 = arith.constant 0 : i32
    %swap3A_325 = arith.constant 1 : i32
    %swap3A_326 = arith.index_cast %swap3A_324 : i32 to index
    %swap3A_327 = arith.index_cast %swap3A_325 : i32 to index
    %swap3A_328 = arith.constant 112 : index
    %swap3A_329 = tpu.vector_load %arg12[%swap3A_326, %swap3A_327, %swap3A_328] {strides = array<i32>} : memref<2x8x128xi32, #tpu.memory_space<vmem>>, vector<16xi32>,
    tpu.vector_store %arg12[%swap3A_326, %swap3A_327, %swap3A_328], %bitcast3A_323 {strides = array<i32>} : memref<2x8x128xi32, #tpu.memory_space<vmem>>, vector<16xi32>,
    %get3A_330 = arith.constant 0 : i32
    %get3A_331 = arith.constant 2 : i32
    %get3A_332 = arith.index_cast %get3A_330 : i32 to index
    %get3A_333 = arith.index_cast %get3A_331 : i32 to index
    %get3A_334 = arith.constant 0 : index
    %get3A_335 = tpu.vector_load %arg12[%get3A_332, %get3A_333, %get3A_334] {strides = array<i32>} : memref<2x8x128xi32, #tpu.memory_space<vmem>>, vector<16xi32>,
    %bitcast3A_336 = vector.bitcast %get3A_335 : vector<16xi32> to vector<16xi32>
    %min3A_337 = arith.minui %bitcast3A_336, %broadcast_in_dim3A_23 : vector<16xi32>
    %bitcast3A_338 = vector.bitcast %min3A_337 : vector<16xi32> to vector<16xi32>
    %swap3A_339 = arith.constant 0 : i32
    %swap3A_340 = arith.constant 2 : i32
    %swap3A_341 = arith.index_cast %swap3A_339 : i32 to index
    %swap3A_342 = arith.index_cast %swap3A_340 : i32 to index
    %swap3A_343 = arith.constant 0 : index
    %swap3A_344 = tpu.vector_load %arg12[%swap3A_341, %swap3A_342, %swap3A_343] {strides = array<i32>} : memref<2x8x128xi32, #tpu.memory_space<vmem>>, vector<16xi32>,
    tpu.vector_store %arg12[%swap3A_341, %swap3A_342, %swap3A_343], %bitcast3A_338 {strides = array<i32>} : memref<2x8x128xi32, #tpu.memory_space<vmem>>, vector<16xi32>,
    %get3A_345 = arith.constant 0 : i32
    %get3A_346 = arith.constant 2 : i32
    %get3A_347 = arith.index_cast %get3A_345 : i32 to index
    %get3A_348 = arith.index_cast %get3A_346 : i32 to index
    %get3A_349 = arith.constant 16 : index
    %get3A_350 = tpu.vector_load %arg12[%get3A_347, %get3A_348, %get3A_349] {strides = array<i32>} : memref<2x8x128xi32, #tpu.memory_space<vmem>>, vector<16xi32>,
    %bitcast3A_351 = vector.bitcast %get3A_350 : vector<16xi32> to vector<16xi32>
    %min3A_352 = arith.minui %bitcast3A_351, %broadcast_in_dim3A_23 : vector<16xi32>
    %bitcast3A_353 = vector.bitcast %min3A_352 : vector<16xi32> to vector<16xi32>
    %swap3A_354 = arith.constant 0 : i32
    %swap3A_355 = arith.constant 2 : i32
    %swap3A_356 = arith.index_cast %swap3A_354 : i32 to index
    %swap3A_357 = arith.index_cast %swap3A_355 : i32 to index
    %swap3A_358 = arith.constant 16 : index
    %swap3A_359 = tpu.vector_load %arg12[%swap3A_356, %swap3A_357, %swap3A_358] {strides = array<i32>} : memref<2x8x128xi32, #tpu.memory_space<vmem>>, vector<16xi32>,
    tpu.vector_store %arg12[%swap3A_356, %swap3A_357, %swap3A_358], %bitcast3A_353 {strides = array<i32>} : memref<2x8x128xi32, #tpu.memory_space<vmem>>, vector<16xi32>,
    %get3A_360 = arith.constant 0 : i32
    %get3A_361 = arith.constant 2 : i32
    %get3A_362 = arith.index_cast %get3A_360 : i32 to index
    %get3A_363 = arith.index_cast %get3A_361 : i32 to index
    %get3A_364 = arith.constant 32 : index
    %get3A_365 = tpu.vector_load %arg12[%get3A_362, %get3A_363, %get3A_364] {strides = array<i32>} : memref<2x8x128xi32, #tpu.memory_space<vmem>>, vector<16xi32>,
    %bitcast3A_366 = vector.bitcast %get3A_365 : vector<16xi32> to vector<16xi32>
    %min3A_367 = arith.minui %bitcast3A_366, %broadcast_in_dim3A_23 : vector<16xi32>
    %bitcast3A_368 = vector.bitcast %min3A_367 : vector<16xi32> to vector<16xi32>
    %swap3A_369 = arith.constant 0 : i32
    %swap3A_370 = arith.constant 2 : i32
    %swap3A_371 = arith.index_cast %swap3A_369 : i32 to index
    %swap3A_372 = arith.index_cast %swap3A_370 : i32 to index
    %swap3A_373 = arith.constant 32 : index
    %swap3A_374 = tpu.vector_load %arg12[%swap3A_371, %swap3A_372, %swap3A_373] {strides = array<i32>} : memref<2x8x128xi32, #tpu.memory_space<vmem>>, vector<16xi32>,
    tpu.vector_store %arg12[%swap3A_371, %swap3A_372, %swap3A_373], %bitcast3A_368 {strides = array<i32>} : memref<2x8x128xi32, #tpu.memory_space<vmem>>, vector<16xi32>,
    %get3A_375 = arith.constant 0 : i32
    %get3A_376 = arith.constant 2 : i32
    %get3A_377 = arith.index_cast %get3A_375 : i32 to index
    %get3A_378 = arith.index_cast %get3A_376 : i32 to index
    %get3A_379 = arith.constant 48 : index
    %get3A_380 = tpu.vector_load %arg12[%get3A_377, %get3A_378, %get3A_379] {strides = array<i32>} : memref<2x8x128xi32, #tpu.memory_space<vmem>>, vector<16xi32>,
    %bitcast3A_381 = vector.bitcast %get3A_380 : vector<16xi32> to vector<16xi32>
    %min3A_382 = arith.minui %bitcast3A_381, %broadcast_in_dim3A_23 : vector<16xi32>
    %bitcast3A_383 = vector.bitcast %min3A_382 : vector<16xi32> to vector<16xi32>
    %swap3A_384 = arith.constant 0 : i32
    %swap3A_385 = arith.constant 2 : i32
    %swap3A_386 = arith.index_cast %swap3A_384 : i32 to index
    %swap3A_387 = arith.index_cast %swap3A_385 : i32 to index
    %swap3A_388 = arith.constant 48 : index
    %swap3A_389 = tpu.vector_load %arg12[%swap3A_386, %swap3A_387, %swap3A_388] {strides = array<i32>} : memref<2x8x128xi32, #tpu.memory_space<vmem>>, vector<16xi32>,
    tpu.vector_store %arg12[%swap3A_386, %swap3A_387, %swap3A_388], %bitcast3A_383 {strides = array<i32>} : memref<2x8x128xi32, #tpu.memory_space<vmem>>, vector<16xi32>,
    %get3A_390 = arith.constant 0 : i32
    %get3A_391 = arith.constant 2 : i32
    %get3A_392 = arith.index_cast %get3A_390 : i32 to index
    %get3A_393 = arith.index_cast %get3A_391 : i32 to index
    %get3A_394 = arith.constant 64 : index
    %get3A_395 = tpu.vector_load %arg12[%get3A_392, %get3A_393, %get3A_394] {strides = array<i32>} : memref<2x8x128xi32, #tpu.memory_space<vmem>>, vector<16xi32>,
    %bitcast3A_396 = vector.bitcast %get3A_395 : vector<16xi32> to vector<16xi32>
    %min3A_397 = arith.minui %bitcast3A_396, %broadcast_in_dim3A_23 : vector<16xi32>
    %bitcast3A_398 = vector.bitcast %min3A_397 : vector<16xi32> to vector<16xi32>
    %swap3A_399 = arith.constant 0 : i32
    %swap3A_400 = arith.constant 2 : i32
    %swap3A_401 = arith.index_cast %swap3A_399 : i32 to index
    %swap3A_402 = arith.index_cast %swap3A_400 : i32 to index
    %swap3A_403 = arith.constant 64 : index
    %swap3A_404 = tpu.vector_load %arg12[%swap3A_401, %swap3A_402, %swap3A_403] {strides = array<i32>} : memref<2x8x128xi32, #tpu.memory_space<vmem>>, vector<16xi32>,
    tpu.vector_store %arg12[%swap3A_401, %swap3A_402, %swap3A_403], %bitcast3A_398 {strides = array<i32>} : memref<2x8x128xi32, #tpu.memory_space<vmem>>, vector<16xi32>,
    %get3A_405 = arith.constant 0 : i32
    %get3A_406 = arith.constant 2 : i32
    %get3A_407 = arith.index_cast %get3A_405 : i32 to index
    %get3A_408 = arith.index_cast %get3A_406 : i32 to index
    %get3A_409 = arith.constant 80 : index
    %get3A_410 = tpu.vector_load %arg12[%get3A_407, %get3A_408, %get3A_409] {strides = array<i32>} : memref<2x8x128xi32, #tpu.memory_space<vmem>>, vector<16xi32>,
    %bitcast3A_411 = vector.bitcast %get3A_410 : vector<16xi32> to vector<16xi32>
    %min3A_412 = arith.minui %bitcast3A_411, %broadcast_in_dim3A_23 : vector<16xi32>
    %bitcast3A_413 = vector.bitcast %min3A_412 : vector<16xi32> to vector<16xi32>
    %swap3A_414 = arith.constant 0 : i32
    %swap3A_415 = arith.constant 2 : i32
    %swap3A_416 = arith.index_cast %swap3A_414 : i32 to index
    %swap3A_417 = arith.index_cast %swap3A_415 : i32 to index
    %swap3A_418 = arith.constant 80 : index
    %swap3A_419 = tpu.vector_load %arg12[%swap3A_416, %swap3A_417, %swap3A_418] {strides = array<i32>} : memref<2x8x128xi32, #tpu.memory_space<vmem>>, vector<16xi32>,
    tpu.vector_store %arg12[%swap3A_416, %swap3A_417, %swap3A_418], %bitcast3A_413 {strides = array<i32>} : memref<2x8x128xi32, #tpu.memory_space<vmem>>, vector<16xi32>,
    %get3A_420 = arith.constant 0 : i32
    %get3A_421 = arith.constant 2 : i32
    %get3A_422 = arith.index_cast %get3A_420 : i32 to index
    %get3A_423 = arith.index_cast %get3A_421 : i32 to index
    %get3A_424 = arith.constant 96 : index
    %get3A_425 = tpu.vector_load %arg12[%get3A_422, %get3A_423, %get3A_424] {strides = array<i32>} : memref<2x8x128xi32, #tpu.memory_space<vmem>>, vector<16xi32>,
    %bitcast3A_426 = vector.bitcast %get3A_425 : vector<16xi32> to vector<16xi32>
    %min3A_427 = arith.minui %bitcast3A_426, %broadcast_in_dim3A_23 : vector<16xi32>
    %bitcast3A_428 = vector.bitcast %min3A_427 : vector<16xi32> to vector<16xi32>
    %swap3A_429 = arith.constant 0 : i32
    %swap3A_430 = arith.constant 2 : i32
    %swap3A_431 = arith.index_cast %swap3A_429 : i32 to index
    %swap3A_432 = arith.index_cast %swap3A_430 : i32 to index
    %swap3A_433 = arith.constant 96 : index
    %swap3A_434 = tpu.vector_load %arg12[%swap3A_431, %swap3A_432, %swap3A_433] {strides = array<i32>} : memref<2x8x128xi32, #tpu.memory_space<vmem>>, vector<16xi32>,
    tpu.vector_store %arg12[%swap3A_431, %swap3A_432, %swap3A_433], %bitcast3A_428 {strides = array<i32>} : memref<2x8x128xi32, #tpu.memory_space<vmem>>, vector<16xi32>,
    %get3A_435 = arith.constant 0 : i32
    %get3A_436 = arith.constant 2 : i32
    %get3A_437 = arith.index_cast %get3A_435 : i32 to index
    %get3A_438 = arith.index_cast %get3A_436 : i32 to index
    %get3A_439 = arith.constant 112 : index
    %get3A_440 = tpu.vector_load %arg12[%get3A_437, %get3A_438, %get3A_439] {strides = array<i32>} : memref<2x8x128xi32, #tpu.memory_space<vmem>>, vector<16xi32>,
    %bitcast3A_441 = vector.bitcast %get3A_440 : vector<16xi32> to vector<16xi32>
    %min3A_442 = arith.minui %bitcast3A_441, %broadcast_in_dim3A_23 : vector<16xi32>
    %bitcast3A_443 = vector.bitcast %min3A_442 : vector<16xi32> to vector<16xi32>
    %swap3A_444 = arith.constant 0 : i32
    %swap3A_445 = arith.constant 2 : i32
    %swap3A_446 = arith.index_cast %swap3A_444 : i32 to index
    %swap3A_447 = arith.index_cast %swap3A_445 : i32 to index
    %swap3A_448 = arith.constant 112 : index
    %swap3A_449 = tpu.vector_load %arg12[%swap3A_446, %swap3A_447, %swap3A_448] {strides = array<i32>} : memref<2x8x128xi32, #tpu.memory_space<vmem>>, vector<16xi32>,
    tpu.vector_store %arg12[%swap3A_446, %swap3A_447, %swap3A_448], %bitcast3A_443 {strides = array<i32>} : memref<2x8x128xi32, #tpu.memory_space<vmem>>, vector<16xi32>,
    %get3A_450 = arith.constant 0 : i32
    %get3A_451 = arith.constant 3 : i32
    %get3A_452 = arith.index_cast %get3A_450 : i32 to index
    %get3A_453 = arith.index_cast %get3A_451 : i32 to index
    %get3A_454 = arith.constant 0 : index
    %get3A_455 = tpu.vector_load %arg12[%get3A_452, %get3A_453, %get3A_454] {strides = array<i32>} : memref<2x8x128xi32, #tpu.memory_space<vmem>>, vector<16xi32>,
    %bitcast3A_456 = vector.bitcast %get3A_455 : vector<16xi32> to vector<16xi32>
    %min3A_457 = arith.minui %bitcast3A_456, %broadcast_in_dim3A_23 : vector<16xi32>
    %bitcast3A_458 = vector.bitcast %min3A_457 : vector<16xi32> to vector<16xi32>
    %swap3A_459 = arith.constant 0 : i32
    %swap3A_460 = arith.constant 3 : i32
    %swap3A_461 = arith.index_cast %swap3A_459 : i32 to index
    %swap3A_462 = arith.index_cast %swap3A_460 : i32 to index
    %swap3A_463 = arith.constant 0 : index
    %swap3A_464 = tpu.vector_load %arg12[%swap3A_461, %swap3A_462, %swap3A_463] {strides = array<i32>} : memref<2x8x128xi32, #tpu.memory_space<vmem>>, vector<16xi32>,
    tpu.vector_store %arg12[%swap3A_461, %swap3A_462, %swap3A_463], %bitcast3A_458 {strides = array<i32>} : memref<2x8x128xi32, #tpu.memory_space<vmem>>, vector<16xi32>,
    %get3A_465 = arith.constant 0 : i32
    %get3A_466 = arith.constant 3 : i32
    %get3A_467 = arith.index_cast %get3A_465 : i32 to index
    %get3A_468 = arith.index_cast %get3A_466 : i32 to index
    %get3A_469 = arith.constant 16 : index
    %get3A_470 = tpu.vector_load %arg12[%get3A_467, %get3A_468, %get3A_469] {strides = array<i32>} : memref<2x8x128xi32, #tpu.memory_space<vmem>>, vector<16xi32>,
    %bitcast3A_471 = vector.bitcast %get3A_470 : vector<16xi32> to vector<16xi32>
    %min3A_472 = arith.minui %bitcast3A_471, %broadcast_in_dim3A_23 : vector<16xi32>
    %bitcast3A_473 = vector.bitcast %min3A_472 : vector<16xi32> to vector<16xi32>
    %swap3A_474 = arith.constant 0 : i32
    %swap3A_475 = arith.constant 3 : i32
    %swap3A_476 = arith.index_cast %swap3A_474 : i32 to index
    %swap3A_477 = arith.index_cast %swap3A_475 : i32 to index
    %swap3A_478 = arith.constant 16 : index
    %swap3A_479 = tpu.vector_load %arg12[%swap3A_476, %swap3A_477, %swap3A_478] {strides = array<i32>} : memref<2x8x128xi32, #tpu.memory_space<vmem>>, vector<16xi32>,
    tpu.vector_store %arg12[%swap3A_476, %swap3A_477, %swap3A_478], %bitcast3A_473 {strides = array<i32>} : memref<2x8x128xi32, #tpu.memory_space<vmem>>, vector<16xi32>,
    %get3A_480 = arith.constant 0 : i32
    %get3A_481 = arith.constant 3 : i32
    %get3A_482 = arith.index_cast %get3A_480 : i32 to index
    %get3A_483 = arith.index_cast %get3A_481 : i32 to index
    %get3A_484 = arith.constant 32 : index
    %get3A_485 = tpu.vector_load %arg12[%get3A_482, %get3A_483, %get3A_484] {strides = array<i32>} : memref<2x8x128xi32, #tpu.memory_space<vmem>>, vector<16xi32>,
    %bitcast3A_486 = vector.bitcast %get3A_485 : vector<16xi32> to vector<16xi32>
    %min3A_487 = arith.minui %bitcast3A_486, %broadcast_in_dim3A_23 : vector<16xi32>
    %bitcast3A_488 = vector.bitcast %min3A_487 : vector<16xi32> to vector<16xi32>
    %swap3A_489 = arith.constant 0 : i32
    %swap3A_490 = arith.constant 3 : i32
    %swap3A_491 = arith.index_cast %swap3A_489 : i32 to index
    %swap3A_492 = arith.index_cast %swap3A_490 : i32 to index
    %swap3A_493 = arith.constant 32 : index
    %swap3A_494 = tpu.vector_load %arg12[%swap3A_491, %swap3A_492, %swap3A_493] {strides = array<i32>} : memref<2x8x128xi32, #tpu.memory_space<vmem>>, vector<16xi32>,
    tpu.vector_store %arg12[%swap3A_491, %swap3A_492, %swap3A_493], %bitcast3A_488 {strides = array<i32>} : memref<2x8x128xi32, #tpu.memory_space<vmem>>, vector<16xi32>,
    %get3A_495 = arith.constant 0 : i32
    %get3A_496 = arith.constant 3 : i32
    %get3A_497 = arith.index_cast %get3A_495 : i32 to index
    %get3A_498 = arith.index_cast %get3A_496 : i32 to index
    %get3A_499 = arith.constant 48 : index
    %get3A_500 = tpu.vector_load %arg12[%get3A_497, %get3A_498, %get3A_499] {strides = array<i32>} : memref<2x8x128xi32, #tpu.memory_space<vmem>>, vector<16xi32>,
    %bitcast3A_501 = vector.bitcast %get3A_500 : vector<16xi32> to vector<16xi32>
    %min3A_502 = arith.minui %bitcast3A_501, %broadcast_in_dim3A_23 : vector<16xi32>
    %bitcast3A_503 = vector.bitcast %min3A_502 : vector<16xi32> to vector<16xi32>
    %swap3A_504 = arith.constant 0 : i32
    %swap3A_505 = arith.constant 3 : i32
    %swap3A_506 = arith.index_cast %swap3A_504 : i32 to index
    %swap3A_507 = arith.index_cast %swap3A_505 : i32 to index
    %swap3A_508 = arith.constant 48 : index
    %swap3A_509 = tpu.vector_load %arg12[%swap3A_506, %swap3A_507, %swap3A_508] {strides = array<i32>} : memref<2x8x128xi32, #tpu.memory_space<vmem>>, vector<16xi32>,
    tpu.vector_store %arg12[%swap3A_506, %swap3A_507, %swap3A_508], %bitcast3A_503 {strides = array<i32>} : memref<2x8x128xi32, #tpu.memory_space<vmem>>, vector<16xi32>,
    %get3A_510 = arith.constant 0 : i32
    %get3A_511 = arith.constant 3 : i32
    %get3A_512 = arith.index_cast %get3A_510 : i32 to index
    %get3A_513 = arith.index_cast %get3A_511 : i32 to index
    %get3A_514 = arith.constant 64 : index
    %get3A_515 = tpu.vector_load %arg12[%get3A_512, %get3A_513, %get3A_514] {strides = array<i32>} : memref<2x8x128xi32, #tpu.memory_space<vmem>>, vector<16xi32>,
    %bitcast3A_516 = vector.bitcast %get3A_515 : vector<16xi32> to vector<16xi32>
    %min3A_517 = arith.minui %bitcast3A_516, %broadcast_in_dim3A_23 : vector<16xi32>
    %bitcast3A_518 = vector.bitcast %min3A_517 : vector<16xi32> to vector<16xi32>
    %swap3A_519 = arith.constant 0 : i32
    %swap3A_520 = arith.constant 3 : i32
    %swap3A_521 = arith.index_cast %swap3A_519 : i32 to index
    %swap3A_522 = arith.index_cast %swap3A_520 : i32 to index
    %swap3A_523 = arith.constant 64 : index
    %swap3A_524 = tpu.vector_load %arg12[%swap3A_521, %swap3A_522, %swap3A_523] {strides = array<i32>} : memref<2x8x128xi32, #tpu.memory_space<vmem>>, vector<16xi32>,
    tpu.vector_store %arg12[%swap3A_521, %swap3A_522, %swap3A_523], %bitcast3A_518 {strides = array<i32>} : memref<2x8x128xi32, #tpu.memory_space<vmem>>, vector<16xi32>,
    %get3A_525 = arith.constant 0 : i32
    %get3A_526 = arith.constant 3 : i32
    %get3A_527 = arith.index_cast %get3A_525 : i32 to index
    %get3A_528 = arith.index_cast %get3A_526 : i32 to index
    %get3A_529 = arith.constant 80 : index
    %get3A_530 = tpu.vector_load %arg12[%get3A_527, %get3A_528, %get3A_529] {strides = array<i32>} : memref<2x8x128xi32, #tpu.memory_space<vmem>>, vector<16xi32>,
    %bitcast3A_531 = vector.bitcast %get3A_530 : vector<16xi32> to vector<16xi32>
    %min3A_532 = arith.minui %bitcast3A_531, %broadcast_in_dim3A_23 : vector<16xi32>
    %bitcast3A_533 = vector.bitcast %min3A_532 : vector<16xi32> to vector<16xi32>
    %swap3A_534 = arith.constant 0 : i32
    %swap3A_535 = arith.constant 3 : i32
    %swap3A_536 = arith.index_cast %swap3A_534 : i32 to index
    %swap3A_537 = arith.index_cast %swap3A_535 : i32 to index
    %swap3A_538 = arith.constant 80 : index
    %swap3A_539 = tpu.vector_load %arg12[%swap3A_536, %swap3A_537, %swap3A_538] {strides = array<i32>} : memref<2x8x128xi32, #tpu.memory_space<vmem>>, vector<16xi32>,
    tpu.vector_store %arg12[%swap3A_536, %swap3A_537, %swap3A_538], %bitcast3A_533 {strides = array<i32>} : memref<2x8x128xi32, #tpu.memory_space<vmem>>, vector<16xi32>,
    %get3A_540 = arith.constant 0 : i32
    %get3A_541 = arith.constant 3 : i32
    %get3A_542 = arith.index_cast %get3A_540 : i32 to index
    %get3A_543 = arith.index_cast %get3A_541 : i32 to index
    %get3A_544 = arith.constant 96 : index
    %get3A_545 = tpu.vector_load %arg12[%get3A_542, %get3A_543, %get3A_544] {strides = array<i32>} : memref<2x8x128xi32, #tpu.memory_space<vmem>>, vector<16xi32>,
    %bitcast3A_546 = vector.bitcast %get3A_545 : vector<16xi32> to vector<16xi32>
    %min3A_547 = arith.minui %bitcast3A_546, %broadcast_in_dim3A_23 : vector<16xi32>
    %bitcast3A_548 = vector.bitcast %min3A_547 : vector<16xi32> to vector<16xi32>
    %swap3A_549 = arith.constant 0 : i32
    %swap3A_550 = arith.constant 3 : i32
    %swap3A_551 = arith.index_cast %swap3A_549 : i32 to index
    %swap3A_552 = arith.index_cast %swap3A_550 : i32 to index
    %swap3A_553 = arith.constant 96 : index
    %swap3A_554 = tpu.vector_load %arg12[%swap3A_551, %swap3A_552, %swap3A_553] {strides = array<i32>} : memref<2x8x128xi32, #tpu.memory_space<vmem>>, vector<16xi32>,
    tpu.vector_store %arg12[%swap3A_551, %swap3A_552, %swap3A_553], %bitcast3A_548 {strides = array<i32>} : memref<2x8x128xi32, #tpu.memory_space<vmem>>, vector<16xi32>,
    %get3A_555 = arith.constant 0 : i32
    %get3A_556 = arith.constant 3 : i32
    %get3A_557 = arith.index_cast %get3A_555 : i32 to index
    %get3A_558 = arith.index_cast %get3A_556 : i32 to index
    %get3A_559 = arith.constant 112 : index
    %get3A_560 = tpu.vector_load %arg12[%get3A_557, %get3A_558, %get3A_559] {strides = array<i32>} : memref<2x8x128xi32, #tpu.memory_space<vmem>>, vector<16xi32>,
    %bitcast3A_561 = vector.bitcast %get3A_560 : vector<16xi32> to vector<16xi32>
    %min3A_562 = arith.minui %bitcast3A_561, %broadcast_in_dim3A_23 : vector<16xi32>
    %bitcast3A_563 = vector.bitcast %min3A_562 : vector<16xi32> to vector<16xi32>
    %swap3A_564 = arith.constant 0 : i32
    %swap3A_565 = arith.constant 3 : i32
    %swap3A_566 = arith.index_cast %swap3A_564 : i32 to index
    %swap3A_567 = arith.index_cast %swap3A_565 : i32 to index
    %swap3A_568 = arith.constant 112 : index
    %swap3A_569 = tpu.vector_load %arg12[%swap3A_566, %swap3A_567, %swap3A_568] {strides = array<i32>} : memref<2x8x128xi32, #tpu.memory_space<vmem>>, vector<16xi32>,
    tpu.vector_store %arg12[%swap3A_566, %swap3A_567, %swap3A_568], %bitcast3A_563 {strides = array<i32>} : memref<2x8x128xi32, #tpu.memory_space<vmem>>, vector<16xi32>,
    %get3A_570 = arith.constant 0 : i32
    %get3A_571 = arith.constant 4 : i32
    %get3A_572 = arith.index_cast %get3A_570 : i32 to index
    %get3A_573 = arith.index_cast %get3A_571 : i32 to index
    %get3A_574 = arith.constant 0 : index
    %get3A_575 = tpu.vector_load %arg12[%get3A_572, %get3A_573, %get3A_574] {strides = array<i32>} : memref<2x8x128xi32, #tpu.memory_space<vmem>>, vector<16xi32>,
    %bitcast3A_576 = vector.bitcast %get3A_575 : vector<16xi32> to vector<16xi32>
    %min3A_577 = arith.minui %bitcast3A_576, %broadcast_in_dim3A_23 : vector<16xi32>
    %bitcast3A_578 = vector.bitcast %min3A_577 : vector<16xi32> to vector<16xi32>
    %swap3A_579 = arith.constant 0 : i32
    %swap3A_580 = arith.constant 4 : i32
    %swap3A_581 = arith.index_cast %swap3A_579 : i32 to index
    %swap3A_582 = arith.index_cast %swap3A_580 : i32 to index
    %swap3A_583 = arith.constant 0 : index
    %swap3A_584 = tpu.vector_load %arg12[%swap3A_581, %swap3A_582, %swap3A_583] {strides = array<i32>} : memref<2x8x128xi32, #tpu.memory_space<vmem>>, vector<16xi32>,
    tpu.vector_store %arg12[%swap3A_581, %swap3A_582, %swap3A_583], %bitcast3A_578 {strides = array<i32>} : memref<2x8x128xi32, #tpu.memory_space<vmem>>, vector<16xi32>,
    %get3A_585 = arith.constant 0 : i32
    %get3A_586 = arith.constant 4 : i32
    %get3A_587 = arith.index_cast %get3A_585 : i32 to index
    %get3A_588 = arith.index_cast %get3A_586 : i32 to index
    %get3A_589 = arith.constant 16 : index
    %get3A_590 = tpu.vector_load %arg12[%get3A_587, %get3A_588, %get3A_589] {strides = array<i32>} : memref<2x8x128xi32, #tpu.memory_space<vmem>>, vector<16xi32>,
    %bitcast3A_591 = vector.bitcast %get3A_590 : vector<16xi32> to vector<16xi32>
    %min3A_592 = arith.minui %bitcast3A_591, %broadcast_in_dim3A_23 : vector<16xi32>
    %bitcast3A_593 = vector.bitcast %min3A_592 : vector<16xi32> to vector<16xi32>
    %swap3A_594 = arith.constant 0 : i32
    %swap3A_595 = arith.constant 4 : i32
    %swap3A_596 = arith.index_cast %swap3A_594 : i32 to index
    %swap3A_597 = arith.index_cast %swap3A_595 : i32 to index
    %swap3A_598 = arith.constant 16 : index
    %swap3A_599 = tpu.vector_load %arg12[%swap3A_596, %swap3A_597, %swap3A_598] {strides = array<i32>} : memref<2x8x128xi32, #tpu.memory_space<vmem>>, vector<16xi32>,
    tpu.vector_store %arg12[%swap3A_596, %swap3A_597, %swap3A_598], %bitcast3A_593 {strides = array<i32>} : memref<2x8x128xi32, #tpu.memory_space<vmem>>, vector<16xi32>,
    %get3A_600 = arith.constant 0 : i32
    %get3A_601 = arith.constant 4 : i32
    %get3A_602 = arith.index_cast %get3A_600 : i32 to index
    %get3A_603 = arith.index_cast %get3A_601 : i32 to index
    %get3A_604 = arith.constant 32 : index
    %get3A_605 = tpu.vector_load %arg12[%get3A_602, %get3A_603, %get3A_604] {strides = array<i32>} : memref<2x8x128xi32, #tpu.memory_space<vmem>>, vector<16xi32>,
    %bitcast3A_606 = vector.bitcast %get3A_605 : vector<16xi32> to vector<16xi32>
    %min3A_607 = arith.minui %bitcast3A_606, %broadcast_in_dim3A_23 : vector<16xi32>
    %bitcast3A_608 = vector.bitcast %min3A_607 : vector<16xi32> to vector<16xi32>
    %swap3A_609 = arith.constant 0 : i32
    %swap3A_610 = arith.constant 4 : i32
    %swap3A_611 = arith.index_cast %swap3A_609 : i32 to index
    %swap3A_612 = arith.index_cast %swap3A_610 : i32 to index
    %swap3A_613 = arith.constant 32 : index
    %swap3A_614 = tpu.vector_load %arg12[%swap3A_611, %swap3A_612, %swap3A_613] {strides = array<i32>} : memref<2x8x128xi32, #tpu.memory_space<vmem>>, vector<16xi32>,
    tpu.vector_store %arg12[%swap3A_611, %swap3A_612, %swap3A_613], %bitcast3A_608 {strides = array<i32>} : memref<2x8x128xi32, #tpu.memory_space<vmem>>, vector<16xi32>,
    %get3A_615 = arith.constant 0 : i32
    %get3A_616 = arith.constant 4 : i32
    %get3A_617 = arith.index_cast %get3A_615 : i32 to index
    %get3A_618 = arith.index_cast %get3A_616 : i32 to index
    %get3A_619 = arith.constant 48 : index
    %get3A_620 = tpu.vector_load %arg12[%get3A_617, %get3A_618, %get3A_619] {strides = array<i32>} : memref<2x8x128xi32, #tpu.memory_space<vmem>>, vector<16xi32>,
    %bitcast3A_621 = vector.bitcast %get3A_620 : vector<16xi32> to vector<16xi32>
    %min3A_622 = arith.minui %bitcast3A_621, %broadcast_in_dim3A_23 : vector<16xi32>
    %bitcast3A_623 = vector.bitcast %min3A_622 : vector<16xi32> to vector<16xi32>
    %swap3A_624 = arith.constant 0 : i32
    %swap3A_625 = arith.constant 4 : i32
    %swap3A_626 = arith.index_cast %swap3A_624 : i32 to index
    %swap3A_627 = arith.index_cast %swap3A_625 : i32 to index
    %swap3A_628 = arith.constant 48 : index
    %swap3A_629 = tpu.vector_load %arg12[%swap3A_626, %swap3A_627, %swap3A_628] {strides = array<i32>} : memref<2x8x128xi32, #tpu.memory_space<vmem>>, vector<16xi32>,
    tpu.vector_store %arg12[%swap3A_626, %swap3A_627, %swap3A_628], %bitcast3A_623 {strides = array<i32>} : memref<2x8x128xi32, #tpu.memory_space<vmem>>, vector<16xi32>,
    %get3A_630 = arith.constant 0 : i32
    %get3A_631 = arith.constant 4 : i32
    %get3A_632 = arith.index_cast %get3A_630 : i32 to index
    %get3A_633 = arith.index_cast %get3A_631 : i32 to index
    %get3A_634 = arith.constant 64 : index
    %get3A_635 = tpu.vector_load %arg12[%get3A_632, %get3A_633, %get3A_634] {strides = array<i32>} : memref<2x8x128xi32, #tpu.memory_space<vmem>>, vector<16xi32>,
    %bitcast3A_636 = vector.bitcast %get3A_635 : vector<16xi32> to vector<16xi32>
    %min3A_637 = arith.minui %bitcast3A_636, %broadcast_in_dim3A_23 : vector<16xi32>
    %bitcast3A_638 = vector.bitcast %min3A_637 : vector<16xi32> to vector<16xi32>
    %swap3A_639 = arith.constant 0 : i32
    %swap3A_640 = arith.constant 4 : i32
    %swap3A_641 = arith.index_cast %swap3A_639 : i32 to index
    %swap3A_642 = arith.index_cast %swap3A_640 : i32 to index
    %swap3A_643 = arith.constant 64 : index
    %swap3A_644 = tpu.vector_load %arg12[%swap3A_641, %swap3A_642, %swap3A_643] {strides = array<i32>} : memref<2x8x128xi32, #tpu.memory_space<vmem>>, vector<16xi32>,
    tpu.vector_store %arg12[%swap3A_641, %swap3A_642, %swap3A_643], %bitcast3A_638 {strides = array<i32>} : memref<2x8x128xi32, #tpu.memory_space<vmem>>, vector<16xi32>,
    %get3A_645 = arith.constant 0 : i32
    %get3A_646 = arith.constant 4 : i32
    %get3A_647 = arith.index_cast %get3A_645 : i32 to index
    %get3A_648 = arith.index_cast %get3A_646 : i32 to index
    %get3A_649 = arith.constant 80 : index
    %get3A_650 = tpu.vector_load %arg12[%get3A_647, %get3A_648, %get3A_649] {strides = array<i32>} : memref<2x8x128xi32, #tpu.memory_space<vmem>>, vector<16xi32>,
    %bitcast3A_651 = vector.bitcast %get3A_650 : vector<16xi32> to vector<16xi32>
    %min3A_652 = arith.minui %bitcast3A_651, %broadcast_in_dim3A_23 : vector<16xi32>
    %bitcast3A_653 = vector.bitcast %min3A_652 : vector<16xi32> to vector<16xi32>
    %swap3A_654 = arith.constant 0 : i32
    %swap3A_655 = arith.constant 4 : i32
    %swap3A_656 = arith.index_cast %swap3A_654 : i32 to index
    %swap3A_657 = arith.index_cast %swap3A_655 : i32 to index
    %swap3A_658 = arith.constant 80 : index
    %swap3A_659 = tpu.vector_load %arg12[%swap3A_656, %swap3A_657, %swap3A_658] {strides = array<i32>} : memref<2x8x128xi32, #tpu.memory_space<vmem>>, vector<16xi32>,
    tpu.vector_store %arg12[%swap3A_656, %swap3A_657, %swap3A_658], %bitcast3A_653 {strides = array<i32>} : memref<2x8x128xi32, #tpu.memory_space<vmem>>, vector<16xi32>,
    %get3A_660 = arith.constant 0 : i32
    %get3A_661 = arith.constant 4 : i32
    %get3A_662 = arith.index_cast %get3A_660 : i32 to index
    %get3A_663 = arith.index_cast %get3A_661 : i32 to index
    %get3A_664 = arith.constant 96 : index
    %get3A_665 = tpu.vector_load %arg12[%get3A_662, %get3A_663, %get3A_664] {strides = array<i32>} : memref<2x8x128xi32, #tpu.memory_space<vmem>>, vector<16xi32>,
    %bitcast3A_666 = vector.bitcast %get3A_665 : vector<16xi32> to vector<16xi32>
    %min3A_667 = arith.minui %bitcast3A_666, %broadcast_in_dim3A_23 : vector<16xi32>
    %bitcast3A_668 = vector.bitcast %min3A_667 : vector<16xi32> to vector<16xi32>
    %swap3A_669 = arith.constant 0 : i32
    %swap3A_670 = arith.constant 4 : i32
    %swap3A_671 = arith.index_cast %swap3A_669 : i32 to index
    %swap3A_672 = arith.index_cast %swap3A_670 : i32 to index
    %swap3A_673 = arith.constant 96 : index
    %swap3A_674 = tpu.vector_load %arg12[%swap3A_671, %swap3A_672, %swap3A_673] {strides = array<i32>} : memref<2x8x128xi32, #tpu.memory_space<vmem>>, vector<16xi32>,
    tpu.vector_store %arg12[%swap3A_671, %swap3A_672, %swap3A_673], %bitcast3A_668 {strides = array<i32>} : memref<2x8x128xi32, #tpu.memory_space<vmem>>, vector<16xi32>,
    %get3A_675 = arith.constant 0 : i32
    %get3A_676 = arith.constant 4 : i32
    %get3A_677 = arith.index_cast %get3A_675 : i32 to index
    %get3A_678 = arith.index_cast %get3A_676 : i32 to index
    %get3A_679 = arith.constant 112 : index
    %get3A_680 = tpu.vector_load %arg12[%get3A_677, %get3A_678, %get3A_679] {strides = array<i32>} : memref<2x8x128xi32, #tpu.memory_space<vmem>>, vector<16xi32>,
    %bitcast3A_681 = vector.bitcast %get3A_680 : vector<16xi32> to vector<16xi32>
    %min3A_682 = arith.minui %bitcast3A_681, %broadcast_in_dim3A_23 : vector<16xi32>
    %bitcast3A_683 = vector.bitcast %min3A_682 : vector<16xi32> to vector<16xi32>
    %swap3A_684 = arith.constant 0 : i32
    %swap3A_685 = arith.constant 4 : i32
    %swap3A_686 = arith.index_cast %swap3A_684 : i32 to index
    %swap3A_687 = arith.index_cast %swap3A_685 : i32 to index
    %swap3A_688 = arith.constant 112 : index
    %swap3A_689 = tpu.vector_load %arg12[%swap3A_686, %swap3A_687, %swap3A_688] {strides = array<i32>} : memref<2x8x128xi32, #tpu.memory_space<vmem>>, vector<16xi32>,
    tpu.vector_store %arg12[%swap3A_686, %swap3A_687, %swap3A_688], %bitcast3A_683 {strides = array<i32>} : memref<2x8x128xi32, #tpu.memory_space<vmem>>, vector<16xi32>,
    %get3A_690 = arith.constant 0 : i32
    %get3A_691 = arith.constant 5 : i32
    %get3A_692 = arith.index_cast %get3A_690 : i32 to index
    %get3A_693 = arith.index_cast %get3A_691 : i32 to index
    %get3A_694 = arith.constant 0 : index
    %get3A_695 = tpu.vector_load %arg12[%get3A_692, %get3A_693, %get3A_694] {strides = array<i32>} : memref<2x8x128xi32, #tpu.memory_space<vmem>>, vector<16xi32>,
    %bitcast3A_696 = vector.bitcast %get3A_695 : vector<16xi32> to vector<16xi32>
    %min3A_697 = arith.minui %bitcast3A_696, %broadcast_in_dim3A_23 : vector<16xi32>
    %bitcast3A_698 = vector.bitcast %min3A_697 : vector<16xi32> to vector<16xi32>
    %swap3A_699 = arith.constant 0 : i32
    %swap3A_700 = arith.constant 5 : i32
    %swap3A_701 = arith.index_cast %swap3A_699 : i32 to index
    %swap3A_702 = arith.index_cast %swap3A_700 : i32 to index
    %swap3A_703 = arith.constant 0 : index
    %swap3A_704 = tpu.vector_load %arg12[%swap3A_701, %swap3A_702, %swap3A_703] {strides = array<i32>} : memref<2x8x128xi32, #tpu.memory_space<vmem>>, vector<16xi32>,
    tpu.vector_store %arg12[%swap3A_701, %swap3A_702, %swap3A_703], %bitcast3A_698 {strides = array<i32>} : memref<2x8x128xi32, #tpu.memory_space<vmem>>, vector<16xi32>,
    %get3A_705 = arith.constant 0 : i32
    %get3A_706 = arith.constant 5 : i32
    %get3A_707 = arith.index_cast %get3A_705 : i32 to index
    %get3A_708 = arith.index_cast %get3A_706 : i32 to index
    %get3A_709 = arith.constant 16 : index
    %get3A_710 = tpu.vector_load %arg12[%get3A_707, %get3A_708, %get3A_709] {strides = array<i32>} : memref<2x8x128xi32, #tpu.memory_space<vmem>>, vector<16xi32>,
    %bitcast3A_711 = vector.bitcast %get3A_710 : vector<16xi32> to vector<16xi32>
    %min3A_712 = arith.minui %bitcast3A_711, %broadcast_in_dim3A_23 : vector<16xi32>
    %bitcast3A_713 = vector.bitcast %min3A_712 : vector<16xi32> to vector<16xi32>
    %swap3A_714 = arith.constant 0 : i32
    %swap3A_715 = arith.constant 5 : i32
    %swap3A_716 = arith.index_cast %swap3A_714 : i32 to index
    %swap3A_717 = arith.index_cast %swap3A_715 : i32 to index
    %swap3A_718 = arith.constant 16 : index
    %swap3A_719 = tpu.vector_load %arg12[%swap3A_716, %swap3A_717, %swap3A_718] {strides = array<i32>} : memref<2x8x128xi32, #tpu.memory_space<vmem>>, vector<16xi32>,
    tpu.vector_store %arg12[%swap3A_716, %swap3A_717, %swap3A_718], %bitcast3A_713 {strides = array<i32>} : memref<2x8x128xi32, #tpu.memory_space<vmem>>, vector<16xi32>,
    %get3A_720 = arith.constant 0 : i32
    %get3A_721 = arith.constant 5 : i32
    %get3A_722 = arith.index_cast %get3A_720 : i32 to index
    %get3A_723 = arith.index_cast %get3A_721 : i32 to index
    %get3A_724 = arith.constant 32 : index
    %get3A_725 = tpu.vector_load %arg12[%get3A_722, %get3A_723, %get3A_724] {strides = array<i32>} : memref<2x8x128xi32, #tpu.memory_space<vmem>>, vector<16xi32>,
    %bitcast3A_726 = vector.bitcast %get3A_725 : vector<16xi32> to vector<16xi32>
    %min3A_727 = arith.minui %bitcast3A_726, %broadcast_in_dim3A_23 : vector<16xi32>
    %bitcast3A_728 = vector.bitcast %min3A_727 : vector<16xi32> to vector<16xi32>
    %swap3A_729 = arith.constant 0 : i32
    %swap3A_730 = arith.constant 5 : i32
    %swap3A_731 = arith.index_cast %swap3A_729 : i32 to index
    %swap3A_732 = arith.index_cast %swap3A_730 : i32 to index
    %swap3A_733 = arith.constant 32 : index
    %swap3A_734 = tpu.vector_load %arg12[%swap3A_731, %swap3A_732, %swap3A_733] {strides = array<i32>} : memref<2x8x128xi32, #tpu.memory_space<vmem>>, vector<16xi32>,
    tpu.vector_store %arg12[%swap3A_731, %swap3A_732, %swap3A_733], %bitcast3A_728 {strides = array<i32>} : memref<2x8x128xi32, #tpu.memory_space<vmem>>, vector<16xi32>,
    %get3A_735 = arith.constant 0 : i32
    %get3A_736 = arith.constant 5 : i32
    %get3A_737 = arith.index_cast %get3A_735 : i32 to index
    %get3A_738 = arith.index_cast %get3A_736 : i32 to index
    %get3A_739 = arith.constant 48 : index
    %get3A_740 = tpu.vector_load %arg12[%get3A_737, %get3A_738, %get3A_739] {strides = array<i32>} : memref<2x8x128xi32, #tpu.memory_space<vmem>>, vector<16xi32>,
    %bitcast3A_741 = vector.bitcast %get3A_740 : vector<16xi32> to vector<16xi32>
    %min3A_742 = arith.minui %bitcast3A_741, %broadcast_in_dim3A_23 : vector<16xi32>
    %bitcast3A_743 = vector.bitcast %min3A_742 : vector<16xi32> to vector<16xi32>
    %swap3A_744 = arith.constant 0 : i32
    %swap3A_745 = arith.constant 5 : i32
    %swap3A_746 = arith.index_cast %swap3A_744 : i32 to index
    %swap3A_747 = arith.index_cast %swap3A_745 : i32 to index
    %swap3A_748 = arith.constant 48 : index
    %swap3A_749 = tpu.vector_load %arg12[%swap3A_746, %swap3A_747, %swap3A_748] {strides = array<i32>} : memref<2x8x128xi32, #tpu.memory_space<vmem>>, vector<16xi32>,
    tpu.vector_store %arg12[%swap3A_746, %swap3A_747, %swap3A_748], %bitcast3A_743 {strides = array<i32>} : memref<2x8x128xi32, #tpu.memory_space<vmem>>, vector<16xi32>,
    %get3A_750 = arith.constant 0 : i32
    %get3A_751 = arith.constant 5 : i32
    %get3A_752 = arith.index_cast %get3A_750 : i32 to index
    %get3A_753 = arith.index_cast %get3A_751 : i32 to index
    %get3A_754 = arith.constant 64 : index
    %get3A_755 = tpu.vector_load %arg12[%get3A_752, %get3A_753, %get3A_754] {strides = array<i32>} : memref<2x8x128xi32, #tpu.memory_space<vmem>>, vector<16xi32>,
    %bitcast3A_756 = vector.bitcast %get3A_755 : vector<16xi32> to vector<16xi32>
    %min3A_757 = arith.minui %bitcast3A_756, %broadcast_in_dim3A_23 : vector<16xi32>
    %bitcast3A_758 = vector.bitcast %min3A_757 : vector<16xi32> to vector<16xi32>
    %swap3A_759 = arith.constant 0 : i32
    %swap3A_760 = arith.constant 5 : i32
    %swap3A_761 = arith.index_cast %swap3A_759 : i32 to index
    %swap3A_762 = arith.index_cast %swap3A_760 : i32 to index
    %swap3A_763 = arith.constant 64 : index
    %swap3A_764 = tpu.vector_load %arg12[%swap3A_761, %swap3A_762, %swap3A_763] {strides = array<i32>} : memref<2x8x128xi32, #tpu.memory_space<vmem>>, vector<16xi32>,
    tpu.vector_store %arg12[%swap3A_761, %swap3A_762, %swap3A_763], %bitcast3A_758 {strides = array<i32>} : memref<2x8x128xi32, #tpu.memory_space<vmem>>, vector<16xi32>,
    %get3A_765 = arith.constant 0 : i32
    %get3A_766 = arith.constant 5 : i32
    %get3A_767 = arith.index_cast %get3A_765 : i32 to index
    %get3A_768 = arith.index_cast %get3A_766 : i32 to index
    %get3A_769 = arith.constant 80 : index
    %get3A_770 = tpu.vector_load %arg12[%get3A_767, %get3A_768, %get3A_769] {strides = array<i32>} : memref<2x8x128xi32, #tpu.memory_space<vmem>>, vector<16xi32>,
    %bitcast3A_771 = vector.bitcast %get3A_770 : vector<16xi32> to vector<16xi32>
    %min3A_772 = arith.minui %bitcast3A_771, %broadcast_in_dim3A_23 : vector<16xi32>
    %bitcast3A_773 = vector.bitcast %min3A_772 : vector<16xi32> to vector<16xi32>
    %swap3A_774 = arith.constant 0 : i32
    %swap3A_775 = arith.constant 5 : i32
    %swap3A_776 = arith.index_cast %swap3A_774 : i32 to index
    %swap3A_777 = arith.index_cast %swap3A_775 : i32 to index
    %swap3A_778 = arith.constant 80 : index
    %swap3A_779 = tpu.vector_load %arg12[%swap3A_776, %swap3A_777, %swap3A_778] {strides = array<i32>} : memref<2x8x128xi32, #tpu.memory_space<vmem>>, vector<16xi32>,
    tpu.vector_store %arg12[%swap3A_776, %swap3A_777, %swap3A_778], %bitcast3A_773 {strides = array<i32>} : memref<2x8x128xi32, #tpu.memory_space<vmem>>, vector<16xi32>,
    %get3A_780 = arith.constant 0 : i32
    %get3A_781 = arith.constant 5 : i32
    %get3A_782 = arith.index_cast %get3A_780 : i32 to index
    %get3A_783 = arith.index_cast %get3A_781 : i32 to index
    %get3A_784 = arith.constant 96 : index
    %get3A_785 = tpu.vector_load %arg12[%get3A_782, %get3A_783, %get3A_784] {strides = array<i32>} : memref<2x8x128xi32, #tpu.memory_space<vmem>>, vector<16xi32>,
    %bitcast3A_786 = vector.bitcast %get3A_785 : vector<16xi32> to vector<16xi32>
    %min3A_787 = arith.minui %bitcast3A_786, %broadcast_in_dim3A_23 : vector<16xi32>
    %bitcast3A_788 = vector.bitcast %min3A_787 : vector<16xi32> to vector<16xi32>
    %swap3A_789 = arith.constant 0 : i32
    %swap3A_790 = arith.constant 5 : i32
    %swap3A_791 = arith.index_cast %swap3A_789 : i32 to index
    %swap3A_792 = arith.index_cast %swap3A_790 : i32 to index
    %swap3A_793 = arith.constant 96 : index
    %swap3A_794 = tpu.vector_load %arg12[%swap3A_791, %swap3A_792, %swap3A_793] {strides = array<i32>} : memref<2x8x128xi32, #tpu.memory_space<vmem>>, vector<16xi32>,
    tpu.vector_store %arg12[%swap3A_791, %swap3A_792, %swap3A_793], %bitcast3A_788 {strides = array<i32>} : memref<2x8x128xi32, #tpu.memory_space<vmem>>, vector<16xi32>,
    %get3A_795 = arith.constant 0 : i32
    %get3A_796 = arith.constant 5 : i32
    %get3A_797 = arith.index_cast %get3A_795 : i32 to index
    %get3A_798 = arith.index_cast %get3A_796 : i32 to index
    %get3A_799 = arith.constant 112 : index
    %get3A_800 = tpu.vector_load %arg12[%get3A_797, %get3A_798, %get3A_799] {strides = array<i32>} : memref<2x8x128xi32, #tpu.memory_space<vmem>>, vector<16xi32>,
    %bitcast3A_801 = vector.bitcast %get3A_800 : vector<16xi32> to vector<16xi32>
    %min3A_802 = arith.minui %bitcast3A_801, %broadcast_in_dim3A_23 : vector<16xi32>
    %bitcast3A_803 = vector.bitcast %min3A_802 : vector<16xi32> to vector<16xi32>
    %swap3A_804 = arith.constant 0 : i32
    %swap3A_805 = arith.constant 5 : i32
    %swap3A_806 = arith.index_cast %swap3A_804 : i32 to index
    %swap3A_807 = arith.index_cast %swap3A_805 : i32 to index
    %swap3A_808 = arith.constant 112 : index
    %swap3A_809 = tpu.vector_load %arg12[%swap3A_806, %swap3A_807, %swap3A_808] {strides = array<i32>} : memref<2x8x128xi32, #tpu.memory_space<vmem>>, vector<16xi32>,
    tpu.vector_store %arg12[%swap3A_806, %swap3A_807, %swap3A_808], %bitcast3A_803 {strides = array<i32>} : memref<2x8x128xi32, #tpu.memory_space<vmem>>, vector<16xi32>,
    %get3A_810 = arith.constant 0 : i32
    %get3A_811 = arith.constant 6 : i32
    %get3A_812 = arith.index_cast %get3A_810 : i32 to index
    %get3A_813 = arith.index_cast %get3A_811 : i32 to index
    %get3A_814 = arith.constant 0 : index
    %get3A_815 = tpu.vector_load %arg12[%get3A_812, %get3A_813, %get3A_814] {strides = array<i32>} : memref<2x8x128xi32, #tpu.memory_space<vmem>>, vector<16xi32>,
    %bitcast3A_816 = vector.bitcast %get3A_815 : vector<16xi32> to vector<16xi32>
    %min3A_817 = arith.minui %bitcast3A_816, %broadcast_in_dim3A_23 : vector<16xi32>
    %bitcast3A_818 = vector.bitcast %min3A_817 : vector<16xi32> to vector<16xi32>
    %swap3A_819 = arith.constant 0 : i32
    %swap3A_820 = arith.constant 6 : i32
    %swap3A_821 = arith.index_cast %swap3A_819 : i32 to index
    %swap3A_822 = arith.index_cast %swap3A_820 : i32 to index
    %swap3A_823 = arith.constant 0 : index
    %swap3A_824 = tpu.vector_load %arg12[%swap3A_821, %swap3A_822, %swap3A_823] {strides = array<i32>} : memref<2x8x128xi32, #tpu.memory_space<vmem>>, vector<16xi32>,
    tpu.vector_store %arg12[%swap3A_821, %swap3A_822, %swap3A_823], %bitcast3A_818 {strides = array<i32>} : memref<2x8x128xi32, #tpu.memory_space<vmem>>, vector<16xi32>,
    %get3A_825 = arith.constant 0 : i32
    %get3A_826 = arith.constant 6 : i32
    %get3A_827 = arith.index_cast %get3A_825 : i32 to index
    %get3A_828 = arith.index_cast %get3A_826 : i32 to index
    %get3A_829 = arith.constant 16 : index
    %get3A_830 = tpu.vector_load %arg12[%get3A_827, %get3A_828, %get3A_829] {strides = array<i32>} : memref<2x8x128xi32, #tpu.memory_space<vmem>>, vector<16xi32>,
    %bitcast3A_831 = vector.bitcast %get3A_830 : vector<16xi32> to vector<16xi32>
    %min3A_832 = arith.minui %bitcast3A_831, %broadcast_in_dim3A_23 : vector<16xi32>
    %bitcast3A_833 = vector.bitcast %min3A_832 : vector<16xi32> to vector<16xi32>
    %swap3A_834 = arith.constant 0 : i32
    %swap3A_835 = arith.constant 6 : i32
    %swap3A_836 = arith.index_cast %swap3A_834 : i32 to index
    %swap3A_837 = arith.index_cast %swap3A_835 : i32 to index
    %swap3A_838 = arith.constant 16 : index
    %swap3A_839 = tpu.vector_load %arg12[%swap3A_836, %swap3A_837, %swap3A_838] {strides = array<i32>} : memref<2x8x128xi32, #tpu.memory_space<vmem>>, vector<16xi32>,
    tpu.vector_store %arg12[%swap3A_836, %swap3A_837, %swap3A_838], %bitcast3A_833 {strides = array<i32>} : memref<2x8x128xi32, #tpu.memory_space<vmem>>, vector<16xi32>,
    %get3A_840 = arith.constant 0 : i32
    %get3A_841 = arith.constant 6 : i32
    %get3A_842 = arith.index_cast %get3A_840 : i32 to index
    %get3A_843 = arith.index_cast %get3A_841 : i32 to index
    %get3A_844 = arith.constant 32 : index
    %get3A_845 = tpu.vector_load %arg12[%get3A_842, %get3A_843, %get3A_844] {strides = array<i32>} : memref<2x8x128xi32, #tpu.memory_space<vmem>>, vector<16xi32>,
    %bitcast3A_846 = vector.bitcast %get3A_845 : vector<16xi32> to vector<16xi32>
    %min3A_847 = arith.minui %bitcast3A_846, %broadcast_in_dim3A_23 : vector<16xi32>
    %bitcast3A_848 = vector.bitcast %min3A_847 : vector<16xi32> to vector<16xi32>
    %swap3A_849 = arith.constant 0 : i32
    %swap3A_850 = arith.constant 6 : i32
    %swap3A_851 = arith.index_cast %swap3A_849 : i32 to index
    %swap3A_852 = arith.index_cast %swap3A_850 : i32 to index
    %swap3A_853 = arith.constant 32 : index
    %swap3A_854 = tpu.vector_load %arg12[%swap3A_851, %swap3A_852, %swap3A_853] {strides = array<i32>} : memref<2x8x128xi32, #tpu.memory_space<vmem>>, vector<16xi32>,
    tpu.vector_store %arg12[%swap3A_851, %swap3A_852, %swap3A_853], %bitcast3A_848 {strides = array<i32>} : memref<2x8x128xi32, #tpu.memory_space<vmem>>, vector<16xi32>,
    %get3A_855 = arith.constant 0 : i32
    %get3A_856 = arith.constant 6 : i32
    %get3A_857 = arith.index_cast %get3A_855 : i32 to index
    %get3A_858 = arith.index_cast %get3A_856 : i32 to index
    %get3A_859 = arith.constant 48 : index
    %get3A_860 = tpu.vector_load %arg12[%get3A_857, %get3A_858, %get3A_859] {strides = array<i32>} : memref<2x8x128xi32, #tpu.memory_space<vmem>>, vector<16xi32>,
    %bitcast3A_861 = vector.bitcast %get3A_860 : vector<16xi32> to vector<16xi32>
    %min3A_862 = arith.minui %bitcast3A_861, %broadcast_in_dim3A_23 : vector<16xi32>
    %bitcast3A_863 = vector.bitcast %min3A_862 : vector<16xi32> to vector<16xi32>
    %swap3A_864 = arith.constant 0 : i32
    %swap3A_865 = arith.constant 6 : i32
    %swap3A_866 = arith.index_cast %swap3A_864 : i32 to index
    %swap3A_867 = arith.index_cast %swap3A_865 : i32 to index
    %swap3A_868 = arith.constant 48 : index
    %swap3A_869 = tpu.vector_load %arg12[%swap3A_866, %swap3A_867, %swap3A_868] {strides = array<i32>} : memref<2x8x128xi32, #tpu.memory_space<vmem>>, vector<16xi32>,
    tpu.vector_store %arg12[%swap3A_866, %swap3A_867, %swap3A_868], %bitcast3A_863 {strides = array<i32>} : memref<2x8x128xi32, #tpu.memory_space<vmem>>, vector<16xi32>,
    %get3A_870 = arith.constant 0 : i32
    %get3A_871 = arith.constant 6 : i32
    %get3A_872 = arith.index_cast %get3A_870 : i32 to index
    %get3A_873 = arith.index_cast %get3A_871 : i32 to index
    %get3A_874 = arith.constant 64 : index
    %get3A_875 = tpu.vector_load %arg12[%get3A_872, %get3A_873, %get3A_874] {strides = array<i32>} : memref<2x8x128xi32, #tpu.memory_space<vmem>>, vector<16xi32>,
    %bitcast3A_876 = vector.bitcast %get3A_875 : vector<16xi32> to vector<16xi32>
    %min3A_877 = arith.minui %bitcast3A_876, %broadcast_in_dim3A_23 : vector<16xi32>
    %bitcast3A_878 = vector.bitcast %min3A_877 : vector<16xi32> to vector<16xi32>
    %swap3A_879 = arith.constant 0 : i32
    %swap3A_880 = arith.constant 6 : i32
    %swap3A_881 = arith.index_cast %swap3A_879 : i32 to index
    %swap3A_882 = arith.index_cast %swap3A_880 : i32 to index
    %swap3A_883 = arith.constant 64 : index
    %swap3A_884 = tpu.vector_load %arg12[%swap3A_881, %swap3A_882, %swap3A_883] {strides = array<i32>} : memref<2x8x128xi32, #tpu.memory_space<vmem>>, vector<16xi32>,
    tpu.vector_store %arg12[%swap3A_881, %swap3A_882, %swap3A_883], %bitcast3A_878 {strides = array<i32>} : memref<2x8x128xi32, #tpu.memory_space<vmem>>, vector<16xi32>,
    %get3A_885 = arith.constant 0 : i32
    %get3A_886 = arith.constant 6 : i32
    %get3A_887 = arith.index_cast %get3A_885 : i32 to index
    %get3A_888 = arith.index_cast %get3A_886 : i32 to index
    %get3A_889 = arith.constant 80 : index
    %get3A_890 = tpu.vector_load %arg12[%get3A_887, %get3A_888, %get3A_889] {strides = array<i32>} : memref<2x8x128xi32, #tpu.memory_space<vmem>>, vector<16xi32>,
    %bitcast3A_891 = vector.bitcast %get3A_890 : vector<16xi32> to vector<16xi32>
    %min3A_892 = arith.minui %bitcast3A_891, %broadcast_in_dim3A_23 : vector<16xi32>
    %bitcast3A_893 = vector.bitcast %min3A_892 : vector<16xi32> to vector<16xi32>
    %swap3A_894 = arith.constant 0 : i32
    %swap3A_895 = arith.constant 6 : i32
    %swap3A_896 = arith.index_cast %swap3A_894 : i32 to index
    %swap3A_897 = arith.index_cast %swap3A_895 : i32 to index
    %swap3A_898 = arith.constant 80 : index
    %swap3A_899 = tpu.vector_load %arg12[%swap3A_896, %swap3A_897, %swap3A_898] {strides = array<i32>} : memref<2x8x128xi32, #tpu.memory_space<vmem>>, vector<16xi32>,
    tpu.vector_store %arg12[%swap3A_896, %swap3A_897, %swap3A_898], %bitcast3A_893 {strides = array<i32>} : memref<2x8x128xi32, #tpu.memory_space<vmem>>, vector<16xi32>,
    %get3A_900 = arith.constant 0 : i32
    %get3A_901 = arith.constant 6 : i32
    %get3A_902 = arith.index_cast %get3A_900 : i32 to index
    %get3A_903 = arith.index_cast %get3A_901 : i32 to index
    %get3A_904 = arith.constant 96 : index
    %get3A_905 = tpu.vector_load %arg12[%get3A_902, %get3A_903, %get3A_904] {strides = array<i32>} : memref<2x8x128xi32, #tpu.memory_space<vmem>>, vector<16xi32>,
    %bitcast3A_906 = vector.bitcast %get3A_905 : vector<16xi32> to vector<16xi32>
    %min3A_907 = arith.minui %bitcast3A_906, %broadcast_in_dim3A_23 : vector<16xi32>
    %bitcast3A_908 = vector.bitcast %min3A_907 : vector<16xi32> to vector<16xi32>
    %swap3A_909 = arith.constant 0 : i32
    %swap3A_910 = arith.constant 6 : i32
    %swap3A_911 = arith.index_cast %swap3A_909 : i32 to index
    %swap3A_912 = arith.index_cast %swap3A_910 : i32 to index
    %swap3A_913 = arith.constant 96 : index
    %swap3A_914 = tpu.vector_load %arg12[%swap3A_911, %swap3A_912, %swap3A_913] {strides = array<i32>} : memref<2x8x128xi32, #tpu.memory_space<vmem>>, vector<16xi32>,
    tpu.vector_store %arg12[%swap3A_911, %swap3A_912, %swap3A_913], %bitcast3A_908 {strides = array<i32>} : memref<2x8x128xi32, #tpu.memory_space<vmem>>, vector<16xi32>,
    %get3A_915 = arith.constant 0 : i32
    %get3A_916 = arith.constant 6 : i32
    %get3A_917 = arith.index_cast %get3A_915 : i32 to index
    %get3A_918 = arith.index_cast %get3A_916 : i32 to index
    %get3A_919 = arith.constant 112 : index
    %get3A_920 = tpu.vector_load %arg12[%get3A_917, %get3A_918, %get3A_919] {strides = array<i32>} : memref<2x8x128xi32, #tpu.memory_space<vmem>>, vector<16xi32>,
    %bitcast3A_921 = vector.bitcast %get3A_920 : vector<16xi32> to vector<16xi32>
    %min3A_922 = arith.minui %bitcast3A_921, %broadcast_in_dim3A_23 : vector<16xi32>
    %bitcast3A_923 = vector.bitcast %min3A_922 : vector<16xi32> to vector<16xi32>
    %swap3A_924 = arith.constant 0 : i32
    %swap3A_925 = arith.constant 6 : i32
    %swap3A_926 = arith.index_cast %swap3A_924 : i32 to index
    %swap3A_927 = arith.index_cast %swap3A_925 : i32 to index
    %swap3A_928 = arith.constant 112 : index
    %swap3A_929 = tpu.vector_load %arg12[%swap3A_926, %swap3A_927, %swap3A_928] {strides = array<i32>} : memref<2x8x128xi32, #tpu.memory_space<vmem>>, vector<16xi32>,
    tpu.vector_store %arg12[%swap3A_926, %swap3A_927, %swap3A_928], %bitcast3A_923 {strides = array<i32>} : memref<2x8x128xi32, #tpu.memory_space<vmem>>, vector<16xi32>,
    %get3A_930 = arith.constant 0 : i32
    %get3A_931 = arith.constant 7 : i32
    %get3A_932 = arith.index_cast %get3A_930 : i32 to index
    %get3A_933 = arith.index_cast %get3A_931 : i32 to index
    %get3A_934 = arith.constant 0 : index
    %get3A_935 = tpu.vector_load %arg12[%get3A_932, %get3A_933, %get3A_934] {strides = array<i32>} : memref<2x8x128xi32, #tpu.memory_space<vmem>>, vector<16xi32>,
    %bitcast3A_936 = vector.bitcast %get3A_935 : vector<16xi32> to vector<16xi32>
    %min3A_937 = arith.minui %bitcast3A_936, %broadcast_in_dim3A_23 : vector<16xi32>
    %bitcast3A_938 = vector.bitcast %min3A_937 : vector<16xi32> to vector<16xi32>
    %swap3A_939 = arith.constant 0 : i32
    %swap3A_940 = arith.constant 7 : i32
    %swap3A_941 = arith.index_cast %swap3A_939 : i32 to index
    %swap3A_942 = arith.index_cast %swap3A_940 : i32 to index
    %swap3A_943 = arith.constant 0 : index
    %swap3A_944 = tpu.vector_load %arg12[%swap3A_941, %swap3A_942, %swap3A_943] {strides = array<i32>} : memref<2x8x128xi32, #tpu.memory_space<vmem>>, vector<16xi32>,
    tpu.vector_store %arg12[%swap3A_941, %swap3A_942, %swap3A_943], %bitcast3A_938 {strides = array<i32>} : memref<2x8x128xi32, #tpu.memory_space<vmem>>, vector<16xi32>,
    %get3A_945 = arith.constant 0 : i32
    %get3A_946 = arith.constant 7 : i32
    %get3A_947 = arith.index_cast %get3A_945 : i32 to index
    %get3A_948 = arith.index_cast %get3A_946 : i32 to index
    %get3A_949 = arith.constant 16 : index
    %get3A_950 = tpu.vector_load %arg12[%get3A_947, %get3A_948, %get3A_949] {strides = array<i32>} : memref<2x8x128xi32, #tpu.memory_space<vmem>>, vector<16xi32>,
    %bitcast3A_951 = vector.bitcast %get3A_950 : vector<16xi32> to vector<16xi32>
    %min3A_952 = arith.minui %bitcast3A_951, %broadcast_in_dim3A_23 : vector<16xi32>
    %bitcast3A_953 = vector.bitcast %min3A_952 : vector<16xi32> to vector<16xi32>
    %swap3A_954 = arith.constant 0 : i32
    %swap3A_955 = arith.constant 7 : i32
    %swap3A_956 = arith.index_cast %swap3A_954 : i32 to index
    %swap3A_957 = arith.index_cast %swap3A_955 : i32 to index
    %swap3A_958 = arith.constant 16 : index
    %swap3A_959 = tpu.vector_load %arg12[%swap3A_956, %swap3A_957, %swap3A_958] {strides = array<i32>} : memref<2x8x128xi32, #tpu.memory_space<vmem>>, vector<16xi32>,
    tpu.vector_store %arg12[%swap3A_956, %swap3A_957, %swap3A_958], %bitcast3A_953 {strides = array<i32>} : memref<2x8x128xi32, #tpu.memory_space<vmem>>, vector<16xi32>,
    %get3A_960 = arith.constant 0 : i32
    %get3A_961 = arith.constant 7 : i32
    %get3A_962 = arith.index_cast %get3A_960 : i32 to index
    %get3A_963 = arith.index_cast %get3A_961 : i32 to index
    %get3A_964 = arith.constant 32 : index
    %get3A_965 = tpu.vector_load %arg12[%get3A_962, %get3A_963, %get3A_964] {strides = array<i32>} : memref<2x8x128xi32, #tpu.memory_space<vmem>>, vector<16xi32>,
    %bitcast3A_966 = vector.bitcast %get3A_965 : vector<16xi32> to vector<16xi32>
    %min3A_967 = arith.minui %bitcast3A_966, %broadcast_in_dim3A_23 : vector<16xi32>
    %bitcast3A_968 = vector.bitcast %min3A_967 : vector<16xi32> to vector<16xi32>
    %swap3A_969 = arith.constant 0 : i32
    %swap3A_970 = arith.constant 7 : i32
    %swap3A_971 = arith.index_cast %swap3A_969 : i32 to index
    %swap3A_972 = arith.index_cast %swap3A_970 : i32 to index
    %swap3A_973 = arith.constant 32 : index
    %swap3A_974 = tpu.vector_load %arg12[%swap3A_971, %swap3A_972, %swap3A_973] {strides = array<i32>} : memref<2x8x128xi32, #tpu.memory_space<vmem>>, vector<16xi32>,
    tpu.vector_store %arg12[%swap3A_971, %swap3A_972, %swap3A_973], %bitcast3A_968 {strides = array<i32>} : memref<2x8x128xi32, #tpu.memory_space<vmem>>, vector<16xi32>,
    %get3A_975 = arith.constant 0 : i32
    %get3A_976 = arith.constant 7 : i32
    %get3A_977 = arith.index_cast %get3A_975 : i32 to index
    %get3A_978 = arith.index_cast %get3A_976 : i32 to index
    %get3A_979 = arith.constant 48 : index
    %get3A_980 = tpu.vector_load %arg12[%get3A_977, %get3A_978, %get3A_979] {strides = array<i32>} : memref<2x8x128xi32, #tpu.memory_space<vmem>>, vector<16xi32>,
    %bitcast3A_981 = vector.bitcast %get3A_980 : vector<16xi32> to vector<16xi32>
    %min3A_982 = arith.minui %bitcast3A_981, %broadcast_in_dim3A_23 : vector<16xi32>
    %bitcast3A_983 = vector.bitcast %min3A_982 : vector<16xi32> to vector<16xi32>
    %swap3A_984 = arith.constant 0 : i32
    %swap3A_985 = arith.constant 7 : i32
    %swap3A_986 = arith.index_cast %swap3A_984 : i32 to index
    %swap3A_987 = arith.index_cast %swap3A_985 : i32 to index
    %swap3A_988 = arith.constant 48 : index
    %swap3A_989 = tpu.vector_load %arg12[%swap3A_986, %swap3A_987, %swap3A_988] {strides = array<i32>} : memref<2x8x128xi32, #tpu.memory_space<vmem>>, vector<16xi32>,
    tpu.vector_store %arg12[%swap3A_986, %swap3A_987, %swap3A_988], %bitcast3A_983 {strides = array<i32>} : memref<2x8x128xi32, #tpu.memory_space<vmem>>, vector<16xi32>,
    %get3A_990 = arith.constant 0 : i32
    %get3A_991 = arith.constant 7 : i32
    %get3A_992 = arith.index_cast %get3A_990 : i32 to index
    %get3A_993 = arith.index_cast %get3A_991 : i32 to index
    %get3A_994 = arith.constant 64 : index
    %get3A_995 = tpu.vector_load %arg12[%get3A_992, %get3A_993, %get3A_994] {strides = array<i32>} : memref<2x8x128xi32, #tpu.memory_space<vmem>>, vector<16xi32>,
    %bitcast3A_996 = vector.bitcast %get3A_995 : vector<16xi32> to vector<16xi32>
    %min3A_997 = arith.minui %bitcast3A_996, %broadcast_in_dim3A_23 : vector<16xi32>
    %bitcast3A_998 = vector.bitcast %min3A_997 : vector<16xi32> to vector<16xi32>
    %swap3A_999 = arith.constant 0 : i32
    %swap3A_1000 = arith.constant 7 : i32
    %swap3A_1001 = arith.index_cast %swap3A_999 : i32 to index
    %swap3A_1002 = arith.index_cast %swap3A_1000 : i32 to index
    %swap3A_1003 = arith.constant 64 : index
    %swap3A_1004 = tpu.vector_load %arg12[%swap3A_1001, %swap3A_1002, %swap3A_1003] {strides = array<i32>} : memref<2x8x128xi32, #tpu.memory_space<vmem>>, vector<16xi32>,
    tpu.vector_store %arg12[%swap3A_1001, %swap3A_1002, %swap3A_1003], %bitcast3A_998 {strides = array<i32>} : memref<2x8x128xi32, #tpu.memory_space<vmem>>, vector<16xi32>,
    %get3A_1005 = arith.constant 0 : i32
    %get3A_1006 = arith.constant 7 : i32
    %get3A_1007 = arith.index_cast %get3A_1005 : i32 to index
    %get3A_1008 = arith.index_cast %get3A_1006 : i32 to index
    %get3A_1009 = arith.constant 80 : index
    %get3A_1010 = tpu.vector_load %arg12[%get3A_1007, %get3A_1008, %get3A_1009] {strides = array<i32>} : memref<2x8x128xi32, #tpu.memory_space<vmem>>, vector<16xi32>,
    %bitcast3A_1011 = vector.bitcast %get3A_1010 : vector<16xi32> to vector<16xi32>
    %min3A_1012 = arith.minui %bitcast3A_1011, %broadcast_in_dim3A_23 : vector<16xi32>
    %bitcast3A_1013 = vector.bitcast %min3A_1012 : vector<16xi32> to vector<16xi32>
    %swap3A_1014 = arith.constant 0 : i32
    %swap3A_1015 = arith.constant 7 : i32
    %swap3A_1016 = arith.index_cast %swap3A_1014 : i32 to index
    %swap3A_1017 = arith.index_cast %swap3A_1015 : i32 to index
    %swap3A_1018 = arith.constant 80 : index
    %swap3A_1019 = tpu.vector_load %arg12[%swap3A_1016, %swap3A_1017, %swap3A_1018] {strides = array<i32>} : memref<2x8x128xi32, #tpu.memory_space<vmem>>, vector<16xi32>,
    tpu.vector_store %arg12[%swap3A_1016, %swap3A_1017, %swap3A_1018], %bitcast3A_1013 {strides = array<i32>} : memref<2x8x128xi32, #tpu.memory_space<vmem>>, vector<16xi32>,
    %get3A_1020 = arith.constant 0 : i32
    %get3A_1021 = arith.constant 7 : i32
    %get3A_1022 = arith.index_cast %get3A_1020 : i32 to index
    %get3A_1023 = arith.index_cast %get3A_1021 : i32 to index
    %get3A_1024 = arith.constant 96 : index
    %get3A_1025 = tpu.vector_load %arg12[%get3A_1022, %get3A_1023, %get3A_1024] {strides = array<i32>} : memref<2x8x128xi32, #tpu.memory_space<vmem>>, vector<16xi32>,
    %bitcast3A_1026 = vector.bitcast %get3A_1025 : vector<16xi32> to vector<16xi32>
    %min3A_1027 = arith.minui %bitcast3A_1026, %broadcast_in_dim3A_23 : vector<16xi32>
    %bitcast3A_1028 = vector.bitcast %min3A_1027 : vector<16xi32> to vector<16xi32>
    %swap3A_1029 = arith.constant 0 : i32
    %swap3A_1030 = arith.constant 7 : i32
    %swap3A_1031 = arith.index_cast %swap3A_1029 : i32 to index
    %swap3A_1032 = arith.index_cast %swap3A_1030 : i32 to index
    %swap3A_1033 = arith.constant 96 : index
    %swap3A_1034 = tpu.vector_load %arg12[%swap3A_1031, %swap3A_1032, %swap3A_1033] {strides = array<i32>} : memref<2x8x128xi32, #tpu.memory_space<vmem>>, vector<16xi32>,
    tpu.vector_store %arg12[%swap3A_1031, %swap3A_1032, %swap3A_1033], %bitcast3A_1028 {strides = array<i32>} : memref<2x8x128xi32, #tpu.memory_space<vmem>>, vector<16xi32>,
    %get3A_1035 = arith.constant 0 : i32
    %get3A_1036 = arith.constant 7 : i32
    %get3A_1037 = arith.index_cast %get3A_1035 : i32 to index
    %get3A_1038 = arith.index_cast %get3A_1036 : i32 to index
    %get3A_1039 = arith.constant 112 : index
    %get3A_1040 = tpu.vector_load %arg12[%get3A_1037, %get3A_1038, %get3A_1039] {strides = array<i32>} : memref<2x8x128xi32, #tpu.memory_space<vmem>>, vector<16xi32>,
    %bitcast3A_1041 = vector.bitcast %get3A_1040 : vector<16xi32> to vector<16xi32>
    %min3A_1042 = arith.minui %bitcast3A_1041, %broadcast_in_dim3A_23 : vector<16xi32>
    %bitcast3A_1043 = vector.bitcast %min3A_1042 : vector<16xi32> to vector<16xi32>
    %swap3A_1044 = arith.constant 0 : i32
    %swap3A_1045 = arith.constant 7 : i32
    %swap3A_1046 = arith.index_cast %swap3A_1044 : i32 to index
    %swap3A_1047 = arith.index_cast %swap3A_1045 : i32 to index
    %swap3A_1048 = arith.constant 112 : index
    %swap3A_1049 = tpu.vector_load %arg12[%swap3A_1046, %swap3A_1047, %swap3A_1048] {strides = array<i32>} : memref<2x8x128xi32, #tpu.memory_space<vmem>>, vector<16xi32>,
    tpu.vector_store %arg12[%swap3A_1046, %swap3A_1047, %swap3A_1048], %bitcast3A_1043 {strides = array<i32>} : memref<2x8x128xi32, #tpu.memory_space<vmem>>, vector<16xi32>,
    %dma_start3A_1050 = arith.constant 0 : i32
    %dma_start3A_1051 = arith.constant 0 : i32
    %dma_start3A_1052 = arith.constant 0 : i32
    %dma_start3A_1053 = arith.constant 0 : i32
    %dma_start3A_1054 = arith.constant 0 : i32
    %dma_start3A_1055 = tpu.memref_slice %arg13[%dma_start3A_1052, %dma_start3A_1053, %dma_start3A_1054] : memref<2x1024x8xf32, #tpu.memory_space<vmem>> -> memref<1x128x8xf32, #tpu.memory_space<vmem>>
    %dma_start3A_1056 = tpu.memref_squeeze %dma_start3A_1055 : memref<1x128x8xf32, #tpu.memory_space<vmem>> -> memref<128x8xf32, #tpu.memory_space<vmem>>
    %dma_start3A_1057 = arith.constant 0 : i32
    %dma_start3A_1058 = tpu.memref_slice %arg12[%dma_start3A_1050, %dma_start3A_1051, %dma_start3A_1057] : memref<2x8x128xi32, #tpu.memory_space<vmem>> -> memref<1x1x128xi32, #tpu.memory_space<vmem>>
    %dma_start3A_1059 = tpu.memref_squeeze %dma_start3A_1058 : memref<1x1x128xi32, #tpu.memory_space<vmem>> -> memref<128xi32, #tpu.memory_space<vmem>>
    %dma_start3A_1060 = arith.constant 0 : i32
    %dma_start3A_1061 = arith.constant 0 : i32
    %dma_start3A_1062 = tpu.memref_slice %arg2[%dma_start3A_1060, %dma_start3A_1061] : memref<100000x8xf32, #tpu.memory_space<hbm>> -> memref<100000x8xf32, #tpu.memory_space<hbm>>
    tpu.enqueue_indirect_dma source(%dma_start3A_1062 : memref<100000x8xf32, #tpu.memory_space<hbm>>) target(%dma_start3A_1056 : memref<128x8xf32, #tpu.memory_space<vmem>>) offsets(%dma_start3A_1059 : memref<128xi32, #tpu.memory_space<vmem>>) semaphore(%arg17 : memref<!tpu.dma_semaphore, #tpu.memory_space<semaphore_mem>>)
    %dma_start3A_1063 = arith.constant 0 : i32
    %dma_start3A_1064 = arith.constant 1 : i32
    %dma_start3A_1065 = arith.constant 0 : i32
    %dma_start3A_1066 = arith.constant 128 : i32
    %dma_start3A_1067 = arith.constant 0 : i32
    %dma_start3A_1068 = tpu.memref_slice %arg13[%dma_start3A_1065, %dma_start3A_1066, %dma_start3A_1067] : memref<2x1024x8xf32, #tpu.memory_space<vmem>> -> memref<1x128x8xf32, #tpu.memory_space<vmem>>
    %dma_start3A_1069 = tpu.memref_squeeze %dma_start3A_1068 : memref<1x128x8xf32, #tpu.memory_space<vmem>> -> memref<128x8xf32, #tpu.memory_space<vmem>>
    %dma_start3A_1070 = arith.constant 0 : i32
    %dma_start3A_1071 = tpu.memref_slice %arg12[%dma_start3A_1063, %dma_start3A_1064, %dma_start3A_1070] : memref<2x8x128xi32, #tpu.memory_space<vmem>> -> memref<1x1x128xi32, #tpu.memory_space<vmem>>
    %dma_start3A_1072 = tpu.memref_squeeze %dma_start3A_1071 : memref<1x1x128xi32, #tpu.memory_space<vmem>> -> memref<128xi32, #tpu.memory_space<vmem>>
    %dma_start3A_1073 = arith.constant 0 : i32
    %dma_start3A_1074 = arith.constant 0 : i32
    %dma_start3A_1075 = tpu.memref_slice %arg2[%dma_start3A_1073, %dma_start3A_1074] : memref<100000x8xf32, #tpu.memory_space<hbm>> -> memref<100000x8xf32, #tpu.memory_space<hbm>>
    tpu.enqueue_indirect_dma source(%dma_start3A_1075 : memref<100000x8xf32, #tpu.memory_space<hbm>>) target(%dma_start3A_1069 : memref<128x8xf32, #tpu.memory_space<vmem>>) offsets(%dma_start3A_1072 : memref<128xi32, #tpu.memory_space<vmem>>) semaphore(%arg17 : memref<!tpu.dma_semaphore, #tpu.memory_space<semaphore_mem>>)
    %dma_start3A_1076 = arith.constant 0 : i32
    %dma_start3A_1077 = arith.constant 2 : i32
    %dma_start3A_1078 = arith.constant 0 : i32
    %dma_start3A_1079 = arith.constant 256 : i32
    %dma_start3A_1080 = arith.constant 0 : i32
    %dma_start3A_1081 = tpu.memref_slice %arg13[%dma_start3A_1078, %dma_start3A_1079, %dma_start3A_1080] : memref<2x1024x8xf32, #tpu.memory_space<vmem>> -> memref<1x128x8xf32, #tpu.memory_space<vmem>>
    %dma_start3A_1082 = tpu.memref_squeeze %dma_start3A_1081 : memref<1x128x8xf32, #tpu.memory_space<vmem>> -> memref<128x8xf32, #tpu.memory_space<vmem>>
    %dma_start3A_1083 = arith.constant 0 : i32
    %dma_start3A_1084 = tpu.memref_slice %arg12[%dma_start3A_1076, %dma_start3A_1077, %dma_start3A_1083] : memref<2x8x128xi32, #tpu.memory_space<vmem>> -> memref<1x1x128xi32, #tpu.memory_space<vmem>>
    %dma_start3A_1085 = tpu.memref_squeeze %dma_start3A_1084 : memref<1x1x128xi32, #tpu.memory_space<vmem>> -> memref<128xi32, #tpu.memory_space<vmem>>
    %dma_start3A_1086 = arith.constant 0 : i32
    %dma_start3A_1087 = arith.constant 0 : i32
    %dma_start3A_1088 = tpu.memref_slice %arg2[%dma_start3A_1086, %dma_start3A_1087] : memref<100000x8xf32, #tpu.memory_space<hbm>> -> memref<100000x8xf32, #tpu.memory_space<hbm>>
    tpu.enqueue_indirect_dma source(%dma_start3A_1088 : memref<100000x8xf32, #tpu.memory_space<hbm>>) target(%dma_start3A_1082 : memref<128x8xf32, #tpu.memory_space<vmem>>) offsets(%dma_start3A_1085 : memref<128xi32, #tpu.memory_space<vmem>>) semaphore(%arg17 : memref<!tpu.dma_semaphore, #tpu.memory_space<semaphore_mem>>)
    %dma_start3A_1089 = arith.constant 0 : i32
    %dma_start3A_1090 = arith.constant 3 : i32
    %dma_start3A_1091 = arith.constant 0 : i32
    %dma_start3A_1092 = arith.constant 384 : i32
    %dma_start3A_1093 = arith.constant 0 : i32
    %dma_start3A_1094 = tpu.memref_slice %arg13[%dma_start3A_1091, %dma_start3A_1092, %dma_start3A_1093] : memref<2x1024x8xf32, #tpu.memory_space<vmem>> -> memref<1x128x8xf32, #tpu.memory_space<vmem>>
    %dma_start3A_1095 = tpu.memref_squeeze %dma_start3A_1094 : memref<1x128x8xf32, #tpu.memory_space<vmem>> -> memref<128x8xf32, #tpu.memory_space<vmem>>
    %dma_start3A_1096 = arith.constant 0 : i32
    %dma_start3A_1097 = tpu.memref_slice %arg12[%dma_start3A_1089, %dma_start3A_1090, %dma_start3A_1096] : memref<2x8x128xi32, #tpu.memory_space<vmem>> -> memref<1x1x128xi32, #tpu.memory_space<vmem>>
    %dma_start3A_1098 = tpu.memref_squeeze %dma_start3A_1097 : memref<1x1x128xi32, #tpu.memory_space<vmem>> -> memref<128xi32, #tpu.memory_space<vmem>>
    %dma_start3A_1099 = arith.constant 0 : i32
    %dma_start3A_1100 = arith.constant 0 : i32
    %dma_start3A_1101 = tpu.memref_slice %arg2[%dma_start3A_1099, %dma_start3A_1100] : memref<100000x8xf32, #tpu.memory_space<hbm>> -> memref<100000x8xf32, #tpu.memory_space<hbm>>
    tpu.enqueue_indirect_dma source(%dma_start3A_1101 : memref<100000x8xf32, #tpu.memory_space<hbm>>) target(%dma_start3A_1095 : memref<128x8xf32, #tpu.memory_space<vmem>>) offsets(%dma_start3A_1098 : memref<128xi32, #tpu.memory_space<vmem>>) semaphore(%arg17 : memref<!tpu.dma_semaphore, #tpu.memory_space<semaphore_mem>>)
    %dma_start3A_1102 = arith.constant 0 : i32
    %dma_start3A_1103 = arith.constant 4 : i32
    %dma_start3A_1104 = arith.constant 0 : i32
    %dma_start3A_1105 = arith.constant 512 : i32
    %dma_start3A_1106 = arith.constant 0 : i32
    %dma_start3A_1107 = tpu.memref_slice %arg13[%dma_start3A_1104, %dma_start3A_1105, %dma_start3A_1106] : memref<2x1024x8xf32, #tpu.memory_space<vmem>> -> memref<1x128x8xf32, #tpu.memory_space<vmem>>
    %dma_start3A_1108 = tpu.memref_squeeze %dma_start3A_1107 : memref<1x128x8xf32, #tpu.memory_space<vmem>> -> memref<128x8xf32, #tpu.memory_space<vmem>>
    %dma_start3A_1109 = arith.constant 0 : i32
    %dma_start3A_1110 = tpu.memref_slice %arg12[%dma_start3A_1102, %dma_start3A_1103, %dma_start3A_1109] : memref<2x8x128xi32, #tpu.memory_space<vmem>> -> memref<1x1x128xi32, #tpu.memory_space<vmem>>
    %dma_start3A_1111 = tpu.memref_squeeze %dma_start3A_1110 : memref<1x1x128xi32, #tpu.memory_space<vmem>> -> memref<128xi32, #tpu.memory_space<vmem>>
    %dma_start3A_1112 = arith.constant 0 : i32
    %dma_start3A_1113 = arith.constant 0 : i32
    %dma_start3A_1114 = tpu.memref_slice %arg2[%dma_start3A_1112, %dma_start3A_1113] : memref<100000x8xf32, #tpu.memory_space<hbm>> -> memref<100000x8xf32, #tpu.memory_space<hbm>>
    tpu.enqueue_indirect_dma source(%dma_start3A_1114 : memref<100000x8xf32, #tpu.memory_space<hbm>>) target(%dma_start3A_1108 : memref<128x8xf32, #tpu.memory_space<vmem>>) offsets(%dma_start3A_1111 : memref<128xi32, #tpu.memory_space<vmem>>) semaphore(%arg17 : memref<!tpu.dma_semaphore, #tpu.memory_space<semaphore_mem>>)
    %dma_start3A_1115 = arith.constant 0 : i32
    %dma_start3A_1116 = arith.constant 5 : i32
    %dma_start3A_1117 = arith.constant 0 : i32
    %dma_start3A_1118 = arith.constant 640 : i32
    %dma_start3A_1119 = arith.constant 0 : i32
    %dma_start3A_1120 = tpu.memref_slice %arg13[%dma_start3A_1117, %dma_start3A_1118, %dma_start3A_1119] : memref<2x1024x8xf32, #tpu.memory_space<vmem>> -> memref<1x128x8xf32, #tpu.memory_space<vmem>>
    %dma_start3A_1121 = tpu.memref_squeeze %dma_start3A_1120 : memref<1x128x8xf32, #tpu.memory_space<vmem>> -> memref<128x8xf32, #tpu.memory_space<vmem>>
    %dma_start3A_1122 = arith.constant 0 : i32
    %dma_start3A_1123 = tpu.memref_slice %arg12[%dma_start3A_1115, %dma_start3A_1116, %dma_start3A_1122] : memref<2x8x128xi32, #tpu.memory_space<vmem>> -> memref<1x1x128xi32, #tpu.memory_space<vmem>>
    %dma_start3A_1124 = tpu.memref_squeeze %dma_start3A_1123 : memref<1x1x128xi32, #tpu.memory_space<vmem>> -> memref<128xi32, #tpu.memory_space<vmem>>
    %dma_start3A_1125 = arith.constant 0 : i32
    %dma_start3A_1126 = arith.constant 0 : i32
    %dma_start3A_1127 = tpu.memref_slice %arg2[%dma_start3A_1125, %dma_start3A_1126] : memref<100000x8xf32, #tpu.memory_space<hbm>> -> memref<100000x8xf32, #tpu.memory_space<hbm>>
    tpu.enqueue_indirect_dma source(%dma_start3A_1127 : memref<100000x8xf32, #tpu.memory_space<hbm>>) target(%dma_start3A_1121 : memref<128x8xf32, #tpu.memory_space<vmem>>) offsets(%dma_start3A_1124 : memref<128xi32, #tpu.memory_space<vmem>>) semaphore(%arg17 : memref<!tpu.dma_semaphore, #tpu.memory_space<semaphore_mem>>)
    %dma_start3A_1128 = arith.constant 0 : i32
    %dma_start3A_1129 = arith.constant 6 : i32
    %dma_start3A_1130 = arith.constant 0 : i32
    %dma_start3A_1131 = arith.constant 768 : i32
    %dma_start3A_1132 = arith.constant 0 : i32
    %dma_start3A_1133 = tpu.memref_slice %arg13[%dma_start3A_1130, %dma_start3A_1131, %dma_start3A_1132] : memref<2x1024x8xf32, #tpu.memory_space<vmem>> -> memref<1x128x8xf32, #tpu.memory_space<vmem>>
    %dma_start3A_1134 = tpu.memref_squeeze %dma_start3A_1133 : memref<1x128x8xf32, #tpu.memory_space<vmem>> -> memref<128x8xf32, #tpu.memory_space<vmem>>
    %dma_start3A_1135 = arith.constant 0 : i32
    %dma_start3A_1136 = tpu.memref_slice %arg12[%dma_start3A_1128, %dma_start3A_1129, %dma_start3A_1135] : memref<2x8x128xi32, #tpu.memory_space<vmem>> -> memref<1x1x128xi32, #tpu.memory_space<vmem>>
    %dma_start3A_1137 = tpu.memref_squeeze %dma_start3A_1136 : memref<1x1x128xi32, #tpu.memory_space<vmem>> -> memref<128xi32, #tpu.memory_space<vmem>>
    %dma_start3A_1138 = arith.constant 0 : i32
    %dma_start3A_1139 = arith.constant 0 : i32
    %dma_start3A_1140 = tpu.memref_slice %arg2[%dma_start3A_1138, %dma_start3A_1139] : memref<100000x8xf32, #tpu.memory_space<hbm>> -> memref<100000x8xf32, #tpu.memory_space<hbm>>
    tpu.enqueue_indirect_dma source(%dma_start3A_1140 : memref<100000x8xf32, #tpu.memory_space<hbm>>) target(%dma_start3A_1134 : memref<128x8xf32, #tpu.memory_space<vmem>>) offsets(%dma_start3A_1137 : memref<128xi32, #tpu.memory_space<vmem>>) semaphore(%arg17 : memref<!tpu.dma_semaphore, #tpu.memory_space<semaphore_mem>>)
    %dma_start3A_1141 = arith.constant 0 : i32
    %dma_start3A_1142 = arith.constant 7 : i32
    %dma_start3A_1143 = arith.constant 0 : i32
    %dma_start3A_1144 = arith.constant 896 : i32
    %dma_start3A_1145 = arith.constant 0 : i32
    %dma_start3A_1146 = tpu.memref_slice %arg13[%dma_start3A_1143, %dma_start3A_1144, %dma_start3A_1145] : memref<2x1024x8xf32, #tpu.memory_space<vmem>> -> memref<1x128x8xf32, #tpu.memory_space<vmem>>
    %dma_start3A_1147 = tpu.memref_squeeze %dma_start3A_1146 : memref<1x128x8xf32, #tpu.memory_space<vmem>> -> memref<128x8xf32, #tpu.memory_space<vmem>>
    %dma_start3A_1148 = arith.constant 0 : i32
    %dma_start3A_1149 = tpu.memref_slice %arg12[%dma_start3A_1141, %dma_start3A_1142, %dma_start3A_1148] : memref<2x8x128xi32, #tpu.memory_space<vmem>> -> memref<1x1x128xi32, #tpu.memory_space<vmem>>
    %dma_start3A_1150 = tpu.memref_squeeze %dma_start3A_1149 : memref<1x1x128xi32, #tpu.memory_space<vmem>> -> memref<128xi32, #tpu.memory_space<vmem>>
    %dma_start3A_1151 = arith.constant 0 : i32
    %dma_start3A_1152 = arith.constant 0 : i32
    %dma_start3A_1153 = tpu.memref_slice %arg2[%dma_start3A_1151, %dma_start3A_1152] : memref<100000x8xf32, #tpu.memory_space<hbm>> -> memref<100000x8xf32, #tpu.memory_space<hbm>>
    tpu.enqueue_indirect_dma source(%dma_start3A_1153 : memref<100000x8xf32, #tpu.memory_space<hbm>>) target(%dma_start3A_1147 : memref<128x8xf32, #tpu.memory_space<vmem>>) offsets(%dma_start3A_1150 : memref<128xi32, #tpu.memory_space<vmem>>) semaphore(%arg17 : memref<!tpu.dma_semaphore, #tpu.memory_space<semaphore_mem>>)
    %add3A_1154 = arith.constant 16 : i32
    %add3A_1155 = arith.addi %multiple_of3A, %add3A_1154 : i32
    %jit3A_1156 = arith.constant 2 : i32
    %div3A_1157 = arith.divsi %add3A_1155, %jit3A_1156 : i32
    %sign3A_1158 = arith.constant 0 : i32
    %sign3A_1159 = arith.cmpi sgt, %add3A_1155, %sign3A_1158 : i32
    %sign3A_1160 = arith.extui %sign3A_1159 : i1 to i32
    %sign3A_1161 = arith.constant 0 : i32
    %sign3A_1162 = arith.cmpi slt, %add3A_1155, %sign3A_1161 : i32
    %sign3A_1163 = arith.extui %sign3A_1162 : i1 to i32
    %sign3A_1164 = arith.subi %sign3A_1160, %sign3A_1163 : i32
    %sign3A_1165 = arith.constant 0 : i32
    %sign3A_1166 = arith.cmpi sgt, %jit3A_1156, %sign3A_1165 : i32
    %sign3A_1167 = arith.extui %sign3A_1166 : i1 to i32
    %sign3A_1168 = arith.constant 0 : i32
    %sign3A_1169 = arith.cmpi slt, %jit3A_1156, %sign3A_1168 : i32
    %sign3A_1170 = arith.extui %sign3A_1169 : i1 to i32
    %sign3A_1171 = arith.subi %sign3A_1167, %sign3A_1170 : i32
    %ne3A_1172 = arith.cmpi ne, %sign3A_1164, %sign3A_1171 : i32
    %rem3A_1173 = arith.remsi %add3A_1155, %jit3A_1156 : i32
    %ne3A_1174 = arith.constant 0 : i32
    %ne3A_1175 = arith.cmpi ne, %rem3A_1173, %ne3A_1174 : i32
    %and3A_1176 = arith.andi %ne3A_1172, %ne3A_1175 : i1
    %sub3A_1177 = arith.constant 1 : i32
    %sub3A_1178 = arith.subi %div3A_1157, %sub3A_1177 : i32
    %select_n3A_1179 = arith.select %and3A_1176, %sub3A_1178, %div3A_1157 : i32
    %multiple_of3A_1180 = tpu.assume_multiple %select_n3A_1179, 8 : i32
    %dma_start3A_1181 = arith.constant 1 : i32
    %dma_start3A_1182 = arith.constant 0 : i32
    %dma_start3A_1183 = arith.constant 0 : i32
    %dma_start3A_1184 = tpu.memref_slice %arg12[%dma_start3A_1181, %dma_start3A_1182, %dma_start3A_1183] : memref<2x8x128xi32, #tpu.memory_space<vmem>> -> memref<1x8x128xi32, #tpu.memory_space<vmem>>
    %dma_start3A_1185 = tpu.memref_squeeze %dma_start3A_1184 : memref<1x8x128xi32, #tpu.memory_space<vmem>> -> memref<8x128xi32, #tpu.memory_space<vmem>>
    %dma_start3A_1186 = arith.constant 0 : i32
    %dma_start3A_1187 = tpu.memref_slice %arg7[%multiple_of3A_1180, %dma_start3A_1186] : memref<32768x128xi32, #tpu.memory_space<hbm>> -> memref<8x128xi32, #tpu.memory_space<hbm>>
    %dma_start3A_1188 = arith.constant 0 : i32
    %dma_start3A_1189 = arith.constant 0 : i32
    %dma_start3A_1190 = tpu.memref_slice %arg12[%dma_start3A_1181, %dma_start3A_1188, %dma_start3A_1189] : memref<2x8x128xi32, #tpu.memory_space<vmem>> -> memref<1x8x128xi32, #tpu.memory_space<vmem>>
    %dma_start3A_1191 = tpu.memref_squeeze %dma_start3A_1190 : memref<1x8x128xi32, #tpu.memory_space<vmem>> -> memref<8x128xi32, #tpu.memory_space<vmem>>
    %dma_start3A_1192 = arith.constant 0 : i32
    %dma_start3A_1193 = tpu.memref_slice %arg7[%multiple_of3A_1180, %dma_start3A_1192] : memref<32768x128xi32, #tpu.memory_space<hbm>> -> memref<8x128xi32, #tpu.memory_space<hbm>>
    tpu.enqueue_dma source(%dma_start3A_1193 : memref<8x128xi32, #tpu.memory_space<hbm>>) target(%dma_start3A_1191 : memref<8x128xi32, #tpu.memory_space<vmem>>) target_semaphore(%arg18 : memref<!tpu.dma_semaphore, #tpu.memory_space<semaphore_mem>>)
    %scan3A = arith.constant 0 : i32
    %scan3A_1194 = arith.constant 0 : i32
    %scan3A_1195 = arith.constant 128 : i32
    %scan3A_1196 = arith.addi %scan3A_1194, %scan3A_1195 : i32
    %scan3A_1197 = arith.constant 1 : i32
    %scan3A_1198 = scf.for %scan3A_1204 = %scan3A_1194 to %scan3A_1196 step %scan3A_1197 iter_args(%scan3A_1205 = %scan3A) -> (i32)  : i32 {
      %rem3A_1206 = arith.constant 2 : i32
      %rem3A_1207 = arith.remsi %scan3A_1204, %rem3A_1206 : i32
      %sub3A_1208 = arith.constant 1 : i32
      %sub3A_1209 = arith.subi %sub3A_1208, %rem3A_1207 : i32
      %add3A_1210 = arith.constant 1 : i32
      %add3A_1211 = arith.addi %scan3A_1204, %add3A_1210 : i32
      %lt3A = arith.constant 128 : i32
      %lt3A_1212 = arith.cmpi slt, %add3A_1211, %lt3A : i32
      %convert_element_type3A = arith.extui %lt3A_1212 : i1 to i32
      %cond3A = arith.constant 0 : i32
      %cond3A_1213 = arith.cmpi ne, %convert_element_type3A, %cond3A : i32
      scf.if %cond3A_1213 {
        %add3A_1424 = arith.constant 1 : i32
        %add3A_1425 = arith.addi %scan3A_1204, %add3A_1424 : i32
        %mul3A_1426 = arith.constant 16 : i32
        %mul3A_1427 = arith.muli %add3A_1425, %mul3A_1426 : i32
        %add3A_1428 = arith.addi %multiple_of3A, %mul3A_1427 : i32
        %jit3A_1429 = arith.constant 2 : i32
        %div3A_1430 = arith.divsi %add3A_1428, %jit3A_1429 : i32
        %sign3A_1431 = arith.constant 0 : i32
        %sign3A_1432 = arith.cmpi sgt, %add3A_1428, %sign3A_1431 : i32
        %sign3A_1433 = arith.extui %sign3A_1432 : i1 to i32
        %sign3A_1434 = arith.constant 0 : i32
        %sign3A_1435 = arith.cmpi slt, %add3A_1428, %sign3A_1434 : i32
        %sign3A_1436 = arith.extui %sign3A_1435 : i1 to i32
        %sign3A_1437 = arith.subi %sign3A_1433, %sign3A_1436 : i32
        %sign3A_1438 = arith.constant 0 : i32
        %sign3A_1439 = arith.cmpi sgt, %jit3A_1429, %sign3A_1438 : i32
        %sign3A_1440 = arith.extui %sign3A_1439 : i1 to i32
        %sign3A_1441 = arith.constant 0 : i32
        %sign3A_1442 = arith.cmpi slt, %jit3A_1429, %sign3A_1441 : i32
        %sign3A_1443 = arith.extui %sign3A_1442 : i1 to i32
        %sign3A_1444 = arith.subi %sign3A_1440, %sign3A_1443 : i32
        %ne3A_1445 = arith.cmpi ne, %sign3A_1437, %sign3A_1444 : i32
        %rem3A_1446 = arith.remsi %add3A_1428, %jit3A_1429 : i32
        %ne3A_1447 = arith.constant 0 : i32
        %ne3A_1448 = arith.cmpi ne, %rem3A_1446, %ne3A_1447 : i32
        %and3A_1449 = arith.andi %ne3A_1445, %ne3A_1448 : i1
        %sub3A_1450 = arith.constant 1 : i32
        %sub3A_1451 = arith.subi %div3A_1430, %sub3A_1450 : i32
        %select_n3A_1452 = arith.select %and3A_1449, %sub3A_1451, %div3A_1430 : i32
        %multiple_of3A_1453 = tpu.assume_multiple %select_n3A_1452, 8 : i32
        %dma_wait3A_1454 = arith.constant 0 : i32
        %dma_wait3A_1455 = arith.constant 0 : i32
        %dma_wait3A_1456 = tpu.memref_slice %arg12[%sub3A_1209, %dma_wait3A_1454, %dma_wait3A_1455] : memref<2x8x128xi32, #tpu.memory_space<vmem>> -> memref<1x8x128xi32, #tpu.memory_space<vmem>>
        %dma_wait3A_1457 = tpu.memref_squeeze %dma_wait3A_1456 : memref<1x8x128xi32, #tpu.memory_space<vmem>> -> memref<8x128xi32, #tpu.memory_space<vmem>>
        %dma_wait3A_1458 = arith.constant 0 : i32
        %dma_wait3A_1459 = tpu.memref_slice %arg7[%multiple_of3A_1453, %dma_wait3A_1458] : memref<32768x128xi32, #tpu.memory_space<hbm>> -> memref<8x128xi32, #tpu.memory_space<hbm>>
        %dma_wait3A_1460 = arith.constant 0 : i32
        %dma_wait3A_1461 = arith.constant 0 : i32
        %dma_wait3A_1462 = tpu.memref_slice %arg12[%sub3A_1209, %dma_wait3A_1460, %dma_wait3A_1461] : memref<2x8x128xi32, #tpu.memory_space<vmem>> -> memref<1x8x128xi32, #tpu.memory_space<vmem>>
        %dma_wait3A_1463 = tpu.memref_squeeze %dma_wait3A_1462 : memref<1x8x128xi32, #tpu.memory_space<vmem>> -> memref<8x128xi32, #tpu.memory_space<vmem>>
        %dma_wait3A_1464 = arith.constant 0 : i32
        %dma_wait3A_1465 = tpu.memref_slice %arg7[%multiple_of3A_1453, %dma_wait3A_1464] : memref<32768x128xi32, #tpu.memory_space<hbm>> -> memref<8x128xi32, #tpu.memory_space<hbm>>
        tpu.wait_dma2 semaphore(%arg18 : memref<!tpu.dma_semaphore, #tpu.memory_space<semaphore_mem>>) src(%dma_wait3A_1465 : memref<8x128xi32, #tpu.memory_space<hbm>>) dst(%dma_wait3A_1463 : memref<8x128xi32, #tpu.memory_space<vmem>>)
        %add3A_1466 = arith.constant 1 : i32
        %add3A_1467 = arith.addi %scan3A_1204, %add3A_1466 : i32
        %get3A_1468 = arith.constant 0 : i32
        %get3A_1469 = arith.index_cast %sub3A_1209 : i32 to index
        %get3A_1470 = arith.index_cast %get3A_1468 : i32 to index
        %get3A_1471 = arith.constant 0 : index
        %get3A_1472 = tpu.vector_load %arg12[%get3A_1469, %get3A_1470, %get3A_1471] {strides = array<i32>} : memref<2x8x128xi32, #tpu.memory_space<vmem>>, vector<16xi32>,
        %bitcast3A_1473 = vector.bitcast %get3A_1472 : vector<16xi32> to vector<16xi32>
        %min3A_1474 = arith.minui %bitcast3A_1473, %broadcast_in_dim3A_23 : vector<16xi32>
        %bitcast3A_1475 = vector.bitcast %min3A_1474 : vector<16xi32> to vector<16xi32>
        %swap3A_1476 = arith.constant 0 : i32
        %swap3A_1477 = arith.index_cast %sub3A_1209 : i32 to index
        %swap3A_1478 = arith.index_cast %swap3A_1476 : i32 to index
        %swap3A_1479 = arith.constant 0 : index
        %swap3A_1480 = tpu.vector_load %arg12[%swap3A_1477, %swap3A_1478, %swap3A_1479] {strides = array<i32>} : memref<2x8x128xi32, #tpu.memory_space<vmem>>, vector<16xi32>,
        tpu.vector_store %arg12[%swap3A_1477, %swap3A_1478, %swap3A_1479], %bitcast3A_1475 {strides = array<i32>} : memref<2x8x128xi32, #tpu.memory_space<vmem>>, vector<16xi32>,
        %get3A_1481 = arith.constant 0 : i32
        %get3A_1482 = arith.index_cast %sub3A_1209 : i32 to index
        %get3A_1483 = arith.index_cast %get3A_1481 : i32 to index
        %get3A_1484 = arith.constant 16 : index
        %get3A_1485 = tpu.vector_load %arg12[%get3A_1482, %get3A_1483, %get3A_1484] {strides = array<i32>} : memref<2x8x128xi32, #tpu.memory_space<vmem>>, vector<16xi32>,
        %bitcast3A_1486 = vector.bitcast %get3A_1485 : vector<16xi32> to vector<16xi32>
        %min3A_1487 = arith.minui %bitcast3A_1486, %broadcast_in_dim3A_23 : vector<16xi32>
        %bitcast3A_1488 = vector.bitcast %min3A_1487 : vector<16xi32> to vector<16xi32>
        %swap3A_1489 = arith.constant 0 : i32
        %swap3A_1490 = arith.index_cast %sub3A_1209 : i32 to index
        %swap3A_1491 = arith.index_cast %swap3A_1489 : i32 to index
        %swap3A_1492 = arith.constant 16 : index
        %swap3A_1493 = tpu.vector_load %arg12[%swap3A_1490, %swap3A_1491, %swap3A_1492] {strides = array<i32>} : memref<2x8x128xi32, #tpu.memory_space<vmem>>, vector<16xi32>,
        tpu.vector_store %arg12[%swap3A_1490, %swap3A_1491, %swap3A_1492], %bitcast3A_1488 {strides = array<i32>} : memref<2x8x128xi32, #tpu.memory_space<vmem>>, vector<16xi32>,
        %get3A_1494 = arith.constant 0 : i32
        %get3A_1495 = arith.index_cast %sub3A_1209 : i32 to index
        %get3A_1496 = arith.index_cast %get3A_1494 : i32 to index
        %get3A_1497 = arith.constant 32 : index
        %get3A_1498 = tpu.vector_load %arg12[%get3A_1495, %get3A_1496, %get3A_1497] {strides = array<i32>} : memref<2x8x128xi32, #tpu.memory_space<vmem>>, vector<16xi32>,
        %bitcast3A_1499 = vector.bitcast %get3A_1498 : vector<16xi32> to vector<16xi32>
        %min3A_1500 = arith.minui %bitcast3A_1499, %broadcast_in_dim3A_23 : vector<16xi32>
        %bitcast3A_1501 = vector.bitcast %min3A_1500 : vector<16xi32> to vector<16xi32>
        %swap3A_1502 = arith.constant 0 : i32
        %swap3A_1503 = arith.index_cast %sub3A_1209 : i32 to index
        %swap3A_1504 = arith.index_cast %swap3A_1502 : i32 to index
        %swap3A_1505 = arith.constant 32 : index
        %swap3A_1506 = tpu.vector_load %arg12[%swap3A_1503, %swap3A_1504, %swap3A_1505] {strides = array<i32>} : memref<2x8x128xi32, #tpu.memory_space<vmem>>, vector<16xi32>,
        tpu.vector_store %arg12[%swap3A_1503, %swap3A_1504, %swap3A_1505], %bitcast3A_1501 {strides = array<i32>} : memref<2x8x128xi32, #tpu.memory_space<vmem>>, vector<16xi32>,
        %get3A_1507 = arith.constant 0 : i32
        %get3A_1508 = arith.index_cast %sub3A_1209 : i32 to index
        %get3A_1509 = arith.index_cast %get3A_1507 : i32 to index
        %get3A_1510 = arith.constant 48 : index
        %get3A_1511 = tpu.vector_load %arg12[%get3A_1508, %get3A_1509, %get3A_1510] {strides = array<i32>} : memref<2x8x128xi32, #tpu.memory_space<vmem>>, vector<16xi32>,
        %bitcast3A_1512 = vector.bitcast %get3A_1511 : vector<16xi32> to vector<16xi32>
        %min3A_1513 = arith.minui %bitcast3A_1512, %broadcast_in_dim3A_23 : vector<16xi32>
        %bitcast3A_1514 = vector.bitcast %min3A_1513 : vector<16xi32> to vector<16xi32>
        %swap3A_1515 = arith.constant 0 : i32
        %swap3A_1516 = arith.index_cast %sub3A_1209 : i32 to index
        %swap3A_1517 = arith.index_cast %swap3A_1515 : i32 to index
        %swap3A_1518 = arith.constant 48 : index
        %swap3A_1519 = tpu.vector_load %arg12[%swap3A_1516, %swap3A_1517, %swap3A_1518] {strides = array<i32>} : memref<2x8x128xi32, #tpu.memory_space<vmem>>, vector<16xi32>,
        tpu.vector_store %arg12[%swap3A_1516, %swap3A_1517, %swap3A_1518], %bitcast3A_1514 {strides = array<i32>} : memref<2x8x128xi32, #tpu.memory_space<vmem>>, vector<16xi32>,
        %get3A_1520 = arith.constant 0 : i32
        %get3A_1521 = arith.index_cast %sub3A_1209 : i32 to index
        %get3A_1522 = arith.index_cast %get3A_1520 : i32 to index
        %get3A_1523 = arith.constant 64 : index
        %get3A_1524 = tpu.vector_load %arg12[%get3A_1521, %get3A_1522, %get3A_1523] {strides = array<i32>} : memref<2x8x128xi32, #tpu.memory_space<vmem>>, vector<16xi32>,
        %bitcast3A_1525 = vector.bitcast %get3A_1524 : vector<16xi32> to vector<16xi32>
        %min3A_1526 = arith.minui %bitcast3A_1525, %broadcast_in_dim3A_23 : vector<16xi32>
        %bitcast3A_1527 = vector.bitcast %min3A_1526 : vector<16xi32> to vector<16xi32>
        %swap3A_1528 = arith.constant 0 : i32
        %swap3A_1529 = arith.index_cast %sub3A_1209 : i32 to index
        %swap3A_1530 = arith.index_cast %swap3A_1528 : i32 to index
        %swap3A_1531 = arith.constant 64 : index
        %swap3A_1532 = tpu.vector_load %arg12[%swap3A_1529, %swap3A_1530, %swap3A_1531] {strides = array<i32>} : memref<2x8x128xi32, #tpu.memory_space<vmem>>, vector<16xi32>,
        tpu.vector_store %arg12[%swap3A_1529, %swap3A_1530, %swap3A_1531], %bitcast3A_1527 {strides = array<i32>} : memref<2x8x128xi32, #tpu.memory_space<vmem>>, vector<16xi32>,
        %get3A_1533 = arith.constant 0 : i32
        %get3A_1534 = arith.index_cast %sub3A_1209 : i32 to index
        %get3A_1535 = arith.index_cast %get3A_1533 : i32 to index
        %get3A_1536 = arith.constant 80 : index
        %get3A_1537 = tpu.vector_load %arg12[%get3A_1534, %get3A_1535, %get3A_1536] {strides = array<i32>} : memref<2x8x128xi32, #tpu.memory_space<vmem>>, vector<16xi32>,
        %bitcast3A_1538 = vector.bitcast %get3A_1537 : vector<16xi32> to vector<16xi32>
        %min3A_1539 = arith.minui %bitcast3A_1538, %broadcast_in_dim3A_23 : vector<16xi32>
        %bitcast3A_1540 = vector.bitcast %min3A_1539 : vector<16xi32> to vector<16xi32>
        %swap3A_1541 = arith.constant 0 : i32
        %swap3A_1542 = arith.index_cast %sub3A_1209 : i32 to index
        %swap3A_1543 = arith.index_cast %swap3A_1541 : i32 to index
        %swap3A_1544 = arith.constant 80 : index
        %swap3A_1545 = tpu.vector_load %arg12[%swap3A_1542, %swap3A_1543, %swap3A_1544] {strides = array<i32>} : memref<2x8x128xi32, #tpu.memory_space<vmem>>, vector<16xi32>,
        tpu.vector_store %arg12[%swap3A_1542, %swap3A_1543, %swap3A_1544], %bitcast3A_1540 {strides = array<i32>} : memref<2x8x128xi32, #tpu.memory_space<vmem>>, vector<16xi32>,
        %get3A_1546 = arith.constant 0 : i32
        %get3A_1547 = arith.index_cast %sub3A_1209 : i32 to index
        %get3A_1548 = arith.index_cast %get3A_1546 : i32 to index
        %get3A_1549 = arith.constant 96 : index
        %get3A_1550 = tpu.vector_load %arg12[%get3A_1547, %get3A_1548, %get3A_1549] {strides = array<i32>} : memref<2x8x128xi32, #tpu.memory_space<vmem>>, vector<16xi32>,
        %bitcast3A_1551 = vector.bitcast %get3A_1550 : vector<16xi32> to vector<16xi32>
        %min3A_1552 = arith.minui %bitcast3A_1551, %broadcast_in_dim3A_23 : vector<16xi32>
        %bitcast3A_1553 = vector.bitcast %min3A_1552 : vector<16xi32> to vector<16xi32>
        %swap3A_1554 = arith.constant 0 : i32
        %swap3A_1555 = arith.index_cast %sub3A_1209 : i32 to index
        %swap3A_1556 = arith.index_cast %swap3A_1554 : i32 to index
        %swap3A_1557 = arith.constant 96 : index
        %swap3A_1558 = tpu.vector_load %arg12[%swap3A_1555, %swap3A_1556, %swap3A_1557] {strides = array<i32>} : memref<2x8x128xi32, #tpu.memory_space<vmem>>, vector<16xi32>,
        tpu.vector_store %arg12[%swap3A_1555, %swap3A_1556, %swap3A_1557], %bitcast3A_1553 {strides = array<i32>} : memref<2x8x128xi32, #tpu.memory_space<vmem>>, vector<16xi32>,
        %get3A_1559 = arith.constant 0 : i32
        %get3A_1560 = arith.index_cast %sub3A_1209 : i32 to index
        %get3A_1561 = arith.index_cast %get3A_1559 : i32 to index
        %get3A_1562 = arith.constant 112 : index
        %get3A_1563 = tpu.vector_load %arg12[%get3A_1560, %get3A_1561, %get3A_1562] {strides = array<i32>} : memref<2x8x128xi32, #tpu.memory_space<vmem>>, vector<16xi32>,
        %bitcast3A_1564 = vector.bitcast %get3A_1563 : vector<16xi32> to vector<16xi32>
        %min3A_1565 = arith.minui %bitcast3A_1564, %broadcast_in_dim3A_23 : vector<16xi32>
        %bitcast3A_1566 = vector.bitcast %min3A_1565 : vector<16xi32> to vector<16xi32>
        %swap3A_1567 = arith.constant 0 : i32
        %swap3A_1568 = arith.index_cast %sub3A_1209 : i32 to index
        %swap3A_1569 = arith.index_cast %swap3A_1567 : i32 to index
        %swap3A_1570 = arith.constant 112 : index
        %swap3A_1571 = tpu.vector_load %arg12[%swap3A_1568, %swap3A_1569, %swap3A_1570] {strides = array<i32>} : memref<2x8x128xi32, #tpu.memory_space<vmem>>, vector<16xi32>,
        tpu.vector_store %arg12[%swap3A_1568, %swap3A_1569, %swap3A_1570], %bitcast3A_1566 {strides = array<i32>} : memref<2x8x128xi32, #tpu.memory_space<vmem>>, vector<16xi32>,
        %get3A_1572 = arith.constant 1 : i32
        %get3A_1573 = arith.index_cast %sub3A_1209 : i32 to index
        %get3A_1574 = arith.index_cast %get3A_1572 : i32 to index
        %get3A_1575 = arith.constant 0 : index
        %get3A_1576 = tpu.vector_load %arg12[%get3A_1573, %get3A_1574, %get3A_1575] {strides = array<i32>} : memref<2x8x128xi32, #tpu.memory_space<vmem>>, vector<16xi32>,
        %bitcast3A_1577 = vector.bitcast %get3A_1576 : vector<16xi32> to vector<16xi32>
        %min3A_1578 = arith.minui %bitcast3A_1577, %broadcast_in_dim3A_23 : vector<16xi32>
        %bitcast3A_1579 = vector.bitcast %min3A_1578 : vector<16xi32> to vector<16xi32>
        %swap3A_1580 = arith.constant 1 : i32
        %swap3A_1581 = arith.index_cast %sub3A_1209 : i32 to index
        %swap3A_1582 = arith.index_cast %swap3A_1580 : i32 to index
        %swap3A_1583 = arith.constant 0 : index
        %swap3A_1584 = tpu.vector_load %arg12[%swap3A_1581, %swap3A_1582, %swap3A_1583] {strides = array<i32>} : memref<2x8x128xi32, #tpu.memory_space<vmem>>, vector<16xi32>,
        tpu.vector_store %arg12[%swap3A_1581, %swap3A_1582, %swap3A_1583], %bitcast3A_1579 {strides = array<i32>} : memref<2x8x128xi32, #tpu.memory_space<vmem>>, vector<16xi32>,
        %get3A_1585 = arith.constant 1 : i32
        %get3A_1586 = arith.index_cast %sub3A_1209 : i32 to index
        %get3A_1587 = arith.index_cast %get3A_1585 : i32 to index
        %get3A_1588 = arith.constant 16 : index
        %get3A_1589 = tpu.vector_load %arg12[%get3A_1586, %get3A_1587, %get3A_1588] {strides = array<i32>} : memref<2x8x128xi32, #tpu.memory_space<vmem>>, vector<16xi32>,
        %bitcast3A_1590 = vector.bitcast %get3A_1589 : vector<16xi32> to vector<16xi32>
        %min3A_1591 = arith.minui %bitcast3A_1590, %broadcast_in_dim3A_23 : vector<16xi32>
        %bitcast3A_1592 = vector.bitcast %min3A_1591 : vector<16xi32> to vector<16xi32>
        %swap3A_1593 = arith.constant 1 : i32
        %swap3A_1594 = arith.index_cast %sub3A_1209 : i32 to index
        %swap3A_1595 = arith.index_cast %swap3A_1593 : i32 to index
        %swap3A_1596 = arith.constant 16 : index
        %swap3A_1597 = tpu.vector_load %arg12[%swap3A_1594, %swap3A_1595, %swap3A_1596] {strides = array<i32>} : memref<2x8x128xi32, #tpu.memory_space<vmem>>, vector<16xi32>,
        tpu.vector_store %arg12[%swap3A_1594, %swap3A_1595, %swap3A_1596], %bitcast3A_1592 {strides = array<i32>} : memref<2x8x128xi32, #tpu.memory_space<vmem>>, vector<16xi32>,
        %get3A_1598 = arith.constant 1 : i32
        %get3A_1599 = arith.index_cast %sub3A_1209 : i32 to index
        %get3A_1600 = arith.index_cast %get3A_1598 : i32 to index
        %get3A_1601 = arith.constant 32 : index
        %get3A_1602 = tpu.vector_load %arg12[%get3A_1599, %get3A_1600, %get3A_1601] {strides = array<i32>} : memref<2x8x128xi32, #tpu.memory_space<vmem>>, vector<16xi32>,
        %bitcast3A_1603 = vector.bitcast %get3A_1602 : vector<16xi32> to vector<16xi32>
        %min3A_1604 = arith.minui %bitcast3A_1603, %broadcast_in_dim3A_23 : vector<16xi32>
        %bitcast3A_1605 = vector.bitcast %min3A_1604 : vector<16xi32> to vector<16xi32>
        %swap3A_1606 = arith.constant 1 : i32
        %swap3A_1607 = arith.index_cast %sub3A_1209 : i32 to index
        %swap3A_1608 = arith.index_cast %swap3A_1606 : i32 to index
        %swap3A_1609 = arith.constant 32 : index
        %swap3A_1610 = tpu.vector_load %arg12[%swap3A_1607, %swap3A_1608, %swap3A_1609] {strides = array<i32>} : memref<2x8x128xi32, #tpu.memory_space<vmem>>, vector<16xi32>,
        tpu.vector_store %arg12[%swap3A_1607, %swap3A_1608, %swap3A_1609], %bitcast3A_1605 {strides = array<i32>} : memref<2x8x128xi32, #tpu.memory_space<vmem>>, vector<16xi32>,
        %get3A_1611 = arith.constant 1 : i32
        %get3A_1612 = arith.index_cast %sub3A_1209 : i32 to index
        %get3A_1613 = arith.index_cast %get3A_1611 : i32 to index
        %get3A_1614 = arith.constant 48 : index
        %get3A_1615 = tpu.vector_load %arg12[%get3A_1612, %get3A_1613, %get3A_1614] {strides = array<i32>} : memref<2x8x128xi32, #tpu.memory_space<vmem>>, vector<16xi32>,
        %bitcast3A_1616 = vector.bitcast %get3A_1615 : vector<16xi32> to vector<16xi32>
        %min3A_1617 = arith.minui %bitcast3A_1616, %broadcast_in_dim3A_23 : vector<16xi32>
        %bitcast3A_1618 = vector.bitcast %min3A_1617 : vector<16xi32> to vector<16xi32>
        %swap3A_1619 = arith.constant 1 : i32
        %swap3A_1620 = arith.index_cast %sub3A_1209 : i32 to index
        %swap3A_1621 = arith.index_cast %swap3A_1619 : i32 to index
        %swap3A_1622 = arith.constant 48 : index
        %swap3A_1623 = tpu.vector_load %arg12[%swap3A_1620, %swap3A_1621, %swap3A_1622] {strides = array<i32>} : memref<2x8x128xi32, #tpu.memory_space<vmem>>, vector<16xi32>,
        tpu.vector_store %arg12[%swap3A_1620, %swap3A_1621, %swap3A_1622], %bitcast3A_1618 {strides = array<i32>} : memref<2x8x128xi32, #tpu.memory_space<vmem>>, vector<16xi32>,
        %get3A_1624 = arith.constant 1 : i32
        %get3A_1625 = arith.index_cast %sub3A_1209 : i32 to index
        %get3A_1626 = arith.index_cast %get3A_1624 : i32 to index
        %get3A_1627 = arith.constant 64 : index
        %get3A_1628 = tpu.vector_load %arg12[%get3A_1625, %get3A_1626, %get3A_1627] {strides = array<i32>} : memref<2x8x128xi32, #tpu.memory_space<vmem>>, vector<16xi32>,
        %bitcast3A_1629 = vector.bitcast %get3A_1628 : vector<16xi32> to vector<16xi32>
        %min3A_1630 = arith.minui %bitcast3A_1629, %broadcast_in_dim3A_23 : vector<16xi32>
        %bitcast3A_1631 = vector.bitcast %min3A_1630 : vector<16xi32> to vector<16xi32>
        %swap3A_1632 = arith.constant 1 : i32
        %swap3A_1633 = arith.index_cast %sub3A_1209 : i32 to index
        %swap3A_1634 = arith.index_cast %swap3A_1632 : i32 to index
        %swap3A_1635 = arith.constant 64 : index
        %swap3A_1636 = tpu.vector_load %arg12[%swap3A_1633, %swap3A_1634, %swap3A_1635] {strides = array<i32>} : memref<2x8x128xi32, #tpu.memory_space<vmem>>, vector<16xi32>,
        tpu.vector_store %arg12[%swap3A_1633, %swap3A_1634, %swap3A_1635], %bitcast3A_1631 {strides = array<i32>} : memref<2x8x128xi32, #tpu.memory_space<vmem>>, vector<16xi32>,
        %get3A_1637 = arith.constant 1 : i32
        %get3A_1638 = arith.index_cast %sub3A_1209 : i32 to index
        %get3A_1639 = arith.index_cast %get3A_1637 : i32 to index
        %get3A_1640 = arith.constant 80 : index
        %get3A_1641 = tpu.vector_load %arg12[%get3A_1638, %get3A_1639, %get3A_1640] {strides = array<i32>} : memref<2x8x128xi32, #tpu.memory_space<vmem>>, vector<16xi32>,
        %bitcast3A_1642 = vector.bitcast %get3A_1641 : vector<16xi32> to vector<16xi32>
        %min3A_1643 = arith.minui %bitcast3A_1642, %broadcast_in_dim3A_23 : vector<16xi32>
        %bitcast3A_1644 = vector.bitcast %min3A_1643 : vector<16xi32> to vector<16xi32>
        %swap3A_1645 = arith.constant 1 : i32
        %swap3A_1646 = arith.index_cast %sub3A_1209 : i32 to index
        %swap3A_1647 = arith.index_cast %swap3A_1645 : i32 to index
        %swap3A_1648 = arith.constant 80 : index
        %swap3A_1649 = tpu.vector_load %arg12[%swap3A_1646, %swap3A_1647, %swap3A_1648] {strides = array<i32>} : memref<2x8x128xi32, #tpu.memory_space<vmem>>, vector<16xi32>,
        tpu.vector_store %arg12[%swap3A_1646, %swap3A_1647, %swap3A_1648], %bitcast3A_1644 {strides = array<i32>} : memref<2x8x128xi32, #tpu.memory_space<vmem>>, vector<16xi32>,
        %get3A_1650 = arith.constant 1 : i32
        %get3A_1651 = arith.index_cast %sub3A_1209 : i32 to index
        %get3A_1652 = arith.index_cast %get3A_1650 : i32 to index
        %get3A_1653 = arith.constant 96 : index
        %get3A_1654 = tpu.vector_load %arg12[%get3A_1651, %get3A_1652, %get3A_1653] {strides = array<i32>} : memref<2x8x128xi32, #tpu.memory_space<vmem>>, vector<16xi32>,
        %bitcast3A_1655 = vector.bitcast %get3A_1654 : vector<16xi32> to vector<16xi32>
        %min3A_1656 = arith.minui %bitcast3A_1655, %broadcast_in_dim3A_23 : vector<16xi32>
        %bitcast3A_1657 = vector.bitcast %min3A_1656 : vector<16xi32> to vector<16xi32>
        %swap3A_1658 = arith.constant 1 : i32
        %swap3A_1659 = arith.index_cast %sub3A_1209 : i32 to index
        %swap3A_1660 = arith.index_cast %swap3A_1658 : i32 to index
        %swap3A_1661 = arith.constant 96 : index
        %swap3A_1662 = tpu.vector_load %arg12[%swap3A_1659, %swap3A_1660, %swap3A_1661] {strides = array<i32>} : memref<2x8x128xi32, #tpu.memory_space<vmem>>, vector<16xi32>,
        tpu.vector_store %arg12[%swap3A_1659, %swap3A_1660, %swap3A_1661], %bitcast3A_1657 {strides = array<i32>} : memref<2x8x128xi32, #tpu.memory_space<vmem>>, vector<16xi32>,
        %get3A_1663 = arith.constant 1 : i32
        %get3A_1664 = arith.index_cast %sub3A_1209 : i32 to index
        %get3A_1665 = arith.index_cast %get3A_1663 : i32 to index
        %get3A_1666 = arith.constant 112 : index
        %get3A_1667 = tpu.vector_load %arg12[%get3A_1664, %get3A_1665, %get3A_1666] {strides = array<i32>} : memref<2x8x128xi32, #tpu.memory_space<vmem>>, vector<16xi32>,
        %bitcast3A_1668 = vector.bitcast %get3A_1667 : vector<16xi32> to vector<16xi32>
        %min3A_1669 = arith.minui %bitcast3A_1668, %broadcast_in_dim3A_23 : vector<16xi32>
        %bitcast3A_1670 = vector.bitcast %min3A_1669 : vector<16xi32> to vector<16xi32>
        %swap3A_1671 = arith.constant 1 : i32
        %swap3A_1672 = arith.index_cast %sub3A_1209 : i32 to index
        %swap3A_1673 = arith.index_cast %swap3A_1671 : i32 to index
        %swap3A_1674 = arith.constant 112 : index
        %swap3A_1675 = tpu.vector_load %arg12[%swap3A_1672, %swap3A_1673, %swap3A_1674] {strides = array<i32>} : memref<2x8x128xi32, #tpu.memory_space<vmem>>, vector<16xi32>,
        tpu.vector_store %arg12[%swap3A_1672, %swap3A_1673, %swap3A_1674], %bitcast3A_1670 {strides = array<i32>} : memref<2x8x128xi32, #tpu.memory_space<vmem>>, vector<16xi32>,
        %get3A_1676 = arith.constant 2 : i32
        %get3A_1677 = arith.index_cast %sub3A_1209 : i32 to index
        %get3A_1678 = arith.index_cast %get3A_1676 : i32 to index
        %get3A_1679 = arith.constant 0 : index
        %get3A_1680 = tpu.vector_load %arg12[%get3A_1677, %get3A_1678, %get3A_1679] {strides = array<i32>} : memref<2x8x128xi32, #tpu.memory_space<vmem>>, vector<16xi32>,
        %bitcast3A_1681 = vector.bitcast %get3A_1680 : vector<16xi32> to vector<16xi32>
        %min3A_1682 = arith.minui %bitcast3A_1681, %broadcast_in_dim3A_23 : vector<16xi32>
        %bitcast3A_1683 = vector.bitcast %min3A_1682 : vector<16xi32> to vector<16xi32>
        %swap3A_1684 = arith.constant 2 : i32
        %swap3A_1685 = arith.index_cast %sub3A_1209 : i32 to index
        %swap3A_1686 = arith.index_cast %swap3A_1684 : i32 to index
        %swap3A_1687 = arith.constant 0 : index
        %swap3A_1688 = tpu.vector_load %arg12[%swap3A_1685, %swap3A_1686, %swap3A_1687] {strides = array<i32>} : memref<2x8x128xi32, #tpu.memory_space<vmem>>, vector<16xi32>,
        tpu.vector_store %arg12[%swap3A_1685, %swap3A_1686, %swap3A_1687], %bitcast3A_1683 {strides = array<i32>} : memref<2x8x128xi32, #tpu.memory_space<vmem>>, vector<16xi32>,
        %get3A_1689 = arith.constant 2 : i32
        %get3A_1690 = arith.index_cast %sub3A_1209 : i32 to index
        %get3A_1691 = arith.index_cast %get3A_1689 : i32 to index
        %get3A_1692 = arith.constant 16 : index
        %get3A_1693 = tpu.vector_load %arg12[%get3A_1690, %get3A_1691, %get3A_1692] {strides = array<i32>} : memref<2x8x128xi32, #tpu.memory_space<vmem>>, vector<16xi32>,
        %bitcast3A_1694 = vector.bitcast %get3A_1693 : vector<16xi32> to vector<16xi32>
        %min3A_1695 = arith.minui %bitcast3A_1694, %broadcast_in_dim3A_23 : vector<16xi32>
        %bitcast3A_1696 = vector.bitcast %min3A_1695 : vector<16xi32> to vector<16xi32>
        %swap3A_1697 = arith.constant 2 : i32
        %swap3A_1698 = arith.index_cast %sub3A_1209 : i32 to index
        %swap3A_1699 = arith.index_cast %swap3A_1697 : i32 to index
        %swap3A_1700 = arith.constant 16 : index
        %swap3A_1701 = tpu.vector_load %arg12[%swap3A_1698, %swap3A_1699, %swap3A_1700] {strides = array<i32>} : memref<2x8x128xi32, #tpu.memory_space<vmem>>, vector<16xi32>,
        tpu.vector_store %arg12[%swap3A_1698, %swap3A_1699, %swap3A_1700], %bitcast3A_1696 {strides = array<i32>} : memref<2x8x128xi32, #tpu.memory_space<vmem>>, vector<16xi32>,
        %get3A_1702 = arith.constant 2 : i32
        %get3A_1703 = arith.index_cast %sub3A_1209 : i32 to index
        %get3A_1704 = arith.index_cast %get3A_1702 : i32 to index
        %get3A_1705 = arith.constant 32 : index
        %get3A_1706 = tpu.vector_load %arg12[%get3A_1703, %get3A_1704, %get3A_1705] {strides = array<i32>} : memref<2x8x128xi32, #tpu.memory_space<vmem>>, vector<16xi32>,
        %bitcast3A_1707 = vector.bitcast %get3A_1706 : vector<16xi32> to vector<16xi32>
        %min3A_1708 = arith.minui %bitcast3A_1707, %broadcast_in_dim3A_23 : vector<16xi32>
        %bitcast3A_1709 = vector.bitcast %min3A_1708 : vector<16xi32> to vector<16xi32>
        %swap3A_1710 = arith.constant 2 : i32
        %swap3A_1711 = arith.index_cast %sub3A_1209 : i32 to index
        %swap3A_1712 = arith.index_cast %swap3A_1710 : i32 to index
        %swap3A_1713 = arith.constant 32 : index
        %swap3A_1714 = tpu.vector_load %arg12[%swap3A_1711, %swap3A_1712, %swap3A_1713] {strides = array<i32>} : memref<2x8x128xi32, #tpu.memory_space<vmem>>, vector<16xi32>,
        tpu.vector_store %arg12[%swap3A_1711, %swap3A_1712, %swap3A_1713], %bitcast3A_1709 {strides = array<i32>} : memref<2x8x128xi32, #tpu.memory_space<vmem>>, vector<16xi32>,
        %get3A_1715 = arith.constant 2 : i32
        %get3A_1716 = arith.index_cast %sub3A_1209 : i32 to index
        %get3A_1717 = arith.index_cast %get3A_1715 : i32 to index
        %get3A_1718 = arith.constant 48 : index
        %get3A_1719 = tpu.vector_load %arg12[%get3A_1716, %get3A_1717, %get3A_1718] {strides = array<i32>} : memref<2x8x128xi32, #tpu.memory_space<vmem>>, vector<16xi32>,
        %bitcast3A_1720 = vector.bitcast %get3A_1719 : vector<16xi32> to vector<16xi32>
        %min3A_1721 = arith.minui %bitcast3A_1720, %broadcast_in_dim3A_23 : vector<16xi32>
        %bitcast3A_1722 = vector.bitcast %min3A_1721 : vector<16xi32> to vector<16xi32>
        %swap3A_1723 = arith.constant 2 : i32
        %swap3A_1724 = arith.index_cast %sub3A_1209 : i32 to index
        %swap3A_1725 = arith.index_cast %swap3A_1723 : i32 to index
        %swap3A_1726 = arith.constant 48 : index
        %swap3A_1727 = tpu.vector_load %arg12[%swap3A_1724, %swap3A_1725, %swap3A_1726] {strides = array<i32>} : memref<2x8x128xi32, #tpu.memory_space<vmem>>, vector<16xi32>,
        tpu.vector_store %arg12[%swap3A_1724, %swap3A_1725, %swap3A_1726], %bitcast3A_1722 {strides = array<i32>} : memref<2x8x128xi32, #tpu.memory_space<vmem>>, vector<16xi32>,
        %get3A_1728 = arith.constant 2 : i32
        %get3A_1729 = arith.index_cast %sub3A_1209 : i32 to index
        %get3A_1730 = arith.index_cast %get3A_1728 : i32 to index
        %get3A_1731 = arith.constant 64 : index
        %get3A_1732 = tpu.vector_load %arg12[%get3A_1729, %get3A_1730, %get3A_1731] {strides = array<i32>} : memref<2x8x128xi32, #tpu.memory_space<vmem>>, vector<16xi32>,
        %bitcast3A_1733 = vector.bitcast %get3A_1732 : vector<16xi32> to vector<16xi32>
        %min3A_1734 = arith.minui %bitcast3A_1733, %broadcast_in_dim3A_23 : vector<16xi32>
        %bitcast3A_1735 = vector.bitcast %min3A_1734 : vector<16xi32> to vector<16xi32>
        %swap3A_1736 = arith.constant 2 : i32
        %swap3A_1737 = arith.index_cast %sub3A_1209 : i32 to index
        %swap3A_1738 = arith.index_cast %swap3A_1736 : i32 to index
        %swap3A_1739 = arith.constant 64 : index
        %swap3A_1740 = tpu.vector_load %arg12[%swap3A_1737, %swap3A_1738, %swap3A_1739] {strides = array<i32>} : memref<2x8x128xi32, #tpu.memory_space<vmem>>, vector<16xi32>,
        tpu.vector_store %arg12[%swap3A_1737, %swap3A_1738, %swap3A_1739], %bitcast3A_1735 {strides = array<i32>} : memref<2x8x128xi32, #tpu.memory_space<vmem>>, vector<16xi32>,
        %get3A_1741 = arith.constant 2 : i32
        %get3A_1742 = arith.index_cast %sub3A_1209 : i32 to index
        %get3A_1743 = arith.index_cast %get3A_1741 : i32 to index
        %get3A_1744 = arith.constant 80 : index
        %get3A_1745 = tpu.vector_load %arg12[%get3A_1742, %get3A_1743, %get3A_1744] {strides = array<i32>} : memref<2x8x128xi32, #tpu.memory_space<vmem>>, vector<16xi32>,
        %bitcast3A_1746 = vector.bitcast %get3A_1745 : vector<16xi32> to vector<16xi32>
        %min3A_1747 = arith.minui %bitcast3A_1746, %broadcast_in_dim3A_23 : vector<16xi32>
        %bitcast3A_1748 = vector.bitcast %min3A_1747 : vector<16xi32> to vector<16xi32>
        %swap3A_1749 = arith.constant 2 : i32
        %swap3A_1750 = arith.index_cast %sub3A_1209 : i32 to index
        %swap3A_1751 = arith.index_cast %swap3A_1749 : i32 to index
        %swap3A_1752 = arith.constant 80 : index
        %swap3A_1753 = tpu.vector_load %arg12[%swap3A_1750, %swap3A_1751, %swap3A_1752] {strides = array<i32>} : memref<2x8x128xi32, #tpu.memory_space<vmem>>, vector<16xi32>,
        tpu.vector_store %arg12[%swap3A_1750, %swap3A_1751, %swap3A_1752], %bitcast3A_1748 {strides = array<i32>} : memref<2x8x128xi32, #tpu.memory_space<vmem>>, vector<16xi32>,
        %get3A_1754 = arith.constant 2 : i32
        %get3A_1755 = arith.index_cast %sub3A_1209 : i32 to index
        %get3A_1756 = arith.index_cast %get3A_1754 : i32 to index
        %get3A_1757 = arith.constant 96 : index
        %get3A_1758 = tpu.vector_load %arg12[%get3A_1755, %get3A_1756, %get3A_1757] {strides = array<i32>} : memref<2x8x128xi32, #tpu.memory_space<vmem>>, vector<16xi32>,
        %bitcast3A_1759 = vector.bitcast %get3A_1758 : vector<16xi32> to vector<16xi32>
        %min3A_1760 = arith.minui %bitcast3A_1759, %broadcast_in_dim3A_23 : vector<16xi32>
        %bitcast3A_1761 = vector.bitcast %min3A_1760 : vector<16xi32> to vector<16xi32>
        %swap3A_1762 = arith.constant 2 : i32
        %swap3A_1763 = arith.index_cast %sub3A_1209 : i32 to index
        %swap3A_1764 = arith.index_cast %swap3A_1762 : i32 to index
        %swap3A_1765 = arith.constant 96 : index
        %swap3A_1766 = tpu.vector_load %arg12[%swap3A_1763, %swap3A_1764, %swap3A_1765] {strides = array<i32>} : memref<2x8x128xi32, #tpu.memory_space<vmem>>, vector<16xi32>,
        tpu.vector_store %arg12[%swap3A_1763, %swap3A_1764, %swap3A_1765], %bitcast3A_1761 {strides = array<i32>} : memref<2x8x128xi32, #tpu.memory_space<vmem>>, vector<16xi32>,
        %get3A_1767 = arith.constant 2 : i32
        %get3A_1768 = arith.index_cast %sub3A_1209 : i32 to index
        %get3A_1769 = arith.index_cast %get3A_1767 : i32 to index
        %get3A_1770 = arith.constant 112 : index
        %get3A_1771 = tpu.vector_load %arg12[%get3A_1768, %get3A_1769, %get3A_1770] {strides = array<i32>} : memref<2x8x128xi32, #tpu.memory_space<vmem>>, vector<16xi32>,
        %bitcast3A_1772 = vector.bitcast %get3A_1771 : vector<16xi32> to vector<16xi32>
        %min3A_1773 = arith.minui %bitcast3A_1772, %broadcast_in_dim3A_23 : vector<16xi32>
        %bitcast3A_1774 = vector.bitcast %min3A_1773 : vector<16xi32> to vector<16xi32>
        %swap3A_1775 = arith.constant 2 : i32
        %swap3A_1776 = arith.index_cast %sub3A_1209 : i32 to index
        %swap3A_1777 = arith.index_cast %swap3A_1775 : i32 to index
        %swap3A_1778 = arith.constant 112 : index
        %swap3A_1779 = tpu.vector_load %arg12[%swap3A_1776, %swap3A_1777, %swap3A_1778] {strides = array<i32>} : memref<2x8x128xi32, #tpu.memory_space<vmem>>, vector<16xi32>,
        tpu.vector_store %arg12[%swap3A_1776, %swap3A_1777, %swap3A_1778], %bitcast3A_1774 {strides = array<i32>} : memref<2x8x128xi32, #tpu.memory_space<vmem>>, vector<16xi32>,
        %get3A_1780 = arith.constant 3 : i32
        %get3A_1781 = arith.index_cast %sub3A_1209 : i32 to index
        %get3A_1782 = arith.index_cast %get3A_1780 : i32 to index
        %get3A_1783 = arith.constant 0 : index
        %get3A_1784 = tpu.vector_load %arg12[%get3A_1781, %get3A_1782, %get3A_1783] {strides = array<i32>} : memref<2x8x128xi32, #tpu.memory_space<vmem>>, vector<16xi32>,
        %bitcast3A_1785 = vector.bitcast %get3A_1784 : vector<16xi32> to vector<16xi32>
        %min3A_1786 = arith.minui %bitcast3A_1785, %broadcast_in_dim3A_23 : vector<16xi32>
        %bitcast3A_1787 = vector.bitcast %min3A_1786 : vector<16xi32> to vector<16xi32>
        %swap3A_1788 = arith.constant 3 : i32
        %swap3A_1789 = arith.index_cast %sub3A_1209 : i32 to index
        %swap3A_1790 = arith.index_cast %swap3A_1788 : i32 to index
        %swap3A_1791 = arith.constant 0 : index
        %swap3A_1792 = tpu.vector_load %arg12[%swap3A_1789, %swap3A_1790, %swap3A_1791] {strides = array<i32>} : memref<2x8x128xi32, #tpu.memory_space<vmem>>, vector<16xi32>,
        tpu.vector_store %arg12[%swap3A_1789, %swap3A_1790, %swap3A_1791], %bitcast3A_1787 {strides = array<i32>} : memref<2x8x128xi32, #tpu.memory_space<vmem>>, vector<16xi32>,
        %get3A_1793 = arith.constant 3 : i32
        %get3A_1794 = arith.index_cast %sub3A_1209 : i32 to index
        %get3A_1795 = arith.index_cast %get3A_1793 : i32 to index
        %get3A_1796 = arith.constant 16 : index
        %get3A_1797 = tpu.vector_load %arg12[%get3A_1794, %get3A_1795, %get3A_1796] {strides = array<i32>} : memref<2x8x128xi32, #tpu.memory_space<vmem>>, vector<16xi32>,
        %bitcast3A_1798 = vector.bitcast %get3A_1797 : vector<16xi32> to vector<16xi32>
        %min3A_1799 = arith.minui %bitcast3A_1798, %broadcast_in_dim3A_23 : vector<16xi32>
        %bitcast3A_1800 = vector.bitcast %min3A_1799 : vector<16xi32> to vector<16xi32>
        %swap3A_1801 = arith.constant 3 : i32
        %swap3A_1802 = arith.index_cast %sub3A_1209 : i32 to index
        %swap3A_1803 = arith.index_cast %swap3A_1801 : i32 to index
        %swap3A_1804 = arith.constant 16 : index
        %swap3A_1805 = tpu.vector_load %arg12[%swap3A_1802, %swap3A_1803, %swap3A_1804] {strides = array<i32>} : memref<2x8x128xi32, #tpu.memory_space<vmem>>, vector<16xi32>,
        tpu.vector_store %arg12[%swap3A_1802, %swap3A_1803, %swap3A_1804], %bitcast3A_1800 {strides = array<i32>} : memref<2x8x128xi32, #tpu.memory_space<vmem>>, vector<16xi32>,
        %get3A_1806 = arith.constant 3 : i32
        %get3A_1807 = arith.index_cast %sub3A_1209 : i32 to index
        %get3A_1808 = arith.index_cast %get3A_1806 : i32 to index
        %get3A_1809 = arith.constant 32 : index
        %get3A_1810 = tpu.vector_load %arg12[%get3A_1807, %get3A_1808, %get3A_1809] {strides = array<i32>} : memref<2x8x128xi32, #tpu.memory_space<vmem>>, vector<16xi32>,
        %bitcast3A_1811 = vector.bitcast %get3A_1810 : vector<16xi32> to vector<16xi32>
        %min3A_1812 = arith.minui %bitcast3A_1811, %broadcast_in_dim3A_23 : vector<16xi32>
        %bitcast3A_1813 = vector.bitcast %min3A_1812 : vector<16xi32> to vector<16xi32>
        %swap3A_1814 = arith.constant 3 : i32
        %swap3A_1815 = arith.index_cast %sub3A_1209 : i32 to index
        %swap3A_1816 = arith.index_cast %swap3A_1814 : i32 to index
        %swap3A_1817 = arith.constant 32 : index
        %swap3A_1818 = tpu.vector_load %arg12[%swap3A_1815, %swap3A_1816, %swap3A_1817] {strides = array<i32>} : memref<2x8x128xi32, #tpu.memory_space<vmem>>, vector<16xi32>,
        tpu.vector_store %arg12[%swap3A_1815, %swap3A_1816, %swap3A_1817], %bitcast3A_1813 {strides = array<i32>} : memref<2x8x128xi32, #tpu.memory_space<vmem>>, vector<16xi32>,
        %get3A_1819 = arith.constant 3 : i32
        %get3A_1820 = arith.index_cast %sub3A_1209 : i32 to index
        %get3A_1821 = arith.index_cast %get3A_1819 : i32 to index
        %get3A_1822 = arith.constant 48 : index
        %get3A_1823 = tpu.vector_load %arg12[%get3A_1820, %get3A_1821, %get3A_1822] {strides = array<i32>} : memref<2x8x128xi32, #tpu.memory_space<vmem>>, vector<16xi32>,
        %bitcast3A_1824 = vector.bitcast %get3A_1823 : vector<16xi32> to vector<16xi32>
        %min3A_1825 = arith.minui %bitcast3A_1824, %broadcast_in_dim3A_23 : vector<16xi32>
        %bitcast3A_1826 = vector.bitcast %min3A_1825 : vector<16xi32> to vector<16xi32>
        %swap3A_1827 = arith.constant 3 : i32
        %swap3A_1828 = arith.index_cast %sub3A_1209 : i32 to index
        %swap3A_1829 = arith.index_cast %swap3A_1827 : i32 to index
        %swap3A_1830 = arith.constant 48 : index
        %swap3A_1831 = tpu.vector_load %arg12[%swap3A_1828, %swap3A_1829, %swap3A_1830] {strides = array<i32>} : memref<2x8x128xi32, #tpu.memory_space<vmem>>, vector<16xi32>,
        tpu.vector_store %arg12[%swap3A_1828, %swap3A_1829, %swap3A_1830], %bitcast3A_1826 {strides = array<i32>} : memref<2x8x128xi32, #tpu.memory_space<vmem>>, vector<16xi32>,
        %get3A_1832 = arith.constant 3 : i32
        %get3A_1833 = arith.index_cast %sub3A_1209 : i32 to index
        %get3A_1834 = arith.index_cast %get3A_1832 : i32 to index
        %get3A_1835 = arith.constant 64 : index
        %get3A_1836 = tpu.vector_load %arg12[%get3A_1833, %get3A_1834, %get3A_1835] {strides = array<i32>} : memref<2x8x128xi32, #tpu.memory_space<vmem>>, vector<16xi32>,
        %bitcast3A_1837 = vector.bitcast %get3A_1836 : vector<16xi32> to vector<16xi32>
        %min3A_1838 = arith.minui %bitcast3A_1837, %broadcast_in_dim3A_23 : vector<16xi32>
        %bitcast3A_1839 = vector.bitcast %min3A_1838 : vector<16xi32> to vector<16xi32>
        %swap3A_1840 = arith.constant 3 : i32
        %swap3A_1841 = arith.index_cast %sub3A_1209 : i32 to index
        %swap3A_1842 = arith.index_cast %swap3A_1840 : i32 to index
        %swap3A_1843 = arith.constant 64 : index
        %swap3A_1844 = tpu.vector_load %arg12[%swap3A_1841, %swap3A_1842, %swap3A_1843] {strides = array<i32>} : memref<2x8x128xi32, #tpu.memory_space<vmem>>, vector<16xi32>,
        tpu.vector_store %arg12[%swap3A_1841, %swap3A_1842, %swap3A_1843], %bitcast3A_1839 {strides = array<i32>} : memref<2x8x128xi32, #tpu.memory_space<vmem>>, vector<16xi32>,
        %get3A_1845 = arith.constant 3 : i32
        %get3A_1846 = arith.index_cast %sub3A_1209 : i32 to index
        %get3A_1847 = arith.index_cast %get3A_1845 : i32 to index
        %get3A_1848 = arith.constant 80 : index
        %get3A_1849 = tpu.vector_load %arg12[%get3A_1846, %get3A_1847, %get3A_1848] {strides = array<i32>} : memref<2x8x128xi32, #tpu.memory_space<vmem>>, vector<16xi32>,
        %bitcast3A_1850 = vector.bitcast %get3A_1849 : vector<16xi32> to vector<16xi32>
        %min3A_1851 = arith.minui %bitcast3A_1850, %broadcast_in_dim3A_23 : vector<16xi32>
        %bitcast3A_1852 = vector.bitcast %min3A_1851 : vector<16xi32> to vector<16xi32>
        %swap3A_1853 = arith.constant 3 : i32
        %swap3A_1854 = arith.index_cast %sub3A_1209 : i32 to index
        %swap3A_1855 = arith.index_cast %swap3A_1853 : i32 to index
        %swap3A_1856 = arith.constant 80 : index
        %swap3A_1857 = tpu.vector_load %arg12[%swap3A_1854, %swap3A_1855, %swap3A_1856] {strides = array<i32>} : memref<2x8x128xi32, #tpu.memory_space<vmem>>, vector<16xi32>,
        tpu.vector_store %arg12[%swap3A_1854, %swap3A_1855, %swap3A_1856], %bitcast3A_1852 {strides = array<i32>} : memref<2x8x128xi32, #tpu.memory_space<vmem>>, vector<16xi32>,
        %get3A_1858 = arith.constant 3 : i32
        %get3A_1859 = arith.index_cast %sub3A_1209 : i32 to index
        %get3A_1860 = arith.index_cast %get3A_1858 : i32 to index
        %get3A_1861 = arith.constant 96 : index
        %get3A_1862 = tpu.vector_load %arg12[%get3A_1859, %get3A_1860, %get3A_1861] {strides = array<i32>} : memref<2x8x128xi32, #tpu.memory_space<vmem>>, vector<16xi32>,
        %bitcast3A_1863 = vector.bitcast %get3A_1862 : vector<16xi32> to vector<16xi32>
        %min3A_1864 = arith.minui %bitcast3A_1863, %broadcast_in_dim3A_23 : vector<16xi32>
        %bitcast3A_1865 = vector.bitcast %min3A_1864 : vector<16xi32> to vector<16xi32>
        %swap3A_1866 = arith.constant 3 : i32
        %swap3A_1867 = arith.index_cast %sub3A_1209 : i32 to index
        %swap3A_1868 = arith.index_cast %swap3A_1866 : i32 to index
        %swap3A_1869 = arith.constant 96 : index
        %swap3A_1870 = tpu.vector_load %arg12[%swap3A_1867, %swap3A_1868, %swap3A_1869] {strides = array<i32>} : memref<2x8x128xi32, #tpu.memory_space<vmem>>, vector<16xi32>,
        tpu.vector_store %arg12[%swap3A_1867, %swap3A_1868, %swap3A_1869], %bitcast3A_1865 {strides = array<i32>} : memref<2x8x128xi32, #tpu.memory_space<vmem>>, vector<16xi32>,
        %get3A_1871 = arith.constant 3 : i32
        %get3A_1872 = arith.index_cast %sub3A_1209 : i32 to index
        %get3A_1873 = arith.index_cast %get3A_1871 : i32 to index
        %get3A_1874 = arith.constant 112 : index
        %get3A_1875 = tpu.vector_load %arg12[%get3A_1872, %get3A_1873, %get3A_1874] {strides = array<i32>} : memref<2x8x128xi32, #tpu.memory_space<vmem>>, vector<16xi32>,
        %bitcast3A_1876 = vector.bitcast %get3A_1875 : vector<16xi32> to vector<16xi32>
        %min3A_1877 = arith.minui %bitcast3A_1876, %broadcast_in_dim3A_23 : vector<16xi32>
        %bitcast3A_1878 = vector.bitcast %min3A_1877 : vector<16xi32> to vector<16xi32>
        %swap3A_1879 = arith.constant 3 : i32
        %swap3A_1880 = arith.index_cast %sub3A_1209 : i32 to index
        %swap3A_1881 = arith.index_cast %swap3A_1879 : i32 to index
        %swap3A_1882 = arith.constant 112 : index
        %swap3A_1883 = tpu.vector_load %arg12[%swap3A_1880, %swap3A_1881, %swap3A_1882] {strides = array<i32>} : memref<2x8x128xi32, #tpu.memory_space<vmem>>, vector<16xi32>,
        tpu.vector_store %arg12[%swap3A_1880, %swap3A_1881, %swap3A_1882], %bitcast3A_1878 {strides = array<i32>} : memref<2x8x128xi32, #tpu.memory_space<vmem>>, vector<16xi32>,
        %get3A_1884 = arith.constant 4 : i32
        %get3A_1885 = arith.index_cast %sub3A_1209 : i32 to index
        %get3A_1886 = arith.index_cast %get3A_1884 : i32 to index
        %get3A_1887 = arith.constant 0 : index
        %get3A_1888 = tpu.vector_load %arg12[%get3A_1885, %get3A_1886, %get3A_1887] {strides = array<i32>} : memref<2x8x128xi32, #tpu.memory_space<vmem>>, vector<16xi32>,
        %bitcast3A_1889 = vector.bitcast %get3A_1888 : vector<16xi32> to vector<16xi32>
        %min3A_1890 = arith.minui %bitcast3A_1889, %broadcast_in_dim3A_23 : vector<16xi32>
        %bitcast3A_1891 = vector.bitcast %min3A_1890 : vector<16xi32> to vector<16xi32>
        %swap3A_1892 = arith.constant 4 : i32
        %swap3A_1893 = arith.index_cast %sub3A_1209 : i32 to index
        %swap3A_1894 = arith.index_cast %swap3A_1892 : i32 to index
        %swap3A_1895 = arith.constant 0 : index
        %swap3A_1896 = tpu.vector_load %arg12[%swap3A_1893, %swap3A_1894, %swap3A_1895] {strides = array<i32>} : memref<2x8x128xi32, #tpu.memory_space<vmem>>, vector<16xi32>,
        tpu.vector_store %arg12[%swap3A_1893, %swap3A_1894, %swap3A_1895], %bitcast3A_1891 {strides = array<i32>} : memref<2x8x128xi32, #tpu.memory_space<vmem>>, vector<16xi32>,
        %get3A_1897 = arith.constant 4 : i32
        %get3A_1898 = arith.index_cast %sub3A_1209 : i32 to index
        %get3A_1899 = arith.index_cast %get3A_1897 : i32 to index
        %get3A_1900 = arith.constant 16 : index
        %get3A_1901 = tpu.vector_load %arg12[%get3A_1898, %get3A_1899, %get3A_1900] {strides = array<i32>} : memref<2x8x128xi32, #tpu.memory_space<vmem>>, vector<16xi32>,
        %bitcast3A_1902 = vector.bitcast %get3A_1901 : vector<16xi32> to vector<16xi32>
        %min3A_1903 = arith.minui %bitcast3A_1902, %broadcast_in_dim3A_23 : vector<16xi32>
        %bitcast3A_1904 = vector.bitcast %min3A_1903 : vector<16xi32> to vector<16xi32>
        %swap3A_1905 = arith.constant 4 : i32
        %swap3A_1906 = arith.index_cast %sub3A_1209 : i32 to index
        %swap3A_1907 = arith.index_cast %swap3A_1905 : i32 to index
        %swap3A_1908 = arith.constant 16 : index
        %swap3A_1909 = tpu.vector_load %arg12[%swap3A_1906, %swap3A_1907, %swap3A_1908] {strides = array<i32>} : memref<2x8x128xi32, #tpu.memory_space<vmem>>, vector<16xi32>,
        tpu.vector_store %arg12[%swap3A_1906, %swap3A_1907, %swap3A_1908], %bitcast3A_1904 {strides = array<i32>} : memref<2x8x128xi32, #tpu.memory_space<vmem>>, vector<16xi32>,
        %get3A_1910 = arith.constant 4 : i32
        %get3A_1911 = arith.index_cast %sub3A_1209 : i32 to index
        %get3A_1912 = arith.index_cast %get3A_1910 : i32 to index
        %get3A_1913 = arith.constant 32 : index
        %get3A_1914 = tpu.vector_load %arg12[%get3A_1911, %get3A_1912, %get3A_1913] {strides = array<i32>} : memref<2x8x128xi32, #tpu.memory_space<vmem>>, vector<16xi32>,
        %bitcast3A_1915 = vector.bitcast %get3A_1914 : vector<16xi32> to vector<16xi32>
        %min3A_1916 = arith.minui %bitcast3A_1915, %broadcast_in_dim3A_23 : vector<16xi32>
        %bitcast3A_1917 = vector.bitcast %min3A_1916 : vector<16xi32> to vector<16xi32>
        %swap3A_1918 = arith.constant 4 : i32
        %swap3A_1919 = arith.index_cast %sub3A_1209 : i32 to index
        %swap3A_1920 = arith.index_cast %swap3A_1918 : i32 to index
        %swap3A_1921 = arith.constant 32 : index
        %swap3A_1922 = tpu.vector_load %arg12[%swap3A_1919, %swap3A_1920, %swap3A_1921] {strides = array<i32>} : memref<2x8x128xi32, #tpu.memory_space<vmem>>, vector<16xi32>,
        tpu.vector_store %arg12[%swap3A_1919, %swap3A_1920, %swap3A_1921], %bitcast3A_1917 {strides = array<i32>} : memref<2x8x128xi32, #tpu.memory_space<vmem>>, vector<16xi32>,
        %get3A_1923 = arith.constant 4 : i32
        %get3A_1924 = arith.index_cast %sub3A_1209 : i32 to index
        %get3A_1925 = arith.index_cast %get3A_1923 : i32 to index
        %get3A_1926 = arith.constant 48 : index
        %get3A_1927 = tpu.vector_load %arg12[%get3A_1924, %get3A_1925, %get3A_1926] {strides = array<i32>} : memref<2x8x128xi32, #tpu.memory_space<vmem>>, vector<16xi32>,
        %bitcast3A_1928 = vector.bitcast %get3A_1927 : vector<16xi32> to vector<16xi32>
        %min3A_1929 = arith.minui %bitcast3A_1928, %broadcast_in_dim3A_23 : vector<16xi32>
        %bitcast3A_1930 = vector.bitcast %min3A_1929 : vector<16xi32> to vector<16xi32>
        %swap3A_1931 = arith.constant 4 : i32
        %swap3A_1932 = arith.index_cast %sub3A_1209 : i32 to index
        %swap3A_1933 = arith.index_cast %swap3A_1931 : i32 to index
        %swap3A_1934 = arith.constant 48 : index
        %swap3A_1935 = tpu.vector_load %arg12[%swap3A_1932, %swap3A_1933, %swap3A_1934] {strides = array<i32>} : memref<2x8x128xi32, #tpu.memory_space<vmem>>, vector<16xi32>,
        tpu.vector_store %arg12[%swap3A_1932, %swap3A_1933, %swap3A_1934], %bitcast3A_1930 {strides = array<i32>} : memref<2x8x128xi32, #tpu.memory_space<vmem>>, vector<16xi32>,
        %get3A_1936 = arith.constant 4 : i32
        %get3A_1937 = arith.index_cast %sub3A_1209 : i32 to index
        %get3A_1938 = arith.index_cast %get3A_1936 : i32 to index
        %get3A_1939 = arith.constant 64 : index
        %get3A_1940 = tpu.vector_load %arg12[%get3A_1937, %get3A_1938, %get3A_1939] {strides = array<i32>} : memref<2x8x128xi32, #tpu.memory_space<vmem>>, vector<16xi32>,
        %bitcast3A_1941 = vector.bitcast %get3A_1940 : vector<16xi32> to vector<16xi32>
        %min3A_1942 = arith.minui %bitcast3A_1941, %broadcast_in_dim3A_23 : vector<16xi32>
        %bitcast3A_1943 = vector.bitcast %min3A_1942 : vector<16xi32> to vector<16xi32>
        %swap3A_1944 = arith.constant 4 : i32
        %swap3A_1945 = arith.index_cast %sub3A_1209 : i32 to index
        %swap3A_1946 = arith.index_cast %swap3A_1944 : i32 to index
        %swap3A_1947 = arith.constant 64 : index
        %swap3A_1948 = tpu.vector_load %arg12[%swap3A_1945, %swap3A_1946, %swap3A_1947] {strides = array<i32>} : memref<2x8x128xi32, #tpu.memory_space<vmem>>, vector<16xi32>,
        tpu.vector_store %arg12[%swap3A_1945, %swap3A_1946, %swap3A_1947], %bitcast3A_1943 {strides = array<i32>} : memref<2x8x128xi32, #tpu.memory_space<vmem>>, vector<16xi32>,
        %get3A_1949 = arith.constant 4 : i32
        %get3A_1950 = arith.index_cast %sub3A_1209 : i32 to index
        %get3A_1951 = arith.index_cast %get3A_1949 : i32 to index
        %get3A_1952 = arith.constant 80 : index
        %get3A_1953 = tpu.vector_load %arg12[%get3A_1950, %get3A_1951, %get3A_1952] {strides = array<i32>} : memref<2x8x128xi32, #tpu.memory_space<vmem>>, vector<16xi32>,
        %bitcast3A_1954 = vector.bitcast %get3A_1953 : vector<16xi32> to vector<16xi32>
        %min3A_1955 = arith.minui %bitcast3A_1954, %broadcast_in_dim3A_23 : vector<16xi32>
        %bitcast3A_1956 = vector.bitcast %min3A_1955 : vector<16xi32> to vector<16xi32>
        %swap3A_1957 = arith.constant 4 : i32
        %swap3A_1958 = arith.index_cast %sub3A_1209 : i32 to index
        %swap3A_1959 = arith.index_cast %swap3A_1957 : i32 to index
        %swap3A_1960 = arith.constant 80 : index
        %swap3A_1961 = tpu.vector_load %arg12[%swap3A_1958, %swap3A_1959, %swap3A_1960] {strides = array<i32>} : memref<2x8x128xi32, #tpu.memory_space<vmem>>, vector<16xi32>,
        tpu.vector_store %arg12[%swap3A_1958, %swap3A_1959, %swap3A_1960], %bitcast3A_1956 {strides = array<i32>} : memref<2x8x128xi32, #tpu.memory_space<vmem>>, vector<16xi32>,
        %get3A_1962 = arith.constant 4 : i32
        %get3A_1963 = arith.index_cast %sub3A_1209 : i32 to index
        %get3A_1964 = arith.index_cast %get3A_1962 : i32 to index
        %get3A_1965 = arith.constant 96 : index
        %get3A_1966 = tpu.vector_load %arg12[%get3A_1963, %get3A_1964, %get3A_1965] {strides = array<i32>} : memref<2x8x128xi32, #tpu.memory_space<vmem>>, vector<16xi32>,
        %bitcast3A_1967 = vector.bitcast %get3A_1966 : vector<16xi32> to vector<16xi32>
        %min3A_1968 = arith.minui %bitcast3A_1967, %broadcast_in_dim3A_23 : vector<16xi32>
        %bitcast3A_1969 = vector.bitcast %min3A_1968 : vector<16xi32> to vector<16xi32>
        %swap3A_1970 = arith.constant 4 : i32
        %swap3A_1971 = arith.index_cast %sub3A_1209 : i32 to index
        %swap3A_1972 = arith.index_cast %swap3A_1970 : i32 to index
        %swap3A_1973 = arith.constant 96 : index
        %swap3A_1974 = tpu.vector_load %arg12[%swap3A_1971, %swap3A_1972, %swap3A_1973] {strides = array<i32>} : memref<2x8x128xi32, #tpu.memory_space<vmem>>, vector<16xi32>,
        tpu.vector_store %arg12[%swap3A_1971, %swap3A_1972, %swap3A_1973], %bitcast3A_1969 {strides = array<i32>} : memref<2x8x128xi32, #tpu.memory_space<vmem>>, vector<16xi32>,
        %get3A_1975 = arith.constant 4 : i32
        %get3A_1976 = arith.index_cast %sub3A_1209 : i32 to index
        %get3A_1977 = arith.index_cast %get3A_1975 : i32 to index
        %get3A_1978 = arith.constant 112 : index
        %get3A_1979 = tpu.vector_load %arg12[%get3A_1976, %get3A_1977, %get3A_1978] {strides = array<i32>} : memref<2x8x128xi32, #tpu.memory_space<vmem>>, vector<16xi32>,
        %bitcast3A_1980 = vector.bitcast %get3A_1979 : vector<16xi32> to vector<16xi32>
        %min3A_1981 = arith.minui %bitcast3A_1980, %broadcast_in_dim3A_23 : vector<16xi32>
        %bitcast3A_1982 = vector.bitcast %min3A_1981 : vector<16xi32> to vector<16xi32>
        %swap3A_1983 = arith.constant 4 : i32
        %swap3A_1984 = arith.index_cast %sub3A_1209 : i32 to index
        %swap3A_1985 = arith.index_cast %swap3A_1983 : i32 to index
        %swap3A_1986 = arith.constant 112 : index
        %swap3A_1987 = tpu.vector_load %arg12[%swap3A_1984, %swap3A_1985, %swap3A_1986] {strides = array<i32>} : memref<2x8x128xi32, #tpu.memory_space<vmem>>, vector<16xi32>,
        tpu.vector_store %arg12[%swap3A_1984, %swap3A_1985, %swap3A_1986], %bitcast3A_1982 {strides = array<i32>} : memref<2x8x128xi32, #tpu.memory_space<vmem>>, vector<16xi32>,
        %get3A_1988 = arith.constant 5 : i32
        %get3A_1989 = arith.index_cast %sub3A_1209 : i32 to index
        %get3A_1990 = arith.index_cast %get3A_1988 : i32 to index
        %get3A_1991 = arith.constant 0 : index
        %get3A_1992 = tpu.vector_load %arg12[%get3A_1989, %get3A_1990, %get3A_1991] {strides = array<i32>} : memref<2x8x128xi32, #tpu.memory_space<vmem>>, vector<16xi32>,
        %bitcast3A_1993 = vector.bitcast %get3A_1992 : vector<16xi32> to vector<16xi32>
        %min3A_1994 = arith.minui %bitcast3A_1993, %broadcast_in_dim3A_23 : vector<16xi32>
        %bitcast3A_1995 = vector.bitcast %min3A_1994 : vector<16xi32> to vector<16xi32>
        %swap3A_1996 = arith.constant 5 : i32
        %swap3A_1997 = arith.index_cast %sub3A_1209 : i32 to index
        %swap3A_1998 = arith.index_cast %swap3A_1996 : i32 to index
        %swap3A_1999 = arith.constant 0 : index
        %swap3A_2000 = tpu.vector_load %arg12[%swap3A_1997, %swap3A_1998, %swap3A_1999] {strides = array<i32>} : memref<2x8x128xi32, #tpu.memory_space<vmem>>, vector<16xi32>,
        tpu.vector_store %arg12[%swap3A_1997, %swap3A_1998, %swap3A_1999], %bitcast3A_1995 {strides = array<i32>} : memref<2x8x128xi32, #tpu.memory_space<vmem>>, vector<16xi32>,
        %get3A_2001 = arith.constant 5 : i32
        %get3A_2002 = arith.index_cast %sub3A_1209 : i32 to index
        %get3A_2003 = arith.index_cast %get3A_2001 : i32 to index
        %get3A_2004 = arith.constant 16 : index
        %get3A_2005 = tpu.vector_load %arg12[%get3A_2002, %get3A_2003, %get3A_2004] {strides = array<i32>} : memref<2x8x128xi32, #tpu.memory_space<vmem>>, vector<16xi32>,
        %bitcast3A_2006 = vector.bitcast %get3A_2005 : vector<16xi32> to vector<16xi32>
        %min3A_2007 = arith.minui %bitcast3A_2006, %broadcast_in_dim3A_23 : vector<16xi32>
        %bitcast3A_2008 = vector.bitcast %min3A_2007 : vector<16xi32> to vector<16xi32>
        %swap3A_2009 = arith.constant 5 : i32
        %swap3A_2010 = arith.index_cast %sub3A_1209 : i32 to index
        %swap3A_2011 = arith.index_cast %swap3A_2009 : i32 to index
        %swap3A_2012 = arith.constant 16 : index
        %swap3A_2013 = tpu.vector_load %arg12[%swap3A_2010, %swap3A_2011, %swap3A_2012] {strides = array<i32>} : memref<2x8x128xi32, #tpu.memory_space<vmem>>, vector<16xi32>,
        tpu.vector_store %arg12[%swap3A_2010, %swap3A_2011, %swap3A_2012], %bitcast3A_2008 {strides = array<i32>} : memref<2x8x128xi32, #tpu.memory_space<vmem>>, vector<16xi32>,
        %get3A_2014 = arith.constant 5 : i32
        %get3A_2015 = arith.index_cast %sub3A_1209 : i32 to index
        %get3A_2016 = arith.index_cast %get3A_2014 : i32 to index
        %get3A_2017 = arith.constant 32 : index
        %get3A_2018 = tpu.vector_load %arg12[%get3A_2015, %get3A_2016, %get3A_2017] {strides = array<i32>} : memref<2x8x128xi32, #tpu.memory_space<vmem>>, vector<16xi32>,
        %bitcast3A_2019 = vector.bitcast %get3A_2018 : vector<16xi32> to vector<16xi32>
        %min3A_2020 = arith.minui %bitcast3A_2019, %broadcast_in_dim3A_23 : vector<16xi32>
        %bitcast3A_2021 = vector.bitcast %min3A_2020 : vector<16xi32> to vector<16xi32>
        %swap3A_2022 = arith.constant 5 : i32
        %swap3A_2023 = arith.index_cast %sub3A_1209 : i32 to index
        %swap3A_2024 = arith.index_cast %swap3A_2022 : i32 to index
        %swap3A_2025 = arith.constant 32 : index
        %swap3A_2026 = tpu.vector_load %arg12[%swap3A_2023, %swap3A_2024, %swap3A_2025] {strides = array<i32>} : memref<2x8x128xi32, #tpu.memory_space<vmem>>, vector<16xi32>,
        tpu.vector_store %arg12[%swap3A_2023, %swap3A_2024, %swap3A_2025], %bitcast3A_2021 {strides = array<i32>} : memref<2x8x128xi32, #tpu.memory_space<vmem>>, vector<16xi32>,
        %get3A_2027 = arith.constant 5 : i32
        %get3A_2028 = arith.index_cast %sub3A_1209 : i32 to index
        %get3A_2029 = arith.index_cast %get3A_2027 : i32 to index
        %get3A_2030 = arith.constant 48 : index
        %get3A_2031 = tpu.vector_load %arg12[%get3A_2028, %get3A_2029, %get3A_2030] {strides = array<i32>} : memref<2x8x128xi32, #tpu.memory_space<vmem>>, vector<16xi32>,
        %bitcast3A_2032 = vector.bitcast %get3A_2031 : vector<16xi32> to vector<16xi32>
        %min3A_2033 = arith.minui %bitcast3A_2032, %broadcast_in_dim3A_23 : vector<16xi32>
        %bitcast3A_2034 = vector.bitcast %min3A_2033 : vector<16xi32> to vector<16xi32>
        %swap3A_2035 = arith.constant 5 : i32
        %swap3A_2036 = arith.index_cast %sub3A_1209 : i32 to index
        %swap3A_2037 = arith.index_cast %swap3A_2035 : i32 to index
        %swap3A_2038 = arith.constant 48 : index
        %swap3A_2039 = tpu.vector_load %arg12[%swap3A_2036, %swap3A_2037, %swap3A_2038] {strides = array<i32>} : memref<2x8x128xi32, #tpu.memory_space<vmem>>, vector<16xi32>,
        tpu.vector_store %arg12[%swap3A_2036, %swap3A_2037, %swap3A_2038], %bitcast3A_2034 {strides = array<i32>} : memref<2x8x128xi32, #tpu.memory_space<vmem>>, vector<16xi32>,
        %get3A_2040 = arith.constant 5 : i32
        %get3A_2041 = arith.index_cast %sub3A_1209 : i32 to index
        %get3A_2042 = arith.index_cast %get3A_2040 : i32 to index
        %get3A_2043 = arith.constant 64 : index
        %get3A_2044 = tpu.vector_load %arg12[%get3A_2041, %get3A_2042, %get3A_2043] {strides = array<i32>} : memref<2x8x128xi32, #tpu.memory_space<vmem>>, vector<16xi32>,
        %bitcast3A_2045 = vector.bitcast %get3A_2044 : vector<16xi32> to vector<16xi32>
        %min3A_2046 = arith.minui %bitcast3A_2045, %broadcast_in_dim3A_23 : vector<16xi32>
        %bitcast3A_2047 = vector.bitcast %min3A_2046 : vector<16xi32> to vector<16xi32>
        %swap3A_2048 = arith.constant 5 : i32
        %swap3A_2049 = arith.index_cast %sub3A_1209 : i32 to index
        %swap3A_2050 = arith.index_cast %swap3A_2048 : i32 to index
        %swap3A_2051 = arith.constant 64 : index
        %swap3A_2052 = tpu.vector_load %arg12[%swap3A_2049, %swap3A_2050, %swap3A_2051] {strides = array<i32>} : memref<2x8x128xi32, #tpu.memory_space<vmem>>, vector<16xi32>,
        tpu.vector_store %arg12[%swap3A_2049, %swap3A_2050, %swap3A_2051], %bitcast3A_2047 {strides = array<i32>} : memref<2x8x128xi32, #tpu.memory_space<vmem>>, vector<16xi32>,
        %get3A_2053 = arith.constant 5 : i32
        %get3A_2054 = arith.index_cast %sub3A_1209 : i32 to index
        %get3A_2055 = arith.index_cast %get3A_2053 : i32 to index
        %get3A_2056 = arith.constant 80 : index
        %get3A_2057 = tpu.vector_load %arg12[%get3A_2054, %get3A_2055, %get3A_2056] {strides = array<i32>} : memref<2x8x128xi32, #tpu.memory_space<vmem>>, vector<16xi32>,
        %bitcast3A_2058 = vector.bitcast %get3A_2057 : vector<16xi32> to vector<16xi32>
        %min3A_2059 = arith.minui %bitcast3A_2058, %broadcast_in_dim3A_23 : vector<16xi32>
        %bitcast3A_2060 = vector.bitcast %min3A_2059 : vector<16xi32> to vector<16xi32>
        %swap3A_2061 = arith.constant 5 : i32
        %swap3A_2062 = arith.index_cast %sub3A_1209 : i32 to index
        %swap3A_2063 = arith.index_cast %swap3A_2061 : i32 to index
        %swap3A_2064 = arith.constant 80 : index
        %swap3A_2065 = tpu.vector_load %arg12[%swap3A_2062, %swap3A_2063, %swap3A_2064] {strides = array<i32>} : memref<2x8x128xi32, #tpu.memory_space<vmem>>, vector<16xi32>,
        tpu.vector_store %arg12[%swap3A_2062, %swap3A_2063, %swap3A_2064], %bitcast3A_2060 {strides = array<i32>} : memref<2x8x128xi32, #tpu.memory_space<vmem>>, vector<16xi32>,
        %get3A_2066 = arith.constant 5 : i32
        %get3A_2067 = arith.index_cast %sub3A_1209 : i32 to index
        %get3A_2068 = arith.index_cast %get3A_2066 : i32 to index
        %get3A_2069 = arith.constant 96 : index
        %get3A_2070 = tpu.vector_load %arg12[%get3A_2067, %get3A_2068, %get3A_2069] {strides = array<i32>} : memref<2x8x128xi32, #tpu.memory_space<vmem>>, vector<16xi32>,
        %bitcast3A_2071 = vector.bitcast %get3A_2070 : vector<16xi32> to vector<16xi32>
        %min3A_2072 = arith.minui %bitcast3A_2071, %broadcast_in_dim3A_23 : vector<16xi32>
        %bitcast3A_2073 = vector.bitcast %min3A_2072 : vector<16xi32> to vector<16xi32>
        %swap3A_2074 = arith.constant 5 : i32
        %swap3A_2075 = arith.index_cast %sub3A_1209 : i32 to index
        %swap3A_2076 = arith.index_cast %swap3A_2074 : i32 to index
        %swap3A_2077 = arith.constant 96 : index
        %swap3A_2078 = tpu.vector_load %arg12[%swap3A_2075, %swap3A_2076, %swap3A_2077] {strides = array<i32>} : memref<2x8x128xi32, #tpu.memory_space<vmem>>, vector<16xi32>,
        tpu.vector_store %arg12[%swap3A_2075, %swap3A_2076, %swap3A_2077], %bitcast3A_2073 {strides = array<i32>} : memref<2x8x128xi32, #tpu.memory_space<vmem>>, vector<16xi32>,
        %get3A_2079 = arith.constant 5 : i32
        %get3A_2080 = arith.index_cast %sub3A_1209 : i32 to index
        %get3A_2081 = arith.index_cast %get3A_2079 : i32 to index
        %get3A_2082 = arith.constant 112 : index
        %get3A_2083 = tpu.vector_load %arg12[%get3A_2080, %get3A_2081, %get3A_2082] {strides = array<i32>} : memref<2x8x128xi32, #tpu.memory_space<vmem>>, vector<16xi32>,
        %bitcast3A_2084 = vector.bitcast %get3A_2083 : vector<16xi32> to vector<16xi32>
        %min3A_2085 = arith.minui %bitcast3A_2084, %broadcast_in_dim3A_23 : vector<16xi32>
        %bitcast3A_2086 = vector.bitcast %min3A_2085 : vector<16xi32> to vector<16xi32>
        %swap3A_2087 = arith.constant 5 : i32
        %swap3A_2088 = arith.index_cast %sub3A_1209 : i32 to index
        %swap3A_2089 = arith.index_cast %swap3A_2087 : i32 to index
        %swap3A_2090 = arith.constant 112 : index
        %swap3A_2091 = tpu.vector_load %arg12[%swap3A_2088, %swap3A_2089, %swap3A_2090] {strides = array<i32>} : memref<2x8x128xi32, #tpu.memory_space<vmem>>, vector<16xi32>,
        tpu.vector_store %arg12[%swap3A_2088, %swap3A_2089, %swap3A_2090], %bitcast3A_2086 {strides = array<i32>} : memref<2x8x128xi32, #tpu.memory_space<vmem>>, vector<16xi32>,
        %get3A_2092 = arith.constant 6 : i32
        %get3A_2093 = arith.index_cast %sub3A_1209 : i32 to index
        %get3A_2094 = arith.index_cast %get3A_2092 : i32 to index
        %get3A_2095 = arith.constant 0 : index
        %get3A_2096 = tpu.vector_load %arg12[%get3A_2093, %get3A_2094, %get3A_2095] {strides = array<i32>} : memref<2x8x128xi32, #tpu.memory_space<vmem>>, vector<16xi32>,
        %bitcast3A_2097 = vector.bitcast %get3A_2096 : vector<16xi32> to vector<16xi32>
        %min3A_2098 = arith.minui %bitcast3A_2097, %broadcast_in_dim3A_23 : vector<16xi32>
        %bitcast3A_2099 = vector.bitcast %min3A_2098 : vector<16xi32> to vector<16xi32>
        %swap3A_2100 = arith.constant 6 : i32
        %swap3A_2101 = arith.index_cast %sub3A_1209 : i32 to index
        %swap3A_2102 = arith.index_cast %swap3A_2100 : i32 to index
        %swap3A_2103 = arith.constant 0 : index
        %swap3A_2104 = tpu.vector_load %arg12[%swap3A_2101, %swap3A_2102, %swap3A_2103] {strides = array<i32>} : memref<2x8x128xi32, #tpu.memory_space<vmem>>, vector<16xi32>,
        tpu.vector_store %arg12[%swap3A_2101, %swap3A_2102, %swap3A_2103], %bitcast3A_2099 {strides = array<i32>} : memref<2x8x128xi32, #tpu.memory_space<vmem>>, vector<16xi32>,
        %get3A_2105 = arith.constant 6 : i32
        %get3A_2106 = arith.index_cast %sub3A_1209 : i32 to index
        %get3A_2107 = arith.index_cast %get3A_2105 : i32 to index
        %get3A_2108 = arith.constant 16 : index
        %get3A_2109 = tpu.vector_load %arg12[%get3A_2106, %get3A_2107, %get3A_2108] {strides = array<i32>} : memref<2x8x128xi32, #tpu.memory_space<vmem>>, vector<16xi32>,
        %bitcast3A_2110 = vector.bitcast %get3A_2109 : vector<16xi32> to vector<16xi32>
        %min3A_2111 = arith.minui %bitcast3A_2110, %broadcast_in_dim3A_23 : vector<16xi32>
        %bitcast3A_2112 = vector.bitcast %min3A_2111 : vector<16xi32> to vector<16xi32>
        %swap3A_2113 = arith.constant 6 : i32
        %swap3A_2114 = arith.index_cast %sub3A_1209 : i32 to index
        %swap3A_2115 = arith.index_cast %swap3A_2113 : i32 to index
        %swap3A_2116 = arith.constant 16 : index
        %swap3A_2117 = tpu.vector_load %arg12[%swap3A_2114, %swap3A_2115, %swap3A_2116] {strides = array<i32>} : memref<2x8x128xi32, #tpu.memory_space<vmem>>, vector<16xi32>,
        tpu.vector_store %arg12[%swap3A_2114, %swap3A_2115, %swap3A_2116], %bitcast3A_2112 {strides = array<i32>} : memref<2x8x128xi32, #tpu.memory_space<vmem>>, vector<16xi32>,
        %get3A_2118 = arith.constant 6 : i32
        %get3A_2119 = arith.index_cast %sub3A_1209 : i32 to index
        %get3A_2120 = arith.index_cast %get3A_2118 : i32 to index
        %get3A_2121 = arith.constant 32 : index
        %get3A_2122 = tpu.vector_load %arg12[%get3A_2119, %get3A_2120, %get3A_2121] {strides = array<i32>} : memref<2x8x128xi32, #tpu.memory_space<vmem>>, vector<16xi32>,
        %bitcast3A_2123 = vector.bitcast %get3A_2122 : vector<16xi32> to vector<16xi32>
        %min3A_2124 = arith.minui %bitcast3A_2123, %broadcast_in_dim3A_23 : vector<16xi32>
        %bitcast3A_2125 = vector.bitcast %min3A_2124 : vector<16xi32> to vector<16xi32>
        %swap3A_2126 = arith.constant 6 : i32
        %swap3A_2127 = arith.index_cast %sub3A_1209 : i32 to index
        %swap3A_2128 = arith.index_cast %swap3A_2126 : i32 to index
        %swap3A_2129 = arith.constant 32 : index
        %swap3A_2130 = tpu.vector_load %arg12[%swap3A_2127, %swap3A_2128, %swap3A_2129] {strides = array<i32>} : memref<2x8x128xi32, #tpu.memory_space<vmem>>, vector<16xi32>,
        tpu.vector_store %arg12[%swap3A_2127, %swap3A_2128, %swap3A_2129], %bitcast3A_2125 {strides = array<i32>} : memref<2x8x128xi32, #tpu.memory_space<vmem>>, vector<16xi32>,
        %get3A_2131 = arith.constant 6 : i32
        %get3A_2132 = arith.index_cast %sub3A_1209 : i32 to index
        %get3A_2133 = arith.index_cast %get3A_2131 : i32 to index
        %get3A_2134 = arith.constant 48 : index
        %get3A_2135 = tpu.vector_load %arg12[%get3A_2132, %get3A_2133, %get3A_2134] {strides = array<i32>} : memref<2x8x128xi32, #tpu.memory_space<vmem>>, vector<16xi32>,
        %bitcast3A_2136 = vector.bitcast %get3A_2135 : vector<16xi32> to vector<16xi32>
        %min3A_2137 = arith.minui %bitcast3A_2136, %broadcast_in_dim3A_23 : vector<16xi32>
        %bitcast3A_2138 = vector.bitcast %min3A_2137 : vector<16xi32> to vector<16xi32>
        %swap3A_2139 = arith.constant 6 : i32
        %swap3A_2140 = arith.index_cast %sub3A_1209 : i32 to index
        %swap3A_2141 = arith.index_cast %swap3A_2139 : i32 to index
        %swap3A_2142 = arith.constant 48 : index
        %swap3A_2143 = tpu.vector_load %arg12[%swap3A_2140, %swap3A_2141, %swap3A_2142] {strides = array<i32>} : memref<2x8x128xi32, #tpu.memory_space<vmem>>, vector<16xi32>,
        tpu.vector_store %arg12[%swap3A_2140, %swap3A_2141, %swap3A_2142], %bitcast3A_2138 {strides = array<i32>} : memref<2x8x128xi32, #tpu.memory_space<vmem>>, vector<16xi32>,
        %get3A_2144 = arith.constant 6 : i32
        %get3A_2145 = arith.index_cast %sub3A_1209 : i32 to index
        %get3A_2146 = arith.index_cast %get3A_2144 : i32 to index
        %get3A_2147 = arith.constant 64 : index
        %get3A_2148 = tpu.vector_load %arg12[%get3A_2145, %get3A_2146, %get3A_2147] {strides = array<i32>} : memref<2x8x128xi32, #tpu.memory_space<vmem>>, vector<16xi32>,
        %bitcast3A_2149 = vector.bitcast %get3A_2148 : vector<16xi32> to vector<16xi32>
        %min3A_2150 = arith.minui %bitcast3A_2149, %broadcast_in_dim3A_23 : vector<16xi32>
        %bitcast3A_2151 = vector.bitcast %min3A_2150 : vector<16xi32> to vector<16xi32>
        %swap3A_2152 = arith.constant 6 : i32
        %swap3A_2153 = arith.index_cast %sub3A_1209 : i32 to index
        %swap3A_2154 = arith.index_cast %swap3A_2152 : i32 to index
        %swap3A_2155 = arith.constant 64 : index
        %swap3A_2156 = tpu.vector_load %arg12[%swap3A_2153, %swap3A_2154, %swap3A_2155] {strides = array<i32>} : memref<2x8x128xi32, #tpu.memory_space<vmem>>, vector<16xi32>,
        tpu.vector_store %arg12[%swap3A_2153, %swap3A_2154, %swap3A_2155], %bitcast3A_2151 {strides = array<i32>} : memref<2x8x128xi32, #tpu.memory_space<vmem>>, vector<16xi32>,
        %get3A_2157 = arith.constant 6 : i32
        %get3A_2158 = arith.index_cast %sub3A_1209 : i32 to index
        %get3A_2159 = arith.index_cast %get3A_2157 : i32 to index
        %get3A_2160 = arith.constant 80 : index
        %get3A_2161 = tpu.vector_load %arg12[%get3A_2158, %get3A_2159, %get3A_2160] {strides = array<i32>} : memref<2x8x128xi32, #tpu.memory_space<vmem>>, vector<16xi32>,
        %bitcast3A_2162 = vector.bitcast %get3A_2161 : vector<16xi32> to vector<16xi32>
        %min3A_2163 = arith.minui %bitcast3A_2162, %broadcast_in_dim3A_23 : vector<16xi32>
        %bitcast3A_2164 = vector.bitcast %min3A_2163 : vector<16xi32> to vector<16xi32>
        %swap3A_2165 = arith.constant 6 : i32
        %swap3A_2166 = arith.index_cast %sub3A_1209 : i32 to index
        %swap3A_2167 = arith.index_cast %swap3A_2165 : i32 to index
        %swap3A_2168 = arith.constant 80 : index
        %swap3A_2169 = tpu.vector_load %arg12[%swap3A_2166, %swap3A_2167, %swap3A_2168] {strides = array<i32>} : memref<2x8x128xi32, #tpu.memory_space<vmem>>, vector<16xi32>,
        tpu.vector_store %arg12[%swap3A_2166, %swap3A_2167, %swap3A_2168], %bitcast3A_2164 {strides = array<i32>} : memref<2x8x128xi32, #tpu.memory_space<vmem>>, vector<16xi32>,
        %get3A_2170 = arith.constant 6 : i32
        %get3A_2171 = arith.index_cast %sub3A_1209 : i32 to index
        %get3A_2172 = arith.index_cast %get3A_2170 : i32 to index
        %get3A_2173 = arith.constant 96 : index
        %get3A_2174 = tpu.vector_load %arg12[%get3A_2171, %get3A_2172, %get3A_2173] {strides = array<i32>} : memref<2x8x128xi32, #tpu.memory_space<vmem>>, vector<16xi32>,
        %bitcast3A_2175 = vector.bitcast %get3A_2174 : vector<16xi32> to vector<16xi32>
        %min3A_2176 = arith.minui %bitcast3A_2175, %broadcast_in_dim3A_23 : vector<16xi32>
        %bitcast3A_2177 = vector.bitcast %min3A_2176 : vector<16xi32> to vector<16xi32>
        %swap3A_2178 = arith.constant 6 : i32
        %swap3A_2179 = arith.index_cast %sub3A_1209 : i32 to index
        %swap3A_2180 = arith.index_cast %swap3A_2178 : i32 to index
        %swap3A_2181 = arith.constant 96 : index
        %swap3A_2182 = tpu.vector_load %arg12[%swap3A_2179, %swap3A_2180, %swap3A_2181] {strides = array<i32>} : memref<2x8x128xi32, #tpu.memory_space<vmem>>, vector<16xi32>,
        tpu.vector_store %arg12[%swap3A_2179, %swap3A_2180, %swap3A_2181], %bitcast3A_2177 {strides = array<i32>} : memref<2x8x128xi32, #tpu.memory_space<vmem>>, vector<16xi32>,
        %get3A_2183 = arith.constant 6 : i32
        %get3A_2184 = arith.index_cast %sub3A_1209 : i32 to index
        %get3A_2185 = arith.index_cast %get3A_2183 : i32 to index
        %get3A_2186 = arith.constant 112 : index
        %get3A_2187 = tpu.vector_load %arg12[%get3A_2184, %get3A_2185, %get3A_2186] {strides = array<i32>} : memref<2x8x128xi32, #tpu.memory_space<vmem>>, vector<16xi32>,
        %bitcast3A_2188 = vector.bitcast %get3A_2187 : vector<16xi32> to vector<16xi32>
        %min3A_2189 = arith.minui %bitcast3A_2188, %broadcast_in_dim3A_23 : vector<16xi32>
        %bitcast3A_2190 = vector.bitcast %min3A_2189 : vector<16xi32> to vector<16xi32>
        %swap3A_2191 = arith.constant 6 : i32
        %swap3A_2192 = arith.index_cast %sub3A_1209 : i32 to index
        %swap3A_2193 = arith.index_cast %swap3A_2191 : i32 to index
        %swap3A_2194 = arith.constant 112 : index
        %swap3A_2195 = tpu.vector_load %arg12[%swap3A_2192, %swap3A_2193, %swap3A_2194] {strides = array<i32>} : memref<2x8x128xi32, #tpu.memory_space<vmem>>, vector<16xi32>,
        tpu.vector_store %arg12[%swap3A_2192, %swap3A_2193, %swap3A_2194], %bitcast3A_2190 {strides = array<i32>} : memref<2x8x128xi32, #tpu.memory_space<vmem>>, vector<16xi32>,
        %get3A_2196 = arith.constant 7 : i32
        %get3A_2197 = arith.index_cast %sub3A_1209 : i32 to index
        %get3A_2198 = arith.index_cast %get3A_2196 : i32 to index
        %get3A_2199 = arith.constant 0 : index
        %get3A_2200 = tpu.vector_load %arg12[%get3A_2197, %get3A_2198, %get3A_2199] {strides = array<i32>} : memref<2x8x128xi32, #tpu.memory_space<vmem>>, vector<16xi32>,
        %bitcast3A_2201 = vector.bitcast %get3A_2200 : vector<16xi32> to vector<16xi32>
        %min3A_2202 = arith.minui %bitcast3A_2201, %broadcast_in_dim3A_23 : vector<16xi32>
        %bitcast3A_2203 = vector.bitcast %min3A_2202 : vector<16xi32> to vector<16xi32>
        %swap3A_2204 = arith.constant 7 : i32
        %swap3A_2205 = arith.index_cast %sub3A_1209 : i32 to index
        %swap3A_2206 = arith.index_cast %swap3A_2204 : i32 to index
        %swap3A_2207 = arith.constant 0 : index
        %swap3A_2208 = tpu.vector_load %arg12[%swap3A_2205, %swap3A_2206, %swap3A_2207] {strides = array<i32>} : memref<2x8x128xi32, #tpu.memory_space<vmem>>, vector<16xi32>,
        tpu.vector_store %arg12[%swap3A_2205, %swap3A_2206, %swap3A_2207], %bitcast3A_2203 {strides = array<i32>} : memref<2x8x128xi32, #tpu.memory_space<vmem>>, vector<16xi32>,
        %get3A_2209 = arith.constant 7 : i32
        %get3A_2210 = arith.index_cast %sub3A_1209 : i32 to index
        %get3A_2211 = arith.index_cast %get3A_2209 : i32 to index
        %get3A_2212 = arith.constant 16 : index
        %get3A_2213 = tpu.vector_load %arg12[%get3A_2210, %get3A_2211, %get3A_2212] {strides = array<i32>} : memref<2x8x128xi32, #tpu.memory_space<vmem>>, vector<16xi32>,
        %bitcast3A_2214 = vector.bitcast %get3A_2213 : vector<16xi32> to vector<16xi32>
        %min3A_2215 = arith.minui %bitcast3A_2214, %broadcast_in_dim3A_23 : vector<16xi32>
        %bitcast3A_2216 = vector.bitcast %min3A_2215 : vector<16xi32> to vector<16xi32>
        %swap3A_2217 = arith.constant 7 : i32
        %swap3A_2218 = arith.index_cast %sub3A_1209 : i32 to index
        %swap3A_2219 = arith.index_cast %swap3A_2217 : i32 to index
        %swap3A_2220 = arith.constant 16 : index
        %swap3A_2221 = tpu.vector_load %arg12[%swap3A_2218, %swap3A_2219, %swap3A_2220] {strides = array<i32>} : memref<2x8x128xi32, #tpu.memory_space<vmem>>, vector<16xi32>,
        tpu.vector_store %arg12[%swap3A_2218, %swap3A_2219, %swap3A_2220], %bitcast3A_2216 {strides = array<i32>} : memref<2x8x128xi32, #tpu.memory_space<vmem>>, vector<16xi32>,
        %get3A_2222 = arith.constant 7 : i32
        %get3A_2223 = arith.index_cast %sub3A_1209 : i32 to index
        %get3A_2224 = arith.index_cast %get3A_2222 : i32 to index
        %get3A_2225 = arith.constant 32 : index
        %get3A_2226 = tpu.vector_load %arg12[%get3A_2223, %get3A_2224, %get3A_2225] {strides = array<i32>} : memref<2x8x128xi32, #tpu.memory_space<vmem>>, vector<16xi32>,
        %bitcast3A_2227 = vector.bitcast %get3A_2226 : vector<16xi32> to vector<16xi32>
        %min3A_2228 = arith.minui %bitcast3A_2227, %broadcast_in_dim3A_23 : vector<16xi32>
        %bitcast3A_2229 = vector.bitcast %min3A_2228 : vector<16xi32> to vector<16xi32>
        %swap3A_2230 = arith.constant 7 : i32
        %swap3A_2231 = arith.index_cast %sub3A_1209 : i32 to index
        %swap3A_2232 = arith.index_cast %swap3A_2230 : i32 to index
        %swap3A_2233 = arith.constant 32 : index
        %swap3A_2234 = tpu.vector_load %arg12[%swap3A_2231, %swap3A_2232, %swap3A_2233] {strides = array<i32>} : memref<2x8x128xi32, #tpu.memory_space<vmem>>, vector<16xi32>,
        tpu.vector_store %arg12[%swap3A_2231, %swap3A_2232, %swap3A_2233], %bitcast3A_2229 {strides = array<i32>} : memref<2x8x128xi32, #tpu.memory_space<vmem>>, vector<16xi32>,
        %get3A_2235 = arith.constant 7 : i32
        %get3A_2236 = arith.index_cast %sub3A_1209 : i32 to index
        %get3A_2237 = arith.index_cast %get3A_2235 : i32 to index
        %get3A_2238 = arith.constant 48 : index
        %get3A_2239 = tpu.vector_load %arg12[%get3A_2236, %get3A_2237, %get3A_2238] {strides = array<i32>} : memref<2x8x128xi32, #tpu.memory_space<vmem>>, vector<16xi32>,
        %bitcast3A_2240 = vector.bitcast %get3A_2239 : vector<16xi32> to vector<16xi32>
        %min3A_2241 = arith.minui %bitcast3A_2240, %broadcast_in_dim3A_23 : vector<16xi32>
        %bitcast3A_2242 = vector.bitcast %min3A_2241 : vector<16xi32> to vector<16xi32>
        %swap3A_2243 = arith.constant 7 : i32
        %swap3A_2244 = arith.index_cast %sub3A_1209 : i32 to index
        %swap3A_2245 = arith.index_cast %swap3A_2243 : i32 to index
        %swap3A_2246 = arith.constant 48 : index
        %swap3A_2247 = tpu.vector_load %arg12[%swap3A_2244, %swap3A_2245, %swap3A_2246] {strides = array<i32>} : memref<2x8x128xi32, #tpu.memory_space<vmem>>, vector<16xi32>,
        tpu.vector_store %arg12[%swap3A_2244, %swap3A_2245, %swap3A_2246], %bitcast3A_2242 {strides = array<i32>} : memref<2x8x128xi32, #tpu.memory_space<vmem>>, vector<16xi32>,
        %get3A_2248 = arith.constant 7 : i32
        %get3A_2249 = arith.index_cast %sub3A_1209 : i32 to index
        %get3A_2250 = arith.index_cast %get3A_2248 : i32 to index
        %get3A_2251 = arith.constant 64 : index
        %get3A_2252 = tpu.vector_load %arg12[%get3A_2249, %get3A_2250, %get3A_2251] {strides = array<i32>} : memref<2x8x128xi32, #tpu.memory_space<vmem>>, vector<16xi32>,
        %bitcast3A_2253 = vector.bitcast %get3A_2252 : vector<16xi32> to vector<16xi32>
        %min3A_2254 = arith.minui %bitcast3A_2253, %broadcast_in_dim3A_23 : vector<16xi32>
        %bitcast3A_2255 = vector.bitcast %min3A_2254 : vector<16xi32> to vector<16xi32>
        %swap3A_2256 = arith.constant 7 : i32
        %swap3A_2257 = arith.index_cast %sub3A_1209 : i32 to index
        %swap3A_2258 = arith.index_cast %swap3A_2256 : i32 to index
        %swap3A_2259 = arith.constant 64 : index
        %swap3A_2260 = tpu.vector_load %arg12[%swap3A_2257, %swap3A_2258, %swap3A_2259] {strides = array<i32>} : memref<2x8x128xi32, #tpu.memory_space<vmem>>, vector<16xi32>,
        tpu.vector_store %arg12[%swap3A_2257, %swap3A_2258, %swap3A_2259], %bitcast3A_2255 {strides = array<i32>} : memref<2x8x128xi32, #tpu.memory_space<vmem>>, vector<16xi32>,
        %get3A_2261 = arith.constant 7 : i32
        %get3A_2262 = arith.index_cast %sub3A_1209 : i32 to index
        %get3A_2263 = arith.index_cast %get3A_2261 : i32 to index
        %get3A_2264 = arith.constant 80 : index
        %get3A_2265 = tpu.vector_load %arg12[%get3A_2262, %get3A_2263, %get3A_2264] {strides = array<i32>} : memref<2x8x128xi32, #tpu.memory_space<vmem>>, vector<16xi32>,
        %bitcast3A_2266 = vector.bitcast %get3A_2265 : vector<16xi32> to vector<16xi32>
        %min3A_2267 = arith.minui %bitcast3A_2266, %broadcast_in_dim3A_23 : vector<16xi32>
        %bitcast3A_2268 = vector.bitcast %min3A_2267 : vector<16xi32> to vector<16xi32>
        %swap3A_2269 = arith.constant 7 : i32
        %swap3A_2270 = arith.index_cast %sub3A_1209 : i32 to index
        %swap3A_2271 = arith.index_cast %swap3A_2269 : i32 to index
        %swap3A_2272 = arith.constant 80 : index
        %swap3A_2273 = tpu.vector_load %arg12[%swap3A_2270, %swap3A_2271, %swap3A_2272] {strides = array<i32>} : memref<2x8x128xi32, #tpu.memory_space<vmem>>, vector<16xi32>,
        tpu.vector_store %arg12[%swap3A_2270, %swap3A_2271, %swap3A_2272], %bitcast3A_2268 {strides = array<i32>} : memref<2x8x128xi32, #tpu.memory_space<vmem>>, vector<16xi32>,
        %get3A_2274 = arith.constant 7 : i32
        %get3A_2275 = arith.index_cast %sub3A_1209 : i32 to index
        %get3A_2276 = arith.index_cast %get3A_2274 : i32 to index
        %get3A_2277 = arith.constant 96 : index
        %get3A_2278 = tpu.vector_load %arg12[%get3A_2275, %get3A_2276, %get3A_2277] {strides = array<i32>} : memref<2x8x128xi32, #tpu.memory_space<vmem>>, vector<16xi32>,
        %bitcast3A_2279 = vector.bitcast %get3A_2278 : vector<16xi32> to vector<16xi32>
        %min3A_2280 = arith.minui %bitcast3A_2279, %broadcast_in_dim3A_23 : vector<16xi32>
        %bitcast3A_2281 = vector.bitcast %min3A_2280 : vector<16xi32> to vector<16xi32>
        %swap3A_2282 = arith.constant 7 : i32
        %swap3A_2283 = arith.index_cast %sub3A_1209 : i32 to index
        %swap3A_2284 = arith.index_cast %swap3A_2282 : i32 to index
        %swap3A_2285 = arith.constant 96 : index
        %swap3A_2286 = tpu.vector_load %arg12[%swap3A_2283, %swap3A_2284, %swap3A_2285] {strides = array<i32>} : memref<2x8x128xi32, #tpu.memory_space<vmem>>, vector<16xi32>,
        tpu.vector_store %arg12[%swap3A_2283, %swap3A_2284, %swap3A_2285], %bitcast3A_2281 {strides = array<i32>} : memref<2x8x128xi32, #tpu.memory_space<vmem>>, vector<16xi32>,
        %get3A_2287 = arith.constant 7 : i32
        %get3A_2288 = arith.index_cast %sub3A_1209 : i32 to index
        %get3A_2289 = arith.index_cast %get3A_2287 : i32 to index
        %get3A_2290 = arith.constant 112 : index
        %get3A_2291 = tpu.vector_load %arg12[%get3A_2288, %get3A_2289, %get3A_2290] {strides = array<i32>} : memref<2x8x128xi32, #tpu.memory_space<vmem>>, vector<16xi32>,
        %bitcast3A_2292 = vector.bitcast %get3A_2291 : vector<16xi32> to vector<16xi32>
        %min3A_2293 = arith.minui %bitcast3A_2292, %broadcast_in_dim3A_23 : vector<16xi32>
        %bitcast3A_2294 = vector.bitcast %min3A_2293 : vector<16xi32> to vector<16xi32>
        %swap3A_2295 = arith.constant 7 : i32
        %swap3A_2296 = arith.index_cast %sub3A_1209 : i32 to index
        %swap3A_2297 = arith.index_cast %swap3A_2295 : i32 to index
        %swap3A_2298 = arith.constant 112 : index
        %swap3A_2299 = tpu.vector_load %arg12[%swap3A_2296, %swap3A_2297, %swap3A_2298] {strides = array<i32>} : memref<2x8x128xi32, #tpu.memory_space<vmem>>, vector<16xi32>,
        tpu.vector_store %arg12[%swap3A_2296, %swap3A_2297, %swap3A_2298], %bitcast3A_2294 {strides = array<i32>} : memref<2x8x128xi32, #tpu.memory_space<vmem>>, vector<16xi32>,
        %dma_start3A_2300 = arith.constant 0 : i32
        %dma_start3A_2301 = arith.constant 0 : i32
        %dma_start3A_2302 = arith.constant 0 : i32
        %dma_start3A_2303 = tpu.memref_slice %arg13[%sub3A_1209, %dma_start3A_2301, %dma_start3A_2302] : memref<2x1024x8xf32, #tpu.memory_space<vmem>> -> memref<1x128x8xf32, #tpu.memory_space<vmem>>
        %dma_start3A_2304 = tpu.memref_squeeze %dma_start3A_2303 : memref<1x128x8xf32, #tpu.memory_space<vmem>> -> memref<128x8xf32, #tpu.memory_space<vmem>>
        %dma_start3A_2305 = arith.constant 0 : i32
        %dma_start3A_2306 = tpu.memref_slice %arg12[%sub3A_1209, %dma_start3A_2300, %dma_start3A_2305] : memref<2x8x128xi32, #tpu.memory_space<vmem>> -> memref<1x1x128xi32, #tpu.memory_space<vmem>>
        %dma_start3A_2307 = tpu.memref_squeeze %dma_start3A_2306 : memref<1x1x128xi32, #tpu.memory_space<vmem>> -> memref<128xi32, #tpu.memory_space<vmem>>
        %dma_start3A_2308 = arith.constant 0 : i32
        %dma_start3A_2309 = arith.constant 0 : i32
        %dma_start3A_2310 = tpu.memref_slice %arg2[%dma_start3A_2308, %dma_start3A_2309] : memref<100000x8xf32, #tpu.memory_space<hbm>> -> memref<100000x8xf32, #tpu.memory_space<hbm>>
        tpu.enqueue_indirect_dma source(%dma_start3A_2310 : memref<100000x8xf32, #tpu.memory_space<hbm>>) target(%dma_start3A_2304 : memref<128x8xf32, #tpu.memory_space<vmem>>) offsets(%dma_start3A_2307 : memref<128xi32, #tpu.memory_space<vmem>>) semaphore(%arg17 : memref<!tpu.dma_semaphore, #tpu.memory_space<semaphore_mem>>)
        %dma_start3A_2311 = arith.constant 1 : i32
        %dma_start3A_2312 = arith.constant 128 : i32
        %dma_start3A_2313 = arith.constant 0 : i32
        %dma_start3A_2314 = tpu.memref_slice %arg13[%sub3A_1209, %dma_start3A_2312, %dma_start3A_2313] : memref<2x1024x8xf32, #tpu.memory_space<vmem>> -> memref<1x128x8xf32, #tpu.memory_space<vmem>>
        %dma_start3A_2315 = tpu.memref_squeeze %dma_start3A_2314 : memref<1x128x8xf32, #tpu.memory_space<vmem>> -> memref<128x8xf32, #tpu.memory_space<vmem>>
        %dma_start3A_2316 = arith.constant 0 : i32
        %dma_start3A_2317 = tpu.memref_slice %arg12[%sub3A_1209, %dma_start3A_2311, %dma_start3A_2316] : memref<2x8x128xi32, #tpu.memory_space<vmem>> -> memref<1x1x128xi32, #tpu.memory_space<vmem>>
        %dma_start3A_2318 = tpu.memref_squeeze %dma_start3A_2317 : memref<1x1x128xi32, #tpu.memory_space<vmem>> -> memref<128xi32, #tpu.memory_space<vmem>>
        %dma_start3A_2319 = arith.constant 0 : i32
        %dma_start3A_2320 = arith.constant 0 : i32
        %dma_start3A_2321 = tpu.memref_slice %arg2[%dma_start3A_2319, %dma_start3A_2320] : memref<100000x8xf32, #tpu.memory_space<hbm>> -> memref<100000x8xf32, #tpu.memory_space<hbm>>
        tpu.enqueue_indirect_dma source(%dma_start3A_2321 : memref<100000x8xf32, #tpu.memory_space<hbm>>) target(%dma_start3A_2315 : memref<128x8xf32, #tpu.memory_space<vmem>>) offsets(%dma_start3A_2318 : memref<128xi32, #tpu.memory_space<vmem>>) semaphore(%arg17 : memref<!tpu.dma_semaphore, #tpu.memory_space<semaphore_mem>>)
        %dma_start3A_2322 = arith.constant 2 : i32
        %dma_start3A_2323 = arith.constant 256 : i32
        %dma_start3A_2324 = arith.constant 0 : i32
        %dma_start3A_2325 = tpu.memref_slice %arg13[%sub3A_1209, %dma_start3A_2323, %dma_start3A_2324] : memref<2x1024x8xf32, #tpu.memory_space<vmem>> -> memref<1x128x8xf32, #tpu.memory_space<vmem>>
        %dma_start3A_2326 = tpu.memref_squeeze %dma_start3A_2325 : memref<1x128x8xf32, #tpu.memory_space<vmem>> -> memref<128x8xf32, #tpu.memory_space<vmem>>
        %dma_start3A_2327 = arith.constant 0 : i32
        %dma_start3A_2328 = tpu.memref_slice %arg12[%sub3A_1209, %dma_start3A_2322, %dma_start3A_2327] : memref<2x8x128xi32, #tpu.memory_space<vmem>> -> memref<1x1x128xi32, #tpu.memory_space<vmem>>
        %dma_start3A_2329 = tpu.memref_squeeze %dma_start3A_2328 : memref<1x1x128xi32, #tpu.memory_space<vmem>> -> memref<128xi32, #tpu.memory_space<vmem>>
        %dma_start3A_2330 = arith.constant 0 : i32
        %dma_start3A_2331 = arith.constant 0 : i32
        %dma_start3A_2332 = tpu.memref_slice %arg2[%dma_start3A_2330, %dma_start3A_2331] : memref<100000x8xf32, #tpu.memory_space<hbm>> -> memref<100000x8xf32, #tpu.memory_space<hbm>>
        tpu.enqueue_indirect_dma source(%dma_start3A_2332 : memref<100000x8xf32, #tpu.memory_space<hbm>>) target(%dma_start3A_2326 : memref<128x8xf32, #tpu.memory_space<vmem>>) offsets(%dma_start3A_2329 : memref<128xi32, #tpu.memory_space<vmem>>) semaphore(%arg17 : memref<!tpu.dma_semaphore, #tpu.memory_space<semaphore_mem>>)
        %dma_start3A_2333 = arith.constant 3 : i32
        %dma_start3A_2334 = arith.constant 384 : i32
        %dma_start3A_2335 = arith.constant 0 : i32
        %dma_start3A_2336 = tpu.memref_slice %arg13[%sub3A_1209, %dma_start3A_2334, %dma_start3A_2335] : memref<2x1024x8xf32, #tpu.memory_space<vmem>> -> memref<1x128x8xf32, #tpu.memory_space<vmem>>
        %dma_start3A_2337 = tpu.memref_squeeze %dma_start3A_2336 : memref<1x128x8xf32, #tpu.memory_space<vmem>> -> memref<128x8xf32, #tpu.memory_space<vmem>>
        %dma_start3A_2338 = arith.constant 0 : i32
        %dma_start3A_2339 = tpu.memref_slice %arg12[%sub3A_1209, %dma_start3A_2333, %dma_start3A_2338] : memref<2x8x128xi32, #tpu.memory_space<vmem>> -> memref<1x1x128xi32, #tpu.memory_space<vmem>>
        %dma_start3A_2340 = tpu.memref_squeeze %dma_start3A_2339 : memref<1x1x128xi32, #tpu.memory_space<vmem>> -> memref<128xi32, #tpu.memory_space<vmem>>
        %dma_start3A_2341 = arith.constant 0 : i32
        %dma_start3A_2342 = arith.constant 0 : i32
        %dma_start3A_2343 = tpu.memref_slice %arg2[%dma_start3A_2341, %dma_start3A_2342] : memref<100000x8xf32, #tpu.memory_space<hbm>> -> memref<100000x8xf32, #tpu.memory_space<hbm>>
        tpu.enqueue_indirect_dma source(%dma_start3A_2343 : memref<100000x8xf32, #tpu.memory_space<hbm>>) target(%dma_start3A_2337 : memref<128x8xf32, #tpu.memory_space<vmem>>) offsets(%dma_start3A_2340 : memref<128xi32, #tpu.memory_space<vmem>>) semaphore(%arg17 : memref<!tpu.dma_semaphore, #tpu.memory_space<semaphore_mem>>)
        %dma_start3A_2344 = arith.constant 4 : i32
        %dma_start3A_2345 = arith.constant 512 : i32
        %dma_start3A_2346 = arith.constant 0 : i32
        %dma_start3A_2347 = tpu.memref_slice %arg13[%sub3A_1209, %dma_start3A_2345, %dma_start3A_2346] : memref<2x1024x8xf32, #tpu.memory_space<vmem>> -> memref<1x128x8xf32, #tpu.memory_space<vmem>>
        %dma_start3A_2348 = tpu.memref_squeeze %dma_start3A_2347 : memref<1x128x8xf32, #tpu.memory_space<vmem>> -> memref<128x8xf32, #tpu.memory_space<vmem>>
        %dma_start3A_2349 = arith.constant 0 : i32
        %dma_start3A_2350 = tpu.memref_slice %arg12[%sub3A_1209, %dma_start3A_2344, %dma_start3A_2349] : memref<2x8x128xi32, #tpu.memory_space<vmem>> -> memref<1x1x128xi32, #tpu.memory_space<vmem>>
        %dma_start3A_2351 = tpu.memref_squeeze %dma_start3A_2350 : memref<1x1x128xi32, #tpu.memory_space<vmem>> -> memref<128xi32, #tpu.memory_space<vmem>>
        %dma_start3A_2352 = arith.constant 0 : i32
        %dma_start3A_2353 = arith.constant 0 : i32
        %dma_start3A_2354 = tpu.memref_slice %arg2[%dma_start3A_2352, %dma_start3A_2353] : memref<100000x8xf32, #tpu.memory_space<hbm>> -> memref<100000x8xf32, #tpu.memory_space<hbm>>
        tpu.enqueue_indirect_dma source(%dma_start3A_2354 : memref<100000x8xf32, #tpu.memory_space<hbm>>) target(%dma_start3A_2348 : memref<128x8xf32, #tpu.memory_space<vmem>>) offsets(%dma_start3A_2351 : memref<128xi32, #tpu.memory_space<vmem>>) semaphore(%arg17 : memref<!tpu.dma_semaphore, #tpu.memory_space<semaphore_mem>>)
        %dma_start3A_2355 = arith.constant 5 : i32
        %dma_start3A_2356 = arith.constant 640 : i32
        %dma_start3A_2357 = arith.constant 0 : i32
        %dma_start3A_2358 = tpu.memref_slice %arg13[%sub3A_1209, %dma_start3A_2356, %dma_start3A_2357] : memref<2x1024x8xf32, #tpu.memory_space<vmem>> -> memref<1x128x8xf32, #tpu.memory_space<vmem>>
        %dma_start3A_2359 = tpu.memref_squeeze %dma_start3A_2358 : memref<1x128x8xf32, #tpu.memory_space<vmem>> -> memref<128x8xf32, #tpu.memory_space<vmem>>
        %dma_start3A_2360 = arith.constant 0 : i32
        %dma_start3A_2361 = tpu.memref_slice %arg12[%sub3A_1209, %dma_start3A_2355, %dma_start3A_2360] : memref<2x8x128xi32, #tpu.memory_space<vmem>> -> memref<1x1x128xi32, #tpu.memory_space<vmem>>
        %dma_start3A_2362 = tpu.memref_squeeze %dma_start3A_2361 : memref<1x1x128xi32, #tpu.memory_space<vmem>> -> memref<128xi32, #tpu.memory_space<vmem>>
        %dma_start3A_2363 = arith.constant 0 : i32
        %dma_start3A_2364 = arith.constant 0 : i32
        %dma_start3A_2365 = tpu.memref_slice %arg2[%dma_start3A_2363, %dma_start3A_2364] : memref<100000x8xf32, #tpu.memory_space<hbm>> -> memref<100000x8xf32, #tpu.memory_space<hbm>>
        tpu.enqueue_indirect_dma source(%dma_start3A_2365 : memref<100000x8xf32, #tpu.memory_space<hbm>>) target(%dma_start3A_2359 : memref<128x8xf32, #tpu.memory_space<vmem>>) offsets(%dma_start3A_2362 : memref<128xi32, #tpu.memory_space<vmem>>) semaphore(%arg17 : memref<!tpu.dma_semaphore, #tpu.memory_space<semaphore_mem>>)
        %dma_start3A_2366 = arith.constant 6 : i32
        %dma_start3A_2367 = arith.constant 768 : i32
        %dma_start3A_2368 = arith.constant 0 : i32
        %dma_start3A_2369 = tpu.memref_slice %arg13[%sub3A_1209, %dma_start3A_2367, %dma_start3A_2368] : memref<2x1024x8xf32, #tpu.memory_space<vmem>> -> memref<1x128x8xf32, #tpu.memory_space<vmem>>
        %dma_start3A_2370 = tpu.memref_squeeze %dma_start3A_2369 : memref<1x128x8xf32, #tpu.memory_space<vmem>> -> memref<128x8xf32, #tpu.memory_space<vmem>>
        %dma_start3A_2371 = arith.constant 0 : i32
        %dma_start3A_2372 = tpu.memref_slice %arg12[%sub3A_1209, %dma_start3A_2366, %dma_start3A_2371] : memref<2x8x128xi32, #tpu.memory_space<vmem>> -> memref<1x1x128xi32, #tpu.memory_space<vmem>>
        %dma_start3A_2373 = tpu.memref_squeeze %dma_start3A_2372 : memref<1x1x128xi32, #tpu.memory_space<vmem>> -> memref<128xi32, #tpu.memory_space<vmem>>
        %dma_start3A_2374 = arith.constant 0 : i32
        %dma_start3A_2375 = arith.constant 0 : i32
        %dma_start3A_2376 = tpu.memref_slice %arg2[%dma_start3A_2374, %dma_start3A_2375] : memref<100000x8xf32, #tpu.memory_space<hbm>> -> memref<100000x8xf32, #tpu.memory_space<hbm>>
        tpu.enqueue_indirect_dma source(%dma_start3A_2376 : memref<100000x8xf32, #tpu.memory_space<hbm>>) target(%dma_start3A_2370 : memref<128x8xf32, #tpu.memory_space<vmem>>) offsets(%dma_start3A_2373 : memref<128xi32, #tpu.memory_space<vmem>>) semaphore(%arg17 : memref<!tpu.dma_semaphore, #tpu.memory_space<semaphore_mem>>)
        %dma_start3A_2377 = arith.constant 7 : i32
        %dma_start3A_2378 = arith.constant 896 : i32
        %dma_start3A_2379 = arith.constant 0 : i32
        %dma_start3A_2380 = tpu.memref_slice %arg13[%sub3A_1209, %dma_start3A_2378, %dma_start3A_2379] : memref<2x1024x8xf32, #tpu.memory_space<vmem>> -> memref<1x128x8xf32, #tpu.memory_space<vmem>>
        %dma_start3A_2381 = tpu.memref_squeeze %dma_start3A_2380 : memref<1x128x8xf32, #tpu.memory_space<vmem>> -> memref<128x8xf32, #tpu.memory_space<vmem>>
        %dma_start3A_2382 = arith.constant 0 : i32
        %dma_start3A_2383 = tpu.memref_slice %arg12[%sub3A_1209, %dma_start3A_2377, %dma_start3A_2382] : memref<2x8x128xi32, #tpu.memory_space<vmem>> -> memref<1x1x128xi32, #tpu.memory_space<vmem>>
        %dma_start3A_2384 = tpu.memref_squeeze %dma_start3A_2383 : memref<1x1x128xi32, #tpu.memory_space<vmem>> -> memref<128xi32, #tpu.memory_space<vmem>>
        %dma_start3A_2385 = arith.constant 0 : i32
        %dma_start3A_2386 = arith.constant 0 : i32
        %dma_start3A_2387 = tpu.memref_slice %arg2[%dma_start3A_2385, %dma_start3A_2386] : memref<100000x8xf32, #tpu.memory_space<hbm>> -> memref<100000x8xf32, #tpu.memory_space<hbm>>
        tpu.enqueue_indirect_dma source(%dma_start3A_2387 : memref<100000x8xf32, #tpu.memory_space<hbm>>) target(%dma_start3A_2381 : memref<128x8xf32, #tpu.memory_space<vmem>>) offsets(%dma_start3A_2384 : memref<128xi32, #tpu.memory_space<vmem>>) semaphore(%arg17 : memref<!tpu.dma_semaphore, #tpu.memory_space<semaphore_mem>>)
      } else {
      }
      %dma_wait3A_1214 = arith.constant 0 : i32
      %dma_wait3A_1215 = arith.constant 0 : i32
      %dma_wait3A_1216 = arith.constant 0 : i32
      %dma_wait3A_1217 = tpu.memref_slice %arg13[%rem3A_1207, %dma_wait3A_1215, %dma_wait3A_1216] : memref<2x1024x8xf32, #tpu.memory_space<vmem>> -> memref<1x128x8xf32, #tpu.memory_space<vmem>>
      %dma_wait3A_1218 = tpu.memref_squeeze %dma_wait3A_1217 : memref<1x128x8xf32, #tpu.memory_space<vmem>> -> memref<128x8xf32, #tpu.memory_space<vmem>>
      %dma_wait3A_1219 = arith.constant 0 : i32
      %dma_wait3A_1220 = tpu.memref_slice %arg12[%rem3A_1207, %dma_wait3A_1214, %dma_wait3A_1219] : memref<2x8x128xi32, #tpu.memory_space<vmem>> -> memref<1x1x128xi32, #tpu.memory_space<vmem>>
      %dma_wait3A_1221 = tpu.memref_squeeze %dma_wait3A_1220 : memref<1x1x128xi32, #tpu.memory_space<vmem>> -> memref<128xi32, #tpu.memory_space<vmem>>
      %dma_wait3A_1222 = arith.constant 0 : i32
      %dma_wait3A_1223 = arith.constant 0 : i32
      %dma_wait3A_1224 = tpu.memref_slice %arg2[%dma_wait3A_1222, %dma_wait3A_1223] : memref<100000x8xf32, #tpu.memory_space<hbm>> -> memref<100000x8xf32, #tpu.memory_space<hbm>>
      tpu.wait_indirect_dma semaphore(%arg17 : memref<!tpu.dma_semaphore, #tpu.memory_space<semaphore_mem>>) src(%dma_wait3A_1224 : memref<100000x8xf32, #tpu.memory_space<hbm>>) dst(%dma_wait3A_1218 : memref<128x8xf32, #tpu.memory_space<vmem>>)
      %dma_wait3A_1225 = arith.constant 1 : i32
      %dma_wait3A_1226 = arith.constant 128 : i32
      %dma_wait3A_1227 = arith.constant 0 : i32
      %dma_wait3A_1228 = tpu.memref_slice %arg13[%rem3A_1207, %dma_wait3A_1226, %dma_wait3A_1227] : memref<2x1024x8xf32, #tpu.memory_space<vmem>> -> memref<1x128x8xf32, #tpu.memory_space<vmem>>
      %dma_wait3A_1229 = tpu.memref_squeeze %dma_wait3A_1228 : memref<1x128x8xf32, #tpu.memory_space<vmem>> -> memref<128x8xf32, #tpu.memory_space<vmem>>
      %dma_wait3A_1230 = arith.constant 0 : i32
      %dma_wait3A_1231 = tpu.memref_slice %arg12[%rem3A_1207, %dma_wait3A_1225, %dma_wait3A_1230] : memref<2x8x128xi32, #tpu.memory_space<vmem>> -> memref<1x1x128xi32, #tpu.memory_space<vmem>>
      %dma_wait3A_1232 = tpu.memref_squeeze %dma_wait3A_1231 : memref<1x1x128xi32, #tpu.memory_space<vmem>> -> memref<128xi32, #tpu.memory_space<vmem>>
      %dma_wait3A_1233 = arith.constant 0 : i32
      %dma_wait3A_1234 = arith.constant 0 : i32
      %dma_wait3A_1235 = tpu.memref_slice %arg2[%dma_wait3A_1233, %dma_wait3A_1234] : memref<100000x8xf32, #tpu.memory_space<hbm>> -> memref<100000x8xf32, #tpu.memory_space<hbm>>
      tpu.wait_indirect_dma semaphore(%arg17 : memref<!tpu.dma_semaphore, #tpu.memory_space<semaphore_mem>>) src(%dma_wait3A_1235 : memref<100000x8xf32, #tpu.memory_space<hbm>>) dst(%dma_wait3A_1229 : memref<128x8xf32, #tpu.memory_space<vmem>>)
      %dma_wait3A_1236 = arith.constant 2 : i32
      %dma_wait3A_1237 = arith.constant 256 : i32
      %dma_wait3A_1238 = arith.constant 0 : i32
      %dma_wait3A_1239 = tpu.memref_slice %arg13[%rem3A_1207, %dma_wait3A_1237, %dma_wait3A_1238] : memref<2x1024x8xf32, #tpu.memory_space<vmem>> -> memref<1x128x8xf32, #tpu.memory_space<vmem>>
      %dma_wait3A_1240 = tpu.memref_squeeze %dma_wait3A_1239 : memref<1x128x8xf32, #tpu.memory_space<vmem>> -> memref<128x8xf32, #tpu.memory_space<vmem>>
      %dma_wait3A_1241 = arith.constant 0 : i32
      %dma_wait3A_1242 = tpu.memref_slice %arg12[%rem3A_1207, %dma_wait3A_1236, %dma_wait3A_1241] : memref<2x8x128xi32, #tpu.memory_space<vmem>> -> memref<1x1x128xi32, #tpu.memory_space<vmem>>
      %dma_wait3A_1243 = tpu.memref_squeeze %dma_wait3A_1242 : memref<1x1x128xi32, #tpu.memory_space<vmem>> -> memref<128xi32, #tpu.memory_space<vmem>>
      %dma_wait3A_1244 = arith.constant 0 : i32
      %dma_wait3A_1245 = arith.constant 0 : i32
      %dma_wait3A_1246 = tpu.memref_slice %arg2[%dma_wait3A_1244, %dma_wait3A_1245] : memref<100000x8xf32, #tpu.memory_space<hbm>> -> memref<100000x8xf32, #tpu.memory_space<hbm>>
      tpu.wait_indirect_dma semaphore(%arg17 : memref<!tpu.dma_semaphore, #tpu.memory_space<semaphore_mem>>) src(%dma_wait3A_1246 : memref<100000x8xf32, #tpu.memory_space<hbm>>) dst(%dma_wait3A_1240 : memref<128x8xf32, #tpu.memory_space<vmem>>)
      %dma_wait3A_1247 = arith.constant 3 : i32
      %dma_wait3A_1248 = arith.constant 384 : i32
      %dma_wait3A_1249 = arith.constant 0 : i32
      %dma_wait3A_1250 = tpu.memref_slice %arg13[%rem3A_1207, %dma_wait3A_1248, %dma_wait3A_1249] : memref<2x1024x8xf32, #tpu.memory_space<vmem>> -> memref<1x128x8xf32, #tpu.memory_space<vmem>>
      %dma_wait3A_1251 = tpu.memref_squeeze %dma_wait3A_1250 : memref<1x128x8xf32, #tpu.memory_space<vmem>> -> memref<128x8xf32, #tpu.memory_space<vmem>>
      %dma_wait3A_1252 = arith.constant 0 : i32
      %dma_wait3A_1253 = tpu.memref_slice %arg12[%rem3A_1207, %dma_wait3A_1247, %dma_wait3A_1252] : memref<2x8x128xi32, #tpu.memory_space<vmem>> -> memref<1x1x128xi32, #tpu.memory_space<vmem>>
      %dma_wait3A_1254 = tpu.memref_squeeze %dma_wait3A_1253 : memref<1x1x128xi32, #tpu.memory_space<vmem>> -> memref<128xi32, #tpu.memory_space<vmem>>
      %dma_wait3A_1255 = arith.constant 0 : i32
      %dma_wait3A_1256 = arith.constant 0 : i32
      %dma_wait3A_1257 = tpu.memref_slice %arg2[%dma_wait3A_1255, %dma_wait3A_1256] : memref<100000x8xf32, #tpu.memory_space<hbm>> -> memref<100000x8xf32, #tpu.memory_space<hbm>>
      tpu.wait_indirect_dma semaphore(%arg17 : memref<!tpu.dma_semaphore, #tpu.memory_space<semaphore_mem>>) src(%dma_wait3A_1257 : memref<100000x8xf32, #tpu.memory_space<hbm>>) dst(%dma_wait3A_1251 : memref<128x8xf32, #tpu.memory_space<vmem>>)
      %dma_wait3A_1258 = arith.constant 4 : i32
      %dma_wait3A_1259 = arith.constant 512 : i32
      %dma_wait3A_1260 = arith.constant 0 : i32
      %dma_wait3A_1261 = tpu.memref_slice %arg13[%rem3A_1207, %dma_wait3A_1259, %dma_wait3A_1260] : memref<2x1024x8xf32, #tpu.memory_space<vmem>> -> memref<1x128x8xf32, #tpu.memory_space<vmem>>
      %dma_wait3A_1262 = tpu.memref_squeeze %dma_wait3A_1261 : memref<1x128x8xf32, #tpu.memory_space<vmem>> -> memref<128x8xf32, #tpu.memory_space<vmem>>
      %dma_wait3A_1263 = arith.constant 0 : i32
      %dma_wait3A_1264 = tpu.memref_slice %arg12[%rem3A_1207, %dma_wait3A_1258, %dma_wait3A_1263] : memref<2x8x128xi32, #tpu.memory_space<vmem>> -> memref<1x1x128xi32, #tpu.memory_space<vmem>>
      %dma_wait3A_1265 = tpu.memref_squeeze %dma_wait3A_1264 : memref<1x1x128xi32, #tpu.memory_space<vmem>> -> memref<128xi32, #tpu.memory_space<vmem>>
      %dma_wait3A_1266 = arith.constant 0 : i32
      %dma_wait3A_1267 = arith.constant 0 : i32
      %dma_wait3A_1268 = tpu.memref_slice %arg2[%dma_wait3A_1266, %dma_wait3A_1267] : memref<100000x8xf32, #tpu.memory_space<hbm>> -> memref<100000x8xf32, #tpu.memory_space<hbm>>
      tpu.wait_indirect_dma semaphore(%arg17 : memref<!tpu.dma_semaphore, #tpu.memory_space<semaphore_mem>>) src(%dma_wait3A_1268 : memref<100000x8xf32, #tpu.memory_space<hbm>>) dst(%dma_wait3A_1262 : memref<128x8xf32, #tpu.memory_space<vmem>>)
      %dma_wait3A_1269 = arith.constant 5 : i32
      %dma_wait3A_1270 = arith.constant 640 : i32
      %dma_wait3A_1271 = arith.constant 0 : i32
      %dma_wait3A_1272 = tpu.memref_slice %arg13[%rem3A_1207, %dma_wait3A_1270, %dma_wait3A_1271] : memref<2x1024x8xf32, #tpu.memory_space<vmem>> -> memref<1x128x8xf32, #tpu.memory_space<vmem>>
      %dma_wait3A_1273 = tpu.memref_squeeze %dma_wait3A_1272 : memref<1x128x8xf32, #tpu.memory_space<vmem>> -> memref<128x8xf32, #tpu.memory_space<vmem>>
      %dma_wait3A_1274 = arith.constant 0 : i32
      %dma_wait3A_1275 = tpu.memref_slice %arg12[%rem3A_1207, %dma_wait3A_1269, %dma_wait3A_1274] : memref<2x8x128xi32, #tpu.memory_space<vmem>> -> memref<1x1x128xi32, #tpu.memory_space<vmem>>
      %dma_wait3A_1276 = tpu.memref_squeeze %dma_wait3A_1275 : memref<1x1x128xi32, #tpu.memory_space<vmem>> -> memref<128xi32, #tpu.memory_space<vmem>>
      %dma_wait3A_1277 = arith.constant 0 : i32
      %dma_wait3A_1278 = arith.constant 0 : i32
      %dma_wait3A_1279 = tpu.memref_slice %arg2[%dma_wait3A_1277, %dma_wait3A_1278] : memref<100000x8xf32, #tpu.memory_space<hbm>> -> memref<100000x8xf32, #tpu.memory_space<hbm>>
      tpu.wait_indirect_dma semaphore(%arg17 : memref<!tpu.dma_semaphore, #tpu.memory_space<semaphore_mem>>) src(%dma_wait3A_1279 : memref<100000x8xf32, #tpu.memory_space<hbm>>) dst(%dma_wait3A_1273 : memref<128x8xf32, #tpu.memory_space<vmem>>)
      %dma_wait3A_1280 = arith.constant 6 : i32
      %dma_wait3A_1281 = arith.constant 768 : i32
      %dma_wait3A_1282 = arith.constant 0 : i32
      %dma_wait3A_1283 = tpu.memref_slice %arg13[%rem3A_1207, %dma_wait3A_1281, %dma_wait3A_1282] : memref<2x1024x8xf32, #tpu.memory_space<vmem>> -> memref<1x128x8xf32, #tpu.memory_space<vmem>>
      %dma_wait3A_1284 = tpu.memref_squeeze %dma_wait3A_1283 : memref<1x128x8xf32, #tpu.memory_space<vmem>> -> memref<128x8xf32, #tpu.memory_space<vmem>>
      %dma_wait3A_1285 = arith.constant 0 : i32
      %dma_wait3A_1286 = tpu.memref_slice %arg12[%rem3A_1207, %dma_wait3A_1280, %dma_wait3A_1285] : memref<2x8x128xi32, #tpu.memory_space<vmem>> -> memref<1x1x128xi32, #tpu.memory_space<vmem>>
      %dma_wait3A_1287 = tpu.memref_squeeze %dma_wait3A_1286 : memref<1x1x128xi32, #tpu.memory_space<vmem>> -> memref<128xi32, #tpu.memory_space<vmem>>
      %dma_wait3A_1288 = arith.constant 0 : i32
      %dma_wait3A_1289 = arith.constant 0 : i32
      %dma_wait3A_1290 = tpu.memref_slice %arg2[%dma_wait3A_1288, %dma_wait3A_1289] : memref<100000x8xf32, #tpu.memory_space<hbm>> -> memref<100000x8xf32, #tpu.memory_space<hbm>>
      tpu.wait_indirect_dma semaphore(%arg17 : memref<!tpu.dma_semaphore, #tpu.memory_space<semaphore_mem>>) src(%dma_wait3A_1290 : memref<100000x8xf32, #tpu.memory_space<hbm>>) dst(%dma_wait3A_1284 : memref<128x8xf32, #tpu.memory_space<vmem>>)
      %dma_wait3A_1291 = arith.constant 7 : i32
      %dma_wait3A_1292 = arith.constant 896 : i32
      %dma_wait3A_1293 = arith.constant 0 : i32
      %dma_wait3A_1294 = tpu.memref_slice %arg13[%rem3A_1207, %dma_wait3A_1292, %dma_wait3A_1293] : memref<2x1024x8xf32, #tpu.memory_space<vmem>> -> memref<1x128x8xf32, #tpu.memory_space<vmem>>
      %dma_wait3A_1295 = tpu.memref_squeeze %dma_wait3A_1294 : memref<1x128x8xf32, #tpu.memory_space<vmem>> -> memref<128x8xf32, #tpu.memory_space<vmem>>
      %dma_wait3A_1296 = arith.constant 0 : i32
      %dma_wait3A_1297 = tpu.memref_slice %arg12[%rem3A_1207, %dma_wait3A_1291, %dma_wait3A_1296] : memref<2x8x128xi32, #tpu.memory_space<vmem>> -> memref<1x1x128xi32, #tpu.memory_space<vmem>>
      %dma_wait3A_1298 = tpu.memref_squeeze %dma_wait3A_1297 : memref<1x1x128xi32, #tpu.memory_space<vmem>> -> memref<128xi32, #tpu.memory_space<vmem>>
      %dma_wait3A_1299 = arith.constant 0 : i32
      %dma_wait3A_1300 = arith.constant 0 : i32
      %dma_wait3A_1301 = tpu.memref_slice %arg2[%dma_wait3A_1299, %dma_wait3A_1300] : memref<100000x8xf32, #tpu.memory_space<hbm>> -> memref<100000x8xf32, #tpu.memory_space<hbm>>
      tpu.wait_indirect_dma semaphore(%arg17 : memref<!tpu.dma_semaphore, #tpu.memory_space<semaphore_mem>>) src(%dma_wait3A_1301 : memref<100000x8xf32, #tpu.memory_space<hbm>>) dst(%dma_wait3A_1295 : memref<128x8xf32, #tpu.memory_space<vmem>>)
      %add3A_1302 = arith.constant 2 : i32
      %add3A_1303 = arith.addi %scan3A_1204, %add3A_1302 : i32
      %lt3A_1304 = arith.constant 128 : i32
      %lt3A_1305 = arith.cmpi slt, %add3A_1303, %lt3A_1304 : i32
      %convert_element_type3A_1306 = arith.extui %lt3A_1305 : i1 to i32
      %cond3A_1307 = arith.constant 0 : i32
      %cond3A_1308 = arith.cmpi ne, %convert_element_type3A_1306, %cond3A_1307 : i32
      scf.if %cond3A_1308 {
        %add3A_1424 = arith.constant 2 : i32
        %add3A_1425 = arith.addi %scan3A_1204, %add3A_1424 : i32
        %mul3A_1426 = arith.constant 16 : i32
        %mul3A_1427 = arith.muli %add3A_1425, %mul3A_1426 : i32
        %add3A_1428 = arith.addi %multiple_of3A, %mul3A_1427 : i32
        %jit3A_1429 = arith.constant 2 : i32
        %div3A_1430 = arith.divsi %add3A_1428, %jit3A_1429 : i32
        %sign3A_1431 = arith.constant 0 : i32
        %sign3A_1432 = arith.cmpi sgt, %add3A_1428, %sign3A_1431 : i32
        %sign3A_1433 = arith.extui %sign3A_1432 : i1 to i32
        %sign3A_1434 = arith.constant 0 : i32
        %sign3A_1435 = arith.cmpi slt, %add3A_1428, %sign3A_1434 : i32
        %sign3A_1436 = arith.extui %sign3A_1435 : i1 to i32
        %sign3A_1437 = arith.subi %sign3A_1433, %sign3A_1436 : i32
        %sign3A_1438 = arith.constant 0 : i32
        %sign3A_1439 = arith.cmpi sgt, %jit3A_1429, %sign3A_1438 : i32
        %sign3A_1440 = arith.extui %sign3A_1439 : i1 to i32
        %sign3A_1441 = arith.constant 0 : i32
        %sign3A_1442 = arith.cmpi slt, %jit3A_1429, %sign3A_1441 : i32
        %sign3A_1443 = arith.extui %sign3A_1442 : i1 to i32
        %sign3A_1444 = arith.subi %sign3A_1440, %sign3A_1443 : i32
        %ne3A_1445 = arith.cmpi ne, %sign3A_1437, %sign3A_1444 : i32
        %rem3A_1446 = arith.remsi %add3A_1428, %jit3A_1429 : i32
        %ne3A_1447 = arith.constant 0 : i32
        %ne3A_1448 = arith.cmpi ne, %rem3A_1446, %ne3A_1447 : i32
        %and3A_1449 = arith.andi %ne3A_1445, %ne3A_1448 : i1
        %sub3A_1450 = arith.constant 1 : i32
        %sub3A_1451 = arith.subi %div3A_1430, %sub3A_1450 : i32
        %select_n3A_1452 = arith.select %and3A_1449, %sub3A_1451, %div3A_1430 : i32
        %multiple_of3A_1453 = tpu.assume_multiple %select_n3A_1452, 8 : i32
        %dma_start3A_1454 = arith.constant 0 : i32
        %dma_start3A_1455 = arith.constant 0 : i32
        %dma_start3A_1456 = tpu.memref_slice %arg12[%rem3A_1207, %dma_start3A_1454, %dma_start3A_1455] : memref<2x8x128xi32, #tpu.memory_space<vmem>> -> memref<1x8x128xi32, #tpu.memory_space<vmem>>
        %dma_start3A_1457 = tpu.memref_squeeze %dma_start3A_1456 : memref<1x8x128xi32, #tpu.memory_space<vmem>> -> memref<8x128xi32, #tpu.memory_space<vmem>>
        %dma_start3A_1458 = arith.constant 0 : i32
        %dma_start3A_1459 = tpu.memref_slice %arg7[%multiple_of3A_1453, %dma_start3A_1458] : memref<32768x128xi32, #tpu.memory_space<hbm>> -> memref<8x128xi32, #tpu.memory_space<hbm>>
        %dma_start3A_1460 = arith.constant 0 : i32
        %dma_start3A_1461 = arith.constant 0 : i32
        %dma_start3A_1462 = tpu.memref_slice %arg12[%rem3A_1207, %dma_start3A_1460, %dma_start3A_1461] : memref<2x8x128xi32, #tpu.memory_space<vmem>> -> memref<1x8x128xi32, #tpu.memory_space<vmem>>
        %dma_start3A_1463 = tpu.memref_squeeze %dma_start3A_1462 : memref<1x8x128xi32, #tpu.memory_space<vmem>> -> memref<8x128xi32, #tpu.memory_space<vmem>>
        %dma_start3A_1464 = arith.constant 0 : i32
        %dma_start3A_1465 = tpu.memref_slice %arg7[%multiple_of3A_1453, %dma_start3A_1464] : memref<32768x128xi32, #tpu.memory_space<hbm>> -> memref<8x128xi32, #tpu.memory_space<hbm>>
        tpu.enqueue_dma source(%dma_start3A_1465 : memref<8x128xi32, #tpu.memory_space<hbm>>) target(%dma_start3A_1463 : memref<8x128xi32, #tpu.memory_space<vmem>>) target_semaphore(%arg18 : memref<!tpu.dma_semaphore, #tpu.memory_space<semaphore_mem>>)
      } else {
      }
      %mul3A_1309 = arith.constant 16 : i32
      %mul3A_1310 = arith.muli %scan3A_1204, %mul3A_1309 : i32
      %get3A_1311 = arith.constant 0 : i32
      %get3A_1312 = arith.index_cast %get3A_1311 : i32 to index
      %get3A_1313 = arith.index_cast %mul3A_1310 : i32 to index
      %get3A_1314 = tpu.vector_load %arg15[%get3A_1312, %get3A_1313] {strides = array<i32>} : memref<4x2048xf32, #tpu.memory_space<vmem>>, vector<16xf32>,
      %get3A_1315 = arith.constant 1 : i32
      %get3A_1316 = arith.index_cast %get3A_1315 : i32 to index
      %get3A_1317 = arith.index_cast %mul3A_1310 : i32 to index
      %get3A_1318 = tpu.vector_load %arg15[%get3A_1316, %get3A_1317] {strides = array<i32>} : memref<4x2048xf32, #tpu.memory_space<vmem>>, vector<16xf32>,
      %get3A_1319 = arith.constant 2 : i32
      %get3A_1320 = arith.index_cast %get3A_1319 : i32 to index
      %get3A_1321 = arith.index_cast %mul3A_1310 : i32 to index
      %get3A_1322 = tpu.vector_load %arg15[%get3A_1320, %get3A_1321] {strides = array<i32>} : memref<4x2048xf32, #tpu.memory_space<vmem>>, vector<16xf32>,
      %get3A_1323 = arith.constant 3 : i32
      %get3A_1324 = arith.index_cast %get3A_1323 : i32 to index
      %get3A_1325 = arith.index_cast %mul3A_1310 : i32 to index
      %get3A_1326 = tpu.vector_load %arg15[%get3A_1324, %get3A_1325] {strides = array<i32>} : memref<4x2048xf32, #tpu.memory_space<vmem>>, vector<16xf32>,
      %mul3A_1327 = arith.mulf %get3A_1326, %get3A_1326 : vector<16xf32>
      %add3A_1328 = arith.constant 9.99999993E-9 : f32
      %add3A_1329 = vector.broadcast %add3A_1328 : f32 to vector<16xf32>
      %add3A_1330 = arith.addf %mul3A_1327, %add3A_1329 : vector<16xf32>
      %div3A_1331 = arith.constant -1.000000e+00 : f32
      %div3A_1332 = vector.broadcast %div3A_1331 : f32 to vector<16xf32>
      %div3A_1333 = arith.divf %div3A_1332, %add3A_1330 : vector<16xf32>
      %mul3A_1334 = arith.constant 2.000000e+00 : f32
      %mul3A_1335 = vector.broadcast %mul3A_1334 : f32 to vector<16xf32>
      %mul3A_1336 = arith.mulf %mul3A_1335, %div3A_1333 : vector<16xf32>
      %broadcast_in_dim3A_1337 = arith.constant 0.000000e+00 : f32
      %broadcast_in_dim3A_1338 = vector.broadcast %broadcast_in_dim3A_1337 : f32 to vector<16xf32>
      %parallel_loop3A = arith.constant 0 : i32
      %parallel_loop3A_1339 = arith.constant 64 : i32
      %parallel_loop3A_1340 = arith.constant 1 : i32
      %parallel_loop3A_1341:11 = scf.for %parallel_loop3A_1424 = %parallel_loop3A to %parallel_loop3A_1339 step %parallel_loop3A_1340 iter_args(%parallel_loop3A_1425 = %broadcast_in_dim3A_1338, %parallel_loop3A_1426 = %broadcast_in_dim3A_1338, %parallel_loop3A_1427 = %broadcast_in_dim3A_1338, %parallel_loop3A_1428 = %broadcast_in_dim3A_1338, %parallel_loop3A_1429 = %broadcast_in_dim3A_1338, %parallel_loop3A_1430 = %broadcast_in_dim3A_1338, %parallel_loop3A_1431 = %broadcast_in_dim3A_1338, %parallel_loop3A_1432 = %broadcast_in_dim3A_1338, %parallel_loop3A_1433 = %broadcast_in_dim3A_1338, %parallel_loop3A_1434 = %broadcast_in_dim3A_1338, %parallel_loop3A_1435 = %broadcast_in_dim3A_1338) -> (vector<16xf32>, vector<16xf32>, vector<16xf32>, vector<16xf32>, vector<16xf32>, vector<16xf32>, vector<16xf32>, vector<16xf32>, vector<16xf32>, vector<16xf32>, vector<16xf32>)  : i32 {
        %parallel_loop3A_1436 = vector.broadcast %parallel_loop3A_1424 : i32 to vector<16xi32>
        %parallel_loop3A_1437 = arith.addi %mul3A_8, %parallel_loop3A_1436 : vector<16xi32>
        %parallel_loop3A_1438 = arith.constant 0 : i32
        %parallel_loop3A_1439 = arith.constant 0 : i32
        %parallel_loop3A_1440 = tpu.memref_slice %arg13[%rem3A_1207, %parallel_loop3A_1438, %parallel_loop3A_1439] : memref<2x1024x8xf32, #tpu.memory_space<vmem>> -> memref<1x1024x8xf32, #tpu.memory_space<vmem>>
        %parallel_loop3A_1441 = tpu.memref_squeeze %parallel_loop3A_1440 : memref<1x1024x8xf32, #tpu.memory_space<vmem>> -> memref<1024x8xf32, #tpu.memory_space<vmem>>
        %parallel_loop3A_1442 = tpu.vector_load_idx %parallel_loop3A_1441[%parallel_loop3A_1437, %broadcast_in_dim3A_9] : memref<1024x8xf32, #tpu.memory_space<vmem>>[vector<16xi32>, vector<16xi32>], vector<16xf32>,
        %parallel_loop3A_1443 = arith.constant 0 : i32
        %parallel_loop3A_1444 = arith.constant 0 : i32
        %parallel_loop3A_1445 = tpu.memref_slice %arg13[%rem3A_1207, %parallel_loop3A_1443, %parallel_loop3A_1444] : memref<2x1024x8xf32, #tpu.memory_space<vmem>> -> memref<1x1024x8xf32, #tpu.memory_space<vmem>>
        %parallel_loop3A_1446 = tpu.memref_squeeze %parallel_loop3A_1445 : memref<1x1024x8xf32, #tpu.memory_space<vmem>> -> memref<1024x8xf32, #tpu.memory_space<vmem>>
        %parallel_loop3A_1447 = tpu.vector_load_idx %parallel_loop3A_1446[%parallel_loop3A_1437, %broadcast_in_dim3A_11] : memref<1024x8xf32, #tpu.memory_space<vmem>>[vector<16xi32>, vector<16xi32>], vector<16xf32>,
        %parallel_loop3A_1448 = arith.constant 0 : i32
        %parallel_loop3A_1449 = arith.constant 0 : i32
        %parallel_loop3A_1450 = tpu.memref_slice %arg13[%rem3A_1207, %parallel_loop3A_1448, %parallel_loop3A_1449] : memref<2x1024x8xf32, #tpu.memory_space<vmem>> -> memref<1x1024x8xf32, #tpu.memory_space<vmem>>
        %parallel_loop3A_1451 = tpu.memref_squeeze %parallel_loop3A_1450 : memref<1x1024x8xf32, #tpu.memory_space<vmem>> -> memref<1024x8xf32, #tpu.memory_space<vmem>>
        %parallel_loop3A_1452 = tpu.vector_load_idx %parallel_loop3A_1451[%parallel_loop3A_1437, %broadcast_in_dim3A_13] : memref<1024x8xf32, #tpu.memory_space<vmem>>[vector<16xi32>, vector<16xi32>], vector<16xf32>,
        %parallel_loop3A_1453 = arith.constant 0 : i32
        %parallel_loop3A_1454 = arith.constant 0 : i32
        %parallel_loop3A_1455 = tpu.memref_slice %arg13[%rem3A_1207, %parallel_loop3A_1453, %parallel_loop3A_1454] : memref<2x1024x8xf32, #tpu.memory_space<vmem>> -> memref<1x1024x8xf32, #tpu.memory_space<vmem>>
        %parallel_loop3A_1456 = tpu.memref_squeeze %parallel_loop3A_1455 : memref<1x1024x8xf32, #tpu.memory_space<vmem>> -> memref<1024x8xf32, #tpu.memory_space<vmem>>
        %parallel_loop3A_1457 = tpu.vector_load_idx %parallel_loop3A_1456[%parallel_loop3A_1437, %broadcast_in_dim3A_15] : memref<1024x8xf32, #tpu.memory_space<vmem>>[vector<16xi32>, vector<16xi32>], vector<16xf32>,
        %parallel_loop3A_1458 = arith.constant 0 : i32
        %parallel_loop3A_1459 = arith.constant 0 : i32
        %parallel_loop3A_1460 = tpu.memref_slice %arg13[%rem3A_1207, %parallel_loop3A_1458, %parallel_loop3A_1459] : memref<2x1024x8xf32, #tpu.memory_space<vmem>> -> memref<1x1024x8xf32, #tpu.memory_space<vmem>>
        %parallel_loop3A_1461 = tpu.memref_squeeze %parallel_loop3A_1460 : memref<1x1024x8xf32, #tpu.memory_space<vmem>> -> memref<1024x8xf32, #tpu.memory_space<vmem>>
        %parallel_loop3A_1462 = tpu.vector_load_idx %parallel_loop3A_1461[%parallel_loop3A_1437, %broadcast_in_dim3A_17] : memref<1024x8xf32, #tpu.memory_space<vmem>>[vector<16xi32>, vector<16xi32>], vector<16xf32>,
        %parallel_loop3A_1463 = arith.constant 0 : i32
        %parallel_loop3A_1464 = arith.constant 0 : i32
        %parallel_loop3A_1465 = tpu.memref_slice %arg13[%rem3A_1207, %parallel_loop3A_1463, %parallel_loop3A_1464] : memref<2x1024x8xf32, #tpu.memory_space<vmem>> -> memref<1x1024x8xf32, #tpu.memory_space<vmem>>
        %parallel_loop3A_1466 = tpu.memref_squeeze %parallel_loop3A_1465 : memref<1x1024x8xf32, #tpu.memory_space<vmem>> -> memref<1024x8xf32, #tpu.memory_space<vmem>>
        %parallel_loop3A_1467 = tpu.vector_load_idx %parallel_loop3A_1466[%parallel_loop3A_1437, %broadcast_in_dim3A_19] : memref<1024x8xf32, #tpu.memory_space<vmem>>[vector<16xi32>, vector<16xi32>], vector<16xf32>,
        %parallel_loop3A_1468 = arith.subf %get3A_1314, %parallel_loop3A_1442 : vector<16xf32>
        %parallel_loop3A_1469 = arith.subf %get3A_1318, %parallel_loop3A_1447 : vector<16xf32>
        %parallel_loop3A_1470 = arith.subf %get3A_1322, %parallel_loop3A_1452 : vector<16xf32>
        %parallel_loop3A_1471 = arith.mulf %parallel_loop3A_1468, %parallel_loop3A_1468 : vector<16xf32>
        %parallel_loop3A_1472 = arith.mulf %parallel_loop3A_1469, %parallel_loop3A_1469 : vector<16xf32>
        %parallel_loop3A_1473 = arith.addf %parallel_loop3A_1471, %parallel_loop3A_1472 : vector<16xf32>
        %parallel_loop3A_1474 = arith.mulf %parallel_loop3A_1470, %parallel_loop3A_1470 : vector<16xf32>
        %parallel_loop3A_1475 = arith.addf %parallel_loop3A_1473, %parallel_loop3A_1474 : vector<16xf32>
        %parallel_loop3A_1476 = arith.mulf %parallel_loop3A_1475, %div3A_1333 : vector<16xf32>
        %parallel_loop3A_1477 = math.exp %parallel_loop3A_1476 : vector<16xf32>
        %parallel_loop3A_1478 = arith.mulf %parallel_loop3A_1468, %parallel_loop3A_1457 : vector<16xf32>
        %parallel_loop3A_1479 = arith.mulf %parallel_loop3A_1469, %parallel_loop3A_1462 : vector<16xf32>
        %parallel_loop3A_1480 = arith.addf %parallel_loop3A_1478, %parallel_loop3A_1479 : vector<16xf32>
        %parallel_loop3A_1481 = arith.mulf %parallel_loop3A_1470, %parallel_loop3A_1467 : vector<16xf32>
        %parallel_loop3A_1482 = arith.addf %parallel_loop3A_1480, %parallel_loop3A_1481 : vector<16xf32>
        %parallel_loop3A_1483 = arith.mulf %parallel_loop3A_1477, %mul3A_1336 : vector<16xf32>
        %parallel_loop3A_1484 = arith.mulf %parallel_loop3A_1483, %parallel_loop3A_1468 : vector<16xf32>
        %parallel_loop3A_1485 = arith.mulf %parallel_loop3A_1483, %parallel_loop3A_1469 : vector<16xf32>
        %parallel_loop3A_1486 = arith.mulf %parallel_loop3A_1483, %parallel_loop3A_1470 : vector<16xf32>
        %parallel_loop3A_1487 = arith.constant 0 : i32
        %parallel_loop3A_1488 = arith.index_cast %parallel_loop3A_1487 : i32 to index
        %parallel_loop3A_1489 = arith.index_cast %parallel_loop3A_1424 : i32 to index
        %parallel_loop3A_1490 = arith.constant 0 : index
        %parallel_loop3A_1491 = tpu.vector_load %arg14[%parallel_loop3A_1488, %parallel_loop3A_1489, %parallel_loop3A_1490] {strides = array<i32>} : memref<8x64x16xf32, #tpu.memory_space<vmem>>, vector<16xf32>,
        tpu.vector_store %arg14[%parallel_loop3A_1488, %parallel_loop3A_1489, %parallel_loop3A_1490], %parallel_loop3A_1477 {strides = array<i32>} : memref<8x64x16xf32, #tpu.memory_space<vmem>>, vector<16xf32>,
        %parallel_loop3A_1492 = arith.constant 1 : i32
        %parallel_loop3A_1493 = arith.index_cast %parallel_loop3A_1492 : i32 to index
        %parallel_loop3A_1494 = arith.index_cast %parallel_loop3A_1424 : i32 to index
        %parallel_loop3A_1495 = arith.constant 0 : index
        %parallel_loop3A_1496 = tpu.vector_load %arg14[%parallel_loop3A_1493, %parallel_loop3A_1494, %parallel_loop3A_1495] {strides = array<i32>} : memref<8x64x16xf32, #tpu.memory_space<vmem>>, vector<16xf32>,
        tpu.vector_store %arg14[%parallel_loop3A_1493, %parallel_loop3A_1494, %parallel_loop3A_1495], %parallel_loop3A_1482 {strides = array<i32>} : memref<8x64x16xf32, #tpu.memory_space<vmem>>, vector<16xf32>,
        %parallel_loop3A_1497 = arith.constant 2 : i32
        %parallel_loop3A_1498 = arith.index_cast %parallel_loop3A_1497 : i32 to index
        %parallel_loop3A_1499 = arith.index_cast %parallel_loop3A_1424 : i32 to index
        %parallel_loop3A_1500 = arith.constant 0 : index
        %parallel_loop3A_1501 = tpu.vector_load %arg14[%parallel_loop3A_1498, %parallel_loop3A_1499, %parallel_loop3A_1500] {strides = array<i32>} : memref<8x64x16xf32, #tpu.memory_space<vmem>>, vector<16xf32>,
        tpu.vector_store %arg14[%parallel_loop3A_1498, %parallel_loop3A_1499, %parallel_loop3A_1500], %parallel_loop3A_1484 {strides = array<i32>} : memref<8x64x16xf32, #tpu.memory_space<vmem>>, vector<16xf32>,
        %parallel_loop3A_1502 = arith.constant 3 : i32
        %parallel_loop3A_1503 = arith.index_cast %parallel_loop3A_1502 : i32 to index
        %parallel_loop3A_1504 = arith.index_cast %parallel_loop3A_1424 : i32 to index
        %parallel_loop3A_1505 = arith.constant 0 : index
        %parallel_loop3A_1506 = tpu.vector_load %arg14[%parallel_loop3A_1503, %parallel_loop3A_1504, %parallel_loop3A_1505] {strides = array<i32>} : memref<8x64x16xf32, #tpu.memory_space<vmem>>, vector<16xf32>,
        tpu.vector_store %arg14[%parallel_loop3A_1503, %parallel_loop3A_1504, %parallel_loop3A_1505], %parallel_loop3A_1485 {strides = array<i32>} : memref<8x64x16xf32, #tpu.memory_space<vmem>>, vector<16xf32>,
        %parallel_loop3A_1507 = arith.constant 4 : i32
        %parallel_loop3A_1508 = arith.index_cast %parallel_loop3A_1507 : i32 to index
        %parallel_loop3A_1509 = arith.index_cast %parallel_loop3A_1424 : i32 to index
        %parallel_loop3A_1510 = arith.constant 0 : index
        %parallel_loop3A_1511 = tpu.vector_load %arg14[%parallel_loop3A_1508, %parallel_loop3A_1509, %parallel_loop3A_1510] {strides = array<i32>} : memref<8x64x16xf32, #tpu.memory_space<vmem>>, vector<16xf32>,
        tpu.vector_store %arg14[%parallel_loop3A_1508, %parallel_loop3A_1509, %parallel_loop3A_1510], %parallel_loop3A_1486 {strides = array<i32>} : memref<8x64x16xf32, #tpu.memory_space<vmem>>, vector<16xf32>,
        %parallel_loop3A_1512 = arith.constant 5 : i32
        %parallel_loop3A_1513 = arith.index_cast %parallel_loop3A_1512 : i32 to index
        %parallel_loop3A_1514 = arith.index_cast %parallel_loop3A_1424 : i32 to index
        %parallel_loop3A_1515 = arith.constant 0 : index
        %parallel_loop3A_1516 = tpu.vector_load %arg14[%parallel_loop3A_1513, %parallel_loop3A_1514, %parallel_loop3A_1515] {strides = array<i32>} : memref<8x64x16xf32, #tpu.memory_space<vmem>>, vector<16xf32>,
        tpu.vector_store %arg14[%parallel_loop3A_1513, %parallel_loop3A_1514, %parallel_loop3A_1515], %parallel_loop3A_1457 {strides = array<i32>} : memref<8x64x16xf32, #tpu.memory_space<vmem>>, vector<16xf32>,
        %parallel_loop3A_1517 = arith.constant 6 : i32
        %parallel_loop3A_1518 = arith.index_cast %parallel_loop3A_1517 : i32 to index
        %parallel_loop3A_1519 = arith.index_cast %parallel_loop3A_1424 : i32 to index
        %parallel_loop3A_1520 = arith.constant 0 : index
        %parallel_loop3A_1521 = tpu.vector_load %arg14[%parallel_loop3A_1518, %parallel_loop3A_1519, %parallel_loop3A_1520] {strides = array<i32>} : memref<8x64x16xf32, #tpu.memory_space<vmem>>, vector<16xf32>,
        tpu.vector_store %arg14[%parallel_loop3A_1518, %parallel_loop3A_1519, %parallel_loop3A_1520], %parallel_loop3A_1462 {strides = array<i32>} : memref<8x64x16xf32, #tpu.memory_space<vmem>>, vector<16xf32>,
        %parallel_loop3A_1522 = arith.constant 7 : i32
        %parallel_loop3A_1523 = arith.index_cast %parallel_loop3A_1522 : i32 to index
        %parallel_loop3A_1524 = arith.index_cast %parallel_loop3A_1424 : i32 to index
        %parallel_loop3A_1525 = arith.constant 0 : index
        %parallel_loop3A_1526 = tpu.vector_load %arg14[%parallel_loop3A_1523, %parallel_loop3A_1524, %parallel_loop3A_1525] {strides = array<i32>} : memref<8x64x16xf32, #tpu.memory_space<vmem>>, vector<16xf32>,
        tpu.vector_store %arg14[%parallel_loop3A_1523, %parallel_loop3A_1524, %parallel_loop3A_1525], %parallel_loop3A_1467 {strides = array<i32>} : memref<8x64x16xf32, #tpu.memory_space<vmem>>, vector<16xf32>,
        %parallel_loop3A_1527 = arith.addf %parallel_loop3A_1425, %parallel_loop3A_1477 : vector<16xf32>
        %parallel_loop3A_1528 = arith.mulf %parallel_loop3A_1477, %parallel_loop3A_1482 : vector<16xf32>
        %parallel_loop3A_1529 = arith.addf %parallel_loop3A_1426, %parallel_loop3A_1528 : vector<16xf32>
        %parallel_loop3A_1530 = arith.addf %parallel_loop3A_1427, %parallel_loop3A_1484 : vector<16xf32>
        %parallel_loop3A_1531 = arith.addf %parallel_loop3A_1428, %parallel_loop3A_1485 : vector<16xf32>
        %parallel_loop3A_1532 = arith.addf %parallel_loop3A_1429, %parallel_loop3A_1486 : vector<16xf32>
        %parallel_loop3A_1533 = arith.mulf %parallel_loop3A_1484, %parallel_loop3A_1482 : vector<16xf32>
        %parallel_loop3A_1534 = arith.addf %parallel_loop3A_1430, %parallel_loop3A_1533 : vector<16xf32>
        %parallel_loop3A_1535 = arith.mulf %parallel_loop3A_1485, %parallel_loop3A_1482 : vector<16xf32>
        %parallel_loop3A_1536 = arith.addf %parallel_loop3A_1431, %parallel_loop3A_1535 : vector<16xf32>
        %parallel_loop3A_1537 = arith.mulf %parallel_loop3A_1486, %parallel_loop3A_1482 : vector<16xf32>
        %parallel_loop3A_1538 = arith.addf %parallel_loop3A_1432, %parallel_loop3A_1537 : vector<16xf32>
        %parallel_loop3A_1539 = arith.mulf %parallel_loop3A_1477, %parallel_loop3A_1457 : vector<16xf32>
        %parallel_loop3A_1540 = arith.addf %parallel_loop3A_1433, %parallel_loop3A_1539 : vector<16xf32>
        %parallel_loop3A_1541 = arith.mulf %parallel_loop3A_1477, %parallel_loop3A_1462 : vector<16xf32>
        %parallel_loop3A_1542 = arith.addf %parallel_loop3A_1434, %parallel_loop3A_1541 : vector<16xf32>
        %parallel_loop3A_1543 = arith.mulf %parallel_loop3A_1477, %parallel_loop3A_1467 : vector<16xf32>
        %parallel_loop3A_1544 = arith.addf %parallel_loop3A_1435, %parallel_loop3A_1543 : vector<16xf32>
        scf.yield %parallel_loop3A_1527, %parallel_loop3A_1529, %parallel_loop3A_1530, %parallel_loop3A_1531, %parallel_loop3A_1532, %parallel_loop3A_1534, %parallel_loop3A_1536, %parallel_loop3A_1538, %parallel_loop3A_1540, %parallel_loop3A_1542, %parallel_loop3A_1544 : vector<16xf32>, vector<16xf32>, vector<16xf32>, vector<16xf32>, vector<16xf32>, vector<16xf32>, vector<16xf32>, vector<16xf32>, vector<16xf32>, vector<16xf32>, vector<16xf32>
      } {sc.loop_unroll_factor = 2 : i64, sc.parallel_access}
      %add3A_1342 = arith.constant 9.99999993E-9 : f32
      %add3A_1343 = vector.broadcast %add3A_1342 : f32 to vector<16xf32>
      %add3A_1344 = arith.addf %parallel_loop3A_1341#0, %add3A_1343 : vector<16xf32>
      %div3A_1345 = arith.constant 1.000000e+00 : f32
      %div3A_1346 = vector.broadcast %div3A_1345 : f32 to vector<16xf32>
      %div3A_1347 = arith.divf %div3A_1346, %add3A_1344 : vector<16xf32>
      %mul3A_1348 = arith.mulf %parallel_loop3A_1341#1, %div3A_1347 : vector<16xf32>
      %add3A_1349 = arith.addf %parallel_loop3A_1341#5, %parallel_loop3A_1341#8 : vector<16xf32>
      %mul3A_1350 = arith.mulf %parallel_loop3A_1341#2, %mul3A_1348 : vector<16xf32>
      %sub3A_1351 = arith.subf %add3A_1349, %mul3A_1350 : vector<16xf32>
      %mul3A_1352 = arith.mulf %sub3A_1351, %div3A_1347 : vector<16xf32>
      %add3A_1353 = arith.addf %parallel_loop3A_1341#6, %parallel_loop3A_1341#9 : vector<16xf32>
      %mul3A_1354 = arith.mulf %parallel_loop3A_1341#3, %mul3A_1348 : vector<16xf32>
      %sub3A_1355 = arith.subf %add3A_1353, %mul3A_1354 : vector<16xf32>
      %mul3A_1356 = arith.mulf %sub3A_1355, %div3A_1347 : vector<16xf32>
      %add3A_1357 = arith.addf %parallel_loop3A_1341#7, %parallel_loop3A_1341#10 : vector<16xf32>
      %mul3A_1358 = arith.mulf %parallel_loop3A_1341#4, %mul3A_1348 : vector<16xf32>
      %sub3A_1359 = arith.subf %add3A_1357, %mul3A_1358 : vector<16xf32>
      %mul3A_1360 = arith.mulf %sub3A_1359, %div3A_1347 : vector<16xf32>
      %parallel_loop3A_1361 = arith.constant 0 : i32
      %parallel_loop3A_1362 = arith.constant 64 : i32
      %parallel_loop3A_1363 = arith.constant 1 : i32
      %parallel_loop3A_1364:11 = scf.for %parallel_loop3A_1424 = %parallel_loop3A_1361 to %parallel_loop3A_1362 step %parallel_loop3A_1363 iter_args(%parallel_loop3A_1425 = %broadcast_in_dim3A_1338, %parallel_loop3A_1426 = %broadcast_in_dim3A_1338, %parallel_loop3A_1427 = %broadcast_in_dim3A_1338, %parallel_loop3A_1428 = %broadcast_in_dim3A_1338, %parallel_loop3A_1429 = %broadcast_in_dim3A_1338, %parallel_loop3A_1430 = %broadcast_in_dim3A_1338, %parallel_loop3A_1431 = %broadcast_in_dim3A_1338, %parallel_loop3A_1432 = %broadcast_in_dim3A_1338, %parallel_loop3A_1433 = %broadcast_in_dim3A_1338, %parallel_loop3A_1434 = %broadcast_in_dim3A_1338, %parallel_loop3A_1435 = %broadcast_in_dim3A_1338) -> (vector<16xf32>, vector<16xf32>, vector<16xf32>, vector<16xf32>, vector<16xf32>, vector<16xf32>, vector<16xf32>, vector<16xf32>, vector<16xf32>, vector<16xf32>, vector<16xf32>)  : i32 {
        %parallel_loop3A_1436 = arith.constant 0 : i32
        %parallel_loop3A_1437 = arith.index_cast %parallel_loop3A_1436 : i32 to index
        %parallel_loop3A_1438 = arith.index_cast %parallel_loop3A_1424 : i32 to index
        %parallel_loop3A_1439 = arith.constant 0 : index
        %parallel_loop3A_1440 = tpu.vector_load %arg14[%parallel_loop3A_1437, %parallel_loop3A_1438, %parallel_loop3A_1439] {strides = array<i32>} : memref<8x64x16xf32, #tpu.memory_space<vmem>>, vector<16xf32>,
        %parallel_loop3A_1441 = arith.constant 1 : i32
        %parallel_loop3A_1442 = arith.index_cast %parallel_loop3A_1441 : i32 to index
        %parallel_loop3A_1443 = arith.index_cast %parallel_loop3A_1424 : i32 to index
        %parallel_loop3A_1444 = arith.constant 0 : index
        %parallel_loop3A_1445 = tpu.vector_load %arg14[%parallel_loop3A_1442, %parallel_loop3A_1443, %parallel_loop3A_1444] {strides = array<i32>} : memref<8x64x16xf32, #tpu.memory_space<vmem>>, vector<16xf32>,
        %parallel_loop3A_1446 = arith.constant 2 : i32
        %parallel_loop3A_1447 = arith.index_cast %parallel_loop3A_1446 : i32 to index
        %parallel_loop3A_1448 = arith.index_cast %parallel_loop3A_1424 : i32 to index
        %parallel_loop3A_1449 = arith.constant 0 : index
        %parallel_loop3A_1450 = tpu.vector_load %arg14[%parallel_loop3A_1447, %parallel_loop3A_1448, %parallel_loop3A_1449] {strides = array<i32>} : memref<8x64x16xf32, #tpu.memory_space<vmem>>, vector<16xf32>,
        %parallel_loop3A_1451 = arith.constant 3 : i32
        %parallel_loop3A_1452 = arith.index_cast %parallel_loop3A_1451 : i32 to index
        %parallel_loop3A_1453 = arith.index_cast %parallel_loop3A_1424 : i32 to index
        %parallel_loop3A_1454 = arith.constant 0 : index
        %parallel_loop3A_1455 = tpu.vector_load %arg14[%parallel_loop3A_1452, %parallel_loop3A_1453, %parallel_loop3A_1454] {strides = array<i32>} : memref<8x64x16xf32, #tpu.memory_space<vmem>>, vector<16xf32>,
        %parallel_loop3A_1456 = arith.constant 4 : i32
        %parallel_loop3A_1457 = arith.index_cast %parallel_loop3A_1456 : i32 to index
        %parallel_loop3A_1458 = arith.index_cast %parallel_loop3A_1424 : i32 to index
        %parallel_loop3A_1459 = arith.constant 0 : index
        %parallel_loop3A_1460 = tpu.vector_load %arg14[%parallel_loop3A_1457, %parallel_loop3A_1458, %parallel_loop3A_1459] {strides = array<i32>} : memref<8x64x16xf32, #tpu.memory_space<vmem>>, vector<16xf32>,
        %parallel_loop3A_1461 = arith.constant 5 : i32
        %parallel_loop3A_1462 = arith.index_cast %parallel_loop3A_1461 : i32 to index
        %parallel_loop3A_1463 = arith.index_cast %parallel_loop3A_1424 : i32 to index
        %parallel_loop3A_1464 = arith.constant 0 : index
        %parallel_loop3A_1465 = tpu.vector_load %arg14[%parallel_loop3A_1462, %parallel_loop3A_1463, %parallel_loop3A_1464] {strides = array<i32>} : memref<8x64x16xf32, #tpu.memory_space<vmem>>, vector<16xf32>,
        %parallel_loop3A_1466 = arith.constant 6 : i32
        %parallel_loop3A_1467 = arith.index_cast %parallel_loop3A_1466 : i32 to index
        %parallel_loop3A_1468 = arith.index_cast %parallel_loop3A_1424 : i32 to index
        %parallel_loop3A_1469 = arith.constant 0 : index
        %parallel_loop3A_1470 = tpu.vector_load %arg14[%parallel_loop3A_1467, %parallel_loop3A_1468, %parallel_loop3A_1469] {strides = array<i32>} : memref<8x64x16xf32, #tpu.memory_space<vmem>>, vector<16xf32>,
        %parallel_loop3A_1471 = arith.constant 7 : i32
        %parallel_loop3A_1472 = arith.index_cast %parallel_loop3A_1471 : i32 to index
        %parallel_loop3A_1473 = arith.index_cast %parallel_loop3A_1424 : i32 to index
        %parallel_loop3A_1474 = arith.constant 0 : index
        %parallel_loop3A_1475 = tpu.vector_load %arg14[%parallel_loop3A_1472, %parallel_loop3A_1473, %parallel_loop3A_1474] {strides = array<i32>} : memref<8x64x16xf32, #tpu.memory_space<vmem>>, vector<16xf32>,
        %parallel_loop3A_1476 = arith.subf %parallel_loop3A_1465, %mul3A_1352 : vector<16xf32>
        %parallel_loop3A_1477 = arith.subf %parallel_loop3A_1470, %mul3A_1356 : vector<16xf32>
        %parallel_loop3A_1478 = arith.subf %parallel_loop3A_1475, %mul3A_1360 : vector<16xf32>
        %parallel_loop3A_1479 = arith.mulf %parallel_loop3A_1476, %parallel_loop3A_1476 : vector<16xf32>
        %parallel_loop3A_1480 = arith.mulf %parallel_loop3A_1477, %parallel_loop3A_1477 : vector<16xf32>
        %parallel_loop3A_1481 = arith.addf %parallel_loop3A_1479, %parallel_loop3A_1480 : vector<16xf32>
        %parallel_loop3A_1482 = arith.mulf %parallel_loop3A_1478, %parallel_loop3A_1478 : vector<16xf32>
        %parallel_loop3A_1483 = arith.addf %parallel_loop3A_1481, %parallel_loop3A_1482 : vector<16xf32>
        %parallel_loop3A_1484 = arith.mulf %parallel_loop3A_1483, %broadcast_in_dim3A_21 : vector<16xf32>
        %parallel_loop3A_1485 = math.exp %parallel_loop3A_1484 : vector<16xf32>
        %parallel_loop3A_1486 = arith.mulf %parallel_loop3A_1440, %parallel_loop3A_1485 : vector<16xf32>
        %parallel_loop3A_1487 = arith.mulf %parallel_loop3A_1450, %parallel_loop3A_1485 : vector<16xf32>
        %parallel_loop3A_1488 = arith.mulf %parallel_loop3A_1455, %parallel_loop3A_1485 : vector<16xf32>
        %parallel_loop3A_1489 = arith.mulf %parallel_loop3A_1460, %parallel_loop3A_1485 : vector<16xf32>
        %parallel_loop3A_1490 = arith.addf %parallel_loop3A_1425, %parallel_loop3A_1486 : vector<16xf32>
        %parallel_loop3A_1491 = arith.mulf %parallel_loop3A_1486, %parallel_loop3A_1445 : vector<16xf32>
        %parallel_loop3A_1492 = arith.addf %parallel_loop3A_1426, %parallel_loop3A_1491 : vector<16xf32>
        %parallel_loop3A_1493 = arith.addf %parallel_loop3A_1427, %parallel_loop3A_1487 : vector<16xf32>
        %parallel_loop3A_1494 = arith.addf %parallel_loop3A_1428, %parallel_loop3A_1488 : vector<16xf32>
        %parallel_loop3A_1495 = arith.addf %parallel_loop3A_1429, %parallel_loop3A_1489 : vector<16xf32>
        %parallel_loop3A_1496 = arith.mulf %parallel_loop3A_1487, %parallel_loop3A_1445 : vector<16xf32>
        %parallel_loop3A_1497 = arith.addf %parallel_loop3A_1430, %parallel_loop3A_1496 : vector<16xf32>
        %parallel_loop3A_1498 = arith.mulf %parallel_loop3A_1488, %parallel_loop3A_1445 : vector<16xf32>
        %parallel_loop3A_1499 = arith.addf %parallel_loop3A_1431, %parallel_loop3A_1498 : vector<16xf32>
        %parallel_loop3A_1500 = arith.mulf %parallel_loop3A_1489, %parallel_loop3A_1445 : vector<16xf32>
        %parallel_loop3A_1501 = arith.addf %parallel_loop3A_1432, %parallel_loop3A_1500 : vector<16xf32>
        %parallel_loop3A_1502 = arith.mulf %parallel_loop3A_1486, %parallel_loop3A_1465 : vector<16xf32>
        %parallel_loop3A_1503 = arith.addf %parallel_loop3A_1433, %parallel_loop3A_1502 : vector<16xf32>
        %parallel_loop3A_1504 = arith.mulf %parallel_loop3A_1486, %parallel_loop3A_1470 : vector<16xf32>
        %parallel_loop3A_1505 = arith.addf %parallel_loop3A_1434, %parallel_loop3A_1504 : vector<16xf32>
        %parallel_loop3A_1506 = arith.mulf %parallel_loop3A_1486, %parallel_loop3A_1475 : vector<16xf32>
        %parallel_loop3A_1507 = arith.addf %parallel_loop3A_1435, %parallel_loop3A_1506 : vector<16xf32>
        scf.yield %parallel_loop3A_1490, %parallel_loop3A_1492, %parallel_loop3A_1493, %parallel_loop3A_1494, %parallel_loop3A_1495, %parallel_loop3A_1497, %parallel_loop3A_1499, %parallel_loop3A_1501, %parallel_loop3A_1503, %parallel_loop3A_1505, %parallel_loop3A_1507 : vector<16xf32>, vector<16xf32>, vector<16xf32>, vector<16xf32>, vector<16xf32>, vector<16xf32>, vector<16xf32>, vector<16xf32>, vector<16xf32>, vector<16xf32>, vector<16xf32>
      } {sc.loop_unroll_factor = 2 : i64, sc.parallel_access}
      %add3A_1365 = arith.constant 9.99999993E-9 : f32
      %add3A_1366 = vector.broadcast %add3A_1365 : f32 to vector<16xf32>
      %add3A_1367 = arith.addf %parallel_loop3A_1364#0, %add3A_1366 : vector<16xf32>
      %div3A_1368 = arith.constant 1.000000e+00 : f32
      %div3A_1369 = vector.broadcast %div3A_1368 : f32 to vector<16xf32>
      %div3A_1370 = arith.divf %div3A_1369, %add3A_1367 : vector<16xf32>
      %mul3A_1371 = arith.mulf %parallel_loop3A_1364#1, %div3A_1370 : vector<16xf32>
      %add3A_1372 = arith.addf %parallel_loop3A_1364#5, %parallel_loop3A_1364#8 : vector<16xf32>
      %mul3A_1373 = arith.mulf %parallel_loop3A_1364#2, %mul3A_1371 : vector<16xf32>
      %sub3A_1374 = arith.subf %add3A_1372, %mul3A_1373 : vector<16xf32>
      %mul3A_1375 = arith.mulf %sub3A_1374, %div3A_1370 : vector<16xf32>
      %add3A_1376 = arith.addf %parallel_loop3A_1364#6, %parallel_loop3A_1364#9 : vector<16xf32>
      %mul3A_1377 = arith.mulf %parallel_loop3A_1364#3, %mul3A_1371 : vector<16xf32>
      %sub3A_1378 = arith.subf %add3A_1376, %mul3A_1377 : vector<16xf32>
      %mul3A_1379 = arith.mulf %sub3A_1378, %div3A_1370 : vector<16xf32>
      %add3A_1380 = arith.addf %parallel_loop3A_1364#7, %parallel_loop3A_1364#10 : vector<16xf32>
      %mul3A_1381 = arith.mulf %parallel_loop3A_1364#4, %mul3A_1371 : vector<16xf32>
      %sub3A_1382 = arith.subf %add3A_1380, %mul3A_1381 : vector<16xf32>
      %mul3A_1383 = arith.mulf %sub3A_1382, %div3A_1370 : vector<16xf32>
      %parallel_loop3A_1384 = arith.constant 0 : i32
      %parallel_loop3A_1385 = arith.constant 64 : i32
      %parallel_loop3A_1386 = arith.constant 1 : i32
      %parallel_loop3A_1387:11 = scf.for %parallel_loop3A_1424 = %parallel_loop3A_1384 to %parallel_loop3A_1385 step %parallel_loop3A_1386 iter_args(%parallel_loop3A_1425 = %broadcast_in_dim3A_1338, %parallel_loop3A_1426 = %broadcast_in_dim3A_1338, %parallel_loop3A_1427 = %broadcast_in_dim3A_1338, %parallel_loop3A_1428 = %broadcast_in_dim3A_1338, %parallel_loop3A_1429 = %broadcast_in_dim3A_1338, %parallel_loop3A_1430 = %broadcast_in_dim3A_1338, %parallel_loop3A_1431 = %broadcast_in_dim3A_1338, %parallel_loop3A_1432 = %broadcast_in_dim3A_1338, %parallel_loop3A_1433 = %broadcast_in_dim3A_1338, %parallel_loop3A_1434 = %broadcast_in_dim3A_1338, %parallel_loop3A_1435 = %broadcast_in_dim3A_1338) -> (vector<16xf32>, vector<16xf32>, vector<16xf32>, vector<16xf32>, vector<16xf32>, vector<16xf32>, vector<16xf32>, vector<16xf32>, vector<16xf32>, vector<16xf32>, vector<16xf32>)  : i32 {
        %parallel_loop3A_1436 = arith.constant 0 : i32
        %parallel_loop3A_1437 = arith.index_cast %parallel_loop3A_1436 : i32 to index
        %parallel_loop3A_1438 = arith.index_cast %parallel_loop3A_1424 : i32 to index
        %parallel_loop3A_1439 = arith.constant 0 : index
        %parallel_loop3A_1440 = tpu.vector_load %arg14[%parallel_loop3A_1437, %parallel_loop3A_1438, %parallel_loop3A_1439] {strides = array<i32>} : memref<8x64x16xf32, #tpu.memory_space<vmem>>, vector<16xf32>,
        %parallel_loop3A_1441 = arith.constant 1 : i32
        %parallel_loop3A_1442 = arith.index_cast %parallel_loop3A_1441 : i32 to index
        %parallel_loop3A_1443 = arith.index_cast %parallel_loop3A_1424 : i32 to index
        %parallel_loop3A_1444 = arith.constant 0 : index
        %parallel_loop3A_1445 = tpu.vector_load %arg14[%parallel_loop3A_1442, %parallel_loop3A_1443, %parallel_loop3A_1444] {strides = array<i32>} : memref<8x64x16xf32, #tpu.memory_space<vmem>>, vector<16xf32>,
        %parallel_loop3A_1446 = arith.constant 2 : i32
        %parallel_loop3A_1447 = arith.index_cast %parallel_loop3A_1446 : i32 to index
        %parallel_loop3A_1448 = arith.index_cast %parallel_loop3A_1424 : i32 to index
        %parallel_loop3A_1449 = arith.constant 0 : index
        %parallel_loop3A_1450 = tpu.vector_load %arg14[%parallel_loop3A_1447, %parallel_loop3A_1448, %parallel_loop3A_1449] {strides = array<i32>} : memref<8x64x16xf32, #tpu.memory_space<vmem>>, vector<16xf32>,
        %parallel_loop3A_1451 = arith.constant 3 : i32
        %parallel_loop3A_1452 = arith.index_cast %parallel_loop3A_1451 : i32 to index
        %parallel_loop3A_1453 = arith.index_cast %parallel_loop3A_1424 : i32 to index
        %parallel_loop3A_1454 = arith.constant 0 : index
        %parallel_loop3A_1455 = tpu.vector_load %arg14[%parallel_loop3A_1452, %parallel_loop3A_1453, %parallel_loop3A_1454] {strides = array<i32>} : memref<8x64x16xf32, #tpu.memory_space<vmem>>, vector<16xf32>,
        %parallel_loop3A_1456 = arith.constant 4 : i32
        %parallel_loop3A_1457 = arith.index_cast %parallel_loop3A_1456 : i32 to index
        %parallel_loop3A_1458 = arith.index_cast %parallel_loop3A_1424 : i32 to index
        %parallel_loop3A_1459 = arith.constant 0 : index
        %parallel_loop3A_1460 = tpu.vector_load %arg14[%parallel_loop3A_1457, %parallel_loop3A_1458, %parallel_loop3A_1459] {strides = array<i32>} : memref<8x64x16xf32, #tpu.memory_space<vmem>>, vector<16xf32>,
        %parallel_loop3A_1461 = arith.constant 5 : i32
        %parallel_loop3A_1462 = arith.index_cast %parallel_loop3A_1461 : i32 to index
        %parallel_loop3A_1463 = arith.index_cast %parallel_loop3A_1424 : i32 to index
        %parallel_loop3A_1464 = arith.constant 0 : index
        %parallel_loop3A_1465 = tpu.vector_load %arg14[%parallel_loop3A_1462, %parallel_loop3A_1463, %parallel_loop3A_1464] {strides = array<i32>} : memref<8x64x16xf32, #tpu.memory_space<vmem>>, vector<16xf32>,
        %parallel_loop3A_1466 = arith.constant 6 : i32
        %parallel_loop3A_1467 = arith.index_cast %parallel_loop3A_1466 : i32 to index
        %parallel_loop3A_1468 = arith.index_cast %parallel_loop3A_1424 : i32 to index
        %parallel_loop3A_1469 = arith.constant 0 : index
        %parallel_loop3A_1470 = tpu.vector_load %arg14[%parallel_loop3A_1467, %parallel_loop3A_1468, %parallel_loop3A_1469] {strides = array<i32>} : memref<8x64x16xf32, #tpu.memory_space<vmem>>, vector<16xf32>,
        %parallel_loop3A_1471 = arith.constant 7 : i32
        %parallel_loop3A_1472 = arith.index_cast %parallel_loop3A_1471 : i32 to index
        %parallel_loop3A_1473 = arith.index_cast %parallel_loop3A_1424 : i32 to index
        %parallel_loop3A_1474 = arith.constant 0 : index
        %parallel_loop3A_1475 = tpu.vector_load %arg14[%parallel_loop3A_1472, %parallel_loop3A_1473, %parallel_loop3A_1474] {strides = array<i32>} : memref<8x64x16xf32, #tpu.memory_space<vmem>>, vector<16xf32>,
        %parallel_loop3A_1476 = arith.subf %parallel_loop3A_1465, %mul3A_1375 : vector<16xf32>
        %parallel_loop3A_1477 = arith.subf %parallel_loop3A_1470, %mul3A_1379 : vector<16xf32>
        %parallel_loop3A_1478 = arith.subf %parallel_loop3A_1475, %mul3A_1383 : vector<16xf32>
        %parallel_loop3A_1479 = arith.mulf %parallel_loop3A_1476, %parallel_loop3A_1476 : vector<16xf32>
        %parallel_loop3A_1480 = arith.mulf %parallel_loop3A_1477, %parallel_loop3A_1477 : vector<16xf32>
        %parallel_loop3A_1481 = arith.addf %parallel_loop3A_1479, %parallel_loop3A_1480 : vector<16xf32>
        %parallel_loop3A_1482 = arith.mulf %parallel_loop3A_1478, %parallel_loop3A_1478 : vector<16xf32>
        %parallel_loop3A_1483 = arith.addf %parallel_loop3A_1481, %parallel_loop3A_1482 : vector<16xf32>
        %parallel_loop3A_1484 = arith.mulf %parallel_loop3A_1483, %broadcast_in_dim3A_21 : vector<16xf32>
        %parallel_loop3A_1485 = math.exp %parallel_loop3A_1484 : vector<16xf32>
        %parallel_loop3A_1486 = arith.mulf %parallel_loop3A_1440, %parallel_loop3A_1485 : vector<16xf32>
        %parallel_loop3A_1487 = arith.mulf %parallel_loop3A_1450, %parallel_loop3A_1485 : vector<16xf32>
        %parallel_loop3A_1488 = arith.mulf %parallel_loop3A_1455, %parallel_loop3A_1485 : vector<16xf32>
        %parallel_loop3A_1489 = arith.mulf %parallel_loop3A_1460, %parallel_loop3A_1485 : vector<16xf32>
        %parallel_loop3A_1490 = arith.addf %parallel_loop3A_1425, %parallel_loop3A_1486 : vector<16xf32>
        %parallel_loop3A_1491 = arith.mulf %parallel_loop3A_1486, %parallel_loop3A_1445 : vector<16xf32>
        %parallel_loop3A_1492 = arith.addf %parallel_loop3A_1426, %parallel_loop3A_1491 : vector<16xf32>
        %parallel_loop3A_1493 = arith.addf %parallel_loop3A_1427, %parallel_loop3A_1487 : vector<16xf32>
        %parallel_loop3A_1494 = arith.addf %parallel_loop3A_1428, %parallel_loop3A_1488 : vector<16xf32>
        %parallel_loop3A_1495 = arith.addf %parallel_loop3A_1429, %parallel_loop3A_1489 : vector<16xf32>
        %parallel_loop3A_1496 = arith.mulf %parallel_loop3A_1487, %parallel_loop3A_1445 : vector<16xf32>
        %parallel_loop3A_1497 = arith.addf %parallel_loop3A_1430, %parallel_loop3A_1496 : vector<16xf32>
        %parallel_loop3A_1498 = arith.mulf %parallel_loop3A_1488, %parallel_loop3A_1445 : vector<16xf32>
        %parallel_loop3A_1499 = arith.addf %parallel_loop3A_1431, %parallel_loop3A_1498 : vector<16xf32>
        %parallel_loop3A_1500 = arith.mulf %parallel_loop3A_1489, %parallel_loop3A_1445 : vector<16xf32>
        %parallel_loop3A_1501 = arith.addf %parallel_loop3A_1432, %parallel_loop3A_1500 : vector<16xf32>
        %parallel_loop3A_1502 = arith.mulf %parallel_loop3A_1486, %parallel_loop3A_1465 : vector<16xf32>
        %parallel_loop3A_1503 = arith.addf %parallel_loop3A_1433, %parallel_loop3A_1502 : vector<16xf32>
        %parallel_loop3A_1504 = arith.mulf %parallel_loop3A_1486, %parallel_loop3A_1470 : vector<16xf32>
        %parallel_loop3A_1505 = arith.addf %parallel_loop3A_1434, %parallel_loop3A_1504 : vector<16xf32>
        %parallel_loop3A_1506 = arith.mulf %parallel_loop3A_1486, %parallel_loop3A_1475 : vector<16xf32>
        %parallel_loop3A_1507 = arith.addf %parallel_loop3A_1435, %parallel_loop3A_1506 : vector<16xf32>
        scf.yield %parallel_loop3A_1490, %parallel_loop3A_1492, %parallel_loop3A_1493, %parallel_loop3A_1494, %parallel_loop3A_1495, %parallel_loop3A_1497, %parallel_loop3A_1499, %parallel_loop3A_1501, %parallel_loop3A_1503, %parallel_loop3A_1505, %parallel_loop3A_1507 : vector<16xf32>, vector<16xf32>, vector<16xf32>, vector<16xf32>, vector<16xf32>, vector<16xf32>, vector<16xf32>, vector<16xf32>, vector<16xf32>, vector<16xf32>, vector<16xf32>
      } {sc.loop_unroll_factor = 2 : i64, sc.parallel_access}
      %add3A_1388 = arith.constant 9.99999993E-9 : f32
      %add3A_1389 = vector.broadcast %add3A_1388 : f32 to vector<16xf32>
      %add3A_1390 = arith.addf %parallel_loop3A_1387#0, %add3A_1389 : vector<16xf32>
      %div3A_1391 = arith.constant 1.000000e+00 : f32
      %div3A_1392 = vector.broadcast %div3A_1391 : f32 to vector<16xf32>
      %div3A_1393 = arith.divf %div3A_1392, %add3A_1390 : vector<16xf32>
      %mul3A_1394 = arith.mulf %parallel_loop3A_1387#1, %div3A_1393 : vector<16xf32>
      %add3A_1395 = arith.addf %parallel_loop3A_1387#5, %parallel_loop3A_1387#8 : vector<16xf32>
      %mul3A_1396 = arith.mulf %parallel_loop3A_1387#2, %mul3A_1394 : vector<16xf32>
      %sub3A_1397 = arith.subf %add3A_1395, %mul3A_1396 : vector<16xf32>
      %mul3A_1398 = arith.mulf %sub3A_1397, %div3A_1393 : vector<16xf32>
      %add3A_1399 = arith.addf %parallel_loop3A_1387#6, %parallel_loop3A_1387#9 : vector<16xf32>
      %mul3A_1400 = arith.mulf %parallel_loop3A_1387#3, %mul3A_1394 : vector<16xf32>
      %sub3A_1401 = arith.subf %add3A_1399, %mul3A_1400 : vector<16xf32>
      %mul3A_1402 = arith.mulf %sub3A_1401, %div3A_1393 : vector<16xf32>
      %add3A_1403 = arith.addf %parallel_loop3A_1387#7, %parallel_loop3A_1387#10 : vector<16xf32>
      %mul3A_1404 = arith.mulf %parallel_loop3A_1387#4, %mul3A_1394 : vector<16xf32>
      %sub3A_1405 = arith.subf %add3A_1403, %mul3A_1404 : vector<16xf32>
      %mul3A_1406 = arith.mulf %sub3A_1405, %div3A_1393 : vector<16xf32>
      %swap3A_1407 = arith.constant 0 : i32
      %swap3A_1408 = arith.index_cast %swap3A_1407 : i32 to index
      %swap3A_1409 = arith.index_cast %mul3A_1310 : i32 to index
      %swap3A_1410 = tpu.vector_load %arg16[%swap3A_1408, %swap3A_1409] {strides = array<i32>} : memref<4x2048xf32, #tpu.memory_space<vmem>>, vector<16xf32>,
      tpu.vector_store %arg16[%swap3A_1408, %swap3A_1409], %mul3A_1394 {strides = array<i32>} : memref<4x2048xf32, #tpu.memory_space<vmem>>, vector<16xf32>,
      %swap3A_1411 = arith.constant 1 : i32
      %swap3A_1412 = arith.index_cast %swap3A_1411 : i32 to index
      %swap3A_1413 = arith.index_cast %mul3A_1310 : i32 to index
      %swap3A_1414 = tpu.vector_load %arg16[%swap3A_1412, %swap3A_1413] {strides = array<i32>} : memref<4x2048xf32, #tpu.memory_space<vmem>>, vector<16xf32>,
      tpu.vector_store %arg16[%swap3A_1412, %swap3A_1413], %mul3A_1398 {strides = array<i32>} : memref<4x2048xf32, #tpu.memory_space<vmem>>, vector<16xf32>,
      %swap3A_1415 = arith.constant 2 : i32
      %swap3A_1416 = arith.index_cast %swap3A_1415 : i32 to index
      %swap3A_1417 = arith.index_cast %mul3A_1310 : i32 to index
      %swap3A_1418 = tpu.vector_load %arg16[%swap3A_1416, %swap3A_1417] {strides = array<i32>} : memref<4x2048xf32, #tpu.memory_space<vmem>>, vector<16xf32>,
      tpu.vector_store %arg16[%swap3A_1416, %swap3A_1417], %mul3A_1402 {strides = array<i32>} : memref<4x2048xf32, #tpu.memory_space<vmem>>, vector<16xf32>,
      %swap3A_1419 = arith.constant 3 : i32
      %swap3A_1420 = arith.index_cast %swap3A_1419 : i32 to index
      %swap3A_1421 = arith.index_cast %mul3A_1310 : i32 to index
      %swap3A_1422 = tpu.vector_load %arg16[%swap3A_1420, %swap3A_1421] {strides = array<i32>} : memref<4x2048xf32, #tpu.memory_space<vmem>>, vector<16xf32>,
      tpu.vector_store %arg16[%swap3A_1420, %swap3A_1421], %mul3A_1406 {strides = array<i32>} : memref<4x2048xf32, #tpu.memory_space<vmem>>, vector<16xf32>,
      %scan3A_1423 = arith.constant 1 : i32
      scf.yield %scan3A_1423 : i32
    }
    %scan3A_1199 = arith.constant 128 : i32
    %run_scoped3A_1200 = arith.constant 0 : i32
    "tpu.region"() ({
      %run_scoped3A_1204 = tpu.sem_alloc : memref<!tpu.dma_semaphore, #tpu.memory_space<semaphore_mem>>
      %dma_start3A_1205 = arith.constant 0 : i32
      %dma_start3A_1206 = tpu.memref_slice %arg16[%run_scoped3A_1200, %dma_start3A_1205] : memref<4x2048xf32, #tpu.memory_space<vmem>> -> memref<1x2048xf32, #tpu.memory_space<vmem>>
      %dma_start3A_1207 = tpu.memref_squeeze %dma_start3A_1206 : memref<1x2048xf32, #tpu.memory_space<vmem>> -> memref<2048xf32, #tpu.memory_space<vmem>>
      %dma_start3A_1208 = tpu.memref_slice %arg8[%multiple_of3A] : memref<65536xf32, #tpu.memory_space<hbm>> -> memref<2048xf32, #tpu.memory_space<hbm>>
      %dma_start3A_1209 = tpu.memref_slice %arg8[%multiple_of3A] : memref<65536xf32, #tpu.memory_space<hbm>> -> memref<2048xf32, #tpu.memory_space<hbm>>
      %dma_start3A_1210 = arith.constant 0 : i32
      %dma_start3A_1211 = tpu.memref_slice %arg16[%run_scoped3A_1200, %dma_start3A_1210] : memref<4x2048xf32, #tpu.memory_space<vmem>> -> memref<1x2048xf32, #tpu.memory_space<vmem>>
      %dma_start3A_1212 = tpu.memref_squeeze %dma_start3A_1211 : memref<1x2048xf32, #tpu.memory_space<vmem>> -> memref<2048xf32, #tpu.memory_space<vmem>>
      tpu.enqueue_dma source(%dma_start3A_1212 : memref<2048xf32, #tpu.memory_space<vmem>>) target(%dma_start3A_1209 : memref<2048xf32, #tpu.memory_space<hbm>>) target_semaphore(%run_scoped3A_1204 : memref<!tpu.dma_semaphore, #tpu.memory_space<semaphore_mem>>)
      %dma_wait3A_1213 = arith.constant 0 : i32
      %dma_wait3A_1214 = tpu.memref_slice %arg16[%run_scoped3A_1200, %dma_wait3A_1213] : memref<4x2048xf32, #tpu.memory_space<vmem>> -> memref<1x2048xf32, #tpu.memory_space<vmem>>
      %dma_wait3A_1215 = tpu.memref_squeeze %dma_wait3A_1214 : memref<1x2048xf32, #tpu.memory_space<vmem>> -> memref<2048xf32, #tpu.memory_space<vmem>>
      %dma_wait3A_1216 = tpu.memref_slice %arg8[%multiple_of3A] : memref<65536xf32, #tpu.memory_space<hbm>> -> memref<2048xf32, #tpu.memory_space<hbm>>
      %dma_wait3A_1217 = tpu.memref_slice %arg8[%multiple_of3A] : memref<65536xf32, #tpu.memory_space<hbm>> -> memref<2048xf32, #tpu.memory_space<hbm>>
      %dma_wait3A_1218 = arith.constant 0 : i32
      %dma_wait3A_1219 = tpu.memref_slice %arg16[%run_scoped3A_1200, %dma_wait3A_1218] : memref<4x2048xf32, #tpu.memory_space<vmem>> -> memref<1x2048xf32, #tpu.memory_space<vmem>>
      %dma_wait3A_1220 = tpu.memref_squeeze %dma_wait3A_1219 : memref<1x2048xf32, #tpu.memory_space<vmem>> -> memref<2048xf32, #tpu.memory_space<vmem>>
      tpu.wait_dma2 semaphore(%run_scoped3A_1204 : memref<!tpu.dma_semaphore, #tpu.memory_space<semaphore_mem>>) src(%dma_wait3A_1220 : memref<2048xf32, #tpu.memory_space<vmem>>) dst(%dma_wait3A_1217 : memref<2048xf32, #tpu.memory_space<hbm>>)
      tpu.yield
    }) : () -> ()
    %run_scoped3A_1201 = arith.constant 1 : i32
    "tpu.region"() ({
      %run_scoped3A_1204 = tpu.sem_alloc : memref<!tpu.dma_semaphore, #tpu.memory_space<semaphore_mem>>
      %dma_start3A_1205 = arith.constant 0 : i32
      %dma_start3A_1206 = tpu.memref_slice %arg16[%run_scoped3A_1201, %dma_start3A_1205] : memref<4x2048xf32, #tpu.memory_space<vmem>> -> memref<1x2048xf32, #tpu.memory_space<vmem>>
      %dma_start3A_1207 = tpu.memref_squeeze %dma_start3A_1206 : memref<1x2048xf32, #tpu.memory_space<vmem>> -> memref<2048xf32, #tpu.memory_space<vmem>>
      %dma_start3A_1208 = tpu.memref_slice %arg9[%multiple_of3A] : memref<65536xf32, #tpu.memory_space<hbm>> -> memref<2048xf32, #tpu.memory_space<hbm>>
      %dma_start3A_1209 = tpu.memref_slice %arg9[%multiple_of3A] : memref<65536xf32, #tpu.memory_space<hbm>> -> memref<2048xf32, #tpu.memory_space<hbm>>
      %dma_start3A_1210 = arith.constant 0 : i32
      %dma_start3A_1211 = tpu.memref_slice %arg16[%run_scoped3A_1201, %dma_start3A_1210] : memref<4x2048xf32, #tpu.memory_space<vmem>> -> memref<1x2048xf32, #tpu.memory_space<vmem>>
      %dma_start3A_1212 = tpu.memref_squeeze %dma_start3A_1211 : memref<1x2048xf32, #tpu.memory_space<vmem>> -> memref<2048xf32, #tpu.memory_space<vmem>>
      tpu.enqueue_dma source(%dma_start3A_1212 : memref<2048xf32, #tpu.memory_space<vmem>>) target(%dma_start3A_1209 : memref<2048xf32, #tpu.memory_space<hbm>>) target_semaphore(%run_scoped3A_1204 : memref<!tpu.dma_semaphore, #tpu.memory_space<semaphore_mem>>)
      %dma_wait3A_1213 = arith.constant 0 : i32
      %dma_wait3A_1214 = tpu.memref_slice %arg16[%run_scoped3A_1201, %dma_wait3A_1213] : memref<4x2048xf32, #tpu.memory_space<vmem>> -> memref<1x2048xf32, #tpu.memory_space<vmem>>
      %dma_wait3A_1215 = tpu.memref_squeeze %dma_wait3A_1214 : memref<1x2048xf32, #tpu.memory_space<vmem>> -> memref<2048xf32, #tpu.memory_space<vmem>>
      %dma_wait3A_1216 = tpu.memref_slice %arg9[%multiple_of3A] : memref<65536xf32, #tpu.memory_space<hbm>> -> memref<2048xf32, #tpu.memory_space<hbm>>
      %dma_wait3A_1217 = tpu.memref_slice %arg9[%multiple_of3A] : memref<65536xf32, #tpu.memory_space<hbm>> -> memref<2048xf32, #tpu.memory_space<hbm>>
      %dma_wait3A_1218 = arith.constant 0 : i32
      %dma_wait3A_1219 = tpu.memref_slice %arg16[%run_scoped3A_1201, %dma_wait3A_1218] : memref<4x2048xf32, #tpu.memory_space<vmem>> -> memref<1x2048xf32, #tpu.memory_space<vmem>>
      %dma_wait3A_1220 = tpu.memref_squeeze %dma_wait3A_1219 : memref<1x2048xf32, #tpu.memory_space<vmem>> -> memref<2048xf32, #tpu.memory_space<vmem>>
      tpu.wait_dma2 semaphore(%run_scoped3A_1204 : memref<!tpu.dma_semaphore, #tpu.memory_space<semaphore_mem>>) src(%dma_wait3A_1220 : memref<2048xf32, #tpu.memory_space<vmem>>) dst(%dma_wait3A_1217 : memref<2048xf32, #tpu.memory_space<hbm>>)
      tpu.yield
    }) : () -> ()
    %run_scoped3A_1202 = arith.constant 2 : i32
    "tpu.region"() ({
      %run_scoped3A_1204 = tpu.sem_alloc : memref<!tpu.dma_semaphore, #tpu.memory_space<semaphore_mem>>
      %dma_start3A_1205 = arith.constant 0 : i32
      %dma_start3A_1206 = tpu.memref_slice %arg16[%run_scoped3A_1202, %dma_start3A_1205] : memref<4x2048xf32, #tpu.memory_space<vmem>> -> memref<1x2048xf32, #tpu.memory_space<vmem>>
      %dma_start3A_1207 = tpu.memref_squeeze %dma_start3A_1206 : memref<1x2048xf32, #tpu.memory_space<vmem>> -> memref<2048xf32, #tpu.memory_space<vmem>>
      %dma_start3A_1208 = tpu.memref_slice %arg10[%multiple_of3A] : memref<65536xf32, #tpu.memory_space<hbm>> -> memref<2048xf32, #tpu.memory_space<hbm>>
      %dma_start3A_1209 = tpu.memref_slice %arg10[%multiple_of3A] : memref<65536xf32, #tpu.memory_space<hbm>> -> memref<2048xf32, #tpu.memory_space<hbm>>
      %dma_start3A_1210 = arith.constant 0 : i32
      %dma_start3A_1211 = tpu.memref_slice %arg16[%run_scoped3A_1202, %dma_start3A_1210] : memref<4x2048xf32, #tpu.memory_space<vmem>> -> memref<1x2048xf32, #tpu.memory_space<vmem>>
      %dma_start3A_1212 = tpu.memref_squeeze %dma_start3A_1211 : memref<1x2048xf32, #tpu.memory_space<vmem>> -> memref<2048xf32, #tpu.memory_space<vmem>>
      tpu.enqueue_dma source(%dma_start3A_1212 : memref<2048xf32, #tpu.memory_space<vmem>>) target(%dma_start3A_1209 : memref<2048xf32, #tpu.memory_space<hbm>>) target_semaphore(%run_scoped3A_1204 : memref<!tpu.dma_semaphore, #tpu.memory_space<semaphore_mem>>)
      %dma_wait3A_1213 = arith.constant 0 : i32
      %dma_wait3A_1214 = tpu.memref_slice %arg16[%run_scoped3A_1202, %dma_wait3A_1213] : memref<4x2048xf32, #tpu.memory_space<vmem>> -> memref<1x2048xf32, #tpu.memory_space<vmem>>
      %dma_wait3A_1215 = tpu.memref_squeeze %dma_wait3A_1214 : memref<1x2048xf32, #tpu.memory_space<vmem>> -> memref<2048xf32, #tpu.memory_space<vmem>>
      %dma_wait3A_1216 = tpu.memref_slice %arg10[%multiple_of3A] : memref<65536xf32, #tpu.memory_space<hbm>> -> memref<2048xf32, #tpu.memory_space<hbm>>
      %dma_wait3A_1217 = tpu.memref_slice %arg10[%multiple_of3A] : memref<65536xf32, #tpu.memory_space<hbm>> -> memref<2048xf32, #tpu.memory_space<hbm>>
      %dma_wait3A_1218 = arith.constant 0 : i32
      %dma_wait3A_1219 = tpu.memref_slice %arg16[%run_scoped3A_1202, %dma_wait3A_1218] : memref<4x2048xf32, #tpu.memory_space<vmem>> -> memref<1x2048xf32, #tpu.memory_space<vmem>>
      %dma_wait3A_1220 = tpu.memref_squeeze %dma_wait3A_1219 : memref<1x2048xf32, #tpu.memory_space<vmem>> -> memref<2048xf32, #tpu.memory_space<vmem>>
      tpu.wait_dma2 semaphore(%run_scoped3A_1204 : memref<!tpu.dma_semaphore, #tpu.memory_space<semaphore_mem>>) src(%dma_wait3A_1220 : memref<2048xf32, #tpu.memory_space<vmem>>) dst(%dma_wait3A_1217 : memref<2048xf32, #tpu.memory_space<hbm>>)
      tpu.yield
    }) : () -> ()
    %run_scoped3A_1203 = arith.constant 3 : i32
    "tpu.region"() ({
      %run_scoped3A_1204 = tpu.sem_alloc : memref<!tpu.dma_semaphore, #tpu.memory_space<semaphore_mem>>
      %dma_start3A_1205 = arith.constant 0 : i32
      %dma_start3A_1206 = tpu.memref_slice %arg16[%run_scoped3A_1203, %dma_start3A_1205] : memref<4x2048xf32, #tpu.memory_space<vmem>> -> memref<1x2048xf32, #tpu.memory_space<vmem>>
      %dma_start3A_1207 = tpu.memref_squeeze %dma_start3A_1206 : memref<1x2048xf32, #tpu.memory_space<vmem>> -> memref<2048xf32, #tpu.memory_space<vmem>>
      %dma_start3A_1208 = tpu.memref_slice %arg11[%multiple_of3A] : memref<65536xf32, #tpu.memory_space<hbm>> -> memref<2048xf32, #tpu.memory_space<hbm>>
      %dma_start3A_1209 = tpu.memref_slice %arg11[%multiple_of3A] : memref<65536xf32, #tpu.memory_space<hbm>> -> memref<2048xf32, #tpu.memory_space<hbm>>
      %dma_start3A_1210 = arith.constant 0 : i32
      %dma_start3A_1211 = tpu.memref_slice %arg16[%run_scoped3A_1203, %dma_start3A_1210] : memref<4x2048xf32, #tpu.memory_space<vmem>> -> memref<1x2048xf32, #tpu.memory_space<vmem>>
      %dma_start3A_1212 = tpu.memref_squeeze %dma_start3A_1211 : memref<1x2048xf32, #tpu.memory_space<vmem>> -> memref<2048xf32, #tpu.memory_space<vmem>>
      tpu.enqueue_dma source(%dma_start3A_1212 : memref<2048xf32, #tpu.memory_space<vmem>>) target(%dma_start3A_1209 : memref<2048xf32, #tpu.memory_space<hbm>>) target_semaphore(%run_scoped3A_1204 : memref<!tpu.dma_semaphore, #tpu.memory_space<semaphore_mem>>)
      %dma_wait3A_1213 = arith.constant 0 : i32
      %dma_wait3A_1214 = tpu.memref_slice %arg16[%run_scoped3A_1203, %dma_wait3A_1213] : memref<4x2048xf32, #tpu.memory_space<vmem>> -> memref<1x2048xf32, #tpu.memory_space<vmem>>
      %dma_wait3A_1215 = tpu.memref_squeeze %dma_wait3A_1214 : memref<1x2048xf32, #tpu.memory_space<vmem>> -> memref<2048xf32, #tpu.memory_space<vmem>>
      %dma_wait3A_1216 = tpu.memref_slice %arg11[%multiple_of3A] : memref<65536xf32, #tpu.memory_space<hbm>> -> memref<2048xf32, #tpu.memory_space<hbm>>
      %dma_wait3A_1217 = tpu.memref_slice %arg11[%multiple_of3A] : memref<65536xf32, #tpu.memory_space<hbm>> -> memref<2048xf32, #tpu.memory_space<hbm>>
      %dma_wait3A_1218 = arith.constant 0 : i32
      %dma_wait3A_1219 = tpu.memref_slice %arg16[%run_scoped3A_1203, %dma_wait3A_1218] : memref<4x2048xf32, #tpu.memory_space<vmem>> -> memref<1x2048xf32, #tpu.memory_space<vmem>>
      %dma_wait3A_1220 = tpu.memref_squeeze %dma_wait3A_1219 : memref<1x2048xf32, #tpu.memory_space<vmem>> -> memref<2048xf32, #tpu.memory_space<vmem>>
      tpu.wait_dma2 semaphore(%run_scoped3A_1204 : memref<!tpu.dma_semaphore, #tpu.memory_space<semaphore_mem>>) src(%dma_wait3A_1220 : memref<2048xf32, #tpu.memory_space<vmem>>) dst(%dma_wait3A_1217 : memref<2048xf32, #tpu.memory_space<hbm>>)
      tpu.yield
    }) : () -> ()
    return
  }
}

</mosaic_0001>

<sc_bundles>
// kernel: _run.3.cloned.1.call-start
scs
__scs_entry_jumppad:
0x0: {  	(pc) =	sbr.rel $0x88, $3  }
0x1: {  	(tag) =	ssettag $0x0;
	lr =	simm.s32 $0x1  }
0x2: {  	[smem:$0x3F9B] =	sst lr;
	_ =	strace $0xD0000000  }
0x3: {  	_ = 	snop  }
0x4: {  	_ = 	snop  }
0x5: {  	_ = 	snop  }
0x6: {  	_ = 	snop  }
0x7: {  	_ = 	snop  }
__scs_overlays_trampoline_lowered:
0x8: {  	[smem:$0x3FAA] =	sst s0  }
0x9: {  	[smem:$0x3FAB] =	sst s1  }
0xa: {  	[smem:$0x3FAC] =	sst s2  }
0xb: {  	[smem:$0x3FAD] =	sst s3  }
0xc: {  	[smem:$0x3FAE] =	sst s4  }
0xd: {  	[smem:$0x3FAF] =	sst s5  }
0xe: {  	[smem:$0x3FB0] =	sst s6  }
0xf: {  	[smem:$0x3FB1] =	sst s7  }
0x10: {  	[smem:$0x3FB2] =	sst s8  }
0x11: {  	[smem:$0x3FB3] =	sst s9;
	s0 =	simm.s32 @!p0 $0x0  }
0x12: {  	s1 =	sld [smem:$0x3F99];
	s0 =	simm.s32 @p0 $0x1  }
0x13: {  	[smem:$0x3FB4] =	sst s0;
	s0 =	simm.s32 @!p1 $0x0  }
0x14: {  	s2 =	sld [smem:$0x3F98];
	s0 =	simm.s32 @p1 $0x1  }
0x15: {  	[smem:$0x3FB5] =	sst s0;
	s0 =	simm.s32 @!p2 $0x0  }
0x16: {  	s3 =	sld [smem:$0x3FDB];
	s0 =	simm.s32 @p2 $0x1  }
0x17: {  	s4 =	simm.s32 $0x1BF5;
	[smem:$0x3FB7] =	sst s0  }
0x18: {  	s0 =	sld [smem:$0x3F9A];
	_ =	swait.ge [sflag:s4], $0x0  }
0x19: {  	s7 =	sld [smem:$0x3F9B]  }
0x1a: {  	s8 =	sadd.s32 $0xFFFFE003, lr  }
0x1b: {  	s9 =	sadd.s32 $0xFFFFFEF7, lr;
	s5 =	simm.s32 $0xFFFFFFFF;
	p2 =	slt.u32 s8, $0xFFFFF086  }
0x1c: {  	p1 =	slt.u32 s9, $0xF7A;
	s5 =	simm.s32 @!p2 $0x0  }
0x1d: {  	s5 =	simm.s32 @p1 $0x1;
	p0 =	seq.s32 s7, s2  }
0x1e: {  	s7 =	smul.u32 @!p0 $0xF7A, s2;
	p2 =	seq.s32 @!p0 s5, $0x0  }
0x1f: {  	s9 =	smul.u32 $0xF7A, s1;
	s8 =	simm.s32 @!p0 $0x1BF5;
	p2 =	por !p2, p0  }
0x20: {  	[sflag:s8] =	ssyncset.s32 @!p0 $0xFFFFF086;
	s6 =	sadd.s32 @!p0 s3, s7;
	s7 =	simm.s32 @!p0 $0x108  }
0x21: {  	s3 =	sadd.s32 s3, s9;
	s6 =	sadd.s32 @!p0 $0x88, s6;
	s7 =	simm.s32 @p2 $0x1082  }
0x22: {  	[simem:s7], [sflag:s8] =	dma.local @!p0 [hbm:s6], $0xF7A  }
0x23: {  	s9 =	sor.u32 $0xD0000000, s2;
	s6 =	simm.s32 $0x108;
	_ =	swait.ge @!p0 [sflag:s8], $0x0  }
0x24: {  	s3 =	sadd.s32 $0x88, s3;
	s6 =	simm.s32 @!p1 $0x1082;
	[sflag:s4] =	ssyncset.s32 $0xFFFFF086  }
0x25: {  	[simem:s6], [sflag:s4] =	dma.local [hbm:s3], $0xF7A  }
0x26: {  	[smem:$0x3F9B] =	sst s1;
	(tag) =	ssettag s2;
	_ =	strace s9  }
0x27: {  	s1 =	sld [smem:$0x3FAB]  }
0x28: {  	s2 =	sld [smem:$0x3FAC]  }
0x29: {  	s4 =	sld [smem:$0x3FAE]  }
0x2a: {  	p0 =	seq.s32 s5, $0x0;
	s5 =	sld [smem:$0x3FAF]  }
0x2b: {  	s6 =	sld [smem:$0x3FB0]  }
0x2c: {  	s7 =	sld [smem:$0x3FB1]  }
0x2d: {  	s3 =	simm.s32 $0x108;
	s8 =	sld [smem:$0x3FB2]  }
0x2e: {  	s3 =	simm.s32 @!p0 $0x1082;
	s9 =	sld [smem:$0x3FB3]  }
0x2f: {  	lr =	sadd.s32 s0, s3;
	s0 =	sld [smem:$0x3FAA]  }
0x30: {  	s3 =	sld [smem:$0x3FAD]  }
0x31: {  	[smem:$0x3FB6] =	sst s10  }
0x32: {  	s10 =	sld [smem:$0x3FB4];
	_ =	sdelay $0x3  }
0x33: {  	p0 =	seq.s32 s10, $0x1;
	s10 =	sld [smem:$0x3FB6];
	_ =	sdelay $0x3  }
0x34: {  	[smem:$0x3FB6] =	sst s10  }
0x35: {  	s10 =	sld [smem:$0x3FB5];
	_ =	sdelay $0x3  }
0x36: {  	p1 =	seq.s32 s10, $0x1;
	s10 =	sld [smem:$0x3FB6];
	_ =	sdelay $0x3  }
0x37: {  	[smem:$0x3FB6] =	sst s10  }
0x38: {  	s10 =	sld [smem:$0x3FB7]  }
0x39: {  	_ = 	snop;
	(pc) =	sbr.ind lr, $3  }
0x3a: {  	_ = 	snop  }
0x3b: {  	_ = 	snop  }
0x3c: {  	p2 =	seq.s32 s10, $0x1;
	s10 =	sld [smem:$0x3FB6]  }
0x3d: {  	_ =	shalt  }
0x3e: {  	_ =	shalt  }
0x3f: {  	_ =	shalt  }
0x40: {  	_ =	shalt  }
0x41: {  	_ =	shalt  }
0x42: {  	_ =	shalt  }
0x43: {  	_ =	shalt  }
0x44: {  	_ =	shalt  }
0x45: {  	_ =	shalt  }
0x46: {  	_ =	shalt  }
0x47: {  	_ =	shalt  }
0x48: {  	_ =	shalt  }
0x49: {  	_ =	shalt  }
0x4a: {  	_ =	shalt  }
0x4b: {  	_ =	shalt  }
0x4c: {  	_ =	shalt  }
0x4d: {  	_ =	shalt  }
0x4e: {  	_ =	shalt  }
0x4f: {  	_ =	shalt  }
0x50: {  	_ =	shalt  }
0x51: {  	_ =	shalt  }
0x52: {  	_ =	shalt  }
0x53: {  	_ =	shalt  }
0x54: {  	_ =	shalt  }
0x55: {  	_ =	shalt  }
0x56: {  	_ =	shalt  }
0x57: {  	_ =	shalt  }
0x58: {  	_ =	shalt  }
0x59: {  	_ =	shalt  }
0x5a: {  	_ =	shalt  }
0x5b: {  	_ =	shalt  }
0x5c: {  	_ =	shalt  }
0x5d: {  	_ =	shalt  }
0x5e: {  	_ =	shalt  }
0x5f: {  	_ =	shalt  }
0x60: {  	_ =	shalt  }
0x61: {  	_ =	shalt  }
0x62: {  	_ =	shalt  }
0x63: {  	_ =	shalt  }
0x64: {  	_ =	shalt  }
0x65: {  	_ =	shalt  }
0x66: {  	_ =	shalt  }
0x67: {  	_ =	shalt  }
0x68: {  	_ =	shalt  }
0x69: {  	_ =	shalt  }
0x6a: {  	_ =	shalt  }
0x6b: {  	_ =	shalt  }
0x6c: {  	_ =	shalt  }
0x6d: {  	_ =	shalt  }
0x6e: {  	_ =	shalt  }
0x6f: {  	_ =	shalt  }
0x70: {  	_ =	shalt  }
0x71: {  	_ =	shalt  }
0x72: {  	_ =	shalt  }
0x73: {  	_ =	shalt  }
0x74: {  	_ =	shalt  }
0x75: {  	_ =	shalt  }
0x76: {  	_ =	shalt  }
0x77: {  	_ =	shalt  }
0x78: {  	_ =	shalt  }
0x79: {  	_ =	shalt  }
0x7a: {  	_ =	shalt  }
0x7b: {  	_ =	shalt  }
0x7c: {  	_ =	shalt  }
0x7d: {  	_ =	shalt  }
0x7e: {  	_ =	shalt  }
0x7f: {  	_ =	shalt  }
0x80: {  	_ =	shalt  }
0x81: {  	_ =	shalt  }
0x82: {  	_ =	shalt  }
0x83: {  	_ =	shalt  }
0x84: {  	_ =	shalt  }
0x85: {  	_ =	shalt  }
0x86: {  	_ =	shalt  }
0x87: {  	_ =	shalt  }
.Lfunc_end0:
.L_simem_size_0:
called_computation_lowered:
.L_overlay_start_0:
0x88: {  	s2 =	sld [smem:$0x3FD9]  }
0x89: {  	s3 =	sld [smem:$0x3FFE];
	_ =	sdelay $0x1  }
0x8a: {  	s1 =	srdreg.scid  }
0x8b: {  	s0 =	sand.u32 $0x1, s1  }
0x8c: {  	s30 =	sshll.u32 s0, $0xA;
	s2 =	sadd.s32 s3, s2  }
0x8d: {  	s2 =	sadd.s32 s2, s30  }
0x8e: {  	[smem:$0x3FC2] =	sst s2  }
0x8f: {  	_ = 	snop  }
0x90: {  	s2 =	sld [smem:$0x3FC8]  }
0x91: {  	s31 =	sld [smem:$0x3FC7]  }
0x92: {  	s4 =	sld [smem:$0x3FD0]  }
0x93: {  	s5 =	sld [smem:$0x3FC6]  }
0x94: {  	s6 =	sld [smem:$0x3FC5]  }
0x95: {  	s8 =	simm.s32 $0xA;
	s9 =	simm.s32 $0x10;
	s7 =	sld [smem:$0x3FC4]  }
0x96: {  	[smem:s9], [sflag:s8] =	dma.local [hbm:s4], $0x1  }
0x97: {  	_ =	swait.eq [sflag:s8], $0x1  }
0x98: {  	s16 =	sld [smem:$0x10]  }
0x99: {  	s17 =	sld [smem:$0x11];
	[sflag:s8] =	ssyncset.done $0x0  }
0x9a: {  	s10 =	sld [smem:$0x12];
	[sflag:s8] =	ssyncadd.s32 $0xFFFFFFFF  }
0x9b: {  	s18 =	sld [smem:$0x13];
	(tm) =	ssettm $0x1  }
0x9c: {  	s11 =	sld [smem:$0x3FFB];
	_ =	sdelay $0x3  }
0x9d: {  	_ =	strace s11  }
0x9e: {  	s11 =	sld [smem:$0x3FFC];
	_ =	sdelay $0x3  }
0x9f: {  	_ =	strace s11  }
0xa0: {  	s11 =	sld [smem:$0x3FFD];
	_ =	sdelay $0x3  }
0xa1: {  	_ =	strace s11  }
0xa2: {  	_ =	strace $0x8FFFFFFF  }
0xa3: {  	s19 =	sld [smem:$0x3FDB];
	_ =	sdelay $0x1  }
0xa4: {  	s12 =	simm.s32 $_scs_section_size  }
0xa5: {  	s13 =	simm.s32 $_size__tile_overlayer_lowered;
	s14 =	simm.s32 $_tile_overlayer_lowered  }
0xa6: {  	s22 =	simm.s32 $0x1BFF;
	s21 =	sshll.u32 s14, $0x1;
	s11 =	sadd.s32 s12, s19  }
0xa7: {  	s15 =	simm.s32 $0x0;
	s20 =	sshll.u32 s13, $0x1;
	s13 =	sadd.s32 s21, s11  }
0xa8: {  	[timem:s15], [sflag:s22] =	dma.local [hbm:s13], s20  }
0xa9: {  	_ =	swait.ge [sflag:s22], s20  }
0xaa: {  	s12 =	ssub.s32 $0x0, s20;
	[sflag:s22] =	ssyncset.done $0x0  }
0xab: {  	[sflag:s22] =	ssyncadd.s32 s12;
	_ =	sdelay $0x1  }
0xac: {  	s23 =	simm.s32 $0x1B8B  }
0xad: {  	_ =	swait.ge [sflag:s23], $0x1  }
0xae: {  	[sflag:s23] =	ssyncset.done $0x0  }
0xaf: {  	s25 =	simm.s32 $0x1B8E;
	s24 =	sld [smem:$0x3FFE];
	[sflag:s23] =	ssyncadd.s32 $0xFFFFFFFF  }
0xb0: {  	s26 =	simm.s32 $execute0_lowered;
	[smem:$0x3FD2] =	sst s25  }
0xb1: {  	s13 =	sshll.u32 s26, $0x1;
	_ =	strace $0x80000046;
	[dreg:$0x1] =	wrdreg $0xFFFFFFFF  }
0xb2: {  	s28 =	simm.s32 $_size_execute0_lowered;
	s11 =	sadd.s32 s11, s13;
	[dreg:$0x0] =	wrdreg $0x0  }
0xb3: {  	s13 =	sshll.u32 s28, $0x1;
	[dreg:$0x2] =	wrdreg s11  }
0xb4: {  	[dreg:$0x3] =	wrdreg s13  }
0xb5: {  	[dreg:$0x4] =	wrdreg $0xC0  }
0xb6: {  	_ =	task [dreg:s15], $0x5FFFF  }
0xb7: {  	[dreg:$0x1] =	wrdreg $0xFFFFFFFF  }
0xb8: {  	[dreg:$0x0] =	wrdreg $0x60  }
0xb9: {  	[dreg:$0x2] =	wrdreg s24  }
0xba: {  	[dreg:$0x3] =	wrdreg s2  }
0xbb: {  	[dreg:$0x4] =	wrdreg s31  }
0xbc: {  	[dreg:$0x5] =	wrdreg s5  }
0xbd: {  	[dreg:$0x6] =	wrdreg s6  }
0xbe: {  	[dreg:$0x7] =	wrdreg s7  }
0xbf: {  	[dreg:$0x8] =	wrdreg s16  }
0xc0: {  	[dreg:$0x9] =	wrdreg s17  }
0xc1: {  	[dreg:$0xa] =	wrdreg s10  }
0xc2: {  	[dreg:$0xb] =	wrdreg s18  }
0xc3: {  	[dreg:$0xc] =	wrdreg $0x9  }
0xc4: {  	_ =	task.clear_ibuf [dreg:s15], $0xDFFFF;
	_ =	strace $0x90000046  }
0xc5: {  	s29 =	simm.s32 $0x9;
	_ =	strace $0x80000048  }
0xc6: {  	_ =	swait.ge [sflag:s29], $0x1  }
0xc7: {  	[sflag:s29] =	ssyncadd.s32 $0xFFFFFFFF  }
0xc8: {  	_ =	strace $0x90000048  }
0xc9: {  	_ =	sfence  }
0xca: {  	s30 =	sld [smem:$0x0];
	_ =	sdelay $0x2  }
0xcb: {  	s31 =	sshll.u32 s1, $0xD;
	s1 =	sshrl.u32 s1, $0x2  }
0xcc: {  	s3 =	sand.u32 $0x4000, s31;
	s1 =	sadd.s32 s1, s30  }
0xcd: {  	s0 =	sor.u32 s3, s0;
	s1 =	sshll.u32 s1, $0x11  }
0xce: {  	s0 =	sor.u32 s1, s0  }
0xcf: {  	s0 =	sadd.s32 $0x8F2B, s0  }
0xd0: {  	[sflag:s0] =	ssyncadd.remote.s32 $0x1  }
0xd1: {  	_ =	sfence.sel $0xFFFF  }
0xd2: {  	[dreg:$0x0] =	wrdreg $0xFFFFFFFF;
	(pc) =	sbr.abs _section_cstart, $3  }
0xd3: {  	[dreg:$0x1] =	wrdreg $0xFFFFFFFF  }
0xd4: {  	_ =	task.clear_ibuf [dreg:s15], $0x2FFFF;
	_ =	strace $0x9FFFFFFF  }
0xd5: {  	(tm) =	ssettm $0x7FFFFFFF  }
tec
execute0_lowered:
.L_overlay_start_1:
0x0: {  	(tag) =	ssettag $0x1  }
0x1: {  	s0 =	rddreg [dreg:$0x0]  }
0x2: {  	s1 =	rddreg [dreg:$0x1]  }
0x3: {  	s5 =	rddreg [dreg:$0x2]  }
0x4: {  	s6 =	rddreg [dreg:$0x3]  }
0x5: {  	s8 =	rddreg [dreg:$0x4]  }
0x6: {  	s7 =	rddreg [dreg:$0x5]  }
0x7: {  	s11 =	rddreg [dreg:$0x6]  }
0x8: {  	s12 =	rddreg [dreg:$0x7]  }
0x9: {  	s13 =	rddreg [dreg:$0x8]  }
0xa: {  	s14 =	rddreg [dreg:$0x9];
	s3 =	srdreg.scid;
	s2 =	simm.s32 $0x0  }
0xb: {  	s4 =	stileid.u32;
	s17 =	simm.s32 $0x3;
	s21 =	simm.s32 $0x2  }
0xc: {  	s22 =	simm.s32 $0x80;
	s24 =	simm.s32 $0x1;
	s30 =	simm.s32 $0x0  }
0xd: {  	s3 =	sand.u32 $0x1, s3;
	[smem:$0x7FF] =	sst s2;
	s4 =	sshll.u32 s4, $0xC  }
0xe: {  	s9 =	sshll.u32 s3, $0xB;
	_ =	strace $0x80000047;
	s10 =	ssub.s32 $0x2, s3  }
0xf: {  	s3 =	sadd.s32 $0x187200, s0;
	s9 =	sor.u32 s9, s4;
	s29 =	sshrl.u32 s10, $0x1  }
0x10: {  	s15 =	sshrl.u32 s9, $0x3;
	s0 =	ssub.s32 s10, s29;
	s31 =	sshll.u32 s9, $0x3  }
0x11: {  	s4 =	sadd.s32 s1, s15;
	s5 =	sadd.s32 s5, s15;
	s6 =	sadd.s32 s6, s15  }
0x12: {  	s7 =	sadd.s32 s7, s31;
	s8 =	sadd.s32 s8, s15;
	s11 =	sadd.s32 s11, s15  }
0x13: {  	v0 =	vlaneseq.u32;
	s12 =	sadd.s32 s12, s15;
	s13 =	sadd.s32 s13, s15;
	s14 =	sadd.s32 s14, s15  }
0x14: {  	v0 =	vmul.u32 $0x200, v0;
	s15 =	smax.u32 s0, $0x1;
	s9 =	sadd.s32 $0x80, s7;
	s10 =	sadd.s32 $0x100, s7  }
.LBB2_1:
0x15: {  	s0 =	simm.s32 $0x6800  }
0x16: {  	[tilespmem:s0], [sflag:$0x3] =	stream.linear.gather [hbm4b:s4+s2], $0x800, $0x38;
	[tilespmem:$0xA800] =	vst v63  }
0x17: {  	_ =	swait.ge [sflag:s17], $0x800  }
0x18: {  	[sflag:s17] =	ssyncset.done $0x0  }
0x19: {  	s23 =	simm.s32 $0x7000;
	[sflag:s17] =	ssyncadd.s32 $0xFFFFF800  }
0x1a: {  	[tilespmem:s23], [sflag:$0x3] =	stream.linear.gather [hbm4b:s5+s2], $0x800, $0x38;
	[tilespmem:$0xA800] =	vst v63  }
0x1b: {  	_ =	swait.ge [sflag:s17], $0x800  }
0x1c: {  	[sflag:s17] =	ssyncset.done $0x0  }
0x1d: {  	s25 =	simm.s32 $0x7800;
	[sflag:s17] =	ssyncadd.s32 $0xFFFFF800  }
0x1e: {  	[tilespmem:s25], [sflag:$0x3] =	stream.linear.gather [hbm4b:s6+s2], $0x800, $0x38;
	[tilespmem:$0xA800] =	vst v63  }
0x1f: {  	_ =	swait.ge [sflag:s17], $0x800  }
0x20: {  	[sflag:s17] =	ssyncset.done $0x0  }
0x21: {  	s26 =	simm.s32 $0x8000;
	[sflag:s17] =	ssyncadd.s32 $0xFFFFF800  }
0x22: {  	[tilespmem:s26], [sflag:$0x3] =	stream.linear.gather [hbm4b:s8+s2], $0x800, $0x38;
	[tilespmem:$0xA800] =	vst v63  }
0x23: {  	_ =	swait.ge [sflag:s17], $0x800  }
0x24: {  	[sflag:s17] =	ssyncset.done $0x0  }
0x25: {  	[sflag:s17] =	ssyncadd.s32 $0xFFFFF800  }
0x26: {  	[tilespmem:s2], [sflag:$0x2] =	stream.linear.gather [hbm4b:s7+s2], $0x400, $0x38;
	[tilespmem:$0xA800] =	vst v63  }
0x27: {  	_ =	swait.ge [sflag:s21], $0x400  }
0x28: {  	[sflag:s21] =	ssyncset.done $0x0  }
0x29: {  	[sflag:s21] =	ssyncadd.s32 $0xFFFFFC00  }
0x2a: {  	v1 =	vld [tilespmem:$0x0]  }
0x2b: {  	v2 =	vld [tilespmem:$0x10]  }
0x2c: {  	v3 =	vld [tilespmem:$0x20]  }
0x2d: {  	v4 =	vld [tilespmem:$0x30]  }
0x2e: {  	v5 =	vld [tilespmem:$0x40]  }
0x2f: {  	v6 =	vld [tilespmem:$0x50];
	v1 =	vmin.u32 v1, $0x1869F  }
0x30: {  	[tilespmem:$0x0] =	vst v1;
	v1 =	vmin.u32 v2, $0x1869F;
	v2 =	vld [tilespmem:$0x60]  }
0x31: {  	[tilespmem:$0x10] =	vst v1;
	v1 =	vmin.u32 v3, $0x1869F;
	v3 =	vld [tilespmem:$0x70]  }
0x32: {  	v30 =	vld [tilespmem:$0x80];
	[tilespmem:$0x20] =	vst v1;
	v1 =	vmin.u32 v4, $0x1869F  }
0x33: {  	v31 =	vld [tilespmem:$0x90];
	[tilespmem:$0x30] =	vst v1;
	v1 =	vmin.u32 v5, $0x1869F  }
0x34: {  	v32 =	vld [tilespmem:$0xA0];
	[tilespmem:$0x40] =	vst v1;
	v1 =	vmin.u32 v6, $0x1869F  }
0x35: {  	[tilespmem:$0x50] =	vst v1;
	v1 =	vmin.u32 v2, $0x1869F;
	v2 =	vld [tilespmem:$0xB0]  }
0x36: {  	[tilespmem:$0x60] =	vst v1;
	v1 =	vmin.u32 v3, $0x1869F;
	v3 =	vld [tilespmem:$0xC0]  }
0x37: {  	v33 =	vld [tilespmem:$0xD0];
	[tilespmem:$0x70] =	vst v1;
	v1 =	vmin.u32 v30, $0x1869F  }
0x38: {  	v34 =	vld [tilespmem:$0xE0];
	[tilespmem:$0x80] =	vst v1;
	v1 =	vmin.u32 v31, $0x1869F  }
0x39: {  	v35 =	vld [tilespmem:$0xF0];
	[tilespmem:$0x90] =	vst v1;
	v1 =	vmin.u32 v32, $0x1869F  }
0x3a: {  	[tilespmem:$0xA0] =	vst v1;
	v1 =	vmin.u32 v2, $0x1869F;
	v2 =	vld [tilespmem:$0x100]  }
0x3b: {  	[tilespmem:$0xB0] =	vst v1;
	v1 =	vmin.u32 v3, $0x1869F;
	v3 =	vld [tilespmem:$0x110]  }
0x3c: {  	v36 =	vld [tilespmem:$0x120];
	[tilespmem:$0xC0] =	vst v1;
	v1 =	vmin.u32 v33, $0x1869F  }
0x3d: {  	v37 =	vld [tilespmem:$0x130];
	[tilespmem:$0xD0] =	vst v1;
	v1 =	vmin.u32 v34, $0x1869F  }
0x3e: {  	v38 =	vld [tilespmem:$0x140];
	[tilespmem:$0xE0] =	vst v1;
	v1 =	vmin.u32 v35, $0x1869F  }
0x3f: {  	[tilespmem:$0xF0] =	vst v1;
	v1 =	vmin.u32 v2, $0x1869F;
	v2 =	vld [tilespmem:$0x150]  }
0x40: {  	[tilespmem:$0x100] =	vst v1;
	v1 =	vmin.u32 v3, $0x1869F;
	v3 =	vld [tilespmem:$0x160]  }
0x41: {  	v39 =	vld [tilespmem:$0x170];
	[tilespmem:$0x110] =	vst v1;
	v1 =	vmin.u32 v36, $0x1869F  }
0x42: {  	v40 =	vld [tilespmem:$0x180];
	[tilespmem:$0x120] =	vst v1;
	v1 =	vmin.u32 v37, $0x1869F  }
0x43: {  	v41 =	vld [tilespmem:$0x190];
	[tilespmem:$0x130] =	vst v1;
	v1 =	vmin.u32 v38, $0x1869F  }
0x44: {  	[tilespmem:$0x140] =	vst v1;
	v1 =	vmin.u32 v2, $0x1869F;
	v2 =	vld [tilespmem:$0x1A0]  }
0x45: {  	[tilespmem:$0x150] =	vst v1;
	v1 =	vmin.u32 v3, $0x1869F;
	v3 =	vld [tilespmem:$0x1B0]  }
0x46: {  	v42 =	vld [tilespmem:$0x1C0];
	[tilespmem:$0x160] =	vst v1;
	v1 =	vmin.u32 v39, $0x1869F  }
0x47: {  	v43 =	vld [tilespmem:$0x1D0];
	[tilespmem:$0x170] =	vst v1;
	v1 =	vmin.u32 v40, $0x1869F  }
0x48: {  	v44 =	vld [tilespmem:$0x1E0];
	[tilespmem:$0x180] =	vst v1;
	v1 =	vmin.u32 v41, $0x1869F  }
0x49: {  	[tilespmem:$0x190] =	vst v1;
	v1 =	vmin.u32 v2, $0x1869F;
	v2 =	vld [tilespmem:$0x1F0]  }
0x4a: {  	[tilespmem:$0x1A0] =	vst v1;
	v1 =	vmin.u32 v3, $0x1869F;
	v3 =	vld [tilespmem:$0x200]  }
0x4b: {  	v45 =	vld [tilespmem:$0x210];
	[tilespmem:$0x1B0] =	vst v1;
	v1 =	vmin.u32 v42, $0x1869F  }
0x4c: {  	v46 =	vld [tilespmem:$0x220];
	[tilespmem:$0x1C0] =	vst v1;
	v1 =	vmin.u32 v43, $0x1869F  }
0x4d: {  	v47 =	vld [tilespmem:$0x230];
	[tilespmem:$0x1D0] =	vst v1;
	v1 =	vmin.u32 v44, $0x1869F  }
0x4e: {  	[tilespmem:$0x1E0] =	vst v1;
	v1 =	vmin.u32 v2, $0x1869F;
	v2 =	vld [tilespmem:$0x240]  }
0x4f: {  	[tilespmem:$0x1F0] =	vst v1;
	v1 =	vmin.u32 v3, $0x1869F;
	v3 =	vld [tilespmem:$0x250]  }
0x50: {  	v48 =	vld [tilespmem:$0x260];
	[tilespmem:$0x200] =	vst v1;
	v1 =	vmin.u32 v45, $0x1869F  }
0x51: {  	v49 =	vld [tilespmem:$0x270];
	[tilespmem:$0x210] =	vst v1;
	v1 =	vmin.u32 v46, $0x1869F  }
0x52: {  	v50 =	vld [tilespmem:$0x280];
	[tilespmem:$0x220] =	vst v1;
	v1 =	vmin.u32 v47, $0x1869F  }
0x53: {  	[tilespmem:$0x230] =	vst v1;
	v1 =	vmin.u32 v2, $0x1869F;
	v2 =	vld [tilespmem:$0x290]  }
0x54: {  	[tilespmem:$0x240] =	vst v1;
	v1 =	vmin.u32 v3, $0x1869F;
	v3 =	vld [tilespmem:$0x2A0]  }
0x55: {  	v51 =	vld [tilespmem:$0x2B0];
	[tilespmem:$0x250] =	vst v1;
	v1 =	vmin.u32 v48, $0x1869F  }
0x56: {  	v52 =	vld [tilespmem:$0x2C0];
	[tilespmem:$0x260] =	vst v1;
	v1 =	vmin.u32 v49, $0x1869F  }
0x57: {  	v53 =	vld [tilespmem:$0x2D0];
	[tilespmem:$0x270] =	vst v1;
	v1 =	vmin.u32 v50, $0x1869F  }
0x58: {  	[tilespmem:$0x280] =	vst v1;
	v1 =	vmin.u32 v2, $0x1869F;
	v2 =	vld [tilespmem:$0x2E0]  }
0x59: {  	[tilespmem:$0x290] =	vst v1;
	v1 =	vmin.u32 v3, $0x1869F;
	v3 =	vld [tilespmem:$0x2F0]  }
0x5a: {  	v54 =	vld [tilespmem:$0x300];
	[tilespmem:$0x2A0] =	vst v1;
	v1 =	vmin.u32 v51, $0x1869F  }
0x5b: {  	v55 =	vld [tilespmem:$0x310];
	[tilespmem:$0x2B0] =	vst v1;
	v1 =	vmin.u32 v52, $0x1869F  }
0x5c: {  	v56 =	vld [tilespmem:$0x320];
	[tilespmem:$0x2C0] =	vst v1;
	v1 =	vmin.u32 v53, $0x1869F  }
0x5d: {  	[tilespmem:$0x2D0] =	vst v1;
	v1 =	vmin.u32 v2, $0x1869F;
	v2 =	vld [tilespmem:$0x330]  }
0x5e: {  	[tilespmem:$0x2E0] =	vst v1;
	v1 =	vmin.u32 v3, $0x1869F;
	v3 =	vld [tilespmem:$0x340]  }
0x5f: {  	v57 =	vld [tilespmem:$0x350];
	[tilespmem:$0x2F0] =	vst v1;
	v1 =	vmin.u32 v54, $0x1869F  }
0x60: {  	v58 =	vld [tilespmem:$0x360];
	[tilespmem:$0x300] =	vst v1;
	v1 =	vmin.u32 v55, $0x1869F  }
0x61: {  	v59 =	vld [tilespmem:$0x370];
	[tilespmem:$0x310] =	vst v1;
	v1 =	vmin.u32 v56, $0x1869F  }
0x62: {  	[tilespmem:$0x320] =	vst v1;
	v1 =	vmin.u32 v2, $0x1869F;
	v2 =	vld [tilespmem:$0x380]  }
0x63: {  	[tilespmem:$0x330] =	vst v1;
	v1 =	vmin.u32 v3, $0x1869F;
	v3 =	vld [tilespmem:$0x390]  }
0x64: {  	v60 =	vld [tilespmem:$0x3A0];
	[tilespmem:$0x340] =	vst v1;
	v1 =	vmin.u32 v57, $0x1869F  }
0x65: {  	v61 =	vld [tilespmem:$0x3B0];
	[tilespmem:$0x350] =	vst v1;
	v1 =	vmin.u32 v58, $0x1869F  }
0x66: {  	v62 =	vld [tilespmem:$0x3C0];
	[tilespmem:$0x360] =	vst v1;
	v1 =	vmin.u32 v59, $0x1869F  }
0x67: {  	[tilespmem:$0x370] =	vst v1;
	v1 =	vmin.u32 v2, $0x1869F;
	v2 =	vld [tilespmem:$0x3D0]  }
0x68: {  	[tilespmem:$0x380] =	vst v1;
	v1 =	vmin.u32 v3, $0x1869F;
	v3 =	vld [tilespmem:$0x3E0]  }
0x69: {  	v63 =	vld [tilespmem:$0x3F0];
	[tilespmem:$0x390] =	vst v1;
	v1 =	vmin.u32 v60, $0x1869F  }
0x6a: {  	[tilespmem:$0x3A0] =	vst v1;
	v1 =	vmin.u32 v61, $0x1869F  }
0x6b: {  	[tilespmem:$0x3B0] =	vst v1;
	v1 =	vmin.u32 v62, $0x1869F  }
0x6c: {  	[tilespmem:$0x3C0] =	vst v1;
	v1 =	vmin.u32 v2, $0x1869F  }
0x6d: {  	[tilespmem:$0x3D0] =	vst v1;
	v1 =	vmin.u32 v3, $0x1869F  }
0x6e: {  	[tilespmem:$0x3E0] =	vst v1;
	v1 =	vmin.u32 v63, $0x1869F  }
0x6f: {  	s28 =	simm.s32 $0x800;
	[tilespmem:$0x3F0] =	vst v1  }
0x70: {  	[tilespmem:s28], [sflag:$0x1] =	stream.indirect.gather [hbm4b:s3+s22], $0x8, s2, s22, $0xb8;
	[tilespmem:$0xA800] =	vst v63  }
0x71: {  	s29 =	simm.s32 $0xC00  }
0x72: {  	[tilespmem:s29], [sflag:$0x1] =	stream.indirect.gather [hbm4b:s3+s22], $0x8, s22, s22, $0xb8;
	[tilespmem:$0xA800] =	vst v63  }
0x73: {  	s31 =	simm.s32 $0x100;
	s1 =	simm.s32 $0x1000  }
0x74: {  	[tilespmem:s1], [sflag:$0x1] =	stream.indirect.gather [hbm4b:s3+s22], $0x8, s31, s22, $0xb8;
	[tilespmem:$0xA800] =	vst v63  }
0x75: {  	s16 =	simm.s32 $0x1400;
	s1 =	simm.s32 $0x180  }
0x76: {  	[tilespmem:s16], [sflag:$0x1] =	stream.indirect.gather [hbm4b:s3+s22], $0x8, s1, s22, $0xb8;
	[tilespmem:$0xA800] =	vst v63  }
0x77: {  	s18 =	simm.s32 $0x200;
	s19 =	simm.s32 $0x1800  }
0x78: {  	[tilespmem:s19], [sflag:$0x1] =	stream.indirect.gather [hbm4b:s3+s22], $0x8, s18, s22, $0xb8;
	[tilespmem:$0xA800] =	vst v63  }
0x79: {  	s20 =	simm.s32 $0x280;
	s23 =	simm.s32 $0x1C00  }
0x7a: {  	[tilespmem:s23], [sflag:$0x1] =	stream.indirect.gather [hbm4b:s3+s22], $0x8, s20, s22, $0xb8;
	[tilespmem:$0xA800] =	vst v63  }
0x7b: {  	s25 =	simm.s32 $0x300;
	s26 =	simm.s32 $0x2000  }
0x7c: {  	[tilespmem:s26], [sflag:$0x1] =	stream.indirect.gather [hbm4b:s3+s22], $0x8, s25, s22, $0xb8;
	[tilespmem:$0xA800] =	vst v63  }
0x7d: {  	s28 =	simm.s32 $0x380;
	s29 =	simm.s32 $0x2400  }
0x7e: {  	[tilespmem:s29], [sflag:$0x1] =	stream.indirect.gather [hbm4b:s3+s22], $0x8, s28, s22, $0xb8;
	[tilespmem:$0xA800] =	vst v63  }
0x7f: {  	s0 =	simm.s32 $0x0;
	s31 =	simm.s32 $0x400  }
0x80: {  	[tilespmem:s31], [sflag:$0x2] =	stream.linear.gather [hbm4b:s9+s2], $0x400, $0x38;
	[tilespmem:$0xA800] =	vst v63  }
.LBB2_2:
0x81: {  	p0 =	seq.s32 s0, $0x7F  }
.Ltmp0:
0x82: {  	_ = 	snop;
	(pc) =	sbr.rel @p0 .LBB2_4-.Ltmp0, $2  }
0x83: {  	_ =	sdelay $0x2  }
0x84: {  	s1 =	sand.u32 $0x1, s0  }
0x85: {  	_ =	swait.ge [sflag:s21], $0x400  }
0x86: {  	s18 =	sxor.u32 $0x1, s1;
	[sflag:s21] =	ssyncset.done $0x0  }
0x87: {  	s16 =	sshll.u32 s18, $0xA;
	[sflag:s21] =	ssyncadd.s32 $0xFFFFFC00  }
0x88: {  	v1 =	vld [tilespmem:s16+$0x0]  }
0x89: {  	v2 =	vld [tilespmem:s16+$0x10]  }
0x8a: {  	v3 =	vld [tilespmem:s16+$0x20]  }
0x8b: {  	v4 =	vld [tilespmem:s16+$0x30]  }
0x8c: {  	v5 =	vld [tilespmem:s16+$0x40]  }
0x8d: {  	v6 =	vld [tilespmem:s16+$0x50];
	v1 =	vmin.u32 v1, $0x1869F  }
0x8e: {  	[tilespmem:s16+$0x0] =	vst v1;
	v1 =	vmin.u32 v2, $0x1869F;
	v2 =	vld [tilespmem:s16+$0x60]  }
0x8f: {  	[tilespmem:s16+$0x10] =	vst v1;
	v1 =	vmin.u32 v3, $0x1869F;
	v3 =	vld [tilespmem:s16+$0x70]  }
0x90: {  	v30 =	vld [tilespmem:s16+$0x80];
	[tilespmem:s16+$0x20] =	vst v1;
	v1 =	vmin.u32 v4, $0x1869F  }
0x91: {  	v31 =	vld [tilespmem:s16+$0x90];
	[tilespmem:s16+$0x30] =	vst v1;
	v1 =	vmin.u32 v5, $0x1869F  }
0x92: {  	v32 =	vld [tilespmem:s16+$0xA0];
	[tilespmem:s16+$0x40] =	vst v1;
	v1 =	vmin.u32 v6, $0x1869F  }
0x93: {  	[tilespmem:s16+$0x50] =	vst v1;
	v1 =	vmin.u32 v2, $0x1869F;
	v2 =	vld [tilespmem:s16+$0xB0]  }
0x94: {  	[tilespmem:s16+$0x60] =	vst v1;
	v1 =	vmin.u32 v3, $0x1869F;
	v3 =	vld [tilespmem:s16+$0xC0]  }
0x95: {  	v33 =	vld [tilespmem:s16+$0xD0];
	[tilespmem:s16+$0x70] =	vst v1;
	v1 =	vmin.u32 v30, $0x1869F  }
0x96: {  	v34 =	vld [tilespmem:s16+$0xE0];
	[tilespmem:s16+$0x80] =	vst v1;
	v1 =	vmin.u32 v31, $0x1869F  }
0x97: {  	v35 =	vld [tilespmem:s16+$0xF0];
	[tilespmem:s16+$0x90] =	vst v1;
	v1 =	vmin.u32 v32, $0x1869F  }
0x98: {  	[tilespmem:s16+$0xA0] =	vst v1;
	v1 =	vmin.u32 v2, $0x1869F;
	v2 =	vld [tilespmem:s16+$0x100]  }
0x99: {  	[tilespmem:s16+$0xB0] =	vst v1;
	v1 =	vmin.u32 v3, $0x1869F;
	v3 =	vld [tilespmem:s16+$0x110]  }
0x9a: {  	v36 =	vld [tilespmem:s16+$0x120];
	[tilespmem:s16+$0xC0] =	vst v1;
	v1 =	vmin.u32 v33, $0x1869F  }
0x9b: {  	v37 =	vld [tilespmem:s16+$0x130];
	[tilespmem:s16+$0xD0] =	vst v1;
	v1 =	vmin.u32 v34, $0x1869F  }
0x9c: {  	v38 =	vld [tilespmem:s16+$0x140];
	[tilespmem:s16+$0xE0] =	vst v1;
	v1 =	vmin.u32 v35, $0x1869F  }
0x9d: {  	[tilespmem:s16+$0xF0] =	vst v1;
	v1 =	vmin.u32 v2, $0x1869F;
	v2 =	vld [tilespmem:s16+$0x150]  }
0x9e: {  	[tilespmem:s16+$0x100] =	vst v1;
	v1 =	vmin.u32 v3, $0x1869F;
	v3 =	vld [tilespmem:s16+$0x160]  }
0x9f: {  	v39 =	vld [tilespmem:s16+$0x170];
	[tilespmem:s16+$0x110] =	vst v1;
	v1 =	vmin.u32 v36, $0x1869F  }
0xa0: {  	v40 =	vld [tilespmem:s16+$0x180];
	[tilespmem:s16+$0x120] =	vst v1;
	v1 =	vmin.u32 v37, $0x1869F  }
0xa1: {  	v41 =	vld [tilespmem:s16+$0x190];
	[tilespmem:s16+$0x130] =	vst v1;
	v1 =	vmin.u32 v38, $0x1869F  }
0xa2: {  	[tilespmem:s16+$0x140] =	vst v1;
	v1 =	vmin.u32 v2, $0x1869F;
	v2 =	vld [tilespmem:s16+$0x1A0]  }
0xa3: {  	[tilespmem:s16+$0x150] =	vst v1;
	v1 =	vmin.u32 v3, $0x1869F;
	v3 =	vld [tilespmem:s16+$0x1B0]  }
0xa4: {  	v42 =	vld [tilespmem:s16+$0x1C0];
	[tilespmem:s16+$0x160] =	vst v1;
	v1 =	vmin.u32 v39, $0x1869F  }
0xa5: {  	v43 =	vld [tilespmem:s16+$0x1D0];
	[tilespmem:s16+$0x170] =	vst v1;
	v1 =	vmin.u32 v40, $0x1869F  }
0xa6: {  	v44 =	vld [tilespmem:s16+$0x1E0];
	[tilespmem:s16+$0x180] =	vst v1;
	v1 =	vmin.u32 v41, $0x1869F  }
0xa7: {  	[tilespmem:s16+$0x190] =	vst v1;
	v1 =	vmin.u32 v2, $0x1869F;
	v2 =	vld [tilespmem:s16+$0x1F0]  }
0xa8: {  	[tilespmem:s16+$0x1A0] =	vst v1;
	v1 =	vmin.u32 v3, $0x1869F;
	v3 =	vld [tilespmem:s16+$0x200]  }
0xa9: {  	v45 =	vld [tilespmem:s16+$0x210];
	[tilespmem:s16+$0x1B0] =	vst v1;
	v1 =	vmin.u32 v42, $0x1869F  }
0xaa: {  	v46 =	vld [tilespmem:s16+$0x220];
	[tilespmem:s16+$0x1C0] =	vst v1;
	v1 =	vmin.u32 v43, $0x1869F  }
0xab: {  	v47 =	vld [tilespmem:s16+$0x230];
	[tilespmem:s16+$0x1D0] =	vst v1;
	v1 =	vmin.u32 v44, $0x1869F  }
0xac: {  	[tilespmem:s16+$0x1E0] =	vst v1;
	v1 =	vmin.u32 v2, $0x1869F;
	v2 =	vld [tilespmem:s16+$0x240]  }
0xad: {  	[tilespmem:s16+$0x1F0] =	vst v1;
	v1 =	vmin.u32 v3, $0x1869F;
	v3 =	vld [tilespmem:s16+$0x250]  }
0xae: {  	v48 =	vld [tilespmem:s16+$0x260];
	[tilespmem:s16+$0x200] =	vst v1;
	v1 =	vmin.u32 v45, $0x1869F  }
0xaf: {  	v49 =	vld [tilespmem:s16+$0x270];
	[tilespmem:s16+$0x210] =	vst v1;
	v1 =	vmin.u32 v46, $0x1869F  }
0xb0: {  	v50 =	vld [tilespmem:s16+$0x280];
	[tilespmem:s16+$0x220] =	vst v1;
	v1 =	vmin.u32 v47, $0x1869F  }
0xb1: {  	[tilespmem:s16+$0x230] =	vst v1;
	v1 =	vmin.u32 v2, $0x1869F;
	v2 =	vld [tilespmem:s16+$0x290]  }
0xb2: {  	[tilespmem:s16+$0x240] =	vst v1;
	v1 =	vmin.u32 v3, $0x1869F;
	v3 =	vld [tilespmem:s16+$0x2A0]  }
0xb3: {  	v51 =	vld [tilespmem:s16+$0x2B0];
	[tilespmem:s16+$0x250] =	vst v1;
	v1 =	vmin.u32 v48, $0x1869F  }
0xb4: {  	v52 =	vld [tilespmem:s16+$0x2C0];
	[tilespmem:s16+$0x260] =	vst v1;
	v1 =	vmin.u32 v49, $0x1869F  }
0xb5: {  	v53 =	vld [tilespmem:s16+$0x2D0];
	[tilespmem:s16+$0x270] =	vst v1;
	v1 =	vmin.u32 v50, $0x1869F  }
0xb6: {  	[tilespmem:s16+$0x280] =	vst v1;
	v1 =	vmin.u32 v2, $0x1869F;
	v2 =	vld [tilespmem:s16+$0x2E0]  }
0xb7: {  	[tilespmem:s16+$0x290] =	vst v1;
	v1 =	vmin.u32 v3, $0x1869F;
	v3 =	vld [tilespmem:s16+$0x2F0]  }
0xb8: {  	v54 =	vld [tilespmem:s16+$0x300];
	[tilespmem:s16+$0x2A0] =	vst v1;
	v1 =	vmin.u32 v51, $0x1869F  }
0xb9: {  	v55 =	vld [tilespmem:s16+$0x310];
	[tilespmem:s16+$0x2B0] =	vst v1;
	v1 =	vmin.u32 v52, $0x1869F  }
0xba: {  	v56 =	vld [tilespmem:s16+$0x320];
	[tilespmem:s16+$0x2C0] =	vst v1;
	v1 =	vmin.u32 v53, $0x1869F  }
0xbb: {  	[tilespmem:s16+$0x2D0] =	vst v1;
	v1 =	vmin.u32 v2, $0x1869F;
	v2 =	vld [tilespmem:s16+$0x330]  }
0xbc: {  	[tilespmem:s16+$0x2E0] =	vst v1;
	v1 =	vmin.u32 v3, $0x1869F;
	v3 =	vld [tilespmem:s16+$0x340]  }
0xbd: {  	v57 =	vld [tilespmem:s16+$0x350];
	[tilespmem:s16+$0x2F0] =	vst v1;
	v1 =	vmin.u32 v54, $0x1869F  }
0xbe: {  	v58 =	vld [tilespmem:s16+$0x360];
	[tilespmem:s16+$0x300] =	vst v1;
	v1 =	vmin.u32 v55, $0x1869F  }
0xbf: {  	v59 =	vld [tilespmem:s16+$0x370];
	[tilespmem:s16+$0x310] =	vst v1;
	v1 =	vmin.u32 v56, $0x1869F  }
0xc0: {  	[tilespmem:s16+$0x320] =	vst v1;
	v1 =	vmin.u32 v2, $0x1869F;
	v2 =	vld [tilespmem:s16+$0x380]  }
0xc1: {  	[tilespmem:s16+$0x330] =	vst v1;
	v1 =	vmin.u32 v3, $0x1869F;
	v3 =	vld [tilespmem:s16+$0x390]  }
0xc2: {  	v60 =	vld [tilespmem:s16+$0x3A0];
	[tilespmem:s16+$0x340] =	vst v1;
	v1 =	vmin.u32 v57, $0x1869F  }
0xc3: {  	v61 =	vld [tilespmem:s16+$0x3B0];
	[tilespmem:s16+$0x350] =	vst v1;
	v1 =	vmin.u32 v58, $0x1869F  }
0xc4: {  	v62 =	vld [tilespmem:s16+$0x3C0];
	[tilespmem:s16+$0x360] =	vst v1;
	v1 =	vmin.u32 v59, $0x1869F  }
0xc5: {  	[tilespmem:s16+$0x370] =	vst v1;
	v1 =	vmin.u32 v2, $0x1869F;
	v2 =	vld [tilespmem:s16+$0x3D0]  }
0xc6: {  	[tilespmem:s16+$0x380] =	vst v1;
	v1 =	vmin.u32 v3, $0x1869F;
	v3 =	vld [tilespmem:s16+$0x3E0]  }
0xc7: {  	v63 =	vld [tilespmem:s16+$0x3F0];
	[tilespmem:s16+$0x390] =	vst v1;
	v1 =	vmin.u32 v60, $0x1869F  }
0xc8: {  	[tilespmem:s16+$0x3A0] =	vst v1;
	v1 =	vmin.u32 v61, $0x1869F  }
0xc9: {  	[tilespmem:s16+$0x3B0] =	vst v1;
	v1 =	vmin.u32 v62, $0x1869F  }
0xca: {  	[tilespmem:s16+$0x3C0] =	vst v1;
	v1 =	vmin.u32 v2, $0x1869F  }
0xcb: {  	[tilespmem:s16+$0x3D0] =	vst v1;
	v1 =	vmin.u32 v3, $0x1869F  }
0xcc: {  	s18 =	sshll.u32 s18, $0xD;
	[tilespmem:s16+$0x3E0] =	vst v1;
	v1 =	vmin.u32 v63, $0x1869F  }
0xcd: {  	s19 =	sor.u32 $0x800, s18;
	[tilespmem:s16+$0x3F0] =	vst v1  }
0xce: {  	[tilespmem:s19], [sflag:$0x1] =	stream.indirect.gather [hbm4b:s3+s22], $0x8, s16, s22, $0xb8;
	[tilespmem:$0xA800] =	vst v63  }
0xcf: {  	s25 =	sor.u32 $0x80, s16;
	s20 =	sor.u32 $0xC00, s18  }
0xd0: {  	[tilespmem:s20], [sflag:$0x1] =	stream.indirect.gather [hbm4b:s3+s22], $0x8, s25, s22, $0xb8;
	[tilespmem:$0xA800] =	vst v63  }
0xd1: {  	s26 =	sor.u32 $0x100, s16;
	s28 =	sor.u32 $0x1000, s18  }
0xd2: {  	[tilespmem:s28], [sflag:$0x1] =	stream.indirect.gather [hbm4b:s3+s22], $0x8, s26, s22, $0xb8;
	[tilespmem:$0xA800] =	vst v63  }
0xd3: {  	s29 =	sor.u32 $0x180, s16;
	s31 =	sor.u32 $0x1400, s18  }
0xd4: {  	[tilespmem:s31], [sflag:$0x1] =	stream.indirect.gather [hbm4b:s3+s22], $0x8, s29, s22, $0xb8;
	[tilespmem:$0xA800] =	vst v63  }
0xd5: {  	s23 =	sor.u32 $0x200, s16;
	s25 =	sor.u32 $0x1800, s18  }
0xd6: {  	[tilespmem:s25], [sflag:$0x1] =	stream.indirect.gather [hbm4b:s3+s22], $0x8, s23, s22, $0xb8;
	[tilespmem:$0xA800] =	vst v63  }
0xd7: {  	s26 =	sor.u32 $0x280, s16;
	s28 =	sor.u32 $0x1C00, s18  }
0xd8: {  	[tilespmem:s28], [sflag:$0x1] =	stream.indirect.gather [hbm4b:s3+s22], $0x8, s26, s22, $0xb8;
	[tilespmem:$0xA800] =	vst v63  }
0xd9: {  	s29 =	sor.u32 $0x300, s16;
	s31 =	sadd.s32 $0x2000, s18  }
0xda: {  	[tilespmem:s31], [sflag:$0x1] =	stream.indirect.gather [hbm4b:s3+s22], $0x8, s29, s22, $0xb8;
	[tilespmem:$0xA800] =	vst v63  }
0xdb: {  	s16 =	sor.u32 $0x380, s16;
	s18 =	sadd.s32 $0x2400, s18  }
0xdc: {  	[tilespmem:s18], [sflag:$0x1] =	stream.indirect.gather [hbm4b:s3+s22], $0x8, s16, s22, $0xb8;
	[tilespmem:$0xA800] =	vst v63  }
.LBB2_4:
0xdd: {  	_ =	swait.ge [sflag:s24], $0x400  }
0xde: {  	[sflag:s24] =	ssyncset.done $0x0  }
0xdf: {  	[sflag:s24] =	ssyncadd.s32 $0xFFFFFC00  }
0xe0: {  	_ =	swait.ge [sflag:s24], $0x400  }
0xe1: {  	[sflag:s24] =	ssyncset.done $0x0  }
0xe2: {  	[sflag:s24] =	ssyncadd.s32 $0xFFFFFC00  }
0xe3: {  	_ =	swait.ge [sflag:s24], $0x400  }
0xe4: {  	[sflag:s24] =	ssyncset.done $0x0  }
0xe5: {  	[sflag:s24] =	ssyncadd.s32 $0xFFFFFC00  }
0xe6: {  	_ =	swait.ge [sflag:s24], $0x400  }
0xe7: {  	[sflag:s24] =	ssyncset.done $0x0  }
0xe8: {  	[sflag:s24] =	ssyncadd.s32 $0xFFFFFC00  }
0xe9: {  	_ =	swait.ge [sflag:s24], $0x400  }
0xea: {  	[sflag:s24] =	ssyncset.done $0x0  }
0xeb: {  	[sflag:s24] =	ssyncadd.s32 $0xFFFFFC00  }
0xec: {  	_ =	swait.ge [sflag:s24], $0x400  }
0xed: {  	[sflag:s24] =	ssyncset.done $0x0  }
0xee: {  	[sflag:s24] =	ssyncadd.s32 $0xFFFFFC00  }
0xef: {  	_ =	swait.ge [sflag:s24], $0x400  }
0xf0: {  	[sflag:s24] =	ssyncset.done $0x0  }
0xf1: {  	p0 =	sgt.u32 s0, $0x7D;
	[sflag:s24] =	ssyncadd.s32 $0xFFFFFC00  }
0xf2: {  	s31 =	sshll.u32 s0, $0x4;
	s23 =	simm.s32 $0x0;
	_ =	swait.ge [sflag:s24], $0x400  }
0xf3: {  	s16 =	sshll.u32 @!p0 s0, $0x7;
	s18 =	sshll.u32 @!p0 s1, $0xA;
	[sflag:s24] =	ssyncset.done $0x0  }
0xf4: {  	s19 =	simm.s32 @!p0 $0x0;
	s16 =	sadd.s32 @!p0 s16, s10;
	[sflag:s24] =	ssyncadd.s32 $0xFFFFFC00  }
0xf5: {  	[tilespmem:s18], [sflag:$0x2] =	stream.linear.gather @!p0 [hbm4b:s16+s19], $0x400, $0x38;
	[tilespmem:$0xA800] =	vst v63  }
0xf6: {  	v2 =	vmov s23;
	v1 =	vld [tilespmem:s31+$0x8000]  }
0xf7: {  	v2 =	vshll.u32 v2, $0x3  }
0xf8: {  	v8 =	vor.u32 v0, v2  }
0xf9: {  	v2 =	vor.u32 $0x1, v8;
	_ =	sdelay $0x1  }
0xfa: {  	v1 =	vmul.f32 v1, v1  }
0xfb: {  	s25 =	simm.s32 $0x1;
	s26 =	sshll.u32 s1, $0xD;
	v6 =	vor.u32 $0x2, v8;
	v4 =	vld [tilespmem:s31+$0x6800]  }
0xfc: {  	v3 =	vmov s25;
	s19 =	sor.u32 $0x800, s26;
	v5 =	vld [tilespmem:s31+$0x7000];
	v1 =	vadd.f32 $9.999999930e-09, v1  }
0xfd: {  	v3 =	vshll.u32 v3, $0x3;
	v2 =	vld.idx.msk [tilespmem:v2+s19+$0x0], $0xffff  }
0xfe: {  	v7 =	vld [tilespmem:s31+$0x7800];
	(erf) = vrcp.f32 v1;
	v1 =	vor.u32 v0, v3  }
0xff: {  	v3 =	vld.idx.msk [tilespmem:v8+s19+$0x0], $0xffff  }
0x100: {  	v6 =	vld.idx.msk [tilespmem:v6+s19+$0x0], $0xffff;
	v9 =	vor.u32 $0x1, v1  }
0x101: {  	v10 =	vor.u32 $0x2, v1;
	_ =	sdelay $0x1  }
0x102: {  	v11 =	vld.idx.msk [tilespmem:v1+s19+$0x0], $0xffff  }
0x103: {  	v14 =	vsub.f32 v5, v2;
	v12 =	vsub.f32 v4, v3  }
0x104: {  	v18 =	vsub.f32 v7, v6;
	v9 =	vld.idx.msk [tilespmem:v9+s19+$0x0], $0xffff  }
0x105: {  	v15 =	vmul.f32 v14, v14;
	v10 =	vld.idx.msk [tilespmem:v10+s19+$0x0], $0xffff;
	v3 =	vmul.f32 v12, v12  }
0x106: {  	v16 =	vor.u32 $0x3, v8;
	v17 =	vmul.f32 v18, v18  }
0x107: {  	v15 =	vadd.f32 v15, v3;
	v2 =	vsub.f32 v4, v11;
	v11 =	vor.u32 $0x4, v8  }
0x108: {  	v20 =	vor.u32 $0x4, v1;
	v22 =	vor.u32 $0x3, v1  }
0x109: {  	v13 =	vpop (erf);
	v3 =	vsub.f32 v5, v9;
	v9 =	vor.u32 $0x5, v8;
	v15 =	vadd.f32 v17, v15  }
0x10a: {  	s28 =	simm.s32 $0x3;
	v6 =	vxor.u32 $0x80000000, v13;
	v8 =	vsub.f32 v7, v10;
	v21 =	vmul.f32 v2, v2  }
0x10b: {  	v23 =	vld.idx.msk [tilespmem:v16+s19+$0x0], $0xffff;
	v17 =	vmov s28;
	v10 =	vmul.f32 v3, v3;
	v15 =	vmul.f32 v6, v15  }
0x10c: {  	v19 =	vor.u32 $0x5, v1;
	v1 =	vshll.u32 v17, $0x3;
	v16 =	vmul.f32 v8, v8;
	v24 =	vld.idx.msk [tilespmem:v11+s19+$0x0], $0xffff  }
0x10d: {  	v10 =	vadd.f32 v10, v21;
	v11 =	vor.u32 v0, v1;
	v1 =	vmul.f32 $1.442695020e+00, v15;
	v15 =	vld.idx.msk [tilespmem:v22+s19+$0x0], $0xffff  }
0x10e: {  	v25 =	vld.idx.msk [tilespmem:v9+s19+$0x0], $0xffff  }
0x10f: {  	v17 =	vor.u32 $0x1, v11;
	v9 =	vadd.f32 v16, v10  }
0x110: {  	v10 =	vld.idx.msk [tilespmem:v20+s19+$0x0], $0xffff;
	(erf) = vpow2.f32 v1;
	v1 =	vmul.f32 $-2.000000000e+00, v13  }
0x111: {  	v26 =	vimm.f32 $0.0e+00;
	v16 =	vmul.f32 v23, v12;
	v9 =	vmul.f32 v6, v9  }
0x112: {  	v21 =	vor.u32 $0x2, v11;
	v13 =	vld.idx.msk [tilespmem:v19+s19+$0x0], $0xffff;
	v20 =	vmul.f32 v24, v14;
	v30 =	vmul.f32 v15, v2  }
0x113: {  	s29 =	simm.s32 $0x2;
	v22 =	vor.u32 $0x4, v11;
	v28 =	vld.idx.msk [tilespmem:v11+s19+$0x0], $0xffff;
	v9 =	vmul.f32 $1.442695020e+00, v9;
	v27 =	vmul.f32 v25, v18  }
0x114: {  	v19 =	vld.idx.msk [tilespmem:v17+s19+$0x0], $0xffff;
	v17 =	vor.u32 $0x5, v11;
	v20 =	vadd.f32 v20, v16;
	v16 =	vmov s29  }
0x115: {  	s20 =	simm.s32 $0x5800;
	v32 =	vmul.f32 v10, v3;
	(erf) = vpow2.f32 v9;
	v9 =	vshll.u32 v16, $0x3  }
0x116: {  	[tilespmem:s20+$0x400] =	vst v23;
	v16 =	vor.u32 $0x3, v11;
	v31 =	vor.u32 v0, v9;
	v34 =	vadd.f32 v27, v20  }
0x117: {  	[tilespmem:s20+$0x800] =	vst v24;
	v20 =	vadd.f32 v32, v30;
	v35 =	vor.u32 $0x1, v31;
	v45 =	vor.u32 $0x2, v31  }
0x118: {  	[tilespmem:s20+$0x410] =	vst v15;
	v29 =	vor.u32 $0x5, v31;
	v11 =	vsub.f32 v4, v28;
	v28 =	vmul.f32 v13, v8  }
0x119: {  	[tilespmem:s20+$0xC00] =	vst v25;
	v21 =	vld.idx.msk [tilespmem:v21+s19+$0x0], $0xffff;
	v40 =	vor.u32 $0x4, v31;
	v9 =	vsub.f32 v5, v19;
	v19 =	vor.u32 $0x3, v31;
	v27 =	vpop (erf)  }
0x11a: {  	[tilespmem:s20+$0xC10] =	vst v13;
	v30 =	vmul.f32 v27, v1;
	v46 =	vadd.f32 v27, v26;
	v23 =	vmul.f32 v27, v23  }
0x11b: {  	[tilespmem:s20+$0x810] =	vst v10;
	v38 =	vmul.f32 v11, v11;
	v24 =	vmul.f32 v27, v24;
	v20 =	vadd.f32 v28, v20  }
0x11c: {  	[tilespmem:s20+$0xFFFFF400] =	vst v34;
	v44 =	vmul.f32 v27, v34;
	v42 =	vmul.f32 v27, v25;
	v28 =	vimm.f32 $0.0e+00  }
0x11d: {  	[tilespmem:s20+$0xFFFFF000] =	vst v27;
	v27 =	vimm.f32 $0.0e+00;
	v32 =	vmul.f32 v30, v12;
	v36 =	vmul.f32 v30, v14  }
0x11e: {  	v41 =	vld.idx.msk [tilespmem:v31+s19+$0x0], $0xffff;
	v12 =	vsub.f32 v7, v21;
	v33 =	vmul.f32 v30, v18;
	v23 =	vadd.f32 v23, v26  }
0x11f: {  	v25 =	vimm.f32 $0.0e+00;
	v37 =	vadd.f32 v24, v26;
	[tilespmem:s20+$0xFFFFF410] =	vst v20;
	v43 =	vld.idx.msk [tilespmem:v35+s19+$0x0], $0xffff;
	v14 =	vmul.f32 v32, v34  }
0x120: {  	s0 =	sadd.s32 $0x1, s0;
	s1 =	sor.u32 $0x800, s31;
	s25 =	simm.s32 $0x4;
	v35 =	vimm.f32 $0.0e+00;
	v45 =	vld.idx.msk [tilespmem:v45+s19+$0x0], $0xffff;
	v39 =	vmul.f32 v12, v12;
	v24 =	vadd.f32 v36, v26;
	[tilespmem:s20+$0x0] =	vst v33;
	v30 =	vpop (erf)  }
0x121: {  	s23 =	simm.s32 $0x5800;
	s16 =	sor.u32 $0x1000, s31;
	s18 =	sor.u32 $0x1800, s31;
	[tilespmem:s20+$0xFFFFF800] =	vst v32;
	v21 =	vadd.f32 v14, v26;
	v14 =	vld.idx.msk [tilespmem:v19+s19+$0x0], $0xffff;
	v18 =	vadd.f32 v30, v46;
	v19 =	vimm.f32 $0.0e+00  }
.LBB2_5:
0x122: {  	s29 =	sadd.s32 $0x1, s25  }
0x123: {  	v46 =	vmul.f32 v9, v9;
	v26 =	vadd.f32 v44, v26;
	v44 =	vmul.f32 v33, v34;
	[tilespmem:s20+$0xFFFFF010] =	vst v30;
	s23 =	sadd.s32 $0x20, s23;
	s26 =	smov.u32 s25;
	s28 =	sadd.s32 $0x2, s25  }
0x124: {  	p0 =	slt.u32 s25, $0x3E;
	v48 =	vsub.f32 v4, v41;
	v34 =	vmul.f32 v36, v34;
	v31 =	vmov s29;
	v47 =	vld.idx.msk [tilespmem:v40+s19+$0x0], $0xffff;
	[tilespmem:s20+$0xFFFFFC00] =	vst v36  }
0x125: {  	v49 =	vsub.f32 v5, v43;
	v36 =	vshll.u32 v31, $0x3;
	v31 =	vld.idx.msk [tilespmem:v29+s19+$0x0], $0xffff;
	v29 =	vadd.f32 v44, v35  }
0x126: {  	v40 =	vmul.f32 v30, v13;
	v44 =	vsub.f32 v7, v45;
	v35 =	vmul.f32 v48, v48;
	[tilespmem:s23+$0x400] =	vst v14  }
0x127: {  	v41 =	vmul.f32 v30, v15;
	v28 =	vadd.f32 v42, v28;
	v13 =	vmul.f32 v49, v49  }
0x128: {  	v42 =	vmul.f32 v30, v10;
	v38 =	vadd.f32 v46, v38;
	v15 =	vmul.f32 v44, v44  }
0x129: {  	v43 =	vmul.f32 v14, v48;
	v35 =	vadd.f32 v13, v35;
	v10 =	vld.idx.msk [tilespmem:v22+s19+$0x0], $0xffff;
	v22 =	vmul.f32 v30, v1  }
0x12a: {  	v37 =	vadd.f32 v42, v37;
	v45 =	vmul.f32 v47, v49;
	v13 =	vld.idx.msk [tilespmem:v17+s19+$0x0], $0xffff;
	v17 =	vadd.f32 v32, v27  }
0x12b: {  	v25 =	vadd.f32 v33, v25;
	v15 =	vadd.f32 v15, v35;
	v32 =	vmul.f32 v31, v44;
	[tilespmem:s23+$0xC00] =	vst v31  }
0x12c: {  	v33 =	vor.u32 v0, v36;
	v36 =	vadd.f32 v45, v43;
	v35 =	vmul.f32 v22, v3;
	[tilespmem:s23+$0x800] =	vst v47  }
0x12d: {  	v42 =	vor.u32 $0x1, v33;
	v15 =	vmul.f32 v6, v15;
	v43 =	vmul.f32 v22, v2;
	v3 =	vmovc v9;
	v2 =	vmovc v11  }
0x12e: {  	v9 =	vadd.f32 v39, v38;
	v38 =	vmul.f32 v22, v8;
	v11 =	vmul.f32 v30, v20;
	[tilespmem:s20+$0xFFFFFC10] =	vst v35  }
0x12f: {  	v28 =	vadd.f32 v40, v28;
	v22 =	vmul.f32 $1.442695020e+00, v15;
	v27 =	vadd.f32 v43, v17;
	v15 =	vld.idx.msk [tilespmem:v16+s19+$0x0], $0xffff;
	[tilespmem:s20+$0xFFFFF810] =	vst v43  }
0x130: {  	v9 =	vmul.f32 v6, v9;
	v25 =	vadd.f32 v38, v25;
	v16 =	vmul.f32 v35, v20;
	[tilespmem:s20+$0x10] =	vst v38;
	s20 =	smov.u32 s23  }
0x131: {  	v8 =	vmovc v12;
	v17 =	vadd.f32 v34, v19;
	[tilespmem:s23+$0xC10] =	vst v13;
	(erf) = vpow2.f32 v22;
	v22 =	vmul.f32 v38, v20  }
0x132: {  	v23 =	vadd.f32 v41, v23;
	v12 =	vmul.f32 v43, v20;
	v9 =	vmul.f32 $1.442695020e+00, v9;
	[tilespmem:s23+$0x810] =	vst v10  }
0x133: {  	v30 =	vor.u32 $0x2, v33;
	v26 =	vadd.f32 v11, v26;
	v19 =	vadd.f32 v16, v17;
	v20 =	vld.idx.msk [tilespmem:v42+s19+$0x0], $0xffff  }
0x134: {  	v24 =	vadd.f32 v35, v24;
	v35 =	vadd.f32 v22, v29;
	v11 =	vld.idx.msk [tilespmem:v33+s19+$0x0], $0xffff;
	(erf) = vpow2.f32 v9  }
0x135: {  	v21 =	vadd.f32 v12, v21;
	v17 =	vor.u32 $0x5, v33;
	v9 =	vmov s26;
	[tilespmem:s23+$0x410] =	vst v15  }
0x136: {  	v16 =	vor.u32 $0x3, v33;
	v12 =	vmul.f32 v15, v2;
	v9 =	vshll.u32 v9, $0x3  }
0x137: {  	v22 =	vor.u32 $0x4, v33;
	v33 =	vmul.f32 v10, v3;
	v38 =	vor.u32 v0, v9  }
0x138: {  	v39 =	vor.u32 $0x1, v38;
	v42 =	vor.u32 $0x2, v38;
	v29 =	vor.u32 $0x5, v38;
	v45 =	vld.idx.msk [tilespmem:v30+s19+$0x0], $0xffff  }
0x139: {  	v34 =	vadd.f32 v32, v36;
	v46 =	vor.u32 $0x3, v38;
	v9 =	vsub.f32 v5, v20  }
0x13a: {  	v12 =	vadd.f32 v33, v12;
	v20 =	vmul.f32 v13, v8;
	v11 =	vsub.f32 v4, v11;
	v50 =	vpop (erf)  }
0x13b: {  	v33 =	vmul.f32 v50, v1;
	[tilespmem:s23+$0xFFFFF000] =	vst v50;
	v18 =	vadd.f32 v50, v18;
	v51 =	vmul.f32 v50, v14  }
0x13c: {  	v40 =	vor.u32 $0x4, v38;
	v47 =	vmul.f32 v50, v47;
	v41 =	vld.idx.msk [tilespmem:v38+s19+$0x0], $0xffff;
	v38 =	vmul.f32 v11, v11;
	[tilespmem:s23+$0xFFFFF400] =	vst v34  }
.Ltmp1:
0x13d: {  	v20 =	vadd.f32 v20, v12;
	v43 =	vld.idx.msk [tilespmem:v39+s19+$0x0], $0xffff;
	v32 =	vmul.f32 v33, v48;
	v36 =	vmul.f32 v33, v49;
	v30 =	vpop (erf);
	(pc) =	sbr.rel @p0 .LBB2_5-.Ltmp1, $4  }
0x13e: {  	v12 =	vsub.f32 v7, v45;
	v33 =	vmul.f32 v33, v44;
	v23 =	vadd.f32 v51, v23;
	v14 =	vld.idx.msk [tilespmem:v46+s19+$0x0], $0xffff  }
0x13f: {  	v37 =	vadd.f32 v47, v37;
	v45 =	vld.idx.msk [tilespmem:v42+s19+$0x0], $0xffff;
	v42 =	vmul.f32 v32, v34;
	[tilespmem:s23+$0xFFFFF410] =	vst v20  }
0x140: {  	v44 =	vmul.f32 v50, v34;
	v39 =	vmul.f32 v12, v12;
	v24 =	vadd.f32 v36, v24;
	[tilespmem:s23+$0x0] =	vst v33  }
0x141: {  	s25 =	smov.u32 s28;
	v18 =	vadd.f32 v30, v18;
	[tilespmem:s23+$0xFFFFF800] =	vst v32;
	v21 =	vadd.f32 v42, v21;
	v42 =	vmul.f32 v50, v31  }
0x142: {  	v4 =	vsub.f32 v4, v41;
	v5 =	vsub.f32 v5, v43;
	_ =	sdelay $0x1  }
0x143: {  	v7 =	vsub.f32 v7, v45;
	v31 =	vmul.f32 v4, v4;
	v52 =	vmul.f32 v5, v5;
	_ =	sdelay $0x1  }
0x144: {  	v53 =	vmul.f32 v9, v9;
	v45 =	vmul.f32 v7, v7;
	v31 =	vadd.f32 v52, v31;
	_ =	sdelay $0x1  }
0x145: {  	v38 =	vadd.f32 v53, v38;
	v31 =	vadd.f32 v45, v31;
	_ =	sdelay $0x1  }
0x146: {  	v38 =	vadd.f32 v39, v38;
	v31 =	vmul.f32 v6, v31  }
0x147: {  	v54 =	vmul.f32 v33, v34;
	v55 =	vmul.f32 v36, v34  }
0x148: {  	v6 =	vmul.f32 v6, v38;
	v31 =	vmul.f32 $1.442695020e+00, v31  }
0x149: {  	v13 =	vmul.f32 v30, v13;
	v15 =	vmul.f32 v30, v15  }
0x14a: {  	v26 =	vadd.f32 v44, v26;
	v6 =	vmul.f32 $1.442695020e+00, v6;
	(erf) = vpow2.f32 v31  }
0x14b: {  	v10 =	vmul.f32 v30, v10;
	v56 =	vmul.f32 v30, v1;
	v27 =	vadd.f32 v32, v27  }
0x14c: {  	v40 =	vld.idx.msk [tilespmem:v40+s19+$0x0], $0xffff;
	[tilespmem:s20+$0xFFFFF010] =	vst v30;
	v25 =	vadd.f32 v33, v25;
	v30 =	vmul.f32 v30, v20;
	(erf) = vpow2.f32 v6  }
0x14d: {  	v22 =	vld.idx.msk [tilespmem:v22+s19+$0x0], $0xffff;
	v28 =	vadd.f32 v42, v28;
	v2 =	vmul.f32 v56, v2;
	v3 =	vmul.f32 v56, v3  }
0x14e: {  	v16 =	vld.idx.msk [tilespmem:v16+s19+$0x0], $0xffff;
	v8 =	vmul.f32 v56, v8;
	v19 =	vadd.f32 v55, v19;
	v15 =	vadd.f32 v15, v23  }
0x14f: {  	v29 =	vld.idx.msk [tilespmem:v29+s19+$0x0], $0xffff;
	v23 =	vadd.f32 v30, v26;
	v13 =	vadd.f32 v13, v28;
	v28 =	vmul.f32 v3, v20  }
0x150: {  	v17 =	vld.idx.msk [tilespmem:v17+s19+$0x0], $0xffff;
	v27 =	vadd.f32 v2, v27;
	v58 =	vmul.f32 v8, v20;
	v20 =	vmul.f32 v2, v20  }
0x151: {  	v25 =	vadd.f32 v8, v25;
	v57 =	vmul.f32 v40, v5;
	v31 =	vadd.f32 v54, v35  }
0x152: {  	[tilespmem:s20+$0xFFFFFC00] =	vst v36;
	s23 =	sadd.s32 $0x20, s23;
	v19 =	vadd.f32 v28, v19;
	v20 =	vadd.f32 v20, v21;
	v6 =	vmul.f32 v14, v4  }
0x153: {  	[tilespmem:s23+$0x400] =	vst v14;
	v21 =	vmul.f32 v16, v11;
	v30 =	vadd.f32 v58, v31;
	v31 =	vmul.f32 v22, v9;
	v26 =	vpop (erf)  }
0x154: {  	[tilespmem:s20+$0xFFFFFC10] =	vst v3;
	v28 =	vmul.f32 v29, v7;
	v6 =	vadd.f32 v57, v6;
	v18 =	vadd.f32 v26, v18  }
0x155: {  	v24 =	vadd.f32 v3, v24;
	[tilespmem:s20+$0xFFFFF810] =	vst v2;
	v2 =	vadd.f32 v31, v21;
	v21 =	vmul.f32 v17, v12;
	v59 =	vpop (erf)  }
0x156: {  	[tilespmem:s20+$0x10] =	vst v8;
	v3 =	vadd.f32 v28, v6;
	v6 =	vmul.f32 v26, v1;
	v18 =	vadd.f32 v59, v18  }
0x157: {  	[tilespmem:s23+$0xC00] =	vst v29;
	v2 =	vadd.f32 v21, v2;
	v14 =	vmul.f32 v26, v14;
	v8 =	vmul.f32 v26, v40  }
0x158: {  	[tilespmem:s23+$0xC10] =	vst v17;
	v17 =	vmul.f32 v59, v17;
	v21 =	vmul.f32 v59, v22;
	v18 =	vadd.f32 $9.999999930e-09, v18  }
0x159: {  	v10 =	vadd.f32 v10, v37;
	[tilespmem:s23+$0x410] =	vst v16;
	v1 =	vmul.f32 v59, v1;
	v16 =	vmul.f32 v59, v16  }
0x15a: {  	[tilespmem:s23+$0x800] =	vst v40;
	v4 =	vmul.f32 v6, v4;
	(erf) = vrcp.f32 v18  }
0x15b: {  	[tilespmem:s23+$0x810] =	vst v22;
	v5 =	vmul.f32 v6, v5;
	v8 =	vadd.f32 v8, v10;
	v10 =	vmul.f32 v26, v3  }
0x15c: {  	[tilespmem:s23+$0xFFFFF400] =	vst v3;
	v6 =	vmul.f32 v6, v7;
	v7 =	vadd.f32 v14, v15;
	v14 =	vmul.f32 v4, v3  }
0x15d: {  	[tilespmem:s23+$0xFFFFF410] =	vst v2;
	v15 =	vadd.f32 v5, v24;
	v10 =	vadd.f32 v10, v23;
	v18 =	vmul.f32 v26, v29  }
0x15e: {  	[tilespmem:s23+$0xFFFFF000] =	vst v26;
	v9 =	vmul.f32 v1, v9;
	v7 =	vadd.f32 v16, v7;
	v14 =	vadd.f32 v14, v20  }
0x15f: {  	[tilespmem:s23+$0xFFFFF010] =	vst v59;
	v20 =	vmul.f32 v6, v3;
	v13 =	vadd.f32 v18, v13;
	v18 =	vadd.f32 v4, v27  }
0x160: {  	[tilespmem:s23+$0xFFFFF800] =	vst v4;
	v4 =	vadd.f32 v21, v8;
	v8 =	vmul.f32 v1, v11;
	v11 =	vmul.f32 v59, v2  }
0x161: {  	[tilespmem:s23+$0x0] =	vst v6;
	v3 =	vmul.f32 v5, v3;
	v6 =	vadd.f32 v6, v25;
	v20 =	vadd.f32 v20, v30  }
0x162: {  	[tilespmem:s23+$0xFFFFFC00] =	vst v5;
	v1 =	vmul.f32 v1, v12;
	v12 =	vmul.f32 v8, v2;
	v10 =	vadd.f32 v11, v10  }
0x163: {  	[tilespmem:s23+$0xFFFFFC10] =	vst v9;
	v3 =	vadd.f32 v3, v19;
	v11 =	vadd.f32 v17, v13;
	v13 =	vmul.f32 v9, v2;
	v17 =	vpop (erf)  }
0x164: {  	v5 =	vadd.f32 v8, v18;
	[tilespmem:s23+$0xFFFFF810] =	vst v8;
	v8 =	vadd.f32 v12, v14;
	v10 =	vmul.f32 v17, v10  }
0x165: {  	s28 =	simm.s32 $0x5800;
	[tilespmem:s23+$0x10] =	vst v1;
	v2 =	vmul.f32 v1, v2;
	v9 =	vadd.f32 v9, v15;
	v3 =	vadd.f32 v13, v3  }
0x166: {  	v1 =	vadd.f32 v1, v6;
	v13 =	vld [tilespmem:s28+$0x810];
	v6 =	vadd.f32 v7, v8;
	v5 =	vmul.f32 v10, v5  }
0x167: {  	v2 =	vadd.f32 v2, v20;
	v8 =	vld [tilespmem:s28+$0x400];
	v3 =	vadd.f32 v4, v3;
	v4 =	vmul.f32 v10, v9  }
0x168: {  	v9 =	vld [tilespmem:s28+$0x410];
	v5 =	vsub.f32 v6, v5  }
0x169: {  	v3 =	vsub.f32 v3, v4;
	v4 =	vadd.f32 v11, v2;
	v6 =	vmul.f32 v1, v10;
	v10 =	vld [tilespmem:s28+$0x800]  }
0x16a: {  	v11 =	vld [tilespmem:s28+$0xC10]  }
0x16b: {  	v15 =	vld [tilespmem:s28+$0xC00];
	v1 =	vmul.f32 v5, v17;
	v2 =	vmul.f32 v3, v17;
	v3 =	vsub.f32 v4, v6;
	_ =	sdelay $0x1  }
0x16c: {  	v3 =	vmul.f32 v3, v17;
	v4 =	vsub.f32 v13, v2;
	v5 =	vsub.f32 v9, v1  }
0x16d: {  	v6 =	vsub.f32 v8, v1;
	v7 =	vsub.f32 v10, v2  }
0x16e: {  	v12 =	vsub.f32 v11, v3;
	v4 =	vmul.f32 v4, v4;
	v5 =	vmul.f32 v5, v5  }
0x16f: {  	v6 =	vmul.f32 v6, v6;
	v14 =	vsub.f32 v15, v3;
	v7 =	vmul.f32 v7, v7  }
0x170: {  	v12 =	vmul.f32 v12, v12;
	v4 =	vadd.f32 v4, v5  }
0x171: {  	v5 =	vmul.f32 v14, v14;
	v6 =	vadd.f32 v7, v6  }
0x172: {  	v4 =	vadd.f32 v12, v4  }
0x173: {  	v5 =	vadd.f32 v5, v6  }
0x174: {  	s29 =	simm.s32 $0x5820;
	v4 =	vmul.f32 $-1.562500000e+00, v4  }
0x175: {  	v23 =	vld [tilespmem:s29+$0x400];
	v5 =	vmul.f32 $-1.562500000e+00, v5  }
0x176: {  	v21 =	vld [tilespmem:s29+$0x410];
	v4 =	vmul.f32 $1.442695020e+00, v4  }
0x177: {  	v19 =	vld [tilespmem:s28+$0xFFFFF010];
	v6 =	vmul.f32 $1.442695020e+00, v5  }
0x178: {  	v5 =	vld [tilespmem:s29+$0x810];
	(erf) = vpow2.f32 v4  }
0x179: {  	v17 =	vld [tilespmem:s28+$0xFFFFFC10];
	(erf) = vpow2.f32 v6  }
0x17a: {  	v6 =	vld [tilespmem:s29+$0xC10]  }
0x17b: {  	v14 =	vld [tilespmem:s28+$0xFFFFF810]  }
0x17c: {  	v7 =	vld [tilespmem:s29+$0x800]  }
0x17d: {  	v20 =	vsub.f32 v21, v1;
	v4 =	vld [tilespmem:s29+$0xC00];
	v18 =	vsub.f32 v5, v2  }
0x17e: {  	v16 =	vsub.f32 v23, v1;
	v12 =	vld [tilespmem:s28+$0xFFFFF000]  }
0x17f: {  	v26 =	vld [tilespmem:s28+$0x0];
	v20 =	vmul.f32 v20, v20;
	v22 =	vsub.f32 v6, v3;
	v18 =	vmul.f32 v18, v18  }
0x180: {  	v16 =	vmul.f32 v16, v16  }
0x181: {  	v28 =	vld [tilespmem:s28+$0xFFFFF410];
	v27 =	vsub.f32 v7, v2;
	v22 =	vmul.f32 v22, v22;
	v18 =	vadd.f32 v18, v20;
	v25 =	vpop (erf)  }
0x182: {  	v34 =	vmul.f32 v25, v14;
	v29 =	vpop (erf);
	v14 =	vsub.f32 v4, v3;
	v17 =	vmul.f32 v25, v17  }
0x183: {  	v24 =	vld [tilespmem:s28+$0x10];
	v19 =	vmul.f32 v25, v19;
	v18 =	vadd.f32 v22, v18;
	v30 =	vmul.f32 v29, v12  }
0x184: {  	v12 =	vmul.f32 v27, v27;
	v20 =	vmul.f32 v29, v26  }
0x185: {  	v14 =	vmul.f32 v14, v14;
	v18 =	vmul.f32 $-1.562500000e+00, v18  }
0x186: {  	v9 =	vmul.f32 v19, v9;
	v27 =	vmul.f32 v19, v28  }
0x187: {  	v42 =	vimm.f32 $0.0e+00;
	v22 =	vld [tilespmem:s28+$0xFFFFF400];
	v13 =	vmul.f32 v19, v13;
	v41 =	vmul.f32 v19, v11  }
0x188: {  	v62 =	vld [tilespmem:s29+$0xFFFFF810];
	v12 =	vadd.f32 v12, v16;
	v16 =	vmul.f32 v25, v24;
	v24 =	vmul.f32 v34, v28  }
0x189: {  	v8 =	vmul.f32 v30, v8;
	v25 =	vld [tilespmem:s28+$0xFFFFF800];
	v31 =	vadd.f32 v20, v42;
	v10 =	vmul.f32 v30, v10  }
0x18a: {  	s19 =	simm.s32 $0x5840;
	v26 =	vld [tilespmem:s28+$0xFFFFFC00];
	v52 =	vmul.f32 v30, v15;
	v18 =	vmul.f32 $1.442695020e+00, v18;
	v12 =	vadd.f32 v14, v12  }
0x18b: {  	v11 =	vld [tilespmem:s19+$0x410];
	v14 =	vmul.f32 v16, v28;
	v61 =	vadd.f32 v8, v42;
	v37 =	vadd.f32 v16, v31  }
0x18c: {  	v8 =	vld [tilespmem:s19+$0x400];
	v16 =	vmul.f32 v30, v22;
	(erf) = vpow2.f32 v18;
	v18 =	vadd.f32 v10, v42  }
0x18d: {  	v43 =	vmul.f32 v20, v22;
	v12 =	vmul.f32 $-1.562500000e+00, v12;
	v63 =	vadd.f32 v9, v61;
	v9 =	vld [tilespmem:s19+$0x810]  }
0x18e: {  	v16 =	vadd.f32 v16, v42;
	v25 =	vmul.f32 v29, v25;
	v18 =	vadd.f32 v13, v18;
	v13 =	vld [tilespmem:s19+$0x800]  }
0x18f: {  	v46 =	vld [tilespmem:s29+$0x10];
	v29 =	vmul.f32 v29, v26;
	v12 =	vmul.f32 $1.442695020e+00, v12  }
0x190: {  	v26 =	vadd.f32 v30, v42;
	v30 =	vld [tilespmem:s29+$0xFFFFFC10];
	v27 =	vadd.f32 v27, v16;
	v31 =	vmul.f32 v25, v22  }
0x191: {  	v20 =	vsub.f32 v8, v1;
	v44 =	vmul.f32 v29, v22;
	(erf) = vpow2.f32 v12;
	v12 =	vld [tilespmem:s19+$0xC10]  }
0x192: {  	v19 =	vadd.f32 v19, v26;
	v26 =	vmul.f32 v17, v28;
	v28 =	vld [tilespmem:s29+$0xFFFFF010];
	v22 =	vsub.f32 v11, v1  }
0x193: {  	v10 =	vld [tilespmem:s19+$0xC00];
	v15 =	vsub.f32 v9, v2;
	v56 =	vsub.f32 v13, v2  }
0x194: {  	v29 =	vadd.f32 v29, v42;
	v53 =	vmul.f32 v20, v20;
	v49 =	vmul.f32 v22, v22;
	v22 =	vld [tilespmem:s29+$0xFFFFF410]  }
0x195: {  	v31 =	vadd.f32 v31, v42;
	v55 =	vmul.f32 v15, v15;
	v54 =	vpop (erf);
	v35 =	vmul.f32 v56, v56  }
0x196: {  	v60 =	vld [tilespmem:s29+$0xFFFFF000];
	v20 =	vsub.f32 v12, v3;
	v15 =	vmul.f32 v54, v62;
	v16 =	vmul.f32 v54, v30  }
0x197: {  	v48 =	vld [tilespmem:s29+$0x0];
	v57 =	vadd.f32 v55, v49;
	v30 =	vmul.f32 v54, v28;
	v46 =	vmul.f32 v54, v46  }
0x198: {  	v47 =	vmul.f32 v20, v20;
	v20 =	vadd.f32 v17, v29;
	v17 =	vsub.f32 v10, v3  }
0x199: {  	v28 =	vadd.f32 v24, v31;
	v24 =	vadd.f32 v35, v53;
	v31 =	vmul.f32 v30, v22  }
0x19a: {  	v35 =	vmul.f32 v46, v22;
	v32 =	vpop (erf);
	v58 =	vmul.f32 v17, v17;
	v59 =	vadd.f32 v47, v57  }
0x19b: {  	v40 =	vadd.f32 v43, v42;
	v17 =	vmul.f32 v15, v22;
	v29 =	vmul.f32 v32, v60  }
0x19c: {  	v25 =	vadd.f32 v25, v42;
	v33 =	vmul.f32 v32, v48;
	v61 =	vmul.f32 $-1.562500000e+00, v59  }
0x19d: {  	v36 =	vld [tilespmem:s29+$0xFFFFF400];
	v60 =	vmul.f32 v30, v21;
	v24 =	vadd.f32 v58, v24;
	v23 =	vmul.f32 v29, v23  }
0x19e: {  	v39 =	vld [tilespmem:s29+$0xFFFFF800];
	v21 =	vadd.f32 v34, v25;
	v25 =	vadd.f32 v52, v42;
	v62 =	vmul.f32 $1.442695020e+00, v61  }
0x19f: {  	v38 =	vld [tilespmem:s29+$0xFFFFFC00];
	v37 =	vadd.f32 v33, v37;
	v24 =	vmul.f32 $-1.562500000e+00, v24;
	v63 =	vadd.f32 v23, v63  }
0x1a0: {  	v34 =	vld [tilespmem:s19+$0xFFFFF000];
	v42 =	vadd.f32 v44, v42;
	v25 =	vadd.f32 v41, v25;
	(erf) = vpow2.f32 v62  }
0x1a1: {  	s20 =	simm.s32 $0x4;
	s23 =	simm.s32 $0x5860;
	v23 =	vadd.f32 v46, v37;
	v37 =	vld [tilespmem:s19+$0xFFFFF810];
	v41 =	vmul.f32 $1.442695020e+00, v24;
	v24 =	vadd.f32 v60, v63  }
.LBB2_7:
0x1a2: {  	v43 =	vld [tilespmem:s23+$0x400];
	s20 =	sadd.s32 $0x2, s20;
	v44 =	vmul.f32 v29, v36;
	v45 =	vmul.f32 v29, v7;
	v40 =	vadd.f32 v14, v40;
	v7 =	vmovc v13  }
0x1a3: {  	v14 =	vmovc v35;
	v46 =	vld [tilespmem:s23+$0x810];
	p0 =	slt.u32 s20, $0x3E;
	(erf) = vpow2.f32 v41;
	v39 =	vmul.f32 v32, v39;
	v42 =	vadd.f32 v26, v42  }
0x1a4: {  	v41 =	vmul.f32 v30, v6;
	v35 =	vld [tilespmem:s23+$0xC10];
	v13 =	vadd.f32 v45, v18;
	v18 =	vmul.f32 v30, v5;
	v5 =	vmovc v9  }
0x1a5: {  	v50 =	vadd.f32 v29, v19;
	v6 =	vmovc v12;
	v32 =	vmul.f32 v32, v38;
	v45 =	vld [tilespmem:s23+$0x410];
	v38 =	vmul.f32 v39, v36  }
0x1a6: {  	v27 =	vadd.f32 v44, v27;
	v44 =	vmul.f32 v33, v36;
	v47 =	vld [tilespmem:s23+$0xC00];
	v18 =	vadd.f32 v18, v13  }
0x1a7: {  	v49 =	vmul.f32 v29, v4;
	v4 =	vmovc v10;
	v48 =	vmul.f32 v32, v36;
	v13 =	vld [tilespmem:s23+$0x800];
	v52 =	vsub.f32 v43, v1  }
0x1a8: {  	v26 =	vmul.f32 v16, v22;
	v19 =	vadd.f32 v30, v50;
	v53 =	vsub.f32 v46, v2;
	v33 =	vld [tilespmem:s19+$0xFFFFFC10];
	v9 =	vmovc v46  }
0x1a9: {  	v20 =	vadd.f32 v32, v20;
	v36 =	vmul.f32 v52, v52;
	v22 =	vsub.f32 v35, v3;
	v30 =	vld [tilespmem:s19+$0xFFFFF010];
	v46 =	vpop (erf)  }
0x1aa: {  	v28 =	vadd.f32 v38, v28;
	v12 =	vmovc v35;
	v29 =	vsub.f32 v45, v1;
	v50 =	vmul.f32 v53, v53;
	v51 =	vld [tilespmem:s19+$0x10]  }
0x1ab: {  	v27 =	vadd.f32 v31, v27;
	v37 =	vmul.f32 v46, v37;
	v35 =	vmul.f32 v22, v22;
	v38 =	vld [tilespmem:s19+$0x0];
	v10 =	vmovc v47  }
0x1ac: {  	v20 =	vadd.f32 v16, v20;
	v31 =	vsub.f32 v13, v2;
	v47 =	vmul.f32 v29, v29;
	v22 =	vld [tilespmem:s19+$0xFFFFF410];
	v32 =	vpop (erf)  }
0x1ad: {  	v52 =	vsub.f32 v10, v3;
	v29 =	vmul.f32 v32, v34;
	v16 =	vmul.f32 v46, v33  }
0x1ae: {  	v31 =	vmul.f32 v31, v31;
	v33 =	vadd.f32 v50, v47;
	v30 =	vmul.f32 v46, v30  }
0x1af: {  	v21 =	vadd.f32 v39, v21;
	v34 =	vmul.f32 v52, v52;
	v46 =	vmul.f32 v46, v51  }
0x1b0: {  	v28 =	vadd.f32 v17, v28;
	v35 =	vadd.f32 v35, v33;
	v33 =	vmul.f32 v32, v38  }
0x1b1: {  	v36 =	vadd.f32 v31, v36;
	v47 =	vmul.f32 v30, v11;
	v11 =	vmovc v45;
	v17 =	vmul.f32 v37, v22  }
0x1b2: {  	v21 =	vadd.f32 v15, v21;
	v15 =	vmovc v37;
	v31 =	vmul.f32 v30, v22;
	v35 =	vmul.f32 $-1.562500000e+00, v35  }
.Ltmp2:
0x1b3: {  	v25 =	vadd.f32 v49, v25;
	v37 =	vmul.f32 v29, v8;
	v8 =	vmovc v43;
	v34 =	vadd.f32 v34, v36;
	v36 =	vld [tilespmem:s19+$0xFFFFF400];
	(pc) =	sbr.rel @p0 .LBB2_7-.Ltmp2, $4  }
0x1b4: {  	v23 =	vadd.f32 v33, v23;
	v43 =	vmul.f32 $1.442695020e+00, v35;
	v39 =	vld [tilespmem:s19+$0xFFFFF800];
	v35 =	vmul.f32 v46, v22  }
0x1b5: {  	v40 =	vadd.f32 v44, v40;
	v24 =	vadd.f32 v37, v24;
	v45 =	vmul.f32 $-1.562500000e+00, v34;
	v38 =	vld [tilespmem:s19+$0xFFFFFC00];
	s19 =	smov.u32 s23  }
0x1b6: {  	v25 =	vadd.f32 v41, v25;
	v23 =	vadd.f32 v46, v23;
	v34 =	vld [tilespmem:s23+$0xFFFFF000];
	(erf) = vpow2.f32 v43  }
0x1b7: {  	v42 =	vadd.f32 v48, v42;
	v24 =	vadd.f32 v47, v24;
	v41 =	vmul.f32 $1.442695020e+00, v45;
	s23 =	sadd.s32 $0x20, s23;
	v37 =	vld [tilespmem:s19+$0xFFFFF810]  }
0x1b8: {  	_ = 	snop  }
0x1b9: {  	(erf) = vpow2.f32 v41;
	_ =	sdelay $0x2  }
0x1ba: {  	v1 =	vmul.f32 v29, v7;
	v2 =	vmul.f32 v29, v36;
	v3 =	vadd.f32 v14, v40  }
0x1bb: {  	v5 =	vmul.f32 v30, v5;
	v6 =	vmul.f32 v30, v6;
	v19 =	vadd.f32 v29, v19  }
0x1bc: {  	v4 =	vmul.f32 v29, v4;
	v7 =	vmul.f32 v32, v39;
	v14 =	vadd.f32 v26, v42  }
0x1bd: {  	v1 =	vadd.f32 v1, v18;
	v26 =	vmul.f32 v32, v38;
	v2 =	vadd.f32 v2, v27  }
0x1be: {  	v54 =	vld [tilespmem:s19+$0xFFFFF010];
	v27 =	vmul.f32 v33, v36;
	v19 =	vadd.f32 v30, v19;
	v4 =	vadd.f32 v4, v25  }
0x1bf: {  	v55 =	vmul.f32 v7, v36;
	v7 =	vadd.f32 v7, v21;
	v1 =	vadd.f32 v5, v1;
	v56 =	vpop (erf)  }
0x1c0: {  	v22 =	vmul.f32 v16, v22;
	v18 =	vld [tilespmem:s19+$0xFFFFFC10];
	v20 =	vadd.f32 v26, v20;
	v2 =	vadd.f32 v31, v2;
	v58 =	vpop (erf)  }
0x1c1: {  	v29 =	vld [tilespmem:s19+$0x0];
	v3 =	vadd.f32 v27, v3;
	v4 =	vadd.f32 v6, v4;
	v30 =	vmul.f32 v58, v34  }
0x1c2: {  	v57 =	vld [tilespmem:s19+$0x10];
	v5 =	vmul.f32 v26, v36;
	v26 =	vadd.f32 v55, v28;
	v7 =	vadd.f32 v15, v7  }
0x1c3: {  	v16 =	vadd.f32 v16, v20;
	v31 =	vmul.f32 v56, v54;
	v19 =	vadd.f32 v30, v19  }
0x1c4: {  	v5 =	vadd.f32 v5, v14;
	v3 =	vadd.f32 v35, v3  }
0x1c5: {  	v15 =	vld [tilespmem:s19+$0xFFFFF400];
	v28 =	vmul.f32 v56, v37;
	v18 =	vmul.f32 v56, v18;
	v19 =	vadd.f32 v31, v19  }
0x1c6: {  	v17 =	vadd.f32 v17, v26;
	v21 =	vmul.f32 v58, v29;
	v29 =	vld [tilespmem:s19+$0xFFFFF800];
	v8 =	vmul.f32 v30, v8  }
0x1c7: {  	v25 =	vld [tilespmem:s19+$0xFFFFFC00];
	v20 =	vmul.f32 v56, v57;
	v5 =	vadd.f32 v22, v5;
	v19 =	vadd.f32 $9.999999930e-09, v19  }
0x1c8: {  	v59 =	vld [tilespmem:s19+$0xFFFFF410];
	v11 =	vmul.f32 v31, v11;
	v9 =	vmul.f32 v31, v9;
	v8 =	vadd.f32 v8, v24  }
0x1c9: {  	v12 =	vmul.f32 v31, v12;
	v23 =	vadd.f32 v21, v23;
	(erf) = vrcp.f32 v19  }
0x1ca: {  	v10 =	vmul.f32 v30, v10;
	v6 =	vadd.f32 v11, v8;
	v11 =	vmul.f32 v30, v13  }
0x1cb: {  	v23 =	vadd.f32 v20, v23;
	v8 =	vmul.f32 v30, v15;
	v13 =	vmul.f32 v58, v29  }
0x1cc: {  	v4 =	vadd.f32 v10, v4;
	v1 =	vadd.f32 v11, v1;
	v11 =	vmul.f32 v58, v25  }
0x1cd: {  	v19 =	vmul.f32 v31, v59;
	v14 =	vmul.f32 v13, v15;
	v2 =	vadd.f32 v8, v2  }
0x1ce: {  	v1 =	vadd.f32 v9, v1;
	v9 =	vadd.f32 v11, v16;
	v11 =	vmul.f32 v11, v15  }
0x1cf: {  	v26 =	vmul.f32 v28, v59;
	v4 =	vadd.f32 v12, v4;
	v7 =	vadd.f32 v13, v7  }
0x1d0: {  	v8 =	vmul.f32 v21, v15;
	v14 =	vadd.f32 v14, v17;
	v2 =	vadd.f32 v19, v2  }
0x1d1: {  	v13 =	vmul.f32 v18, v59;
	v7 =	vadd.f32 v28, v7;
	v5 =	vadd.f32 v11, v5  }
0x1d2: {  	v10 =	vmul.f32 v20, v59;
	v3 =	vadd.f32 v8, v3;
	v14 =	vadd.f32 v26, v14;
	v11 =	vpop (erf)  }
0x1d3: {  	s29 =	simm.s32 $0x5800;
	v9 =	vadd.f32 v18, v9;
	v5 =	vadd.f32 v13, v5;
	v2 =	vmul.f32 v11, v2  }
0x1d4: {  	v12 =	vld [tilespmem:s29+$0x800];
	v3 =	vadd.f32 v10, v3;
	v6 =	vadd.f32 v6, v14  }
0x1d5: {  	v10 =	vld [tilespmem:s29+$0x810];
	v1 =	vadd.f32 v1, v5;
	v7 =	vmul.f32 v2, v7;
	v5 =	vmul.f32 v2, v9  }
0x1d6: {  	v3 =	vadd.f32 v4, v3;
	v9 =	vld [tilespmem:s29+$0x410]  }
0x1d7: {  	v8 =	vld [tilespmem:s29+$0x400];
	v4 =	vmul.f32 v23, v2;
	v6 =	vsub.f32 v6, v7;
	v5 =	vsub.f32 v1, v5  }
0x1d8: {  	v13 =	vld [tilespmem:s29+$0xC10]  }
0x1d9: {  	v14 =	vld [tilespmem:s29+$0xC00];
	v3 =	vsub.f32 v3, v4;
	v1 =	vmul.f32 v6, v11;
	v2 =	vmul.f32 v5, v11;
	_ =	sdelay $0x1  }
0x1da: {  	v3 =	vmul.f32 v3, v11;
	v4 =	vsub.f32 v10, v2;
	v5 =	vsub.f32 v9, v1  }
0x1db: {  	v6 =	vsub.f32 v8, v1;
	v7 =	vsub.f32 v12, v2  }
0x1dc: {  	v11 =	vsub.f32 v13, v3;
	v4 =	vmul.f32 v4, v4;
	v5 =	vmul.f32 v5, v5  }
0x1dd: {  	v15 =	vsub.f32 v14, v3;
	v6 =	vmul.f32 v6, v6  }
0x1de: {  	v7 =	vmul.f32 v7, v7;
	v11 =	vmul.f32 v11, v11;
	v4 =	vadd.f32 v4, v5;
	_ =	sdelay $0x1  }
0x1df: {  	v5 =	vmul.f32 v15, v15;
	v6 =	vadd.f32 v7, v6;
	v4 =	vadd.f32 v11, v4;
	_ =	sdelay $0x1  }
0x1e0: {  	v5 =	vadd.f32 v5, v6;
	v4 =	vmul.f32 $-1.562500000e+00, v4  }
0x1e1: {  	s20 =	simm.s32 $0x5820  }
0x1e2: {  	v22 =	vld [tilespmem:s20+$0x410];
	v5 =	vmul.f32 $-1.562500000e+00, v5;
	v4 =	vmul.f32 $1.442695020e+00, v4  }
0x1e3: {  	v17 =	vld [tilespmem:s29+$0xFFFFFC10]  }
0x1e4: {  	v19 =	vld [tilespmem:s29+$0xFFFFF010];
	v6 =	vmul.f32 $1.442695020e+00, v5;
	(erf) = vpow2.f32 v4  }
0x1e5: {  	v5 =	vld [tilespmem:s20+$0x810]  }
0x1e6: {  	v23 =	vld [tilespmem:s20+$0x400];
	(erf) = vpow2.f32 v6  }
0x1e7: {  	v6 =	vld [tilespmem:s20+$0xC10]  }
0x1e8: {  	v7 =	vld [tilespmem:s20+$0x800]  }
0x1e9: {  	v15 =	vld [tilespmem:s29+$0xFFFFF810]  }
0x1ea: {  	v20 =	vsub.f32 v22, v1;
	v4 =	vld [tilespmem:s20+$0xC00];
	v18 =	vsub.f32 v5, v2  }
0x1eb: {  	v16 =	vsub.f32 v23, v1;
	v11 =	vld [tilespmem:s29+$0xFFFFF000]  }
0x1ec: {  	v26 =	vld [tilespmem:s29+$0x0];
	v20 =	vmul.f32 v20, v20;
	v18 =	vmul.f32 v18, v18;
	v21 =	vsub.f32 v6, v3  }
0x1ed: {  	v16 =	vmul.f32 v16, v16;
	v27 =	vsub.f32 v7, v2;
	v25 =	vpop (erf)  }
0x1ee: {  	v28 =	vld [tilespmem:s29+$0xFFFFF410];
	v18 =	vadd.f32 v18, v20;
	v21 =	vmul.f32 v21, v21;
	v33 =	vmul.f32 v25, v15  }
0x1ef: {  	v24 =	vld [tilespmem:s29+$0x10];
	v29 =	vpop (erf);
	v15 =	vsub.f32 v4, v3;
	v17 =	vmul.f32 v25, v17;
	v19 =	vmul.f32 v25, v19  }
0x1f0: {  	v18 =	vadd.f32 v21, v18;
	v30 =	vmul.f32 v29, v11;
	v11 =	vmul.f32 v27, v27  }
0x1f1: {  	v20 =	vmul.f32 v29, v26;
	v15 =	vmul.f32 v15, v15  }
0x1f2: {  	v18 =	vmul.f32 $-1.562500000e+00, v18;
	v9 =	vmul.f32 v19, v9  }
0x1f3: {  	v21 =	vld [tilespmem:s29+$0xFFFFF400];
	v27 =	vmul.f32 v19, v28;
	v41 =	vmul.f32 v19, v13  }
0x1f4: {  	s19 =	simm.s32 $0x5840;
	v11 =	vadd.f32 v11, v16;
	v16 =	vmul.f32 v25, v24;
	v24 =	vmul.f32 v33, v28  }
0x1f5: {  	v42 =	vimm.f32 $0.0e+00;
	v13 =	vld [tilespmem:s19+$0x800];
	v8 =	vmul.f32 v30, v8;
	v12 =	vmul.f32 v30, v12  }
0x1f6: {  	v25 =	vld [tilespmem:s29+$0xFFFFF800];
	v31 =	vadd.f32 v20, v42;
	v53 =	vmul.f32 v30, v14;
	v18 =	vmul.f32 $1.442695020e+00, v18  }
0x1f7: {  	v26 =	vld [tilespmem:s29+$0xFFFFFC00];
	v11 =	vadd.f32 v15, v11;
	v15 =	vmul.f32 v16, v28;
	v61 =	vadd.f32 v8, v42  }
0x1f8: {  	v37 =	vadd.f32 v16, v31;
	v16 =	vmul.f32 v30, v21;
	v31 =	vmul.f32 v19, v10  }
0x1f9: {  	v8 =	vld [tilespmem:s19+$0x400];
	v43 =	vmul.f32 v20, v21;
	(erf) = vpow2.f32 v18  }
0x1fa: {  	v18 =	vadd.f32 v12, v42;
	v12 =	vld [tilespmem:s19+$0x410];
	v11 =	vmul.f32 $-1.562500000e+00, v11;
	v63 =	vadd.f32 v9, v61  }
0x1fb: {  	v9 =	vld [tilespmem:s19+$0x810];
	v16 =	vadd.f32 v16, v42;
	v56 =	vsub.f32 v13, v2;
	v25 =	vmul.f32 v29, v25  }
0x1fc: {  	v10 =	vld [tilespmem:s19+$0xC00];
	v29 =	vmul.f32 v29, v26;
	v26 =	vadd.f32 v30, v42;
	v11 =	vmul.f32 $1.442695020e+00, v11  }
0x1fd: {  	v18 =	vadd.f32 v31, v18;
	v30 =	vld [tilespmem:s20+$0xFFFFFC10];
	v27 =	vadd.f32 v27, v16;
	v52 =	vmul.f32 v25, v21  }
0x1fe: {  	v20 =	vsub.f32 v8, v1;
	v44 =	vmul.f32 v29, v21;
	(erf) = vpow2.f32 v11;
	v11 =	vld [tilespmem:s19+$0xC10]  }
0x1ff: {  	v19 =	vadd.f32 v19, v26;
	v26 =	vmul.f32 v17, v28;
	v28 =	vld [tilespmem:s20+$0xFFFFF010];
	v21 =	vadd.f32 v29, v42  }
0x200: {  	v35 =	vmul.f32 v56, v56;
	v29 =	vsub.f32 v12, v1;
	v14 =	vsub.f32 v9, v2  }
0x201: {  	v60 =	vld [tilespmem:s20+$0xFFFFF000];
	v31 =	vmul.f32 v20, v20;
	v21 =	vadd.f32 v17, v21;
	v17 =	vsub.f32 v10, v3  }
0x202: {  	v62 =	vld [tilespmem:s20+$0xFFFFF810];
	v46 =	vadd.f32 v52, v42;
	v49 =	vmul.f32 v29, v29;
	v55 =	vmul.f32 v14, v14;
	v54 =	vpop (erf)  }
0x203: {  	v45 =	vld [tilespmem:s20+$0x10];
	v58 =	vmul.f32 v17, v17;
	v20 =	vsub.f32 v11, v3;
	v16 =	vmul.f32 v54, v30  }
0x204: {  	v48 =	vld [tilespmem:s20+$0x0];
	v30 =	vmul.f32 v54, v28;
	v28 =	vadd.f32 v24, v46;
	v24 =	vadd.f32 v35, v31;
	_ =	sdelay $0x1  }
0x205: {  	v57 =	vadd.f32 v55, v49;
	v47 =	vmul.f32 v20, v20;
	v24 =	vadd.f32 v58, v24  }
0x206: {  	v14 =	vmul.f32 v54, v62;
	v20 =	vld [tilespmem:s20+$0xFFFFF410]  }
0x207: {  	v45 =	vmul.f32 v54, v45;
	v32 =	vpop (erf);
	v59 =	vadd.f32 v47, v57;
	v24 =	vmul.f32 $-1.562500000e+00, v24  }
0x208: {  	v25 =	vadd.f32 v25, v42;
	v29 =	vmul.f32 v32, v60;
	v34 =	vmul.f32 v32, v48  }
0x209: {  	v40 =	vadd.f32 v43, v42;
	v60 =	vmul.f32 v30, v22;
	v61 =	vmul.f32 $-1.562500000e+00, v59  }
0x20a: {  	v36 =	vld [tilespmem:s20+$0xFFFFF400];
	v22 =	vadd.f32 v33, v25;
	v25 =	vadd.f32 v53, v42;
	v23 =	vmul.f32 v29, v23  }
0x20b: {  	v39 =	vld [tilespmem:s20+$0xFFFFF800];
	v42 =	vadd.f32 v44, v42;
	v17 =	vmul.f32 v14, v20;
	v62 =	vmul.f32 $1.442695020e+00, v61  }
0x20c: {  	v38 =	vld [tilespmem:s20+$0xFFFFFC00];
	v31 =	vmul.f32 v30, v20;
	v37 =	vadd.f32 v34, v37;
	v63 =	vadd.f32 v23, v63  }
0x20d: {  	v33 =	vld [tilespmem:s19+$0xFFFFF000];
	v35 =	vmul.f32 v45, v20;
	v25 =	vadd.f32 v41, v25;
	(erf) = vpow2.f32 v62  }
0x20e: {  	s23 =	simm.s32 $0x5860;
	s20 =	simm.s32 $0x4;
	v41 =	vmul.f32 $1.442695020e+00, v24;
	v23 =	vadd.f32 v45, v37;
	v37 =	vld [tilespmem:s19+$0xFFFFF810];
	v24 =	vadd.f32 v60, v63  }
.LBB2_9:
0x20f: {  	v43 =	vld [tilespmem:s23+$0x400];
	s20 =	sadd.s32 $0x2, s20;
	v44 =	vmul.f32 v29, v36;
	v45 =	vmul.f32 v29, v7;
	v40 =	vadd.f32 v15, v40;
	v7 =	vmovc v13  }
0x210: {  	v15 =	vmovc v35;
	v46 =	vld [tilespmem:s23+$0x810];
	p0 =	slt.u32 s20, $0x3E;
	(erf) = vpow2.f32 v41;
	v39 =	vmul.f32 v32, v39;
	v42 =	vadd.f32 v26, v42  }
0x211: {  	v41 =	vmul.f32 v30, v6;
	v35 =	vld [tilespmem:s23+$0xC10];
	v13 =	vadd.f32 v45, v18;
	v18 =	vmul.f32 v30, v5;
	v5 =	vmovc v9  }
0x212: {  	v50 =	vadd.f32 v29, v19;
	v6 =	vmovc v11;
	v32 =	vmul.f32 v32, v38;
	v45 =	vld [tilespmem:s23+$0x410];
	v38 =	vmul.f32 v39, v36  }
0x213: {  	v27 =	vadd.f32 v44, v27;
	v44 =	vmul.f32 v34, v36;
	v47 =	vld [tilespmem:s23+$0xC00];
	v18 =	vadd.f32 v18, v13  }
0x214: {  	v49 =	vmul.f32 v29, v4;
	v4 =	vmovc v10;
	v48 =	vmul.f32 v32, v36;
	v13 =	vld [tilespmem:s23+$0x800];
	v52 =	vsub.f32 v43, v1  }
0x215: {  	v26 =	vmul.f32 v16, v20;
	v19 =	vadd.f32 v30, v50;
	v53 =	vsub.f32 v46, v2;
	v34 =	vld [tilespmem:s19+$0xFFFFFC10];
	v9 =	vmovc v46  }
0x216: {  	v21 =	vadd.f32 v32, v21;
	v36 =	vmul.f32 v52, v52;
	v20 =	vsub.f32 v35, v3;
	v30 =	vld [tilespmem:s19+$0xFFFFF010];
	v46 =	vpop (erf)  }
0x217: {  	v28 =	vadd.f32 v38, v28;
	v11 =	vmovc v35;
	v29 =	vsub.f32 v45, v1;
	v50 =	vmul.f32 v53, v53;
	v51 =	vld [tilespmem:s19+$0x10]  }
0x218: {  	v27 =	vadd.f32 v31, v27;
	v37 =	vmul.f32 v46, v37;
	v35 =	vmul.f32 v20, v20;
	v38 =	vld [tilespmem:s19+$0x0];
	v10 =	vmovc v47  }
0x219: {  	v21 =	vadd.f32 v16, v21;
	v31 =	vsub.f32 v13, v2;
	v47 =	vmul.f32 v29, v29;
	v20 =	vld [tilespmem:s19+$0xFFFFF410];
	v32 =	vpop (erf)  }
0x21a: {  	v52 =	vsub.f32 v10, v3;
	v29 =	vmul.f32 v32, v33;
	v16 =	vmul.f32 v46, v34  }
0x21b: {  	v31 =	vmul.f32 v31, v31;
	v33 =	vadd.f32 v50, v47;
	v30 =	vmul.f32 v46, v30  }
0x21c: {  	v22 =	vadd.f32 v39, v22;
	v47 =	vmul.f32 v52, v52;
	v46 =	vmul.f32 v46, v51  }
0x21d: {  	v28 =	vadd.f32 v17, v28;
	v33 =	vadd.f32 v35, v33;
	v34 =	vmul.f32 v32, v38  }
0x21e: {  	v35 =	vadd.f32 v31, v36;
	v50 =	vmul.f32 v30, v12;
	v12 =	vmovc v45;
	v17 =	vmul.f32 v37, v20  }
0x21f: {  	v22 =	vadd.f32 v14, v22;
	v14 =	vmovc v37;
	v31 =	vmul.f32 v30, v20;
	v33 =	vmul.f32 $-1.562500000e+00, v33  }
.Ltmp3:
0x220: {  	v25 =	vadd.f32 v49, v25;
	v45 =	vmul.f32 v29, v8;
	v8 =	vmovc v43;
	v37 =	vadd.f32 v47, v35;
	v36 =	vld [tilespmem:s19+$0xFFFFF400];
	(pc) =	sbr.rel @p0 .LBB2_9-.Ltmp3, $4  }
0x221: {  	v23 =	vadd.f32 v34, v23;
	v35 =	vmul.f32 v46, v20;
	v43 =	vmul.f32 $1.442695020e+00, v33;
	v39 =	vld [tilespmem:s19+$0xFFFFF800]  }
0x222: {  	v40 =	vadd.f32 v44, v40;
	v24 =	vadd.f32 v45, v24;
	v37 =	vmul.f32 $-1.562500000e+00, v37;
	v38 =	vld [tilespmem:s19+$0xFFFFFC00];
	s19 =	smov.u32 s23  }
0x223: {  	v25 =	vadd.f32 v41, v25;
	v23 =	vadd.f32 v46, v23;
	v33 =	vld [tilespmem:s23+$0xFFFFF000];
	(erf) = vpow2.f32 v43  }
0x224: {  	v42 =	vadd.f32 v48, v42;
	v24 =	vadd.f32 v50, v24;
	v41 =	vmul.f32 $1.442695020e+00, v37;
	s23 =	sadd.s32 $0x20, s23;
	v37 =	vld [tilespmem:s19+$0xFFFFF810]  }
0x225: {  	_ = 	snop  }
0x226: {  	(erf) = vpow2.f32 v41;
	_ =	sdelay $0x2  }
0x227: {  	v1 =	vmul.f32 v29, v36  }
0x228: {  	v2 =	vmul.f32 v29, v7;
	v5 =	vmul.f32 v30, v5  }
0x229: {  	v3 =	vadd.f32 v15, v40;
	v6 =	vmul.f32 v30, v6;
	v34 =	vmul.f32 v34, v36  }
0x22a: {  	v19 =	vadd.f32 v29, v19;
	v4 =	vmul.f32 v29, v4;
	v20 =	vmul.f32 v16, v20  }
0x22b: {  	v55 =	vld [tilespmem:s19+$0xFFFFF010];
	v51 =	vmul.f32 v32, v39;
	v52 =	vadd.f32 v26, v42;
	v2 =	vadd.f32 v2, v18  }
0x22c: {  	v53 =	vld [tilespmem:s19+$0xFFFFFC10];
	v54 =	vmul.f32 v32, v38;
	v1 =	vadd.f32 v1, v27;
	v19 =	vadd.f32 v30, v19;
	v59 =	vpop (erf)  }
0x22d: {  	v57 =	vld [tilespmem:s19+$0x10];
	v4 =	vadd.f32 v4, v25;
	v3 =	vadd.f32 v34, v3;
	v56 =	vmul.f32 v51, v36;
	v62 =	vpop (erf)  }
0x22e: {  	v61 =	vld [tilespmem:s19+$0xFFFFF410];
	v7 =	vadd.f32 v51, v22;
	v2 =	vadd.f32 v5, v2;
	v63 =	vmul.f32 v62, v33  }
0x22f: {  	v58 =	vmul.f32 v54, v36;
	v18 =	vadd.f32 v54, v21;
	v1 =	vadd.f32 v31, v1  }
0x230: {  	v60 =	vld [tilespmem:s19+$0x0];
	v4 =	vadd.f32 v6, v4;
	v43 =	vmul.f32 v59, v55;
	v19 =	vadd.f32 v63, v19  }
0x231: {  	v47 =	vld [tilespmem:s19+$0xFFFFF800];
	v3 =	vadd.f32 v35, v3;
	v28 =	vadd.f32 v56, v28;
	v40 =	vmul.f32 v59, v37  }
0x232: {  	v48 =	vld [tilespmem:s19+$0xFFFFFC00];
	v7 =	vadd.f32 v14, v7;
	v42 =	vmul.f32 v59, v53;
	v19 =	vadd.f32 v43, v19  }
0x233: {  	v46 =	vld [tilespmem:s19+$0xFFFFF400];
	v41 =	vadd.f32 v16, v18;
	v27 =	vmul.f32 v59, v57;
	v45 =	vmul.f32 v40, v61  }
0x234: {  	v12 =	vmul.f32 v43, v12;
	v32 =	vmul.f32 v43, v61;
	v19 =	vadd.f32 $9.999999930e-09, v19  }
0x235: {  	v5 =	vadd.f32 v58, v52;
	v49 =	vmul.f32 v27, v61;
	v9 =	vmul.f32 v43, v9  }
0x236: {  	v17 =	vadd.f32 v17, v28;
	v44 =	vmul.f32 v62, v60;
	(erf) = vrcp.f32 v19  }
0x237: {  	v5 =	vadd.f32 v20, v5;
	v52 =	vmul.f32 v62, v47;
	v53 =	vmul.f32 v62, v48  }
0x238: {  	v8 =	vmul.f32 v63, v8;
	v23 =	vadd.f32 v44, v23;
	v50 =	vmul.f32 v63, v46  }
0x239: {  	v51 =	vmul.f32 v63, v13;
	v55 =	vadd.f32 v53, v41;
	v7 =	vadd.f32 v52, v7  }
0x23a: {  	v10 =	vmul.f32 v63, v10;
	v8 =	vadd.f32 v8, v24;
	v23 =	vadd.f32 v27, v23  }
0x23b: {  	v56 =	vmul.f32 v53, v46;
	v2 =	vadd.f32 v51, v2;
	v1 =	vadd.f32 v50, v1  }
0x23c: {  	v54 =	vmul.f32 v52, v46;
	v6 =	vadd.f32 v42, v55;
	v4 =	vadd.f32 v10, v4  }
0x23d: {  	v57 =	vmul.f32 v44, v46;
	v5 =	vadd.f32 v56, v5;
	v8 =	vadd.f32 v12, v8  }
0x23e: {  	v11 =	vmul.f32 v43, v11;
	v12 =	vadd.f32 v54, v17;
	v1 =	vadd.f32 v32, v1  }
0x23f: {  	v58 =	vmul.f32 v42, v61;
	v7 =	vadd.f32 v40, v7;
	v3 =	vadd.f32 v57, v3;
	v59 =	vpop (erf)  }
0x240: {  	v2 =	vadd.f32 v9, v2;
	v12 =	vadd.f32 v45, v12;
	v1 =	vmul.f32 v59, v1  }
0x241: {  	v4 =	vadd.f32 v11, v4;
	v5 =	vadd.f32 v58, v5  }
0x242: {  	v3 =	vadd.f32 v49, v3;
	v8 =	vadd.f32 v8, v12;
	v7 =	vmul.f32 v1, v7  }
0x243: {  	v2 =	vadd.f32 v2, v5;
	v60 =	vmul.f32 v1, v6  }
0x244: {  	v3 =	vadd.f32 v4, v3;
	v62 =	vmul.f32 v23, v1;
	v61 =	vsub.f32 v8, v7  }
0x245: {  	p0 =	sne.s32 s0, $0x80;
	v2 =	vsub.f32 v2, v60  }
.Ltmp4:
0x246: {  	v3 =	vsub.f32 v3, v62;
	v63 =	vmul.f32 v61, v59;
	(pc) =	sbr.rel @p0 .LBB2_2-.Ltmp4, $4  }
0x247: {  	[tilespmem:s31+$0x8800] =	vst v1;
	v2 =	vmul.f32 v2, v59  }
0x248: {  	v1 =	vmul.f32 v3, v59;
	[tilespmem:s1+$0x8800] =	vst v63  }
0x249: {  	[tilespmem:s16+$0x8800] =	vst v2  }
0x24a: {  	[tilespmem:s18+$0x8800] =	vst v1  }
0x24b: {  	s0 =	simm.s32 $0x8800  }
0x24c: {  	[hbm4b:s11+s2] =	stream.linear.scatter [tilespmem:s0], [sflag:$0x3], $0x800, $0x38;
	[tilespmem:$0xA800] =	vst v63  }
0x24d: {  	_ =	swait.ge [sflag:s17], $0x800  }
0x24e: {  	[sflag:s17] =	ssyncset.done $0x0  }
0x24f: {  	s28 =	simm.s32 $0x9000;
	[sflag:s17] =	ssyncadd.s32 $0xFFFFF800  }
0x250: {  	[hbm4b:s12+s2] =	stream.linear.scatter [tilespmem:s28], [sflag:$0x3], $0x800, $0x38;
	[tilespmem:$0xA800] =	vst v63  }
0x251: {  	_ =	swait.ge [sflag:s17], $0x800  }
0x252: {  	[sflag:s17] =	ssyncset.done $0x0  }
0x253: {  	s29 =	simm.s32 $0x9800;
	[sflag:s17] =	ssyncadd.s32 $0xFFFFF800  }
0x254: {  	[hbm4b:s13+s2] =	stream.linear.scatter [tilespmem:s29], [sflag:$0x3], $0x800, $0x38;
	[tilespmem:$0xA800] =	vst v63  }
0x255: {  	s30 =	sadd.s32 $0x1, s30;
	_ =	swait.ge [sflag:s17], $0x800  }
0x256: {  	p0 =	sne.s32 s30, s15;
	[sflag:s17] =	ssyncset.done $0x0  }
.Ltmp5:
0x257: {  	s31 =	simm.s32 $0xA000;
	[sflag:s17] =	ssyncadd.s32 $0xFFFFF800;
	(pc) =	sbr.rel @p0 .LBB2_1-.Ltmp5, $4  }
0x258: {  	[hbm4b:s14+s2] =	stream.linear.scatter [tilespmem:s31], [sflag:$0x3], $0x800, $0x38;
	[tilespmem:$0xA800] =	vst v63  }
0x259: {  	_ =	swait.ge [sflag:s17], $0x800  }
0x25a: {  	[sflag:s17] =	ssyncset.done $0x0  }
0x25b: {  	[sflag:s17] =	ssyncadd.s32 $0xFFFFF800  }
0x25c: {  	_ =	sfence.sel $0x180000  }
0x25d: {  	[bflag:$0x0] =	sbarrier.arrive $0xFFFF  }
0x25e: {  	_ =	strace $0x90000047  }
0x25f: {  	s0 =	stileid.u32;
	[bflag:$0x2] =	sbarrier.arrive $0xFFFF  }
0x260: {  	p0 =	sne.s32 s0, $0x0;
	s0 =	rddreg [dreg:$0xa]  }
0x261: {  	s0 =	sadd.s32 @!p0 $0x100000, s0  }
0x262: {  	[sflag:s0] =	ssyncadd.tile.s32 @!p0 $0x1;
	_ =	shalt  }
.Lfunc_end2:
_tile_overlayer_lowered:
.L_overlay_start_2:
0x263: {  	(tag) =	ssettag $0x2  }
0x264: {  	s0 =	rddreg [dreg:$0x0];
	s2 =	stileid.u32  }
0x265: {  	s1 =	rddreg [dreg:$0x1];
	p0 =	sne.s32 s2, $0x0  }
0x266: {  	s3 =	rddreg [dreg:$0x2];
	[bflag:$0x3] =	sbarrier.arrive $0xFFFF;
	s2 =	simm.s32 @!p0 $0x1C03  }
0x267: {  	[timem:s3], [sflag:s2] =	dma.local @!p0 [hbm:s0], s1  }
0x268: {  	s0 =	simm.s32 @!p0 $0x3  }
0x269: {  	_ =	swait.ge @!p0 [sflag:s0], s1  }
0x26a: {  	s1 =	ssub.s32 @!p0 $0x0, s1;
	[sflag:s0] =	ssyncset.done @!p0 $0x0  }
0x26b: {  	[sflag:s0] =	ssyncadd.s32 @!p0 s1  }
0x26c: {  	[bflag:$0x3] =	sbarrier.arrive $0xFFFF  }
0x26d: {  	_ =	shalt  }

</sc_bundles>
